<compile_context>
chip_gen: v7x
topology: tpu7x:2x2x1
jax: 0.10.2.dev20260603
libtpu: 0.0.44.dev20260713+nightly
codegen_flags: <defaults>
</compile_context>

<pallas_src>
import functools

import jax
import jax.numpy as jnp
from jax import lax
from jax.experimental import pallas as pl
from jax.experimental.pallas import tpu as pltpu
from jax.experimental.pallas import tpu_sc as plsc

N_PAD = 10240
BLK = 1024

NC = 2
NS = 16
EDGE_CHUNK = 1024
HALF = 512
IDX_ROWS = EDGE_CHUNK // 128


def _dense_body(x2_ref, x1_ref, w_src_ref, u_ref, v_ref, h_ref, asrc_ref, adst_ref):
    x2 = x2_ref[...]
    h = jnp.dot(x2, w_src_ref[...], preferred_element_type=jnp.float32)
    h_ref[...] = h
    asrc_ref[...] = h @ u_ref[...]
    adst_ref[...] = x1_ref[...] @ v_ref[...]


def _dense(x2p, x1p, w_src, u, v):
    grid = N_PAD // BLK
    return pl.pallas_call(
        _dense_body,
        grid=(grid,),
        in_specs=[
            pl.BlockSpec((BLK, 128), lambda i: (i, 0)),
            pl.BlockSpec((BLK, 128), lambda i: (i, 0)),
            pl.BlockSpec((128, 128), lambda i: (0, 0)),
            pl.BlockSpec((128,), lambda i: (0,)),
            pl.BlockSpec((128,), lambda i: (0,)),
        ],
        out_specs=[
            pl.BlockSpec((BLK, 128), lambda i: (i, 0)),
            pl.BlockSpec((BLK,), lambda i: (i,)),
            pl.BlockSpec((BLK,), lambda i: (i,)),
        ],
        out_shape=[
            jax.ShapeDtypeStruct((N_PAD, 128), jnp.float32),
            jax.ShapeDtypeStruct((N_PAD,), jnp.float32),
            jax.ShapeDtypeStruct((N_PAD,), jnp.float32),
        ],
    )(x2p, x1p, w_src, u, v)


def _make_edge_kernel(n_chunks):
    rows_per_tile = N_PAD // NS
    iters = n_chunks // (NC * NS)
    mesh = plsc.VectorSubcoreMesh(core_axis_name="c", subcore_axis_name="s")

    @functools.partial(
        pl.kernel,
        out_type=[
            jax.ShapeDtypeStruct((NC, N_PAD, 128), jnp.float32),
            jax.ShapeDtypeStruct((NC, N_PAD), jnp.float32),
        ],
        mesh=mesh,
        compiler_params=pltpu.CompilerParams(use_tc_tiling_on_sc=False,
                                             needs_layout_passes=False),
        scratch_types=[
            pltpu.VMEM((IDX_ROWS, 128), jnp.int32),
            pltpu.VMEM((IDX_ROWS, 128), jnp.int32),
            pltpu.VMEM((IDX_ROWS, 128), jnp.float32),
            pltpu.VMEM((IDX_ROWS, 128), jnp.float32),
            pltpu.VMEM((2 * 128, 128), jnp.float32),
            pltpu.VMEM((IDX_ROWS, 128), jnp.float32),
            pltpu.VMEM_SHARED((N_PAD, 128), jnp.float32),
            pltpu.VMEM_SHARED((N_PAD,), jnp.float32),
            pltpu.SemaphoreType.DMA,
            pltpu.SemaphoreType.DMA,
            pltpu.SemaphoreType.DMA,
            pltpu.SemaphoreType.DMA,
        ],
    )
    def edge_kernel(h_hbm, asrc_hbm, adst_hbm, src_hbm, dst_hbm, zrows_hbm,
                    zden_hbm, accp_hbm, denp_hbm,
                    sidx_v, didx_v, avs_v, avd_v, rows_v, w_v,
                    acc_s, den_s, sem_a, sem_r, sem_s, sem_w):
        c = lax.axis_index("c")
        s = lax.axis_index("s")
        wid = s * NC + c

        pltpu.sync_copy(zrows_hbm, acc_s.at[pl.ds(s * rows_per_tile, rows_per_tile)])

        @pl.when(s == 0)
        def _():
            pltpu.sync_copy(zden_hbm, den_s)

        plsc.subcore_barrier()

        def chunk_body(k, _):
            chunk_id = k * (NC * NS) + wid
            row0 = chunk_id * IDX_ROWS
            pltpu.sync_copy(src_hbm.at[pl.ds(row0, IDX_ROWS)], sidx_v)
            pltpu.sync_copy(dst_hbm.at[pl.ds(row0, IDX_ROWS)], didx_v)

            for j in range(IDX_ROWS):
                pltpu.async_copy(asrc_hbm.at[sidx_v.at[j]], avs_v.at[j], sem_a)
                pltpu.async_copy(adst_hbm.at[didx_v.at[j]], avd_v.at[j], sem_a)
            for j in range(IDX_ROWS):
                pltpu.make_async_copy(asrc_hbm.at[sidx_v.at[j]], avs_v.at[j],
                                      sem_a).wait()
                pltpu.make_async_copy(adst_hbm.at[didx_v.at[j]], avd_v.at[j],
                                      sem_a).wait()

            pltpu.async_copy(h_hbm.at[sidx_v.at[0]],
                             rows_v.at[pl.ds(0, 128)], sem_r)

            def w_body(g, _):
                r = g >> 3
                col = (g & 7) * 16
                e = avs_v[r, pl.ds(col, 16)] + avd_v[r, pl.ds(col, 16)]
                e = jnp.where(e > 0.0, e, 0.2 * e)
                w_v[r, pl.ds(col, 16)] = jnp.exp(e)
                return 0

            lax.fori_loop(0, EDGE_CHUNK // 16, w_body, 0)

            def scatter_desc(j):
                return pltpu.make_async_copy(
                    rows_v.at[pl.ds((j & 1) * 128, 128)],
                    acc_s.at[didx_v.at[j]], sem_s)

            for j in range(IDX_ROWS):
                slot = j & 1
                pltpu.make_async_copy(h_hbm.at[sidx_v.at[j]],
                                      rows_v.at[pl.ds(slot * 128, 128)],
                                      sem_r).wait()

                @plsc.parallel_loop(0, 128, 1, unroll=4)
                def _(r):
                    row = slot * 128 + r
                    wr = plsc.load_gather(
                        w_v, [jnp.full((16,), j, jnp.int32),
                              jnp.full((16,), r, jnp.int32)])
                    for jj in range(8):
                        rows_v[row, pl.ds(jj * 16, 16)] = (
                            rows_v[row, pl.ds(jj * 16, 16)] * wr)

                if j >= 2:
                    scatter_desc(j - 2).wait()
                if j + 1 < IDX_ROWS:
                    nslot = (j + 1) & 1
                    pltpu.async_copy(h_hbm.at[sidx_v.at[j + 1]],
                                     rows_v.at[pl.ds(nslot * 128, 128)], sem_r)
                pltpu.async_copy(rows_v.at[pl.ds(slot * 128, 128)],
                                 acc_s.at[didx_v.at[j]], sem_s, add=True)
                pltpu.async_copy(w_v.at[j], den_s.at[didx_v.at[j]], sem_w,
                                 add=True)

            scatter_desc(IDX_ROWS - 2).wait()
            scatter_desc(IDX_ROWS - 1).wait()
            for j in range(IDX_ROWS):
                pltpu.make_async_copy(w_v.at[j], den_s.at[didx_v.at[j]],
                                      sem_w).wait()
            return 0

        lax.fori_loop(0, iters, chunk_body, 0)

        plsc.subcore_barrier()

        pltpu.sync_copy(acc_s.at[pl.ds(s * rows_per_tile, rows_per_tile)],
                        accp_hbm.at[c, pl.ds(s * rows_per_tile, rows_per_tile)])

        @pl.when(s == 0)
        def _():
            pltpu.sync_copy(den_s, denp_hbm.at[c])

    return edge_kernel


def _combine_body(acc_ref, den_ref, bias_ref, out_ref):
    a = acc_ref[0] + acc_ref[1]
    d = den_ref[0, 0, 0] + den_ref[1, 0, 0]
    out_ref[...] = jax.nn.relu(a / (d[:, None] + 1e-16) + bias_ref[...][None, :])


def _combine(accp, denp, bias):
    grid = N_PAD // BLK
    den4 = denp.reshape(NC, grid, 1, BLK)
    return pl.pallas_call(
        _combine_body,
        grid=(grid,),
        in_specs=[
            pl.BlockSpec((NC, BLK, 128), lambda i: (0, i, 0)),
            pl.BlockSpec((NC, 1, 1, BLK), lambda i: (0, i, 0, 0)),
            pl.BlockSpec((128,), lambda i: (0,)),
        ],
        out_specs=pl.BlockSpec((BLK, 128), lambda i: (i, 0)),
        out_shape=jax.ShapeDtypeStruct((N_PAD, 128), jnp.float32),
    )(accp, den4, bias)


def kernel(pi_edge_index, slice1_X, slice2_X, W_src, W_dst, att_src, att_dst, bias):
    n_dst = slice1_X.shape[0]
    n_edges = pi_edge_index.shape[1]
    e_pad = ((n_edges + EDGE_CHUNK * NC * NS - 1)
             // (EDGE_CHUNK * NC * NS)) * (EDGE_CHUNK * NC * NS)

    v = W_dst @ att_dst
    x2p = jnp.pad(slice2_X, ((0, N_PAD - slice2_X.shape[0]), (0, 0)))
    x1p = jnp.pad(slice1_X, ((0, N_PAD - slice1_X.shape[0]), (0, 0)))
    h_src, a_src, a_dst = _dense(x2p, x1p, W_src, att_src, v)

    trash = N_PAD - 1
    src = pi_edge_index[0].astype(jnp.int32)
    dst = pi_edge_index[1].astype(jnp.int32)
    src2d = jnp.full((e_pad,), trash, jnp.int32).at[:n_edges].set(src).reshape(
        e_pad // 128, 128)
    dst2d = jnp.full((e_pad,), trash, jnp.int32).at[:n_edges].set(dst).reshape(
        e_pad // 128, 128)
    zrows = jnp.zeros((N_PAD // NS, 128), jnp.float32)
    zden = jnp.zeros((N_PAD,), jnp.float32)

    edge_kernel = _make_edge_kernel(e_pad // EDGE_CHUNK)
    accp, denp = edge_kernel(h_src, a_src, a_dst, src2d, dst2d, zrows, zden)

    return _combine(accp, denp, bias)[:n_dst]

# --- scband reference (transcript-rebuilt; emitter-appended) ---
"""Pipeline reference for scband-encoder-80032420593996 (READ-ONLY COPY).

The authoritative reference and input builder live on the scoring server;
editing this copy changes nothing except your own understanding.
"""

import jax, jax.numpy as jnp
import numpy as np

N_SRC = 10000   # slice2_spots_num
N_DST = 10000   # slice1_spots_num
E = 320000
D_SRC = 128     # slice2_genes_num
D_DST = 128     # slice1_genes_num
H = 128         # hidden_dim


def setup_inputs(seed: int = 0) -> dict:
    key = jax.random.key(seed)
    ks = jax.random.split(key, 8)
    pi_edge_index = jax.random.randint(ks[0], (2, E), 0, N_SRC, dtype=jnp.int64) if jax.config.jax_enable_x64 else jax.random.randint(ks[0], (2, E), 0, N_SRC).astype(jnp.int32)
    slice1_X = jax.random.normal(ks[1], (N_DST, D_DST), dtype=jnp.float32)
    slice2_X = jax.random.normal(ks[2], (N_SRC, D_SRC), dtype=jnp.float32)
    W_src = jax.random.normal(ks[3], (D_SRC, H), dtype=jnp.float32) * (1.0 / np.sqrt(D_SRC))
    W_dst = jax.random.normal(ks[4], (D_DST, H), dtype=jnp.float32) * (1.0 / np.sqrt(D_DST))
    att_src = jax.random.normal(ks[5], (H,), dtype=jnp.float32) * 0.1
    att_dst = jax.random.normal(ks[6], (H,), dtype=jnp.float32) * 0.1
    bias = jnp.zeros((H,), dtype=jnp.float32)
    return {"pi_edge_index": pi_edge_index, "slice1_X": slice1_X, "slice2_X": slice2_X,
            "W_src": W_src, "W_dst": W_dst, "att_src": att_src, "att_dst": att_dst, "bias": bias}


def reference(pi_edge_index, slice1_X, slice2_X, W_src, W_dst, att_src, att_dst, bias):
    # Bipartite GATConv (heads=1, flow='source_to_target'), eval mode (dropout off),
    # followed by ReLU as in Encoder.forward.
    src = pi_edge_index[0]  # indices into slice2 (source nodes)
    dst = pi_edge_index[1]  # indices into slice1 (target nodes)
    h_src = slice2_X @ W_src            # [N_SRC, H]
    h_dst = slice1_X @ W_dst            # [N_DST, H]
    a_src = (h_src * att_src).sum(-1)   # [N_SRC]
    a_dst = (h_dst * att_dst).sum(-1)   # [N_DST]
    e = a_src[src] + a_dst[dst]         # [E]
    e = jnp.where(e > 0, e, 0.2 * e)    # LeakyReLU(0.2)
    m = jax.ops.segment_max(e, dst, num_segments=N_DST)
    m = jnp.where(jnp.isfinite(m), m, 0.0)
    ex = jnp.exp(e - m[dst])
    denom = jax.ops.segment_sum(ex, dst, num_segments=N_DST)
    alpha = ex / (denom[dst] + 1e-16)   # edge softmax grouped by dst
    msg = h_src[src] * alpha[:, None]   # gather + scale
    out = jax.ops.segment_sum(msg, dst, num_segments=N_DST)  # scatter-add to dst
    out = out + bias
    return jax.nn.relu(out)

if __name__ == "__main__":
    import jax
    _d = setup_inputs()
    print(jax.jit(kernel)(*tuple(_d.values())))

</pallas_src>

<mosaic_0001>
#map = affine_map<(d0, d1) -> (0, 0)>
#map1 = affine_map<(d0, d1) -> (0)>
#map2 = affine_map<(d0, d1) -> (0, 0, 0)>
module attributes {stable_mosaic.version = 14 : i64} {
  func.func @edge_kernel(%arg0: i32, %arg1: i32, %arg2: memref<10240x128xf32, #tpu.memory_space<hbm>>, %arg3: memref<10240xf32, #tpu.memory_space<hbm>>, %arg4: memref<10240xf32, #tpu.memory_space<hbm>>, %arg5: memref<2560x128xi32, #tpu.memory_space<hbm>>, %arg6: memref<2560x128xi32, #tpu.memory_space<hbm>>, %arg7: memref<640x128xf32, #tpu.memory_space<hbm>>, %arg8: memref<10240xf32, #tpu.memory_space<hbm>>, %arg9: memref<2x10240x128xf32, #tpu.memory_space<hbm>>, %arg10: memref<2x10240xf32, #tpu.memory_space<hbm>>, %arg11: memref<8x128xi32, #tpu.memory_space<vmem>>, %arg12: memref<8x128xi32, #tpu.memory_space<vmem>>, %arg13: memref<8x128xf32, #tpu.memory_space<vmem>>, %arg14: memref<8x128xf32, #tpu.memory_space<vmem>>, %arg15: memref<256x128xf32, #tpu.memory_space<vmem>>, %arg16: memref<8x128xf32, #tpu.memory_space<vmem>>, %arg17: memref<10240x128xf32, #tpu.memory_space<vmem_shared>>, %arg18: memref<10240xf32, #tpu.memory_space<vmem_shared>>, %arg19: memref<!tpu.dma_semaphore, #tpu.memory_space<semaphore_mem>>, %arg20: memref<!tpu.dma_semaphore, #tpu.memory_space<semaphore_mem>>, %arg21: memref<!tpu.dma_semaphore, #tpu.memory_space<semaphore_mem>>, %arg22: memref<!tpu.dma_semaphore, #tpu.memory_space<semaphore_mem>>) attributes {dimension_semantics = [#tpu.dimension_semantics<core_parallel>, #tpu.dimension_semantics<subcore_parallel>], iteration_bounds = array<i64: 2, 16>, scalar_prefetch = 0 : i64, scratch_operands = 12 : i64, tpu.core_type = #tpu.core_type<sc_vector_subcore>, window_params = [{transform_indices = #map}, {transform_indices = #map1}, {transform_indices = #map1}, {transform_indices = #map}, {transform_indices = #map}, {transform_indices = #map}, {transform_indices = #map1}, {transform_indices = #map2}, {transform_indices = #map}]} {
    %mul3A = arith.constant 2 : i32
    %mul3A_0 = arith.muli %arg1, %mul3A : i32
    %add3A = arith.addi %mul3A_0, %arg0 : i32
    %mul3A_1 = arith.constant 640 : i32
    %mul3A_2 = arith.muli %arg1, %mul3A_1 : i32
    "tpu.region"() ({
      %run_scoped3A = tpu.sem_alloc : memref<!tpu.dma_semaphore, #tpu.memory_space<semaphore_mem>>
      %dma_start3A = arith.constant 0 : i32
      %dma_start3A_21 = tpu.memref_slice %arg17[%mul3A_2, %dma_start3A] : memref<10240x128xf32, #tpu.memory_space<vmem_shared>> -> memref<640x128xf32, #tpu.memory_space<vmem_shared>>
      tpu.enqueue_dma source(%arg7 : memref<640x128xf32, #tpu.memory_space<hbm>>) target(%dma_start3A_21 : memref<640x128xf32, #tpu.memory_space<vmem_shared>>) target_semaphore(%run_scoped3A : memref<!tpu.dma_semaphore, #tpu.memory_space<semaphore_mem>>)
      %dma_wait3A = arith.constant 0 : i32
      %dma_wait3A_22 = tpu.memref_slice %arg17[%mul3A_2, %dma_wait3A] : memref<10240x128xf32, #tpu.memory_space<vmem_shared>> -> memref<640x128xf32, #tpu.memory_space<vmem_shared>>
      tpu.wait_dma2 semaphore(%run_scoped3A : memref<!tpu.dma_semaphore, #tpu.memory_space<semaphore_mem>>) src(%arg7 : memref<640x128xf32, #tpu.memory_space<hbm>>) dst(%dma_wait3A_22 : memref<640x128xf32, #tpu.memory_space<vmem_shared>>)
      tpu.yield
    }) : () -> ()
    %eq3A = arith.constant 0 : i32
    %eq3A_3 = arith.cmpi eq, %arg1, %eq3A : i32
    %convert_element_type3A = arith.extui %eq3A_3 : i1 to i32
    %cond3A = arith.constant 0 : i32
    %cond3A_4 = arith.cmpi ne, %convert_element_type3A, %cond3A : i32
    scf.if %cond3A_4 {
      "tpu.region"() ({
        %run_scoped3A = tpu.sem_alloc : memref<!tpu.dma_semaphore, #tpu.memory_space<semaphore_mem>>
        tpu.enqueue_dma source(%arg8 : memref<10240xf32, #tpu.memory_space<hbm>>) target(%arg18 : memref<10240xf32, #tpu.memory_space<vmem_shared>>) target_semaphore(%run_scoped3A : memref<!tpu.dma_semaphore, #tpu.memory_space<semaphore_mem>>)
        tpu.wait_dma2 semaphore(%run_scoped3A : memref<!tpu.dma_semaphore, #tpu.memory_space<semaphore_mem>>) src(%arg8 : memref<10240xf32, #tpu.memory_space<hbm>>) dst(%arg18 : memref<10240xf32, #tpu.memory_space<vmem_shared>>)
        tpu.yield
      }) : () -> ()
    } else {
    }
    %barrier3A = arith.constant 0 : index
    tpu.barrier barrier_id(%barrier3A)
    %scan3A = arith.constant 0 : i32
    %scan3A_5 = arith.constant 0 : i32
    %scan3A_6 = arith.constant 10 : i32
    %scan3A_7 = arith.addi %scan3A_5, %scan3A_6 : i32
    %scan3A_8 = arith.constant 1 : i32
    %scan3A_9 = scf.for %scan3A_21 = %scan3A_5 to %scan3A_7 step %scan3A_8 iter_args(%scan3A_22 = %scan3A) -> (i32)  : i32 {
      %mul3A_23 = arith.constant 32 : i32
      %mul3A_24 = arith.muli %scan3A_21, %mul3A_23 : i32
      %add3A_25 = arith.addi %mul3A_24, %add3A : i32
      %mul3A_26 = arith.constant 8 : i32
      %mul3A_27 = arith.muli %add3A_25, %mul3A_26 : i32
      "tpu.region"() ({
        %run_scoped3A = tpu.sem_alloc : memref<!tpu.dma_semaphore, #tpu.memory_space<semaphore_mem>>
        %dma_start3A_857 = arith.constant 0 : i32
        %dma_start3A_858 = tpu.memref_slice %arg5[%mul3A_27, %dma_start3A_857] : memref<2560x128xi32, #tpu.memory_space<hbm>> -> memref<8x128xi32, #tpu.memory_space<hbm>>
        %dma_start3A_859 = arith.constant 0 : i32
        %dma_start3A_860 = tpu.memref_slice %arg5[%mul3A_27, %dma_start3A_859] : memref<2560x128xi32, #tpu.memory_space<hbm>> -> memref<8x128xi32, #tpu.memory_space<hbm>>
        tpu.enqueue_dma source(%dma_start3A_860 : memref<8x128xi32, #tpu.memory_space<hbm>>) target(%arg11 : memref<8x128xi32, #tpu.memory_space<vmem>>) target_semaphore(%run_scoped3A : memref<!tpu.dma_semaphore, #tpu.memory_space<semaphore_mem>>)
        %dma_wait3A_861 = arith.constant 0 : i32
        %dma_wait3A_862 = tpu.memref_slice %arg5[%mul3A_27, %dma_wait3A_861] : memref<2560x128xi32, #tpu.memory_space<hbm>> -> memref<8x128xi32, #tpu.memory_space<hbm>>
        %dma_wait3A_863 = arith.constant 0 : i32
        %dma_wait3A_864 = tpu.memref_slice %arg5[%mul3A_27, %dma_wait3A_863] : memref<2560x128xi32, #tpu.memory_space<hbm>> -> memref<8x128xi32, #tpu.memory_space<hbm>>
        tpu.wait_dma2 semaphore(%run_scoped3A : memref<!tpu.dma_semaphore, #tpu.memory_space<semaphore_mem>>) src(%dma_wait3A_864 : memref<8x128xi32, #tpu.memory_space<hbm>>) dst(%arg11 : memref<8x128xi32, #tpu.memory_space<vmem>>)
        tpu.yield
      }) : () -> ()
      "tpu.region"() ({
        %run_scoped3A = tpu.sem_alloc : memref<!tpu.dma_semaphore, #tpu.memory_space<semaphore_mem>>
        %dma_start3A_857 = arith.constant 0 : i32
        %dma_start3A_858 = tpu.memref_slice %arg6[%mul3A_27, %dma_start3A_857] : memref<2560x128xi32, #tpu.memory_space<hbm>> -> memref<8x128xi32, #tpu.memory_space<hbm>>
        %dma_start3A_859 = arith.constant 0 : i32
        %dma_start3A_860 = tpu.memref_slice %arg6[%mul3A_27, %dma_start3A_859] : memref<2560x128xi32, #tpu.memory_space<hbm>> -> memref<8x128xi32, #tpu.memory_space<hbm>>
        tpu.enqueue_dma source(%dma_start3A_860 : memref<8x128xi32, #tpu.memory_space<hbm>>) target(%arg12 : memref<8x128xi32, #tpu.memory_space<vmem>>) target_semaphore(%run_scoped3A : memref<!tpu.dma_semaphore, #tpu.memory_space<semaphore_mem>>)
        %dma_wait3A_861 = arith.constant 0 : i32
        %dma_wait3A_862 = tpu.memref_slice %arg6[%mul3A_27, %dma_wait3A_861] : memref<2560x128xi32, #tpu.memory_space<hbm>> -> memref<8x128xi32, #tpu.memory_space<hbm>>
        %dma_wait3A_863 = arith.constant 0 : i32
        %dma_wait3A_864 = tpu.memref_slice %arg6[%mul3A_27, %dma_wait3A_863] : memref<2560x128xi32, #tpu.memory_space<hbm>> -> memref<8x128xi32, #tpu.memory_space<hbm>>
        tpu.wait_dma2 semaphore(%run_scoped3A : memref<!tpu.dma_semaphore, #tpu.memory_space<semaphore_mem>>) src(%dma_wait3A_864 : memref<8x128xi32, #tpu.memory_space<hbm>>) dst(%arg12 : memref<8x128xi32, #tpu.memory_space<vmem>>)
        tpu.yield
      }) : () -> ()
      %dma_start3A = arith.constant 0 : i32
      %dma_start3A_28 = arith.constant 0 : i32
      %dma_start3A_29 = arith.constant 0 : i32
      %dma_start3A_30 = tpu.memref_slice %arg13[%dma_start3A_28, %dma_start3A_29] : memref<8x128xf32, #tpu.memory_space<vmem>> -> memref<1x128xf32, #tpu.memory_space<vmem>>
      %dma_start3A_31 = tpu.memref_squeeze %dma_start3A_30 : memref<1x128xf32, #tpu.memory_space<vmem>> -> memref<128xf32, #tpu.memory_space<vmem>>
      %dma_start3A_32 = arith.constant 0 : i32
      %dma_start3A_33 = tpu.memref_slice %arg11[%dma_start3A, %dma_start3A_32] : memref<8x128xi32, #tpu.memory_space<vmem>> -> memref<1x128xi32, #tpu.memory_space<vmem>>
      %dma_start3A_34 = tpu.memref_squeeze %dma_start3A_33 : memref<1x128xi32, #tpu.memory_space<vmem>> -> memref<128xi32, #tpu.memory_space<vmem>>
      %dma_start3A_35 = arith.constant 0 : i32
      %dma_start3A_36 = tpu.memref_slice %arg3[%dma_start3A_35] : memref<10240xf32, #tpu.memory_space<hbm>> -> memref<10240xf32, #tpu.memory_space<hbm>>
      tpu.enqueue_indirect_dma source(%dma_start3A_36 : memref<10240xf32, #tpu.memory_space<hbm>>) target(%dma_start3A_31 : memref<128xf32, #tpu.memory_space<vmem>>) offsets(%dma_start3A_34 : memref<128xi32, #tpu.memory_space<vmem>>) semaphore(%arg19 : memref<!tpu.dma_semaphore, #tpu.memory_space<semaphore_mem>>)
      %dma_start3A_37 = arith.constant 0 : i32
      %dma_start3A_38 = arith.constant 0 : i32
      %dma_start3A_39 = arith.constant 0 : i32
      %dma_start3A_40 = tpu.memref_slice %arg14[%dma_start3A_38, %dma_start3A_39] : memref<8x128xf32, #tpu.memory_space<vmem>> -> memref<1x128xf32, #tpu.memory_space<vmem>>
      %dma_start3A_41 = tpu.memref_squeeze %dma_start3A_40 : memref<1x128xf32, #tpu.memory_space<vmem>> -> memref<128xf32, #tpu.memory_space<vmem>>
      %dma_start3A_42 = arith.constant 0 : i32
      %dma_start3A_43 = tpu.memref_slice %arg12[%dma_start3A_37, %dma_start3A_42] : memref<8x128xi32, #tpu.memory_space<vmem>> -> memref<1x128xi32, #tpu.memory_space<vmem>>
      %dma_start3A_44 = tpu.memref_squeeze %dma_start3A_43 : memref<1x128xi32, #tpu.memory_space<vmem>> -> memref<128xi32, #tpu.memory_space<vmem>>
      %dma_start3A_45 = arith.constant 0 : i32
      %dma_start3A_46 = tpu.memref_slice %arg4[%dma_start3A_45] : memref<10240xf32, #tpu.memory_space<hbm>> -> memref<10240xf32, #tpu.memory_space<hbm>>
      tpu.enqueue_indirect_dma source(%dma_start3A_46 : memref<10240xf32, #tpu.memory_space<hbm>>) target(%dma_start3A_41 : memref<128xf32, #tpu.memory_space<vmem>>) offsets(%dma_start3A_44 : memref<128xi32, #tpu.memory_space<vmem>>) semaphore(%arg19 : memref<!tpu.dma_semaphore, #tpu.memory_space<semaphore_mem>>)
      %dma_start3A_47 = arith.constant 1 : i32
      %dma_start3A_48 = arith.constant 1 : i32
      %dma_start3A_49 = arith.constant 0 : i32
      %dma_start3A_50 = tpu.memref_slice %arg13[%dma_start3A_48, %dma_start3A_49] : memref<8x128xf32, #tpu.memory_space<vmem>> -> memref<1x128xf32, #tpu.memory_space<vmem>>
      %dma_start3A_51 = tpu.memref_squeeze %dma_start3A_50 : memref<1x128xf32, #tpu.memory_space<vmem>> -> memref<128xf32, #tpu.memory_space<vmem>>
      %dma_start3A_52 = arith.constant 0 : i32
      %dma_start3A_53 = tpu.memref_slice %arg11[%dma_start3A_47, %dma_start3A_52] : memref<8x128xi32, #tpu.memory_space<vmem>> -> memref<1x128xi32, #tpu.memory_space<vmem>>
      %dma_start3A_54 = tpu.memref_squeeze %dma_start3A_53 : memref<1x128xi32, #tpu.memory_space<vmem>> -> memref<128xi32, #tpu.memory_space<vmem>>
      %dma_start3A_55 = arith.constant 0 : i32
      %dma_start3A_56 = tpu.memref_slice %arg3[%dma_start3A_55] : memref<10240xf32, #tpu.memory_space<hbm>> -> memref<10240xf32, #tpu.memory_space<hbm>>
      tpu.enqueue_indirect_dma source(%dma_start3A_56 : memref<10240xf32, #tpu.memory_space<hbm>>) target(%dma_start3A_51 : memref<128xf32, #tpu.memory_space<vmem>>) offsets(%dma_start3A_54 : memref<128xi32, #tpu.memory_space<vmem>>) semaphore(%arg19 : memref<!tpu.dma_semaphore, #tpu.memory_space<semaphore_mem>>)
      %dma_start3A_57 = arith.constant 1 : i32
      %dma_start3A_58 = arith.constant 1 : i32
      %dma_start3A_59 = arith.constant 0 : i32
      %dma_start3A_60 = tpu.memref_slice %arg14[%dma_start3A_58, %dma_start3A_59] : memref<8x128xf32, #tpu.memory_space<vmem>> -> memref<1x128xf32, #tpu.memory_space<vmem>>
      %dma_start3A_61 = tpu.memref_squeeze %dma_start3A_60 : memref<1x128xf32, #tpu.memory_space<vmem>> -> memref<128xf32, #tpu.memory_space<vmem>>
      %dma_start3A_62 = arith.constant 0 : i32
      %dma_start3A_63 = tpu.memref_slice %arg12[%dma_start3A_57, %dma_start3A_62] : memref<8x128xi32, #tpu.memory_space<vmem>> -> memref<1x128xi32, #tpu.memory_space<vmem>>
      %dma_start3A_64 = tpu.memref_squeeze %dma_start3A_63 : memref<1x128xi32, #tpu.memory_space<vmem>> -> memref<128xi32, #tpu.memory_space<vmem>>
      %dma_start3A_65 = arith.constant 0 : i32
      %dma_start3A_66 = tpu.memref_slice %arg4[%dma_start3A_65] : memref<10240xf32, #tpu.memory_space<hbm>> -> memref<10240xf32, #tpu.memory_space<hbm>>
      tpu.enqueue_indirect_dma source(%dma_start3A_66 : memref<10240xf32, #tpu.memory_space<hbm>>) target(%dma_start3A_61 : memref<128xf32, #tpu.memory_space<vmem>>) offsets(%dma_start3A_64 : memref<128xi32, #tpu.memory_space<vmem>>) semaphore(%arg19 : memref<!tpu.dma_semaphore, #tpu.memory_space<semaphore_mem>>)
      %dma_start3A_67 = arith.constant 2 : i32
      %dma_start3A_68 = arith.constant 2 : i32
      %dma_start3A_69 = arith.constant 0 : i32
      %dma_start3A_70 = tpu.memref_slice %arg13[%dma_start3A_68, %dma_start3A_69] : memref<8x128xf32, #tpu.memory_space<vmem>> -> memref<1x128xf32, #tpu.memory_space<vmem>>
      %dma_start3A_71 = tpu.memref_squeeze %dma_start3A_70 : memref<1x128xf32, #tpu.memory_space<vmem>> -> memref<128xf32, #tpu.memory_space<vmem>>
      %dma_start3A_72 = arith.constant 0 : i32
      %dma_start3A_73 = tpu.memref_slice %arg11[%dma_start3A_67, %dma_start3A_72] : memref<8x128xi32, #tpu.memory_space<vmem>> -> memref<1x128xi32, #tpu.memory_space<vmem>>
      %dma_start3A_74 = tpu.memref_squeeze %dma_start3A_73 : memref<1x128xi32, #tpu.memory_space<vmem>> -> memref<128xi32, #tpu.memory_space<vmem>>
      %dma_start3A_75 = arith.constant 0 : i32
      %dma_start3A_76 = tpu.memref_slice %arg3[%dma_start3A_75] : memref<10240xf32, #tpu.memory_space<hbm>> -> memref<10240xf32, #tpu.memory_space<hbm>>
      tpu.enqueue_indirect_dma source(%dma_start3A_76 : memref<10240xf32, #tpu.memory_space<hbm>>) target(%dma_start3A_71 : memref<128xf32, #tpu.memory_space<vmem>>) offsets(%dma_start3A_74 : memref<128xi32, #tpu.memory_space<vmem>>) semaphore(%arg19 : memref<!tpu.dma_semaphore, #tpu.memory_space<semaphore_mem>>)
      %dma_start3A_77 = arith.constant 2 : i32
      %dma_start3A_78 = arith.constant 2 : i32
      %dma_start3A_79 = arith.constant 0 : i32
      %dma_start3A_80 = tpu.memref_slice %arg14[%dma_start3A_78, %dma_start3A_79] : memref<8x128xf32, #tpu.memory_space<vmem>> -> memref<1x128xf32, #tpu.memory_space<vmem>>
      %dma_start3A_81 = tpu.memref_squeeze %dma_start3A_80 : memref<1x128xf32, #tpu.memory_space<vmem>> -> memref<128xf32, #tpu.memory_space<vmem>>
      %dma_start3A_82 = arith.constant 0 : i32
      %dma_start3A_83 = tpu.memref_slice %arg12[%dma_start3A_77, %dma_start3A_82] : memref<8x128xi32, #tpu.memory_space<vmem>> -> memref<1x128xi32, #tpu.memory_space<vmem>>
      %dma_start3A_84 = tpu.memref_squeeze %dma_start3A_83 : memref<1x128xi32, #tpu.memory_space<vmem>> -> memref<128xi32, #tpu.memory_space<vmem>>
      %dma_start3A_85 = arith.constant 0 : i32
      %dma_start3A_86 = tpu.memref_slice %arg4[%dma_start3A_85] : memref<10240xf32, #tpu.memory_space<hbm>> -> memref<10240xf32, #tpu.memory_space<hbm>>
      tpu.enqueue_indirect_dma source(%dma_start3A_86 : memref<10240xf32, #tpu.memory_space<hbm>>) target(%dma_start3A_81 : memref<128xf32, #tpu.memory_space<vmem>>) offsets(%dma_start3A_84 : memref<128xi32, #tpu.memory_space<vmem>>) semaphore(%arg19 : memref<!tpu.dma_semaphore, #tpu.memory_space<semaphore_mem>>)
      %dma_start3A_87 = arith.constant 3 : i32
      %dma_start3A_88 = arith.constant 3 : i32
      %dma_start3A_89 = arith.constant 0 : i32
      %dma_start3A_90 = tpu.memref_slice %arg13[%dma_start3A_88, %dma_start3A_89] : memref<8x128xf32, #tpu.memory_space<vmem>> -> memref<1x128xf32, #tpu.memory_space<vmem>>
      %dma_start3A_91 = tpu.memref_squeeze %dma_start3A_90 : memref<1x128xf32, #tpu.memory_space<vmem>> -> memref<128xf32, #tpu.memory_space<vmem>>
      %dma_start3A_92 = arith.constant 0 : i32
      %dma_start3A_93 = tpu.memref_slice %arg11[%dma_start3A_87, %dma_start3A_92] : memref<8x128xi32, #tpu.memory_space<vmem>> -> memref<1x128xi32, #tpu.memory_space<vmem>>
      %dma_start3A_94 = tpu.memref_squeeze %dma_start3A_93 : memref<1x128xi32, #tpu.memory_space<vmem>> -> memref<128xi32, #tpu.memory_space<vmem>>
      %dma_start3A_95 = arith.constant 0 : i32
      %dma_start3A_96 = tpu.memref_slice %arg3[%dma_start3A_95] : memref<10240xf32, #tpu.memory_space<hbm>> -> memref<10240xf32, #tpu.memory_space<hbm>>
      tpu.enqueue_indirect_dma source(%dma_start3A_96 : memref<10240xf32, #tpu.memory_space<hbm>>) target(%dma_start3A_91 : memref<128xf32, #tpu.memory_space<vmem>>) offsets(%dma_start3A_94 : memref<128xi32, #tpu.memory_space<vmem>>) semaphore(%arg19 : memref<!tpu.dma_semaphore, #tpu.memory_space<semaphore_mem>>)
      %dma_start3A_97 = arith.constant 3 : i32
      %dma_start3A_98 = arith.constant 3 : i32
      %dma_start3A_99 = arith.constant 0 : i32
      %dma_start3A_100 = tpu.memref_slice %arg14[%dma_start3A_98, %dma_start3A_99] : memref<8x128xf32, #tpu.memory_space<vmem>> -> memref<1x128xf32, #tpu.memory_space<vmem>>
      %dma_start3A_101 = tpu.memref_squeeze %dma_start3A_100 : memref<1x128xf32, #tpu.memory_space<vmem>> -> memref<128xf32, #tpu.memory_space<vmem>>
      %dma_start3A_102 = arith.constant 0 : i32
      %dma_start3A_103 = tpu.memref_slice %arg12[%dma_start3A_97, %dma_start3A_102] : memref<8x128xi32, #tpu.memory_space<vmem>> -> memref<1x128xi32, #tpu.memory_space<vmem>>
      %dma_start3A_104 = tpu.memref_squeeze %dma_start3A_103 : memref<1x128xi32, #tpu.memory_space<vmem>> -> memref<128xi32, #tpu.memory_space<vmem>>
      %dma_start3A_105 = arith.constant 0 : i32
      %dma_start3A_106 = tpu.memref_slice %arg4[%dma_start3A_105] : memref<10240xf32, #tpu.memory_space<hbm>> -> memref<10240xf32, #tpu.memory_space<hbm>>
      tpu.enqueue_indirect_dma source(%dma_start3A_106 : memref<10240xf32, #tpu.memory_space<hbm>>) target(%dma_start3A_101 : memref<128xf32, #tpu.memory_space<vmem>>) offsets(%dma_start3A_104 : memref<128xi32, #tpu.memory_space<vmem>>) semaphore(%arg19 : memref<!tpu.dma_semaphore, #tpu.memory_space<semaphore_mem>>)
      %dma_start3A_107 = arith.constant 4 : i32
      %dma_start3A_108 = arith.constant 4 : i32
      %dma_start3A_109 = arith.constant 0 : i32
      %dma_start3A_110 = tpu.memref_slice %arg13[%dma_start3A_108, %dma_start3A_109] : memref<8x128xf32, #tpu.memory_space<vmem>> -> memref<1x128xf32, #tpu.memory_space<vmem>>
      %dma_start3A_111 = tpu.memref_squeeze %dma_start3A_110 : memref<1x128xf32, #tpu.memory_space<vmem>> -> memref<128xf32, #tpu.memory_space<vmem>>
      %dma_start3A_112 = arith.constant 0 : i32
      %dma_start3A_113 = tpu.memref_slice %arg11[%dma_start3A_107, %dma_start3A_112] : memref<8x128xi32, #tpu.memory_space<vmem>> -> memref<1x128xi32, #tpu.memory_space<vmem>>
      %dma_start3A_114 = tpu.memref_squeeze %dma_start3A_113 : memref<1x128xi32, #tpu.memory_space<vmem>> -> memref<128xi32, #tpu.memory_space<vmem>>
      %dma_start3A_115 = arith.constant 0 : i32
      %dma_start3A_116 = tpu.memref_slice %arg3[%dma_start3A_115] : memref<10240xf32, #tpu.memory_space<hbm>> -> memref<10240xf32, #tpu.memory_space<hbm>>
      tpu.enqueue_indirect_dma source(%dma_start3A_116 : memref<10240xf32, #tpu.memory_space<hbm>>) target(%dma_start3A_111 : memref<128xf32, #tpu.memory_space<vmem>>) offsets(%dma_start3A_114 : memref<128xi32, #tpu.memory_space<vmem>>) semaphore(%arg19 : memref<!tpu.dma_semaphore, #tpu.memory_space<semaphore_mem>>)
      %dma_start3A_117 = arith.constant 4 : i32
      %dma_start3A_118 = arith.constant 4 : i32
      %dma_start3A_119 = arith.constant 0 : i32
      %dma_start3A_120 = tpu.memref_slice %arg14[%dma_start3A_118, %dma_start3A_119] : memref<8x128xf32, #tpu.memory_space<vmem>> -> memref<1x128xf32, #tpu.memory_space<vmem>>
      %dma_start3A_121 = tpu.memref_squeeze %dma_start3A_120 : memref<1x128xf32, #tpu.memory_space<vmem>> -> memref<128xf32, #tpu.memory_space<vmem>>
      %dma_start3A_122 = arith.constant 0 : i32
      %dma_start3A_123 = tpu.memref_slice %arg12[%dma_start3A_117, %dma_start3A_122] : memref<8x128xi32, #tpu.memory_space<vmem>> -> memref<1x128xi32, #tpu.memory_space<vmem>>
      %dma_start3A_124 = tpu.memref_squeeze %dma_start3A_123 : memref<1x128xi32, #tpu.memory_space<vmem>> -> memref<128xi32, #tpu.memory_space<vmem>>
      %dma_start3A_125 = arith.constant 0 : i32
      %dma_start3A_126 = tpu.memref_slice %arg4[%dma_start3A_125] : memref<10240xf32, #tpu.memory_space<hbm>> -> memref<10240xf32, #tpu.memory_space<hbm>>
      tpu.enqueue_indirect_dma source(%dma_start3A_126 : memref<10240xf32, #tpu.memory_space<hbm>>) target(%dma_start3A_121 : memref<128xf32, #tpu.memory_space<vmem>>) offsets(%dma_start3A_124 : memref<128xi32, #tpu.memory_space<vmem>>) semaphore(%arg19 : memref<!tpu.dma_semaphore, #tpu.memory_space<semaphore_mem>>)
      %dma_start3A_127 = arith.constant 5 : i32
      %dma_start3A_128 = arith.constant 5 : i32
      %dma_start3A_129 = arith.constant 0 : i32
      %dma_start3A_130 = tpu.memref_slice %arg13[%dma_start3A_128, %dma_start3A_129] : memref<8x128xf32, #tpu.memory_space<vmem>> -> memref<1x128xf32, #tpu.memory_space<vmem>>
      %dma_start3A_131 = tpu.memref_squeeze %dma_start3A_130 : memref<1x128xf32, #tpu.memory_space<vmem>> -> memref<128xf32, #tpu.memory_space<vmem>>
      %dma_start3A_132 = arith.constant 0 : i32
      %dma_start3A_133 = tpu.memref_slice %arg11[%dma_start3A_127, %dma_start3A_132] : memref<8x128xi32, #tpu.memory_space<vmem>> -> memref<1x128xi32, #tpu.memory_space<vmem>>
      %dma_start3A_134 = tpu.memref_squeeze %dma_start3A_133 : memref<1x128xi32, #tpu.memory_space<vmem>> -> memref<128xi32, #tpu.memory_space<vmem>>
      %dma_start3A_135 = arith.constant 0 : i32
      %dma_start3A_136 = tpu.memref_slice %arg3[%dma_start3A_135] : memref<10240xf32, #tpu.memory_space<hbm>> -> memref<10240xf32, #tpu.memory_space<hbm>>
      tpu.enqueue_indirect_dma source(%dma_start3A_136 : memref<10240xf32, #tpu.memory_space<hbm>>) target(%dma_start3A_131 : memref<128xf32, #tpu.memory_space<vmem>>) offsets(%dma_start3A_134 : memref<128xi32, #tpu.memory_space<vmem>>) semaphore(%arg19 : memref<!tpu.dma_semaphore, #tpu.memory_space<semaphore_mem>>)
      %dma_start3A_137 = arith.constant 5 : i32
      %dma_start3A_138 = arith.constant 5 : i32
      %dma_start3A_139 = arith.constant 0 : i32
      %dma_start3A_140 = tpu.memref_slice %arg14[%dma_start3A_138, %dma_start3A_139] : memref<8x128xf32, #tpu.memory_space<vmem>> -> memref<1x128xf32, #tpu.memory_space<vmem>>
      %dma_start3A_141 = tpu.memref_squeeze %dma_start3A_140 : memref<1x128xf32, #tpu.memory_space<vmem>> -> memref<128xf32, #tpu.memory_space<vmem>>
      %dma_start3A_142 = arith.constant 0 : i32
      %dma_start3A_143 = tpu.memref_slice %arg12[%dma_start3A_137, %dma_start3A_142] : memref<8x128xi32, #tpu.memory_space<vmem>> -> memref<1x128xi32, #tpu.memory_space<vmem>>
      %dma_start3A_144 = tpu.memref_squeeze %dma_start3A_143 : memref<1x128xi32, #tpu.memory_space<vmem>> -> memref<128xi32, #tpu.memory_space<vmem>>
      %dma_start3A_145 = arith.constant 0 : i32
      %dma_start3A_146 = tpu.memref_slice %arg4[%dma_start3A_145] : memref<10240xf32, #tpu.memory_space<hbm>> -> memref<10240xf32, #tpu.memory_space<hbm>>
      tpu.enqueue_indirect_dma source(%dma_start3A_146 : memref<10240xf32, #tpu.memory_space<hbm>>) target(%dma_start3A_141 : memref<128xf32, #tpu.memory_space<vmem>>) offsets(%dma_start3A_144 : memref<128xi32, #tpu.memory_space<vmem>>) semaphore(%arg19 : memref<!tpu.dma_semaphore, #tpu.memory_space<semaphore_mem>>)
      %dma_start3A_147 = arith.constant 6 : i32
      %dma_start3A_148 = arith.constant 6 : i32
      %dma_start3A_149 = arith.constant 0 : i32
      %dma_start3A_150 = tpu.memref_slice %arg13[%dma_start3A_148, %dma_start3A_149] : memref<8x128xf32, #tpu.memory_space<vmem>> -> memref<1x128xf32, #tpu.memory_space<vmem>>
      %dma_start3A_151 = tpu.memref_squeeze %dma_start3A_150 : memref<1x128xf32, #tpu.memory_space<vmem>> -> memref<128xf32, #tpu.memory_space<vmem>>
      %dma_start3A_152 = arith.constant 0 : i32
      %dma_start3A_153 = tpu.memref_slice %arg11[%dma_start3A_147, %dma_start3A_152] : memref<8x128xi32, #tpu.memory_space<vmem>> -> memref<1x128xi32, #tpu.memory_space<vmem>>
      %dma_start3A_154 = tpu.memref_squeeze %dma_start3A_153 : memref<1x128xi32, #tpu.memory_space<vmem>> -> memref<128xi32, #tpu.memory_space<vmem>>
      %dma_start3A_155 = arith.constant 0 : i32
      %dma_start3A_156 = tpu.memref_slice %arg3[%dma_start3A_155] : memref<10240xf32, #tpu.memory_space<hbm>> -> memref<10240xf32, #tpu.memory_space<hbm>>
      tpu.enqueue_indirect_dma source(%dma_start3A_156 : memref<10240xf32, #tpu.memory_space<hbm>>) target(%dma_start3A_151 : memref<128xf32, #tpu.memory_space<vmem>>) offsets(%dma_start3A_154 : memref<128xi32, #tpu.memory_space<vmem>>) semaphore(%arg19 : memref<!tpu.dma_semaphore, #tpu.memory_space<semaphore_mem>>)
      %dma_start3A_157 = arith.constant 6 : i32
      %dma_start3A_158 = arith.constant 6 : i32
      %dma_start3A_159 = arith.constant 0 : i32
      %dma_start3A_160 = tpu.memref_slice %arg14[%dma_start3A_158, %dma_start3A_159] : memref<8x128xf32, #tpu.memory_space<vmem>> -> memref<1x128xf32, #tpu.memory_space<vmem>>
      %dma_start3A_161 = tpu.memref_squeeze %dma_start3A_160 : memref<1x128xf32, #tpu.memory_space<vmem>> -> memref<128xf32, #tpu.memory_space<vmem>>
      %dma_start3A_162 = arith.constant 0 : i32
      %dma_start3A_163 = tpu.memref_slice %arg12[%dma_start3A_157, %dma_start3A_162] : memref<8x128xi32, #tpu.memory_space<vmem>> -> memref<1x128xi32, #tpu.memory_space<vmem>>
      %dma_start3A_164 = tpu.memref_squeeze %dma_start3A_163 : memref<1x128xi32, #tpu.memory_space<vmem>> -> memref<128xi32, #tpu.memory_space<vmem>>
      %dma_start3A_165 = arith.constant 0 : i32
      %dma_start3A_166 = tpu.memref_slice %arg4[%dma_start3A_165] : memref<10240xf32, #tpu.memory_space<hbm>> -> memref<10240xf32, #tpu.memory_space<hbm>>
      tpu.enqueue_indirect_dma source(%dma_start3A_166 : memref<10240xf32, #tpu.memory_space<hbm>>) target(%dma_start3A_161 : memref<128xf32, #tpu.memory_space<vmem>>) offsets(%dma_start3A_164 : memref<128xi32, #tpu.memory_space<vmem>>) semaphore(%arg19 : memref<!tpu.dma_semaphore, #tpu.memory_space<semaphore_mem>>)
      %dma_start3A_167 = arith.constant 7 : i32
      %dma_start3A_168 = arith.constant 7 : i32
      %dma_start3A_169 = arith.constant 0 : i32
      %dma_start3A_170 = tpu.memref_slice %arg13[%dma_start3A_168, %dma_start3A_169] : memref<8x128xf32, #tpu.memory_space<vmem>> -> memref<1x128xf32, #tpu.memory_space<vmem>>
      %dma_start3A_171 = tpu.memref_squeeze %dma_start3A_170 : memref<1x128xf32, #tpu.memory_space<vmem>> -> memref<128xf32, #tpu.memory_space<vmem>>
      %dma_start3A_172 = arith.constant 0 : i32
      %dma_start3A_173 = tpu.memref_slice %arg11[%dma_start3A_167, %dma_start3A_172] : memref<8x128xi32, #tpu.memory_space<vmem>> -> memref<1x128xi32, #tpu.memory_space<vmem>>
      %dma_start3A_174 = tpu.memref_squeeze %dma_start3A_173 : memref<1x128xi32, #tpu.memory_space<vmem>> -> memref<128xi32, #tpu.memory_space<vmem>>
      %dma_start3A_175 = arith.constant 0 : i32
      %dma_start3A_176 = tpu.memref_slice %arg3[%dma_start3A_175] : memref<10240xf32, #tpu.memory_space<hbm>> -> memref<10240xf32, #tpu.memory_space<hbm>>
      tpu.enqueue_indirect_dma source(%dma_start3A_176 : memref<10240xf32, #tpu.memory_space<hbm>>) target(%dma_start3A_171 : memref<128xf32, #tpu.memory_space<vmem>>) offsets(%dma_start3A_174 : memref<128xi32, #tpu.memory_space<vmem>>) semaphore(%arg19 : memref<!tpu.dma_semaphore, #tpu.memory_space<semaphore_mem>>)
      %dma_start3A_177 = arith.constant 7 : i32
      %dma_start3A_178 = arith.constant 7 : i32
      %dma_start3A_179 = arith.constant 0 : i32
      %dma_start3A_180 = tpu.memref_slice %arg14[%dma_start3A_178, %dma_start3A_179] : memref<8x128xf32, #tpu.memory_space<vmem>> -> memref<1x128xf32, #tpu.memory_space<vmem>>
      %dma_start3A_181 = tpu.memref_squeeze %dma_start3A_180 : memref<1x128xf32, #tpu.memory_space<vmem>> -> memref<128xf32, #tpu.memory_space<vmem>>
      %dma_start3A_182 = arith.constant 0 : i32
      %dma_start3A_183 = tpu.memref_slice %arg12[%dma_start3A_177, %dma_start3A_182] : memref<8x128xi32, #tpu.memory_space<vmem>> -> memref<1x128xi32, #tpu.memory_space<vmem>>
      %dma_start3A_184 = tpu.memref_squeeze %dma_start3A_183 : memref<1x128xi32, #tpu.memory_space<vmem>> -> memref<128xi32, #tpu.memory_space<vmem>>
      %dma_start3A_185 = arith.constant 0 : i32
      %dma_start3A_186 = tpu.memref_slice %arg4[%dma_start3A_185] : memref<10240xf32, #tpu.memory_space<hbm>> -> memref<10240xf32, #tpu.memory_space<hbm>>
      tpu.enqueue_indirect_dma source(%dma_start3A_186 : memref<10240xf32, #tpu.memory_space<hbm>>) target(%dma_start3A_181 : memref<128xf32, #tpu.memory_space<vmem>>) offsets(%dma_start3A_184 : memref<128xi32, #tpu.memory_space<vmem>>) semaphore(%arg19 : memref<!tpu.dma_semaphore, #tpu.memory_space<semaphore_mem>>)
      %dma_wait3A = arith.constant 0 : i32
      %dma_wait3A_187 = arith.constant 0 : i32
      %dma_wait3A_188 = arith.constant 0 : i32
      %dma_wait3A_189 = tpu.memref_slice %arg13[%dma_wait3A_187, %dma_wait3A_188] : memref<8x128xf32, #tpu.memory_space<vmem>> -> memref<1x128xf32, #tpu.memory_space<vmem>>
      %dma_wait3A_190 = tpu.memref_squeeze %dma_wait3A_189 : memref<1x128xf32, #tpu.memory_space<vmem>> -> memref<128xf32, #tpu.memory_space<vmem>>
      %dma_wait3A_191 = arith.constant 0 : i32
      %dma_wait3A_192 = tpu.memref_slice %arg11[%dma_wait3A, %dma_wait3A_191] : memref<8x128xi32, #tpu.memory_space<vmem>> -> memref<1x128xi32, #tpu.memory_space<vmem>>
      %dma_wait3A_193 = tpu.memref_squeeze %dma_wait3A_192 : memref<1x128xi32, #tpu.memory_space<vmem>> -> memref<128xi32, #tpu.memory_space<vmem>>
      %dma_wait3A_194 = arith.constant 0 : i32
      %dma_wait3A_195 = tpu.memref_slice %arg3[%dma_wait3A_194] : memref<10240xf32, #tpu.memory_space<hbm>> -> memref<10240xf32, #tpu.memory_space<hbm>>
      tpu.wait_indirect_dma semaphore(%arg19 : memref<!tpu.dma_semaphore, #tpu.memory_space<semaphore_mem>>) src(%dma_wait3A_195 : memref<10240xf32, #tpu.memory_space<hbm>>) dst(%dma_wait3A_190 : memref<128xf32, #tpu.memory_space<vmem>>)
      %dma_wait3A_196 = arith.constant 0 : i32
      %dma_wait3A_197 = arith.constant 0 : i32
      %dma_wait3A_198 = arith.constant 0 : i32
      %dma_wait3A_199 = tpu.memref_slice %arg14[%dma_wait3A_197, %dma_wait3A_198] : memref<8x128xf32, #tpu.memory_space<vmem>> -> memref<1x128xf32, #tpu.memory_space<vmem>>
      %dma_wait3A_200 = tpu.memref_squeeze %dma_wait3A_199 : memref<1x128xf32, #tpu.memory_space<vmem>> -> memref<128xf32, #tpu.memory_space<vmem>>
      %dma_wait3A_201 = arith.constant 0 : i32
      %dma_wait3A_202 = tpu.memref_slice %arg12[%dma_wait3A_196, %dma_wait3A_201] : memref<8x128xi32, #tpu.memory_space<vmem>> -> memref<1x128xi32, #tpu.memory_space<vmem>>
      %dma_wait3A_203 = tpu.memref_squeeze %dma_wait3A_202 : memref<1x128xi32, #tpu.memory_space<vmem>> -> memref<128xi32, #tpu.memory_space<vmem>>
      %dma_wait3A_204 = arith.constant 0 : i32
      %dma_wait3A_205 = tpu.memref_slice %arg4[%dma_wait3A_204] : memref<10240xf32, #tpu.memory_space<hbm>> -> memref<10240xf32, #tpu.memory_space<hbm>>
      tpu.wait_indirect_dma semaphore(%arg19 : memref<!tpu.dma_semaphore, #tpu.memory_space<semaphore_mem>>) src(%dma_wait3A_205 : memref<10240xf32, #tpu.memory_space<hbm>>) dst(%dma_wait3A_200 : memref<128xf32, #tpu.memory_space<vmem>>)
      %dma_wait3A_206 = arith.constant 1 : i32
      %dma_wait3A_207 = arith.constant 1 : i32
      %dma_wait3A_208 = arith.constant 0 : i32
      %dma_wait3A_209 = tpu.memref_slice %arg13[%dma_wait3A_207, %dma_wait3A_208] : memref<8x128xf32, #tpu.memory_space<vmem>> -> memref<1x128xf32, #tpu.memory_space<vmem>>
      %dma_wait3A_210 = tpu.memref_squeeze %dma_wait3A_209 : memref<1x128xf32, #tpu.memory_space<vmem>> -> memref<128xf32, #tpu.memory_space<vmem>>
      %dma_wait3A_211 = arith.constant 0 : i32
      %dma_wait3A_212 = tpu.memref_slice %arg11[%dma_wait3A_206, %dma_wait3A_211] : memref<8x128xi32, #tpu.memory_space<vmem>> -> memref<1x128xi32, #tpu.memory_space<vmem>>
      %dma_wait3A_213 = tpu.memref_squeeze %dma_wait3A_212 : memref<1x128xi32, #tpu.memory_space<vmem>> -> memref<128xi32, #tpu.memory_space<vmem>>
      %dma_wait3A_214 = arith.constant 0 : i32
      %dma_wait3A_215 = tpu.memref_slice %arg3[%dma_wait3A_214] : memref<10240xf32, #tpu.memory_space<hbm>> -> memref<10240xf32, #tpu.memory_space<hbm>>
      tpu.wait_indirect_dma semaphore(%arg19 : memref<!tpu.dma_semaphore, #tpu.memory_space<semaphore_mem>>) src(%dma_wait3A_215 : memref<10240xf32, #tpu.memory_space<hbm>>) dst(%dma_wait3A_210 : memref<128xf32, #tpu.memory_space<vmem>>)
      %dma_wait3A_216 = arith.constant 1 : i32
      %dma_wait3A_217 = arith.constant 1 : i32
      %dma_wait3A_218 = arith.constant 0 : i32
      %dma_wait3A_219 = tpu.memref_slice %arg14[%dma_wait3A_217, %dma_wait3A_218] : memref<8x128xf32, #tpu.memory_space<vmem>> -> memref<1x128xf32, #tpu.memory_space<vmem>>
      %dma_wait3A_220 = tpu.memref_squeeze %dma_wait3A_219 : memref<1x128xf32, #tpu.memory_space<vmem>> -> memref<128xf32, #tpu.memory_space<vmem>>
      %dma_wait3A_221 = arith.constant 0 : i32
      %dma_wait3A_222 = tpu.memref_slice %arg12[%dma_wait3A_216, %dma_wait3A_221] : memref<8x128xi32, #tpu.memory_space<vmem>> -> memref<1x128xi32, #tpu.memory_space<vmem>>
      %dma_wait3A_223 = tpu.memref_squeeze %dma_wait3A_222 : memref<1x128xi32, #tpu.memory_space<vmem>> -> memref<128xi32, #tpu.memory_space<vmem>>
      %dma_wait3A_224 = arith.constant 0 : i32
      %dma_wait3A_225 = tpu.memref_slice %arg4[%dma_wait3A_224] : memref<10240xf32, #tpu.memory_space<hbm>> -> memref<10240xf32, #tpu.memory_space<hbm>>
      tpu.wait_indirect_dma semaphore(%arg19 : memref<!tpu.dma_semaphore, #tpu.memory_space<semaphore_mem>>) src(%dma_wait3A_225 : memref<10240xf32, #tpu.memory_space<hbm>>) dst(%dma_wait3A_220 : memref<128xf32, #tpu.memory_space<vmem>>)
      %dma_wait3A_226 = arith.constant 2 : i32
      %dma_wait3A_227 = arith.constant 2 : i32
      %dma_wait3A_228 = arith.constant 0 : i32
      %dma_wait3A_229 = tpu.memref_slice %arg13[%dma_wait3A_227, %dma_wait3A_228] : memref<8x128xf32, #tpu.memory_space<vmem>> -> memref<1x128xf32, #tpu.memory_space<vmem>>
      %dma_wait3A_230 = tpu.memref_squeeze %dma_wait3A_229 : memref<1x128xf32, #tpu.memory_space<vmem>> -> memref<128xf32, #tpu.memory_space<vmem>>
      %dma_wait3A_231 = arith.constant 0 : i32
      %dma_wait3A_232 = tpu.memref_slice %arg11[%dma_wait3A_226, %dma_wait3A_231] : memref<8x128xi32, #tpu.memory_space<vmem>> -> memref<1x128xi32, #tpu.memory_space<vmem>>
      %dma_wait3A_233 = tpu.memref_squeeze %dma_wait3A_232 : memref<1x128xi32, #tpu.memory_space<vmem>> -> memref<128xi32, #tpu.memory_space<vmem>>
      %dma_wait3A_234 = arith.constant 0 : i32
      %dma_wait3A_235 = tpu.memref_slice %arg3[%dma_wait3A_234] : memref<10240xf32, #tpu.memory_space<hbm>> -> memref<10240xf32, #tpu.memory_space<hbm>>
      tpu.wait_indirect_dma semaphore(%arg19 : memref<!tpu.dma_semaphore, #tpu.memory_space<semaphore_mem>>) src(%dma_wait3A_235 : memref<10240xf32, #tpu.memory_space<hbm>>) dst(%dma_wait3A_230 : memref<128xf32, #tpu.memory_space<vmem>>)
      %dma_wait3A_236 = arith.constant 2 : i32
      %dma_wait3A_237 = arith.constant 2 : i32
      %dma_wait3A_238 = arith.constant 0 : i32
      %dma_wait3A_239 = tpu.memref_slice %arg14[%dma_wait3A_237, %dma_wait3A_238] : memref<8x128xf32, #tpu.memory_space<vmem>> -> memref<1x128xf32, #tpu.memory_space<vmem>>
      %dma_wait3A_240 = tpu.memref_squeeze %dma_wait3A_239 : memref<1x128xf32, #tpu.memory_space<vmem>> -> memref<128xf32, #tpu.memory_space<vmem>>
      %dma_wait3A_241 = arith.constant 0 : i32
      %dma_wait3A_242 = tpu.memref_slice %arg12[%dma_wait3A_236, %dma_wait3A_241] : memref<8x128xi32, #tpu.memory_space<vmem>> -> memref<1x128xi32, #tpu.memory_space<vmem>>
      %dma_wait3A_243 = tpu.memref_squeeze %dma_wait3A_242 : memref<1x128xi32, #tpu.memory_space<vmem>> -> memref<128xi32, #tpu.memory_space<vmem>>
      %dma_wait3A_244 = arith.constant 0 : i32
      %dma_wait3A_245 = tpu.memref_slice %arg4[%dma_wait3A_244] : memref<10240xf32, #tpu.memory_space<hbm>> -> memref<10240xf32, #tpu.memory_space<hbm>>
      tpu.wait_indirect_dma semaphore(%arg19 : memref<!tpu.dma_semaphore, #tpu.memory_space<semaphore_mem>>) src(%dma_wait3A_245 : memref<10240xf32, #tpu.memory_space<hbm>>) dst(%dma_wait3A_240 : memref<128xf32, #tpu.memory_space<vmem>>)
      %dma_wait3A_246 = arith.constant 3 : i32
      %dma_wait3A_247 = arith.constant 3 : i32
      %dma_wait3A_248 = arith.constant 0 : i32
      %dma_wait3A_249 = tpu.memref_slice %arg13[%dma_wait3A_247, %dma_wait3A_248] : memref<8x128xf32, #tpu.memory_space<vmem>> -> memref<1x128xf32, #tpu.memory_space<vmem>>
      %dma_wait3A_250 = tpu.memref_squeeze %dma_wait3A_249 : memref<1x128xf32, #tpu.memory_space<vmem>> -> memref<128xf32, #tpu.memory_space<vmem>>
      %dma_wait3A_251 = arith.constant 0 : i32
      %dma_wait3A_252 = tpu.memref_slice %arg11[%dma_wait3A_246, %dma_wait3A_251] : memref<8x128xi32, #tpu.memory_space<vmem>> -> memref<1x128xi32, #tpu.memory_space<vmem>>
      %dma_wait3A_253 = tpu.memref_squeeze %dma_wait3A_252 : memref<1x128xi32, #tpu.memory_space<vmem>> -> memref<128xi32, #tpu.memory_space<vmem>>
      %dma_wait3A_254 = arith.constant 0 : i32
      %dma_wait3A_255 = tpu.memref_slice %arg3[%dma_wait3A_254] : memref<10240xf32, #tpu.memory_space<hbm>> -> memref<10240xf32, #tpu.memory_space<hbm>>
      tpu.wait_indirect_dma semaphore(%arg19 : memref<!tpu.dma_semaphore, #tpu.memory_space<semaphore_mem>>) src(%dma_wait3A_255 : memref<10240xf32, #tpu.memory_space<hbm>>) dst(%dma_wait3A_250 : memref<128xf32, #tpu.memory_space<vmem>>)
      %dma_wait3A_256 = arith.constant 3 : i32
      %dma_wait3A_257 = arith.constant 3 : i32
      %dma_wait3A_258 = arith.constant 0 : i32
      %dma_wait3A_259 = tpu.memref_slice %arg14[%dma_wait3A_257, %dma_wait3A_258] : memref<8x128xf32, #tpu.memory_space<vmem>> -> memref<1x128xf32, #tpu.memory_space<vmem>>
      %dma_wait3A_260 = tpu.memref_squeeze %dma_wait3A_259 : memref<1x128xf32, #tpu.memory_space<vmem>> -> memref<128xf32, #tpu.memory_space<vmem>>
      %dma_wait3A_261 = arith.constant 0 : i32
      %dma_wait3A_262 = tpu.memref_slice %arg12[%dma_wait3A_256, %dma_wait3A_261] : memref<8x128xi32, #tpu.memory_space<vmem>> -> memref<1x128xi32, #tpu.memory_space<vmem>>
      %dma_wait3A_263 = tpu.memref_squeeze %dma_wait3A_262 : memref<1x128xi32, #tpu.memory_space<vmem>> -> memref<128xi32, #tpu.memory_space<vmem>>
      %dma_wait3A_264 = arith.constant 0 : i32
      %dma_wait3A_265 = tpu.memref_slice %arg4[%dma_wait3A_264] : memref<10240xf32, #tpu.memory_space<hbm>> -> memref<10240xf32, #tpu.memory_space<hbm>>
      tpu.wait_indirect_dma semaphore(%arg19 : memref<!tpu.dma_semaphore, #tpu.memory_space<semaphore_mem>>) src(%dma_wait3A_265 : memref<10240xf32, #tpu.memory_space<hbm>>) dst(%dma_wait3A_260 : memref<128xf32, #tpu.memory_space<vmem>>)
      %dma_wait3A_266 = arith.constant 4 : i32
      %dma_wait3A_267 = arith.constant 4 : i32
      %dma_wait3A_268 = arith.constant 0 : i32
      %dma_wait3A_269 = tpu.memref_slice %arg13[%dma_wait3A_267, %dma_wait3A_268] : memref<8x128xf32, #tpu.memory_space<vmem>> -> memref<1x128xf32, #tpu.memory_space<vmem>>
      %dma_wait3A_270 = tpu.memref_squeeze %dma_wait3A_269 : memref<1x128xf32, #tpu.memory_space<vmem>> -> memref<128xf32, #tpu.memory_space<vmem>>
      %dma_wait3A_271 = arith.constant 0 : i32
      %dma_wait3A_272 = tpu.memref_slice %arg11[%dma_wait3A_266, %dma_wait3A_271] : memref<8x128xi32, #tpu.memory_space<vmem>> -> memref<1x128xi32, #tpu.memory_space<vmem>>
      %dma_wait3A_273 = tpu.memref_squeeze %dma_wait3A_272 : memref<1x128xi32, #tpu.memory_space<vmem>> -> memref<128xi32, #tpu.memory_space<vmem>>
      %dma_wait3A_274 = arith.constant 0 : i32
      %dma_wait3A_275 = tpu.memref_slice %arg3[%dma_wait3A_274] : memref<10240xf32, #tpu.memory_space<hbm>> -> memref<10240xf32, #tpu.memory_space<hbm>>
      tpu.wait_indirect_dma semaphore(%arg19 : memref<!tpu.dma_semaphore, #tpu.memory_space<semaphore_mem>>) src(%dma_wait3A_275 : memref<10240xf32, #tpu.memory_space<hbm>>) dst(%dma_wait3A_270 : memref<128xf32, #tpu.memory_space<vmem>>)
      %dma_wait3A_276 = arith.constant 4 : i32
      %dma_wait3A_277 = arith.constant 4 : i32
      %dma_wait3A_278 = arith.constant 0 : i32
      %dma_wait3A_279 = tpu.memref_slice %arg14[%dma_wait3A_277, %dma_wait3A_278] : memref<8x128xf32, #tpu.memory_space<vmem>> -> memref<1x128xf32, #tpu.memory_space<vmem>>
      %dma_wait3A_280 = tpu.memref_squeeze %dma_wait3A_279 : memref<1x128xf32, #tpu.memory_space<vmem>> -> memref<128xf32, #tpu.memory_space<vmem>>
      %dma_wait3A_281 = arith.constant 0 : i32
      %dma_wait3A_282 = tpu.memref_slice %arg12[%dma_wait3A_276, %dma_wait3A_281] : memref<8x128xi32, #tpu.memory_space<vmem>> -> memref<1x128xi32, #tpu.memory_space<vmem>>
      %dma_wait3A_283 = tpu.memref_squeeze %dma_wait3A_282 : memref<1x128xi32, #tpu.memory_space<vmem>> -> memref<128xi32, #tpu.memory_space<vmem>>
      %dma_wait3A_284 = arith.constant 0 : i32
      %dma_wait3A_285 = tpu.memref_slice %arg4[%dma_wait3A_284] : memref<10240xf32, #tpu.memory_space<hbm>> -> memref<10240xf32, #tpu.memory_space<hbm>>
      tpu.wait_indirect_dma semaphore(%arg19 : memref<!tpu.dma_semaphore, #tpu.memory_space<semaphore_mem>>) src(%dma_wait3A_285 : memref<10240xf32, #tpu.memory_space<hbm>>) dst(%dma_wait3A_280 : memref<128xf32, #tpu.memory_space<vmem>>)
      %dma_wait3A_286 = arith.constant 5 : i32
      %dma_wait3A_287 = arith.constant 5 : i32
      %dma_wait3A_288 = arith.constant 0 : i32
      %dma_wait3A_289 = tpu.memref_slice %arg13[%dma_wait3A_287, %dma_wait3A_288] : memref<8x128xf32, #tpu.memory_space<vmem>> -> memref<1x128xf32, #tpu.memory_space<vmem>>
      %dma_wait3A_290 = tpu.memref_squeeze %dma_wait3A_289 : memref<1x128xf32, #tpu.memory_space<vmem>> -> memref<128xf32, #tpu.memory_space<vmem>>
      %dma_wait3A_291 = arith.constant 0 : i32
      %dma_wait3A_292 = tpu.memref_slice %arg11[%dma_wait3A_286, %dma_wait3A_291] : memref<8x128xi32, #tpu.memory_space<vmem>> -> memref<1x128xi32, #tpu.memory_space<vmem>>
      %dma_wait3A_293 = tpu.memref_squeeze %dma_wait3A_292 : memref<1x128xi32, #tpu.memory_space<vmem>> -> memref<128xi32, #tpu.memory_space<vmem>>
      %dma_wait3A_294 = arith.constant 0 : i32
      %dma_wait3A_295 = tpu.memref_slice %arg3[%dma_wait3A_294] : memref<10240xf32, #tpu.memory_space<hbm>> -> memref<10240xf32, #tpu.memory_space<hbm>>
      tpu.wait_indirect_dma semaphore(%arg19 : memref<!tpu.dma_semaphore, #tpu.memory_space<semaphore_mem>>) src(%dma_wait3A_295 : memref<10240xf32, #tpu.memory_space<hbm>>) dst(%dma_wait3A_290 : memref<128xf32, #tpu.memory_space<vmem>>)
      %dma_wait3A_296 = arith.constant 5 : i32
      %dma_wait3A_297 = arith.constant 5 : i32
      %dma_wait3A_298 = arith.constant 0 : i32
      %dma_wait3A_299 = tpu.memref_slice %arg14[%dma_wait3A_297, %dma_wait3A_298] : memref<8x128xf32, #tpu.memory_space<vmem>> -> memref<1x128xf32, #tpu.memory_space<vmem>>
      %dma_wait3A_300 = tpu.memref_squeeze %dma_wait3A_299 : memref<1x128xf32, #tpu.memory_space<vmem>> -> memref<128xf32, #tpu.memory_space<vmem>>
      %dma_wait3A_301 = arith.constant 0 : i32
      %dma_wait3A_302 = tpu.memref_slice %arg12[%dma_wait3A_296, %dma_wait3A_301] : memref<8x128xi32, #tpu.memory_space<vmem>> -> memref<1x128xi32, #tpu.memory_space<vmem>>
      %dma_wait3A_303 = tpu.memref_squeeze %dma_wait3A_302 : memref<1x128xi32, #tpu.memory_space<vmem>> -> memref<128xi32, #tpu.memory_space<vmem>>
      %dma_wait3A_304 = arith.constant 0 : i32
      %dma_wait3A_305 = tpu.memref_slice %arg4[%dma_wait3A_304] : memref<10240xf32, #tpu.memory_space<hbm>> -> memref<10240xf32, #tpu.memory_space<hbm>>
      tpu.wait_indirect_dma semaphore(%arg19 : memref<!tpu.dma_semaphore, #tpu.memory_space<semaphore_mem>>) src(%dma_wait3A_305 : memref<10240xf32, #tpu.memory_space<hbm>>) dst(%dma_wait3A_300 : memref<128xf32, #tpu.memory_space<vmem>>)
      %dma_wait3A_306 = arith.constant 6 : i32
      %dma_wait3A_307 = arith.constant 6 : i32
      %dma_wait3A_308 = arith.constant 0 : i32
      %dma_wait3A_309 = tpu.memref_slice %arg13[%dma_wait3A_307, %dma_wait3A_308] : memref<8x128xf32, #tpu.memory_space<vmem>> -> memref<1x128xf32, #tpu.memory_space<vmem>>
      %dma_wait3A_310 = tpu.memref_squeeze %dma_wait3A_309 : memref<1x128xf32, #tpu.memory_space<vmem>> -> memref<128xf32, #tpu.memory_space<vmem>>
      %dma_wait3A_311 = arith.constant 0 : i32
      %dma_wait3A_312 = tpu.memref_slice %arg11[%dma_wait3A_306, %dma_wait3A_311] : memref<8x128xi32, #tpu.memory_space<vmem>> -> memref<1x128xi32, #tpu.memory_space<vmem>>
      %dma_wait3A_313 = tpu.memref_squeeze %dma_wait3A_312 : memref<1x128xi32, #tpu.memory_space<vmem>> -> memref<128xi32, #tpu.memory_space<vmem>>
      %dma_wait3A_314 = arith.constant 0 : i32
      %dma_wait3A_315 = tpu.memref_slice %arg3[%dma_wait3A_314] : memref<10240xf32, #tpu.memory_space<hbm>> -> memref<10240xf32, #tpu.memory_space<hbm>>
      tpu.wait_indirect_dma semaphore(%arg19 : memref<!tpu.dma_semaphore, #tpu.memory_space<semaphore_mem>>) src(%dma_wait3A_315 : memref<10240xf32, #tpu.memory_space<hbm>>) dst(%dma_wait3A_310 : memref<128xf32, #tpu.memory_space<vmem>>)
      %dma_wait3A_316 = arith.constant 6 : i32
      %dma_wait3A_317 = arith.constant 6 : i32
      %dma_wait3A_318 = arith.constant 0 : i32
      %dma_wait3A_319 = tpu.memref_slice %arg14[%dma_wait3A_317, %dma_wait3A_318] : memref<8x128xf32, #tpu.memory_space<vmem>> -> memref<1x128xf32, #tpu.memory_space<vmem>>
      %dma_wait3A_320 = tpu.memref_squeeze %dma_wait3A_319 : memref<1x128xf32, #tpu.memory_space<vmem>> -> memref<128xf32, #tpu.memory_space<vmem>>
      %dma_wait3A_321 = arith.constant 0 : i32
      %dma_wait3A_322 = tpu.memref_slice %arg12[%dma_wait3A_316, %dma_wait3A_321] : memref<8x128xi32, #tpu.memory_space<vmem>> -> memref<1x128xi32, #tpu.memory_space<vmem>>
      %dma_wait3A_323 = tpu.memref_squeeze %dma_wait3A_322 : memref<1x128xi32, #tpu.memory_space<vmem>> -> memref<128xi32, #tpu.memory_space<vmem>>
      %dma_wait3A_324 = arith.constant 0 : i32
      %dma_wait3A_325 = tpu.memref_slice %arg4[%dma_wait3A_324] : memref<10240xf32, #tpu.memory_space<hbm>> -> memref<10240xf32, #tpu.memory_space<hbm>>
      tpu.wait_indirect_dma semaphore(%arg19 : memref<!tpu.dma_semaphore, #tpu.memory_space<semaphore_mem>>) src(%dma_wait3A_325 : memref<10240xf32, #tpu.memory_space<hbm>>) dst(%dma_wait3A_320 : memref<128xf32, #tpu.memory_space<vmem>>)
      %dma_wait3A_326 = arith.constant 7 : i32
      %dma_wait3A_327 = arith.constant 7 : i32
      %dma_wait3A_328 = arith.constant 0 : i32
      %dma_wait3A_329 = tpu.memref_slice %arg13[%dma_wait3A_327, %dma_wait3A_328] : memref<8x128xf32, #tpu.memory_space<vmem>> -> memref<1x128xf32, #tpu.memory_space<vmem>>
      %dma_wait3A_330 = tpu.memref_squeeze %dma_wait3A_329 : memref<1x128xf32, #tpu.memory_space<vmem>> -> memref<128xf32, #tpu.memory_space<vmem>>
      %dma_wait3A_331 = arith.constant 0 : i32
      %dma_wait3A_332 = tpu.memref_slice %arg11[%dma_wait3A_326, %dma_wait3A_331] : memref<8x128xi32, #tpu.memory_space<vmem>> -> memref<1x128xi32, #tpu.memory_space<vmem>>
      %dma_wait3A_333 = tpu.memref_squeeze %dma_wait3A_332 : memref<1x128xi32, #tpu.memory_space<vmem>> -> memref<128xi32, #tpu.memory_space<vmem>>
      %dma_wait3A_334 = arith.constant 0 : i32
      %dma_wait3A_335 = tpu.memref_slice %arg3[%dma_wait3A_334] : memref<10240xf32, #tpu.memory_space<hbm>> -> memref<10240xf32, #tpu.memory_space<hbm>>
      tpu.wait_indirect_dma semaphore(%arg19 : memref<!tpu.dma_semaphore, #tpu.memory_space<semaphore_mem>>) src(%dma_wait3A_335 : memref<10240xf32, #tpu.memory_space<hbm>>) dst(%dma_wait3A_330 : memref<128xf32, #tpu.memory_space<vmem>>)
      %dma_wait3A_336 = arith.constant 7 : i32
      %dma_wait3A_337 = arith.constant 7 : i32
      %dma_wait3A_338 = arith.constant 0 : i32
      %dma_wait3A_339 = tpu.memref_slice %arg14[%dma_wait3A_337, %dma_wait3A_338] : memref<8x128xf32, #tpu.memory_space<vmem>> -> memref<1x128xf32, #tpu.memory_space<vmem>>
      %dma_wait3A_340 = tpu.memref_squeeze %dma_wait3A_339 : memref<1x128xf32, #tpu.memory_space<vmem>> -> memref<128xf32, #tpu.memory_space<vmem>>
      %dma_wait3A_341 = arith.constant 0 : i32
      %dma_wait3A_342 = tpu.memref_slice %arg12[%dma_wait3A_336, %dma_wait3A_341] : memref<8x128xi32, #tpu.memory_space<vmem>> -> memref<1x128xi32, #tpu.memory_space<vmem>>
      %dma_wait3A_343 = tpu.memref_squeeze %dma_wait3A_342 : memref<1x128xi32, #tpu.memory_space<vmem>> -> memref<128xi32, #tpu.memory_space<vmem>>
      %dma_wait3A_344 = arith.constant 0 : i32
      %dma_wait3A_345 = tpu.memref_slice %arg4[%dma_wait3A_344] : memref<10240xf32, #tpu.memory_space<hbm>> -> memref<10240xf32, #tpu.memory_space<hbm>>
      tpu.wait_indirect_dma semaphore(%arg19 : memref<!tpu.dma_semaphore, #tpu.memory_space<semaphore_mem>>) src(%dma_wait3A_345 : memref<10240xf32, #tpu.memory_space<hbm>>) dst(%dma_wait3A_340 : memref<128xf32, #tpu.memory_space<vmem>>)
      %dma_start3A_346 = arith.constant 0 : i32
      %dma_start3A_347 = arith.constant 0 : i32
      %dma_start3A_348 = arith.constant 0 : i32
      %dma_start3A_349 = tpu.memref_slice %arg15[%dma_start3A_347, %dma_start3A_348] : memref<256x128xf32, #tpu.memory_space<vmem>> -> memref<128x128xf32, #tpu.memory_space<vmem>>
      %dma_start3A_350 = arith.constant 0 : i32
      %dma_start3A_351 = tpu.memref_slice %arg11[%dma_start3A_346, %dma_start3A_350] : memref<8x128xi32, #tpu.memory_space<vmem>> -> memref<1x128xi32, #tpu.memory_space<vmem>>
      %dma_start3A_352 = tpu.memref_squeeze %dma_start3A_351 : memref<1x128xi32, #tpu.memory_space<vmem>> -> memref<128xi32, #tpu.memory_space<vmem>>
      %dma_start3A_353 = arith.constant 0 : i32
      %dma_start3A_354 = arith.constant 0 : i32
      %dma_start3A_355 = tpu.memref_slice %arg2[%dma_start3A_353, %dma_start3A_354] : memref<10240x128xf32, #tpu.memory_space<hbm>> -> memref<10240x128xf32, #tpu.memory_space<hbm>>
      tpu.enqueue_indirect_dma source(%dma_start3A_355 : memref<10240x128xf32, #tpu.memory_space<hbm>>) target(%dma_start3A_349 : memref<128x128xf32, #tpu.memory_space<vmem>>) offsets(%dma_start3A_352 : memref<128xi32, #tpu.memory_space<vmem>>) semaphore(%arg20 : memref<!tpu.dma_semaphore, #tpu.memory_space<semaphore_mem>>)
      %scan3A_356 = arith.constant 0 : i32
      %scan3A_357 = arith.constant 0 : i32
      %scan3A_358 = arith.constant 64 : i32
      %scan3A_359 = arith.addi %scan3A_357, %scan3A_358 : i32
      %scan3A_360 = arith.constant 1 : i32
      %scan3A_361 = scf.for %scan3A_857 = %scan3A_357 to %scan3A_359 step %scan3A_360 iter_args(%scan3A_858 = %scan3A_356) -> (i32)  : i32 {
        %shift_right_arithmetic3A = arith.constant 3 : i32
        %shift_right_arithmetic3A_859 = arith.shrsi %scan3A_857, %shift_right_arithmetic3A : i32
        %and3A = arith.constant 7 : i32
        %and3A_860 = arith.andi %scan3A_857, %and3A : i32
        %mul3A_861 = arith.constant 16 : i32
        %mul3A_862 = arith.muli %and3A_860, %mul3A_861 : i32
        %get3A = arith.index_cast %shift_right_arithmetic3A_859 : i32 to index
        %get3A_863 = arith.index_cast %mul3A_862 : i32 to index
        %get3A_864 = tpu.vector_load %arg13[%get3A, %get3A_863] {strides = array<i32>} : memref<8x128xf32, #tpu.memory_space<vmem>>, vector<16xf32>,
        %get3A_865 = arith.index_cast %shift_right_arithmetic3A_859 : i32 to index
        %get3A_866 = arith.index_cast %mul3A_862 : i32 to index
        %get3A_867 = tpu.vector_load %arg14[%get3A_865, %get3A_866] {strides = array<i32>} : memref<8x128xf32, #tpu.memory_space<vmem>>, vector<16xf32>,
        %add3A_868 = arith.addf %get3A_864, %get3A_867 : vector<16xf32>
        %gt3A = arith.constant 0.000000e+00 : f32
        %gt3A_869 = vector.broadcast %gt3A : f32 to vector<16xf32>
        %gt3A_870 = arith.cmpf ogt, %add3A_868, %gt3A_869 : vector<16xf32>
        %mul3A_871 = arith.constant 2.000000e-01 : f32
        %mul3A_872 = vector.broadcast %mul3A_871 : f32 to vector<16xf32>
        %mul3A_873 = arith.mulf %mul3A_872, %add3A_868 : vector<16xf32>
        %select_n3A = arith.select %gt3A_870, %add3A_868, %mul3A_873 : vector<16xi1>, vector<16xf32>
        %exp3A = math.exp %select_n3A : vector<16xf32>
        %swap3A = arith.index_cast %shift_right_arithmetic3A_859 : i32 to index
        %swap3A_874 = arith.index_cast %mul3A_862 : i32 to index
        %swap3A_875 = tpu.vector_load %arg16[%swap3A, %swap3A_874] {strides = array<i32>} : memref<8x128xf32, #tpu.memory_space<vmem>>, vector<16xf32>,
        tpu.vector_store %arg16[%swap3A, %swap3A_874], %exp3A {strides = array<i32>} : memref<8x128xf32, #tpu.memory_space<vmem>>, vector<16xf32>,
        %scan3A_876 = arith.constant 0 : i32
        scf.yield %scan3A_876 : i32
      }
      %scan3A_362 = arith.constant 64 : i32
      %dma_wait3A_363 = arith.constant 0 : i32
      %dma_wait3A_364 = arith.constant 0 : i32
      %dma_wait3A_365 = arith.constant 0 : i32
      %dma_wait3A_366 = tpu.memref_slice %arg15[%dma_wait3A_364, %dma_wait3A_365] : memref<256x128xf32, #tpu.memory_space<vmem>> -> memref<128x128xf32, #tpu.memory_space<vmem>>
      %dma_wait3A_367 = arith.constant 0 : i32
      %dma_wait3A_368 = tpu.memref_slice %arg11[%dma_wait3A_363, %dma_wait3A_367] : memref<8x128xi32, #tpu.memory_space<vmem>> -> memref<1x128xi32, #tpu.memory_space<vmem>>
      %dma_wait3A_369 = tpu.memref_squeeze %dma_wait3A_368 : memref<1x128xi32, #tpu.memory_space<vmem>> -> memref<128xi32, #tpu.memory_space<vmem>>
      %dma_wait3A_370 = arith.constant 0 : i32
      %dma_wait3A_371 = arith.constant 0 : i32
      %dma_wait3A_372 = tpu.memref_slice %arg2[%dma_wait3A_370, %dma_wait3A_371] : memref<10240x128xf32, #tpu.memory_space<hbm>> -> memref<10240x128xf32, #tpu.memory_space<hbm>>
      tpu.wait_indirect_dma semaphore(%arg20 : memref<!tpu.dma_semaphore, #tpu.memory_space<semaphore_mem>>) src(%dma_wait3A_372 : memref<10240x128xf32, #tpu.memory_space<hbm>>) dst(%dma_wait3A_366 : memref<128x128xf32, #tpu.memory_space<vmem>>)
      %parallel_loop3A = arith.constant 0 : i32
      %parallel_loop3A_373 = arith.constant 128 : i32
      %parallel_loop3A_374 = arith.constant 1 : i32
      scf.for %parallel_loop3A_857 = %parallel_loop3A to %parallel_loop3A_373 step %parallel_loop3A_374  : i32 {
        %parallel_loop3A_858 = arith.constant 0 : i32
        %parallel_loop3A_859 = arith.addi %parallel_loop3A_858, %parallel_loop3A_857 : i32
        %parallel_loop3A_860 = arith.constant 0 : i32
        %parallel_loop3A_861 = vector.broadcast %parallel_loop3A_860 : i32 to vector<16xi32>
        %parallel_loop3A_862 = vector.broadcast %parallel_loop3A_857 : i32 to vector<16xi32>
        %parallel_loop3A_863 = tpu.vector_load_idx %arg16[%parallel_loop3A_861, %parallel_loop3A_862] : memref<8x128xf32, #tpu.memory_space<vmem>>[vector<16xi32>, vector<16xi32>], vector<16xf32>,
        %parallel_loop3A_864 = arith.index_cast %parallel_loop3A_859 : i32 to index
        %parallel_loop3A_865 = arith.constant 0 : index
        %parallel_loop3A_866 = tpu.vector_load %arg15[%parallel_loop3A_864, %parallel_loop3A_865] {strides = array<i32>} : memref<256x128xf32, #tpu.memory_space<vmem>>, vector<16xf32>,
        %parallel_loop3A_867 = arith.mulf %parallel_loop3A_866, %parallel_loop3A_863 : vector<16xf32>
        %parallel_loop3A_868 = arith.index_cast %parallel_loop3A_859 : i32 to index
        %parallel_loop3A_869 = arith.constant 0 : index
        %parallel_loop3A_870 = tpu.vector_load %arg15[%parallel_loop3A_868, %parallel_loop3A_869] {strides = array<i32>} : memref<256x128xf32, #tpu.memory_space<vmem>>, vector<16xf32>,
        tpu.vector_store %arg15[%parallel_loop3A_868, %parallel_loop3A_869], %parallel_loop3A_867 {strides = array<i32>} : memref<256x128xf32, #tpu.memory_space<vmem>>, vector<16xf32>,
        %parallel_loop3A_871 = arith.index_cast %parallel_loop3A_859 : i32 to index
        %parallel_loop3A_872 = arith.constant 16 : index
        %parallel_loop3A_873 = tpu.vector_load %arg15[%parallel_loop3A_871, %parallel_loop3A_872] {strides = array<i32>} : memref<256x128xf32, #tpu.memory_space<vmem>>, vector<16xf32>,
        %parallel_loop3A_874 = arith.mulf %parallel_loop3A_873, %parallel_loop3A_863 : vector<16xf32>
        %parallel_loop3A_875 = arith.index_cast %parallel_loop3A_859 : i32 to index
        %parallel_loop3A_876 = arith.constant 16 : index
        %parallel_loop3A_877 = tpu.vector_load %arg15[%parallel_loop3A_875, %parallel_loop3A_876] {strides = array<i32>} : memref<256x128xf32, #tpu.memory_space<vmem>>, vector<16xf32>,
        tpu.vector_store %arg15[%parallel_loop3A_875, %parallel_loop3A_876], %parallel_loop3A_874 {strides = array<i32>} : memref<256x128xf32, #tpu.memory_space<vmem>>, vector<16xf32>,
        %parallel_loop3A_878 = arith.index_cast %parallel_loop3A_859 : i32 to index
        %parallel_loop3A_879 = arith.constant 32 : index
        %parallel_loop3A_880 = tpu.vector_load %arg15[%parallel_loop3A_878, %parallel_loop3A_879] {strides = array<i32>} : memref<256x128xf32, #tpu.memory_space<vmem>>, vector<16xf32>,
        %parallel_loop3A_881 = arith.mulf %parallel_loop3A_880, %parallel_loop3A_863 : vector<16xf32>
        %parallel_loop3A_882 = arith.index_cast %parallel_loop3A_859 : i32 to index
        %parallel_loop3A_883 = arith.constant 32 : index
        %parallel_loop3A_884 = tpu.vector_load %arg15[%parallel_loop3A_882, %parallel_loop3A_883] {strides = array<i32>} : memref<256x128xf32, #tpu.memory_space<vmem>>, vector<16xf32>,
        tpu.vector_store %arg15[%parallel_loop3A_882, %parallel_loop3A_883], %parallel_loop3A_881 {strides = array<i32>} : memref<256x128xf32, #tpu.memory_space<vmem>>, vector<16xf32>,
        %parallel_loop3A_885 = arith.index_cast %parallel_loop3A_859 : i32 to index
        %parallel_loop3A_886 = arith.constant 48 : index
        %parallel_loop3A_887 = tpu.vector_load %arg15[%parallel_loop3A_885, %parallel_loop3A_886] {strides = array<i32>} : memref<256x128xf32, #tpu.memory_space<vmem>>, vector<16xf32>,
        %parallel_loop3A_888 = arith.mulf %parallel_loop3A_887, %parallel_loop3A_863 : vector<16xf32>
        %parallel_loop3A_889 = arith.index_cast %parallel_loop3A_859 : i32 to index
        %parallel_loop3A_890 = arith.constant 48 : index
        %parallel_loop3A_891 = tpu.vector_load %arg15[%parallel_loop3A_889, %parallel_loop3A_890] {strides = array<i32>} : memref<256x128xf32, #tpu.memory_space<vmem>>, vector<16xf32>,
        tpu.vector_store %arg15[%parallel_loop3A_889, %parallel_loop3A_890], %parallel_loop3A_888 {strides = array<i32>} : memref<256x128xf32, #tpu.memory_space<vmem>>, vector<16xf32>,
        %parallel_loop3A_892 = arith.index_cast %parallel_loop3A_859 : i32 to index
        %parallel_loop3A_893 = arith.constant 64 : index
        %parallel_loop3A_894 = tpu.vector_load %arg15[%parallel_loop3A_892, %parallel_loop3A_893] {strides = array<i32>} : memref<256x128xf32, #tpu.memory_space<vmem>>, vector<16xf32>,
        %parallel_loop3A_895 = arith.mulf %parallel_loop3A_894, %parallel_loop3A_863 : vector<16xf32>
        %parallel_loop3A_896 = arith.index_cast %parallel_loop3A_859 : i32 to index
        %parallel_loop3A_897 = arith.constant 64 : index
        %parallel_loop3A_898 = tpu.vector_load %arg15[%parallel_loop3A_896, %parallel_loop3A_897] {strides = array<i32>} : memref<256x128xf32, #tpu.memory_space<vmem>>, vector<16xf32>,
        tpu.vector_store %arg15[%parallel_loop3A_896, %parallel_loop3A_897], %parallel_loop3A_895 {strides = array<i32>} : memref<256x128xf32, #tpu.memory_space<vmem>>, vector<16xf32>,
        %parallel_loop3A_899 = arith.index_cast %parallel_loop3A_859 : i32 to index
        %parallel_loop3A_900 = arith.constant 80 : index
        %parallel_loop3A_901 = tpu.vector_load %arg15[%parallel_loop3A_899, %parallel_loop3A_900] {strides = array<i32>} : memref<256x128xf32, #tpu.memory_space<vmem>>, vector<16xf32>,
        %parallel_loop3A_902 = arith.mulf %parallel_loop3A_901, %parallel_loop3A_863 : vector<16xf32>
        %parallel_loop3A_903 = arith.index_cast %parallel_loop3A_859 : i32 to index
        %parallel_loop3A_904 = arith.constant 80 : index
        %parallel_loop3A_905 = tpu.vector_load %arg15[%parallel_loop3A_903, %parallel_loop3A_904] {strides = array<i32>} : memref<256x128xf32, #tpu.memory_space<vmem>>, vector<16xf32>,
        tpu.vector_store %arg15[%parallel_loop3A_903, %parallel_loop3A_904], %parallel_loop3A_902 {strides = array<i32>} : memref<256x128xf32, #tpu.memory_space<vmem>>, vector<16xf32>,
        %parallel_loop3A_906 = arith.index_cast %parallel_loop3A_859 : i32 to index
        %parallel_loop3A_907 = arith.constant 96 : index
        %parallel_loop3A_908 = tpu.vector_load %arg15[%parallel_loop3A_906, %parallel_loop3A_907] {strides = array<i32>} : memref<256x128xf32, #tpu.memory_space<vmem>>, vector<16xf32>,
        %parallel_loop3A_909 = arith.mulf %parallel_loop3A_908, %parallel_loop3A_863 : vector<16xf32>
        %parallel_loop3A_910 = arith.index_cast %parallel_loop3A_859 : i32 to index
        %parallel_loop3A_911 = arith.constant 96 : index
        %parallel_loop3A_912 = tpu.vector_load %arg15[%parallel_loop3A_910, %parallel_loop3A_911] {strides = array<i32>} : memref<256x128xf32, #tpu.memory_space<vmem>>, vector<16xf32>,
        tpu.vector_store %arg15[%parallel_loop3A_910, %parallel_loop3A_911], %parallel_loop3A_909 {strides = array<i32>} : memref<256x128xf32, #tpu.memory_space<vmem>>, vector<16xf32>,
        %parallel_loop3A_913 = arith.index_cast %parallel_loop3A_859 : i32 to index
        %parallel_loop3A_914 = arith.constant 112 : index
        %parallel_loop3A_915 = tpu.vector_load %arg15[%parallel_loop3A_913, %parallel_loop3A_914] {strides = array<i32>} : memref<256x128xf32, #tpu.memory_space<vmem>>, vector<16xf32>,
        %parallel_loop3A_916 = arith.mulf %parallel_loop3A_915, %parallel_loop3A_863 : vector<16xf32>
        %parallel_loop3A_917 = arith.index_cast %parallel_loop3A_859 : i32 to index
        %parallel_loop3A_918 = arith.constant 112 : index
        %parallel_loop3A_919 = tpu.vector_load %arg15[%parallel_loop3A_917, %parallel_loop3A_918] {strides = array<i32>} : memref<256x128xf32, #tpu.memory_space<vmem>>, vector<16xf32>,
        tpu.vector_store %arg15[%parallel_loop3A_917, %parallel_loop3A_918], %parallel_loop3A_916 {strides = array<i32>} : memref<256x128xf32, #tpu.memory_space<vmem>>, vector<16xf32>,
      } {sc.loop_unroll_factor = 4 : i64, sc.parallel_access}
      %dma_start3A_375 = arith.constant 1 : i32
      %dma_start3A_376 = arith.constant 128 : i32
      %dma_start3A_377 = arith.constant 0 : i32
      %dma_start3A_378 = tpu.memref_slice %arg15[%dma_start3A_376, %dma_start3A_377] : memref<256x128xf32, #tpu.memory_space<vmem>> -> memref<128x128xf32, #tpu.memory_space<vmem>>
      %dma_start3A_379 = arith.constant 0 : i32
      %dma_start3A_380 = tpu.memref_slice %arg11[%dma_start3A_375, %dma_start3A_379] : memref<8x128xi32, #tpu.memory_space<vmem>> -> memref<1x128xi32, #tpu.memory_space<vmem>>
      %dma_start3A_381 = tpu.memref_squeeze %dma_start3A_380 : memref<1x128xi32, #tpu.memory_space<vmem>> -> memref<128xi32, #tpu.memory_space<vmem>>
      %dma_start3A_382 = arith.constant 0 : i32
      %dma_start3A_383 = arith.constant 0 : i32
      %dma_start3A_384 = tpu.memref_slice %arg2[%dma_start3A_382, %dma_start3A_383] : memref<10240x128xf32, #tpu.memory_space<hbm>> -> memref<10240x128xf32, #tpu.memory_space<hbm>>
      tpu.enqueue_indirect_dma source(%dma_start3A_384 : memref<10240x128xf32, #tpu.memory_space<hbm>>) target(%dma_start3A_378 : memref<128x128xf32, #tpu.memory_space<vmem>>) offsets(%dma_start3A_381 : memref<128xi32, #tpu.memory_space<vmem>>) semaphore(%arg20 : memref<!tpu.dma_semaphore, #tpu.memory_space<semaphore_mem>>)
      %dma_start3A_385 = arith.constant 0 : i32
      %dma_start3A_386 = arith.constant 0 : i32
      %dma_start3A_387 = arith.constant 0 : i32
      %dma_start3A_388 = tpu.memref_slice %arg15[%dma_start3A_386, %dma_start3A_387] : memref<256x128xf32, #tpu.memory_space<vmem>> -> memref<128x128xf32, #tpu.memory_space<vmem>>
      %dma_start3A_389 = arith.constant 0 : i32
      %dma_start3A_390 = tpu.memref_slice %arg12[%dma_start3A_385, %dma_start3A_389] : memref<8x128xi32, #tpu.memory_space<vmem>> -> memref<1x128xi32, #tpu.memory_space<vmem>>
      %dma_start3A_391 = tpu.memref_squeeze %dma_start3A_390 : memref<1x128xi32, #tpu.memory_space<vmem>> -> memref<128xi32, #tpu.memory_space<vmem>>
      %dma_start3A_392 = arith.constant 0 : i32
      %dma_start3A_393 = arith.constant 0 : i32
      %dma_start3A_394 = tpu.memref_slice %arg17[%dma_start3A_392, %dma_start3A_393] : memref<10240x128xf32, #tpu.memory_space<vmem_shared>> -> memref<10240x128xf32, #tpu.memory_space<vmem_shared>>
      tpu.enqueue_indirect_dma source(%dma_start3A_388 : memref<128x128xf32, #tpu.memory_space<vmem>>) target(%dma_start3A_394 : memref<10240x128xf32, #tpu.memory_space<vmem_shared>>) offsets(%dma_start3A_391 : memref<128xi32, #tpu.memory_space<vmem>>) semaphore(%arg21 : memref<!tpu.dma_semaphore, #tpu.memory_space<semaphore_mem>>) {add = true}
      %dma_start3A_395 = arith.constant 0 : i32
      %dma_start3A_396 = arith.constant 0 : i32
      %dma_start3A_397 = arith.constant 0 : i32
      %dma_start3A_398 = tpu.memref_slice %arg16[%dma_start3A_395, %dma_start3A_397] : memref<8x128xf32, #tpu.memory_space<vmem>> -> memref<1x128xf32, #tpu.memory_space<vmem>>
      %dma_start3A_399 = tpu.memref_squeeze %dma_start3A_398 : memref<1x128xf32, #tpu.memory_space<vmem>> -> memref<128xf32, #tpu.memory_space<vmem>>
      %dma_start3A_400 = arith.constant 0 : i32
      %dma_start3A_401 = tpu.memref_slice %arg12[%dma_start3A_396, %dma_start3A_400] : memref<8x128xi32, #tpu.memory_space<vmem>> -> memref<1x128xi32, #tpu.memory_space<vmem>>
      %dma_start3A_402 = tpu.memref_squeeze %dma_start3A_401 : memref<1x128xi32, #tpu.memory_space<vmem>> -> memref<128xi32, #tpu.memory_space<vmem>>
      %dma_start3A_403 = arith.constant 0 : i32
      %dma_start3A_404 = tpu.memref_slice %arg18[%dma_start3A_403] : memref<10240xf32, #tpu.memory_space<vmem_shared>> -> memref<10240xf32, #tpu.memory_space<vmem_shared>>
      tpu.enqueue_indirect_dma source(%dma_start3A_399 : memref<128xf32, #tpu.memory_space<vmem>>) target(%dma_start3A_404 : memref<10240xf32, #tpu.memory_space<vmem_shared>>) offsets(%dma_start3A_402 : memref<128xi32, #tpu.memory_space<vmem>>) semaphore(%arg22 : memref<!tpu.dma_semaphore, #tpu.memory_space<semaphore_mem>>) {add = true}
      %dma_wait3A_405 = arith.constant 1 : i32
      %dma_wait3A_406 = arith.constant 128 : i32
      %dma_wait3A_407 = arith.constant 0 : i32
      %dma_wait3A_408 = tpu.memref_slice %arg15[%dma_wait3A_406, %dma_wait3A_407] : memref<256x128xf32, #tpu.memory_space<vmem>> -> memref<128x128xf32, #tpu.memory_space<vmem>>
      %dma_wait3A_409 = arith.constant 0 : i32
      %dma_wait3A_410 = tpu.memref_slice %arg11[%dma_wait3A_405, %dma_wait3A_409] : memref<8x128xi32, #tpu.memory_space<vmem>> -> memref<1x128xi32, #tpu.memory_space<vmem>>
      %dma_wait3A_411 = tpu.memref_squeeze %dma_wait3A_410 : memref<1x128xi32, #tpu.memory_space<vmem>> -> memref<128xi32, #tpu.memory_space<vmem>>
      %dma_wait3A_412 = arith.constant 0 : i32
      %dma_wait3A_413 = arith.constant 0 : i32
      %dma_wait3A_414 = tpu.memref_slice %arg2[%dma_wait3A_412, %dma_wait3A_413] : memref<10240x128xf32, #tpu.memory_space<hbm>> -> memref<10240x128xf32, #tpu.memory_space<hbm>>
      tpu.wait_indirect_dma semaphore(%arg20 : memref<!tpu.dma_semaphore, #tpu.memory_space<semaphore_mem>>) src(%dma_wait3A_414 : memref<10240x128xf32, #tpu.memory_space<hbm>>) dst(%dma_wait3A_408 : memref<128x128xf32, #tpu.memory_space<vmem>>)
      %parallel_loop3A_415 = arith.constant 0 : i32
      %parallel_loop3A_416 = arith.constant 128 : i32
      %parallel_loop3A_417 = arith.constant 1 : i32
      scf.for %parallel_loop3A_857 = %parallel_loop3A_415 to %parallel_loop3A_416 step %parallel_loop3A_417  : i32 {
        %parallel_loop3A_858 = arith.constant 128 : i32
        %parallel_loop3A_859 = arith.addi %parallel_loop3A_858, %parallel_loop3A_857 : i32
        %parallel_loop3A_860 = arith.constant 1 : i32
        %parallel_loop3A_861 = vector.broadcast %parallel_loop3A_860 : i32 to vector<16xi32>
        %parallel_loop3A_862 = vector.broadcast %parallel_loop3A_857 : i32 to vector<16xi32>
        %parallel_loop3A_863 = tpu.vector_load_idx %arg16[%parallel_loop3A_861, %parallel_loop3A_862] : memref<8x128xf32, #tpu.memory_space<vmem>>[vector<16xi32>, vector<16xi32>], vector<16xf32>,
        %parallel_loop3A_864 = arith.index_cast %parallel_loop3A_859 : i32 to index
        %parallel_loop3A_865 = arith.constant 0 : index
        %parallel_loop3A_866 = tpu.vector_load %arg15[%parallel_loop3A_864, %parallel_loop3A_865] {strides = array<i32>} : memref<256x128xf32, #tpu.memory_space<vmem>>, vector<16xf32>,
        %parallel_loop3A_867 = arith.mulf %parallel_loop3A_866, %parallel_loop3A_863 : vector<16xf32>
        %parallel_loop3A_868 = arith.index_cast %parallel_loop3A_859 : i32 to index
        %parallel_loop3A_869 = arith.constant 0 : index
        %parallel_loop3A_870 = tpu.vector_load %arg15[%parallel_loop3A_868, %parallel_loop3A_869] {strides = array<i32>} : memref<256x128xf32, #tpu.memory_space<vmem>>, vector<16xf32>,
        tpu.vector_store %arg15[%parallel_loop3A_868, %parallel_loop3A_869], %parallel_loop3A_867 {strides = array<i32>} : memref<256x128xf32, #tpu.memory_space<vmem>>, vector<16xf32>,
        %parallel_loop3A_871 = arith.index_cast %parallel_loop3A_859 : i32 to index
        %parallel_loop3A_872 = arith.constant 16 : index
        %parallel_loop3A_873 = tpu.vector_load %arg15[%parallel_loop3A_871, %parallel_loop3A_872] {strides = array<i32>} : memref<256x128xf32, #tpu.memory_space<vmem>>, vector<16xf32>,
        %parallel_loop3A_874 = arith.mulf %parallel_loop3A_873, %parallel_loop3A_863 : vector<16xf32>
        %parallel_loop3A_875 = arith.index_cast %parallel_loop3A_859 : i32 to index
        %parallel_loop3A_876 = arith.constant 16 : index
        %parallel_loop3A_877 = tpu.vector_load %arg15[%parallel_loop3A_875, %parallel_loop3A_876] {strides = array<i32>} : memref<256x128xf32, #tpu.memory_space<vmem>>, vector<16xf32>,
        tpu.vector_store %arg15[%parallel_loop3A_875, %parallel_loop3A_876], %parallel_loop3A_874 {strides = array<i32>} : memref<256x128xf32, #tpu.memory_space<vmem>>, vector<16xf32>,
        %parallel_loop3A_878 = arith.index_cast %parallel_loop3A_859 : i32 to index
        %parallel_loop3A_879 = arith.constant 32 : index
        %parallel_loop3A_880 = tpu.vector_load %arg15[%parallel_loop3A_878, %parallel_loop3A_879] {strides = array<i32>} : memref<256x128xf32, #tpu.memory_space<vmem>>, vector<16xf32>,
        %parallel_loop3A_881 = arith.mulf %parallel_loop3A_880, %parallel_loop3A_863 : vector<16xf32>
        %parallel_loop3A_882 = arith.index_cast %parallel_loop3A_859 : i32 to index
        %parallel_loop3A_883 = arith.constant 32 : index
        %parallel_loop3A_884 = tpu.vector_load %arg15[%parallel_loop3A_882, %parallel_loop3A_883] {strides = array<i32>} : memref<256x128xf32, #tpu.memory_space<vmem>>, vector<16xf32>,
        tpu.vector_store %arg15[%parallel_loop3A_882, %parallel_loop3A_883], %parallel_loop3A_881 {strides = array<i32>} : memref<256x128xf32, #tpu.memory_space<vmem>>, vector<16xf32>,
        %parallel_loop3A_885 = arith.index_cast %parallel_loop3A_859 : i32 to index
        %parallel_loop3A_886 = arith.constant 48 : index
        %parallel_loop3A_887 = tpu.vector_load %arg15[%parallel_loop3A_885, %parallel_loop3A_886] {strides = array<i32>} : memref<256x128xf32, #tpu.memory_space<vmem>>, vector<16xf32>,
        %parallel_loop3A_888 = arith.mulf %parallel_loop3A_887, %parallel_loop3A_863 : vector<16xf32>
        %parallel_loop3A_889 = arith.index_cast %parallel_loop3A_859 : i32 to index
        %parallel_loop3A_890 = arith.constant 48 : index
        %parallel_loop3A_891 = tpu.vector_load %arg15[%parallel_loop3A_889, %parallel_loop3A_890] {strides = array<i32>} : memref<256x128xf32, #tpu.memory_space<vmem>>, vector<16xf32>,
        tpu.vector_store %arg15[%parallel_loop3A_889, %parallel_loop3A_890], %parallel_loop3A_888 {strides = array<i32>} : memref<256x128xf32, #tpu.memory_space<vmem>>, vector<16xf32>,
        %parallel_loop3A_892 = arith.index_cast %parallel_loop3A_859 : i32 to index
        %parallel_loop3A_893 = arith.constant 64 : index
        %parallel_loop3A_894 = tpu.vector_load %arg15[%parallel_loop3A_892, %parallel_loop3A_893] {strides = array<i32>} : memref<256x128xf32, #tpu.memory_space<vmem>>, vector<16xf32>,
        %parallel_loop3A_895 = arith.mulf %parallel_loop3A_894, %parallel_loop3A_863 : vector<16xf32>
        %parallel_loop3A_896 = arith.index_cast %parallel_loop3A_859 : i32 to index
        %parallel_loop3A_897 = arith.constant 64 : index
        %parallel_loop3A_898 = tpu.vector_load %arg15[%parallel_loop3A_896, %parallel_loop3A_897] {strides = array<i32>} : memref<256x128xf32, #tpu.memory_space<vmem>>, vector<16xf32>,
        tpu.vector_store %arg15[%parallel_loop3A_896, %parallel_loop3A_897], %parallel_loop3A_895 {strides = array<i32>} : memref<256x128xf32, #tpu.memory_space<vmem>>, vector<16xf32>,
        %parallel_loop3A_899 = arith.index_cast %parallel_loop3A_859 : i32 to index
        %parallel_loop3A_900 = arith.constant 80 : index
        %parallel_loop3A_901 = tpu.vector_load %arg15[%parallel_loop3A_899, %parallel_loop3A_900] {strides = array<i32>} : memref<256x128xf32, #tpu.memory_space<vmem>>, vector<16xf32>,
        %parallel_loop3A_902 = arith.mulf %parallel_loop3A_901, %parallel_loop3A_863 : vector<16xf32>
        %parallel_loop3A_903 = arith.index_cast %parallel_loop3A_859 : i32 to index
        %parallel_loop3A_904 = arith.constant 80 : index
        %parallel_loop3A_905 = tpu.vector_load %arg15[%parallel_loop3A_903, %parallel_loop3A_904] {strides = array<i32>} : memref<256x128xf32, #tpu.memory_space<vmem>>, vector<16xf32>,
        tpu.vector_store %arg15[%parallel_loop3A_903, %parallel_loop3A_904], %parallel_loop3A_902 {strides = array<i32>} : memref<256x128xf32, #tpu.memory_space<vmem>>, vector<16xf32>,
        %parallel_loop3A_906 = arith.index_cast %parallel_loop3A_859 : i32 to index
        %parallel_loop3A_907 = arith.constant 96 : index
        %parallel_loop3A_908 = tpu.vector_load %arg15[%parallel_loop3A_906, %parallel_loop3A_907] {strides = array<i32>} : memref<256x128xf32, #tpu.memory_space<vmem>>, vector<16xf32>,
        %parallel_loop3A_909 = arith.mulf %parallel_loop3A_908, %parallel_loop3A_863 : vector<16xf32>
        %parallel_loop3A_910 = arith.index_cast %parallel_loop3A_859 : i32 to index
        %parallel_loop3A_911 = arith.constant 96 : index
        %parallel_loop3A_912 = tpu.vector_load %arg15[%parallel_loop3A_910, %parallel_loop3A_911] {strides = array<i32>} : memref<256x128xf32, #tpu.memory_space<vmem>>, vector<16xf32>,
        tpu.vector_store %arg15[%parallel_loop3A_910, %parallel_loop3A_911], %parallel_loop3A_909 {strides = array<i32>} : memref<256x128xf32, #tpu.memory_space<vmem>>, vector<16xf32>,
        %parallel_loop3A_913 = arith.index_cast %parallel_loop3A_859 : i32 to index
        %parallel_loop3A_914 = arith.constant 112 : index
        %parallel_loop3A_915 = tpu.vector_load %arg15[%parallel_loop3A_913, %parallel_loop3A_914] {strides = array<i32>} : memref<256x128xf32, #tpu.memory_space<vmem>>, vector<16xf32>,
        %parallel_loop3A_916 = arith.mulf %parallel_loop3A_915, %parallel_loop3A_863 : vector<16xf32>
        %parallel_loop3A_917 = arith.index_cast %parallel_loop3A_859 : i32 to index
        %parallel_loop3A_918 = arith.constant 112 : index
        %parallel_loop3A_919 = tpu.vector_load %arg15[%parallel_loop3A_917, %parallel_loop3A_918] {strides = array<i32>} : memref<256x128xf32, #tpu.memory_space<vmem>>, vector<16xf32>,
        tpu.vector_store %arg15[%parallel_loop3A_917, %parallel_loop3A_918], %parallel_loop3A_916 {strides = array<i32>} : memref<256x128xf32, #tpu.memory_space<vmem>>, vector<16xf32>,
      } {sc.loop_unroll_factor = 4 : i64, sc.parallel_access}
      %dma_start3A_418 = arith.constant 2 : i32
      %dma_start3A_419 = arith.constant 0 : i32
      %dma_start3A_420 = arith.constant 0 : i32
      %dma_start3A_421 = tpu.memref_slice %arg15[%dma_start3A_419, %dma_start3A_420] : memref<256x128xf32, #tpu.memory_space<vmem>> -> memref<128x128xf32, #tpu.memory_space<vmem>>
      %dma_start3A_422 = arith.constant 0 : i32
      %dma_start3A_423 = tpu.memref_slice %arg11[%dma_start3A_418, %dma_start3A_422] : memref<8x128xi32, #tpu.memory_space<vmem>> -> memref<1x128xi32, #tpu.memory_space<vmem>>
      %dma_start3A_424 = tpu.memref_squeeze %dma_start3A_423 : memref<1x128xi32, #tpu.memory_space<vmem>> -> memref<128xi32, #tpu.memory_space<vmem>>
      %dma_start3A_425 = arith.constant 0 : i32
      %dma_start3A_426 = arith.constant 0 : i32
      %dma_start3A_427 = tpu.memref_slice %arg2[%dma_start3A_425, %dma_start3A_426] : memref<10240x128xf32, #tpu.memory_space<hbm>> -> memref<10240x128xf32, #tpu.memory_space<hbm>>
      tpu.enqueue_indirect_dma source(%dma_start3A_427 : memref<10240x128xf32, #tpu.memory_space<hbm>>) target(%dma_start3A_421 : memref<128x128xf32, #tpu.memory_space<vmem>>) offsets(%dma_start3A_424 : memref<128xi32, #tpu.memory_space<vmem>>) semaphore(%arg20 : memref<!tpu.dma_semaphore, #tpu.memory_space<semaphore_mem>>)
      %dma_start3A_428 = arith.constant 1 : i32
      %dma_start3A_429 = arith.constant 128 : i32
      %dma_start3A_430 = arith.constant 0 : i32
      %dma_start3A_431 = tpu.memref_slice %arg15[%dma_start3A_429, %dma_start3A_430] : memref<256x128xf32, #tpu.memory_space<vmem>> -> memref<128x128xf32, #tpu.memory_space<vmem>>
      %dma_start3A_432 = arith.constant 0 : i32
      %dma_start3A_433 = tpu.memref_slice %arg12[%dma_start3A_428, %dma_start3A_432] : memref<8x128xi32, #tpu.memory_space<vmem>> -> memref<1x128xi32, #tpu.memory_space<vmem>>
      %dma_start3A_434 = tpu.memref_squeeze %dma_start3A_433 : memref<1x128xi32, #tpu.memory_space<vmem>> -> memref<128xi32, #tpu.memory_space<vmem>>
      %dma_start3A_435 = arith.constant 0 : i32
      %dma_start3A_436 = arith.constant 0 : i32
      %dma_start3A_437 = tpu.memref_slice %arg17[%dma_start3A_435, %dma_start3A_436] : memref<10240x128xf32, #tpu.memory_space<vmem_shared>> -> memref<10240x128xf32, #tpu.memory_space<vmem_shared>>
      tpu.enqueue_indirect_dma source(%dma_start3A_431 : memref<128x128xf32, #tpu.memory_space<vmem>>) target(%dma_start3A_437 : memref<10240x128xf32, #tpu.memory_space<vmem_shared>>) offsets(%dma_start3A_434 : memref<128xi32, #tpu.memory_space<vmem>>) semaphore(%arg21 : memref<!tpu.dma_semaphore, #tpu.memory_space<semaphore_mem>>) {add = true}
      %dma_start3A_438 = arith.constant 1 : i32
      %dma_start3A_439 = arith.constant 1 : i32
      %dma_start3A_440 = arith.constant 0 : i32
      %dma_start3A_441 = tpu.memref_slice %arg16[%dma_start3A_438, %dma_start3A_440] : memref<8x128xf32, #tpu.memory_space<vmem>> -> memref<1x128xf32, #tpu.memory_space<vmem>>
      %dma_start3A_442 = tpu.memref_squeeze %dma_start3A_441 : memref<1x128xf32, #tpu.memory_space<vmem>> -> memref<128xf32, #tpu.memory_space<vmem>>
      %dma_start3A_443 = arith.constant 0 : i32
      %dma_start3A_444 = tpu.memref_slice %arg12[%dma_start3A_439, %dma_start3A_443] : memref<8x128xi32, #tpu.memory_space<vmem>> -> memref<1x128xi32, #tpu.memory_space<vmem>>
      %dma_start3A_445 = tpu.memref_squeeze %dma_start3A_444 : memref<1x128xi32, #tpu.memory_space<vmem>> -> memref<128xi32, #tpu.memory_space<vmem>>
      %dma_start3A_446 = arith.constant 0 : i32
      %dma_start3A_447 = tpu.memref_slice %arg18[%dma_start3A_446] : memref<10240xf32, #tpu.memory_space<vmem_shared>> -> memref<10240xf32, #tpu.memory_space<vmem_shared>>
      tpu.enqueue_indirect_dma source(%dma_start3A_442 : memref<128xf32, #tpu.memory_space<vmem>>) target(%dma_start3A_447 : memref<10240xf32, #tpu.memory_space<vmem_shared>>) offsets(%dma_start3A_445 : memref<128xi32, #tpu.memory_space<vmem>>) semaphore(%arg22 : memref<!tpu.dma_semaphore, #tpu.memory_space<semaphore_mem>>) {add = true}
      %dma_wait3A_448 = arith.constant 2 : i32
      %dma_wait3A_449 = arith.constant 0 : i32
      %dma_wait3A_450 = arith.constant 0 : i32
      %dma_wait3A_451 = tpu.memref_slice %arg15[%dma_wait3A_449, %dma_wait3A_450] : memref<256x128xf32, #tpu.memory_space<vmem>> -> memref<128x128xf32, #tpu.memory_space<vmem>>
      %dma_wait3A_452 = arith.constant 0 : i32
      %dma_wait3A_453 = tpu.memref_slice %arg11[%dma_wait3A_448, %dma_wait3A_452] : memref<8x128xi32, #tpu.memory_space<vmem>> -> memref<1x128xi32, #tpu.memory_space<vmem>>
      %dma_wait3A_454 = tpu.memref_squeeze %dma_wait3A_453 : memref<1x128xi32, #tpu.memory_space<vmem>> -> memref<128xi32, #tpu.memory_space<vmem>>
      %dma_wait3A_455 = arith.constant 0 : i32
      %dma_wait3A_456 = arith.constant 0 : i32
      %dma_wait3A_457 = tpu.memref_slice %arg2[%dma_wait3A_455, %dma_wait3A_456] : memref<10240x128xf32, #tpu.memory_space<hbm>> -> memref<10240x128xf32, #tpu.memory_space<hbm>>
      tpu.wait_indirect_dma semaphore(%arg20 : memref<!tpu.dma_semaphore, #tpu.memory_space<semaphore_mem>>) src(%dma_wait3A_457 : memref<10240x128xf32, #tpu.memory_space<hbm>>) dst(%dma_wait3A_451 : memref<128x128xf32, #tpu.memory_space<vmem>>)
      %parallel_loop3A_458 = arith.constant 0 : i32
      %parallel_loop3A_459 = arith.constant 128 : i32
      %parallel_loop3A_460 = arith.constant 1 : i32
      scf.for %parallel_loop3A_857 = %parallel_loop3A_458 to %parallel_loop3A_459 step %parallel_loop3A_460  : i32 {
        %parallel_loop3A_858 = arith.constant 0 : i32
        %parallel_loop3A_859 = arith.addi %parallel_loop3A_858, %parallel_loop3A_857 : i32
        %parallel_loop3A_860 = arith.constant 2 : i32
        %parallel_loop3A_861 = vector.broadcast %parallel_loop3A_860 : i32 to vector<16xi32>
        %parallel_loop3A_862 = vector.broadcast %parallel_loop3A_857 : i32 to vector<16xi32>
        %parallel_loop3A_863 = tpu.vector_load_idx %arg16[%parallel_loop3A_861, %parallel_loop3A_862] : memref<8x128xf32, #tpu.memory_space<vmem>>[vector<16xi32>, vector<16xi32>], vector<16xf32>,
        %parallel_loop3A_864 = arith.index_cast %parallel_loop3A_859 : i32 to index
        %parallel_loop3A_865 = arith.constant 0 : index
        %parallel_loop3A_866 = tpu.vector_load %arg15[%parallel_loop3A_864, %parallel_loop3A_865] {strides = array<i32>} : memref<256x128xf32, #tpu.memory_space<vmem>>, vector<16xf32>,
        %parallel_loop3A_867 = arith.mulf %parallel_loop3A_866, %parallel_loop3A_863 : vector<16xf32>
        %parallel_loop3A_868 = arith.index_cast %parallel_loop3A_859 : i32 to index
        %parallel_loop3A_869 = arith.constant 0 : index
        %parallel_loop3A_870 = tpu.vector_load %arg15[%parallel_loop3A_868, %parallel_loop3A_869] {strides = array<i32>} : memref<256x128xf32, #tpu.memory_space<vmem>>, vector<16xf32>,
        tpu.vector_store %arg15[%parallel_loop3A_868, %parallel_loop3A_869], %parallel_loop3A_867 {strides = array<i32>} : memref<256x128xf32, #tpu.memory_space<vmem>>, vector<16xf32>,
        %parallel_loop3A_871 = arith.index_cast %parallel_loop3A_859 : i32 to index
        %parallel_loop3A_872 = arith.constant 16 : index
        %parallel_loop3A_873 = tpu.vector_load %arg15[%parallel_loop3A_871, %parallel_loop3A_872] {strides = array<i32>} : memref<256x128xf32, #tpu.memory_space<vmem>>, vector<16xf32>,
        %parallel_loop3A_874 = arith.mulf %parallel_loop3A_873, %parallel_loop3A_863 : vector<16xf32>
        %parallel_loop3A_875 = arith.index_cast %parallel_loop3A_859 : i32 to index
        %parallel_loop3A_876 = arith.constant 16 : index
        %parallel_loop3A_877 = tpu.vector_load %arg15[%parallel_loop3A_875, %parallel_loop3A_876] {strides = array<i32>} : memref<256x128xf32, #tpu.memory_space<vmem>>, vector<16xf32>,
        tpu.vector_store %arg15[%parallel_loop3A_875, %parallel_loop3A_876], %parallel_loop3A_874 {strides = array<i32>} : memref<256x128xf32, #tpu.memory_space<vmem>>, vector<16xf32>,
        %parallel_loop3A_878 = arith.index_cast %parallel_loop3A_859 : i32 to index
        %parallel_loop3A_879 = arith.constant 32 : index
        %parallel_loop3A_880 = tpu.vector_load %arg15[%parallel_loop3A_878, %parallel_loop3A_879] {strides = array<i32>} : memref<256x128xf32, #tpu.memory_space<vmem>>, vector<16xf32>,
        %parallel_loop3A_881 = arith.mulf %parallel_loop3A_880, %parallel_loop3A_863 : vector<16xf32>
        %parallel_loop3A_882 = arith.index_cast %parallel_loop3A_859 : i32 to index
        %parallel_loop3A_883 = arith.constant 32 : index
        %parallel_loop3A_884 = tpu.vector_load %arg15[%parallel_loop3A_882, %parallel_loop3A_883] {strides = array<i32>} : memref<256x128xf32, #tpu.memory_space<vmem>>, vector<16xf32>,
        tpu.vector_store %arg15[%parallel_loop3A_882, %parallel_loop3A_883], %parallel_loop3A_881 {strides = array<i32>} : memref<256x128xf32, #tpu.memory_space<vmem>>, vector<16xf32>,
        %parallel_loop3A_885 = arith.index_cast %parallel_loop3A_859 : i32 to index
        %parallel_loop3A_886 = arith.constant 48 : index
        %parallel_loop3A_887 = tpu.vector_load %arg15[%parallel_loop3A_885, %parallel_loop3A_886] {strides = array<i32>} : memref<256x128xf32, #tpu.memory_space<vmem>>, vector<16xf32>,
        %parallel_loop3A_888 = arith.mulf %parallel_loop3A_887, %parallel_loop3A_863 : vector<16xf32>
        %parallel_loop3A_889 = arith.index_cast %parallel_loop3A_859 : i32 to index
        %parallel_loop3A_890 = arith.constant 48 : index
        %parallel_loop3A_891 = tpu.vector_load %arg15[%parallel_loop3A_889, %parallel_loop3A_890] {strides = array<i32>} : memref<256x128xf32, #tpu.memory_space<vmem>>, vector<16xf32>,
        tpu.vector_store %arg15[%parallel_loop3A_889, %parallel_loop3A_890], %parallel_loop3A_888 {strides = array<i32>} : memref<256x128xf32, #tpu.memory_space<vmem>>, vector<16xf32>,
        %parallel_loop3A_892 = arith.index_cast %parallel_loop3A_859 : i32 to index
        %parallel_loop3A_893 = arith.constant 64 : index
        %parallel_loop3A_894 = tpu.vector_load %arg15[%parallel_loop3A_892, %parallel_loop3A_893] {strides = array<i32>} : memref<256x128xf32, #tpu.memory_space<vmem>>, vector<16xf32>,
        %parallel_loop3A_895 = arith.mulf %parallel_loop3A_894, %parallel_loop3A_863 : vector<16xf32>
        %parallel_loop3A_896 = arith.index_cast %parallel_loop3A_859 : i32 to index
        %parallel_loop3A_897 = arith.constant 64 : index
        %parallel_loop3A_898 = tpu.vector_load %arg15[%parallel_loop3A_896, %parallel_loop3A_897] {strides = array<i32>} : memref<256x128xf32, #tpu.memory_space<vmem>>, vector<16xf32>,
        tpu.vector_store %arg15[%parallel_loop3A_896, %parallel_loop3A_897], %parallel_loop3A_895 {strides = array<i32>} : memref<256x128xf32, #tpu.memory_space<vmem>>, vector<16xf32>,
        %parallel_loop3A_899 = arith.index_cast %parallel_loop3A_859 : i32 to index
        %parallel_loop3A_900 = arith.constant 80 : index
        %parallel_loop3A_901 = tpu.vector_load %arg15[%parallel_loop3A_899, %parallel_loop3A_900] {strides = array<i32>} : memref<256x128xf32, #tpu.memory_space<vmem>>, vector<16xf32>,
        %parallel_loop3A_902 = arith.mulf %parallel_loop3A_901, %parallel_loop3A_863 : vector<16xf32>
        %parallel_loop3A_903 = arith.index_cast %parallel_loop3A_859 : i32 to index
        %parallel_loop3A_904 = arith.constant 80 : index
        %parallel_loop3A_905 = tpu.vector_load %arg15[%parallel_loop3A_903, %parallel_loop3A_904] {strides = array<i32>} : memref<256x128xf32, #tpu.memory_space<vmem>>, vector<16xf32>,
        tpu.vector_store %arg15[%parallel_loop3A_903, %parallel_loop3A_904], %parallel_loop3A_902 {strides = array<i32>} : memref<256x128xf32, #tpu.memory_space<vmem>>, vector<16xf32>,
        %parallel_loop3A_906 = arith.index_cast %parallel_loop3A_859 : i32 to index
        %parallel_loop3A_907 = arith.constant 96 : index
        %parallel_loop3A_908 = tpu.vector_load %arg15[%parallel_loop3A_906, %parallel_loop3A_907] {strides = array<i32>} : memref<256x128xf32, #tpu.memory_space<vmem>>, vector<16xf32>,
        %parallel_loop3A_909 = arith.mulf %parallel_loop3A_908, %parallel_loop3A_863 : vector<16xf32>
        %parallel_loop3A_910 = arith.index_cast %parallel_loop3A_859 : i32 to index
        %parallel_loop3A_911 = arith.constant 96 : index
        %parallel_loop3A_912 = tpu.vector_load %arg15[%parallel_loop3A_910, %parallel_loop3A_911] {strides = array<i32>} : memref<256x128xf32, #tpu.memory_space<vmem>>, vector<16xf32>,
        tpu.vector_store %arg15[%parallel_loop3A_910, %parallel_loop3A_911], %parallel_loop3A_909 {strides = array<i32>} : memref<256x128xf32, #tpu.memory_space<vmem>>, vector<16xf32>,
        %parallel_loop3A_913 = arith.index_cast %parallel_loop3A_859 : i32 to index
        %parallel_loop3A_914 = arith.constant 112 : index
        %parallel_loop3A_915 = tpu.vector_load %arg15[%parallel_loop3A_913, %parallel_loop3A_914] {strides = array<i32>} : memref<256x128xf32, #tpu.memory_space<vmem>>, vector<16xf32>,
        %parallel_loop3A_916 = arith.mulf %parallel_loop3A_915, %parallel_loop3A_863 : vector<16xf32>
        %parallel_loop3A_917 = arith.index_cast %parallel_loop3A_859 : i32 to index
        %parallel_loop3A_918 = arith.constant 112 : index
        %parallel_loop3A_919 = tpu.vector_load %arg15[%parallel_loop3A_917, %parallel_loop3A_918] {strides = array<i32>} : memref<256x128xf32, #tpu.memory_space<vmem>>, vector<16xf32>,
        tpu.vector_store %arg15[%parallel_loop3A_917, %parallel_loop3A_918], %parallel_loop3A_916 {strides = array<i32>} : memref<256x128xf32, #tpu.memory_space<vmem>>, vector<16xf32>,
      } {sc.loop_unroll_factor = 4 : i64, sc.parallel_access}
      %dma_wait3A_461 = arith.constant 0 : i32
      %dma_wait3A_462 = arith.constant 0 : i32
      %dma_wait3A_463 = arith.constant 0 : i32
      %dma_wait3A_464 = tpu.memref_slice %arg15[%dma_wait3A_462, %dma_wait3A_463] : memref<256x128xf32, #tpu.memory_space<vmem>> -> memref<128x128xf32, #tpu.memory_space<vmem>>
      %dma_wait3A_465 = arith.constant 0 : i32
      %dma_wait3A_466 = tpu.memref_slice %arg12[%dma_wait3A_461, %dma_wait3A_465] : memref<8x128xi32, #tpu.memory_space<vmem>> -> memref<1x128xi32, #tpu.memory_space<vmem>>
      %dma_wait3A_467 = tpu.memref_squeeze %dma_wait3A_466 : memref<1x128xi32, #tpu.memory_space<vmem>> -> memref<128xi32, #tpu.memory_space<vmem>>
      %dma_wait3A_468 = arith.constant 0 : i32
      %dma_wait3A_469 = arith.constant 0 : i32
      %dma_wait3A_470 = tpu.memref_slice %arg17[%dma_wait3A_468, %dma_wait3A_469] : memref<10240x128xf32, #tpu.memory_space<vmem_shared>> -> memref<10240x128xf32, #tpu.memory_space<vmem_shared>>
      tpu.wait_indirect_dma semaphore(%arg21 : memref<!tpu.dma_semaphore, #tpu.memory_space<semaphore_mem>>) src(%dma_wait3A_464 : memref<128x128xf32, #tpu.memory_space<vmem>>) dst(%dma_wait3A_470 : memref<10240x128xf32, #tpu.memory_space<vmem_shared>>)
      %dma_start3A_471 = arith.constant 3 : i32
      %dma_start3A_472 = arith.constant 128 : i32
      %dma_start3A_473 = arith.constant 0 : i32
      %dma_start3A_474 = tpu.memref_slice %arg15[%dma_start3A_472, %dma_start3A_473] : memref<256x128xf32, #tpu.memory_space<vmem>> -> memref<128x128xf32, #tpu.memory_space<vmem>>
      %dma_start3A_475 = arith.constant 0 : i32
      %dma_start3A_476 = tpu.memref_slice %arg11[%dma_start3A_471, %dma_start3A_475] : memref<8x128xi32, #tpu.memory_space<vmem>> -> memref<1x128xi32, #tpu.memory_space<vmem>>
      %dma_start3A_477 = tpu.memref_squeeze %dma_start3A_476 : memref<1x128xi32, #tpu.memory_space<vmem>> -> memref<128xi32, #tpu.memory_space<vmem>>
      %dma_start3A_478 = arith.constant 0 : i32
      %dma_start3A_479 = arith.constant 0 : i32
      %dma_start3A_480 = tpu.memref_slice %arg2[%dma_start3A_478, %dma_start3A_479] : memref<10240x128xf32, #tpu.memory_space<hbm>> -> memref<10240x128xf32, #tpu.memory_space<hbm>>
      tpu.enqueue_indirect_dma source(%dma_start3A_480 : memref<10240x128xf32, #tpu.memory_space<hbm>>) target(%dma_start3A_474 : memref<128x128xf32, #tpu.memory_space<vmem>>) offsets(%dma_start3A_477 : memref<128xi32, #tpu.memory_space<vmem>>) semaphore(%arg20 : memref<!tpu.dma_semaphore, #tpu.memory_space<semaphore_mem>>)
      %dma_start3A_481 = arith.constant 2 : i32
      %dma_start3A_482 = arith.constant 0 : i32
      %dma_start3A_483 = arith.constant 0 : i32
      %dma_start3A_484 = tpu.memref_slice %arg15[%dma_start3A_482, %dma_start3A_483] : memref<256x128xf32, #tpu.memory_space<vmem>> -> memref<128x128xf32, #tpu.memory_space<vmem>>
      %dma_start3A_485 = arith.constant 0 : i32
      %dma_start3A_486 = tpu.memref_slice %arg12[%dma_start3A_481, %dma_start3A_485] : memref<8x128xi32, #tpu.memory_space<vmem>> -> memref<1x128xi32, #tpu.memory_space<vmem>>
      %dma_start3A_487 = tpu.memref_squeeze %dma_start3A_486 : memref<1x128xi32, #tpu.memory_space<vmem>> -> memref<128xi32, #tpu.memory_space<vmem>>
      %dma_start3A_488 = arith.constant 0 : i32
      %dma_start3A_489 = arith.constant 0 : i32
      %dma_start3A_490 = tpu.memref_slice %arg17[%dma_start3A_488, %dma_start3A_489] : memref<10240x128xf32, #tpu.memory_space<vmem_shared>> -> memref<10240x128xf32, #tpu.memory_space<vmem_shared>>
      tpu.enqueue_indirect_dma source(%dma_start3A_484 : memref<128x128xf32, #tpu.memory_space<vmem>>) target(%dma_start3A_490 : memref<10240x128xf32, #tpu.memory_space<vmem_shared>>) offsets(%dma_start3A_487 : memref<128xi32, #tpu.memory_space<vmem>>) semaphore(%arg21 : memref<!tpu.dma_semaphore, #tpu.memory_space<semaphore_mem>>) {add = true}
      %dma_start3A_491 = arith.constant 2 : i32
      %dma_start3A_492 = arith.constant 2 : i32
      %dma_start3A_493 = arith.constant 0 : i32
      %dma_start3A_494 = tpu.memref_slice %arg16[%dma_start3A_491, %dma_start3A_493] : memref<8x128xf32, #tpu.memory_space<vmem>> -> memref<1x128xf32, #tpu.memory_space<vmem>>
      %dma_start3A_495 = tpu.memref_squeeze %dma_start3A_494 : memref<1x128xf32, #tpu.memory_space<vmem>> -> memref<128xf32, #tpu.memory_space<vmem>>
      %dma_start3A_496 = arith.constant 0 : i32
      %dma_start3A_497 = tpu.memref_slice %arg12[%dma_start3A_492, %dma_start3A_496] : memref<8x128xi32, #tpu.memory_space<vmem>> -> memref<1x128xi32, #tpu.memory_space<vmem>>
      %dma_start3A_498 = tpu.memref_squeeze %dma_start3A_497 : memref<1x128xi32, #tpu.memory_space<vmem>> -> memref<128xi32, #tpu.memory_space<vmem>>
      %dma_start3A_499 = arith.constant 0 : i32
      %dma_start3A_500 = tpu.memref_slice %arg18[%dma_start3A_499] : memref<10240xf32, #tpu.memory_space<vmem_shared>> -> memref<10240xf32, #tpu.memory_space<vmem_shared>>
      tpu.enqueue_indirect_dma source(%dma_start3A_495 : memref<128xf32, #tpu.memory_space<vmem>>) target(%dma_start3A_500 : memref<10240xf32, #tpu.memory_space<vmem_shared>>) offsets(%dma_start3A_498 : memref<128xi32, #tpu.memory_space<vmem>>) semaphore(%arg22 : memref<!tpu.dma_semaphore, #tpu.memory_space<semaphore_mem>>) {add = true}
      %dma_wait3A_501 = arith.constant 3 : i32
      %dma_wait3A_502 = arith.constant 128 : i32
      %dma_wait3A_503 = arith.constant 0 : i32
      %dma_wait3A_504 = tpu.memref_slice %arg15[%dma_wait3A_502, %dma_wait3A_503] : memref<256x128xf32, #tpu.memory_space<vmem>> -> memref<128x128xf32, #tpu.memory_space<vmem>>
      %dma_wait3A_505 = arith.constant 0 : i32
      %dma_wait3A_506 = tpu.memref_slice %arg11[%dma_wait3A_501, %dma_wait3A_505] : memref<8x128xi32, #tpu.memory_space<vmem>> -> memref<1x128xi32, #tpu.memory_space<vmem>>
      %dma_wait3A_507 = tpu.memref_squeeze %dma_wait3A_506 : memref<1x128xi32, #tpu.memory_space<vmem>> -> memref<128xi32, #tpu.memory_space<vmem>>
      %dma_wait3A_508 = arith.constant 0 : i32
      %dma_wait3A_509 = arith.constant 0 : i32
      %dma_wait3A_510 = tpu.memref_slice %arg2[%dma_wait3A_508, %dma_wait3A_509] : memref<10240x128xf32, #tpu.memory_space<hbm>> -> memref<10240x128xf32, #tpu.memory_space<hbm>>
      tpu.wait_indirect_dma semaphore(%arg20 : memref<!tpu.dma_semaphore, #tpu.memory_space<semaphore_mem>>) src(%dma_wait3A_510 : memref<10240x128xf32, #tpu.memory_space<hbm>>) dst(%dma_wait3A_504 : memref<128x128xf32, #tpu.memory_space<vmem>>)
      %parallel_loop3A_511 = arith.constant 0 : i32
      %parallel_loop3A_512 = arith.constant 128 : i32
      %parallel_loop3A_513 = arith.constant 1 : i32
      scf.for %parallel_loop3A_857 = %parallel_loop3A_511 to %parallel_loop3A_512 step %parallel_loop3A_513  : i32 {
        %parallel_loop3A_858 = arith.constant 128 : i32
        %parallel_loop3A_859 = arith.addi %parallel_loop3A_858, %parallel_loop3A_857 : i32
        %parallel_loop3A_860 = arith.constant 3 : i32
        %parallel_loop3A_861 = vector.broadcast %parallel_loop3A_860 : i32 to vector<16xi32>
        %parallel_loop3A_862 = vector.broadcast %parallel_loop3A_857 : i32 to vector<16xi32>
        %parallel_loop3A_863 = tpu.vector_load_idx %arg16[%parallel_loop3A_861, %parallel_loop3A_862] : memref<8x128xf32, #tpu.memory_space<vmem>>[vector<16xi32>, vector<16xi32>], vector<16xf32>,
        %parallel_loop3A_864 = arith.index_cast %parallel_loop3A_859 : i32 to index
        %parallel_loop3A_865 = arith.constant 0 : index
        %parallel_loop3A_866 = tpu.vector_load %arg15[%parallel_loop3A_864, %parallel_loop3A_865] {strides = array<i32>} : memref<256x128xf32, #tpu.memory_space<vmem>>, vector<16xf32>,
        %parallel_loop3A_867 = arith.mulf %parallel_loop3A_866, %parallel_loop3A_863 : vector<16xf32>
        %parallel_loop3A_868 = arith.index_cast %parallel_loop3A_859 : i32 to index
        %parallel_loop3A_869 = arith.constant 0 : index
        %parallel_loop3A_870 = tpu.vector_load %arg15[%parallel_loop3A_868, %parallel_loop3A_869] {strides = array<i32>} : memref<256x128xf32, #tpu.memory_space<vmem>>, vector<16xf32>,
        tpu.vector_store %arg15[%parallel_loop3A_868, %parallel_loop3A_869], %parallel_loop3A_867 {strides = array<i32>} : memref<256x128xf32, #tpu.memory_space<vmem>>, vector<16xf32>,
        %parallel_loop3A_871 = arith.index_cast %parallel_loop3A_859 : i32 to index
        %parallel_loop3A_872 = arith.constant 16 : index
        %parallel_loop3A_873 = tpu.vector_load %arg15[%parallel_loop3A_871, %parallel_loop3A_872] {strides = array<i32>} : memref<256x128xf32, #tpu.memory_space<vmem>>, vector<16xf32>,
        %parallel_loop3A_874 = arith.mulf %parallel_loop3A_873, %parallel_loop3A_863 : vector<16xf32>
        %parallel_loop3A_875 = arith.index_cast %parallel_loop3A_859 : i32 to index
        %parallel_loop3A_876 = arith.constant 16 : index
        %parallel_loop3A_877 = tpu.vector_load %arg15[%parallel_loop3A_875, %parallel_loop3A_876] {strides = array<i32>} : memref<256x128xf32, #tpu.memory_space<vmem>>, vector<16xf32>,
        tpu.vector_store %arg15[%parallel_loop3A_875, %parallel_loop3A_876], %parallel_loop3A_874 {strides = array<i32>} : memref<256x128xf32, #tpu.memory_space<vmem>>, vector<16xf32>,
        %parallel_loop3A_878 = arith.index_cast %parallel_loop3A_859 : i32 to index
        %parallel_loop3A_879 = arith.constant 32 : index
        %parallel_loop3A_880 = tpu.vector_load %arg15[%parallel_loop3A_878, %parallel_loop3A_879] {strides = array<i32>} : memref<256x128xf32, #tpu.memory_space<vmem>>, vector<16xf32>,
        %parallel_loop3A_881 = arith.mulf %parallel_loop3A_880, %parallel_loop3A_863 : vector<16xf32>
        %parallel_loop3A_882 = arith.index_cast %parallel_loop3A_859 : i32 to index
        %parallel_loop3A_883 = arith.constant 32 : index
        %parallel_loop3A_884 = tpu.vector_load %arg15[%parallel_loop3A_882, %parallel_loop3A_883] {strides = array<i32>} : memref<256x128xf32, #tpu.memory_space<vmem>>, vector<16xf32>,
        tpu.vector_store %arg15[%parallel_loop3A_882, %parallel_loop3A_883], %parallel_loop3A_881 {strides = array<i32>} : memref<256x128xf32, #tpu.memory_space<vmem>>, vector<16xf32>,
        %parallel_loop3A_885 = arith.index_cast %parallel_loop3A_859 : i32 to index
        %parallel_loop3A_886 = arith.constant 48 : index
        %parallel_loop3A_887 = tpu.vector_load %arg15[%parallel_loop3A_885, %parallel_loop3A_886] {strides = array<i32>} : memref<256x128xf32, #tpu.memory_space<vmem>>, vector<16xf32>,
        %parallel_loop3A_888 = arith.mulf %parallel_loop3A_887, %parallel_loop3A_863 : vector<16xf32>
        %parallel_loop3A_889 = arith.index_cast %parallel_loop3A_859 : i32 to index
        %parallel_loop3A_890 = arith.constant 48 : index
        %parallel_loop3A_891 = tpu.vector_load %arg15[%parallel_loop3A_889, %parallel_loop3A_890] {strides = array<i32>} : memref<256x128xf32, #tpu.memory_space<vmem>>, vector<16xf32>,
        tpu.vector_store %arg15[%parallel_loop3A_889, %parallel_loop3A_890], %parallel_loop3A_888 {strides = array<i32>} : memref<256x128xf32, #tpu.memory_space<vmem>>, vector<16xf32>,
        %parallel_loop3A_892 = arith.index_cast %parallel_loop3A_859 : i32 to index
        %parallel_loop3A_893 = arith.constant 64 : index
        %parallel_loop3A_894 = tpu.vector_load %arg15[%parallel_loop3A_892, %parallel_loop3A_893] {strides = array<i32>} : memref<256x128xf32, #tpu.memory_space<vmem>>, vector<16xf32>,
        %parallel_loop3A_895 = arith.mulf %parallel_loop3A_894, %parallel_loop3A_863 : vector<16xf32>
        %parallel_loop3A_896 = arith.index_cast %parallel_loop3A_859 : i32 to index
        %parallel_loop3A_897 = arith.constant 64 : index
        %parallel_loop3A_898 = tpu.vector_load %arg15[%parallel_loop3A_896, %parallel_loop3A_897] {strides = array<i32>} : memref<256x128xf32, #tpu.memory_space<vmem>>, vector<16xf32>,
        tpu.vector_store %arg15[%parallel_loop3A_896, %parallel_loop3A_897], %parallel_loop3A_895 {strides = array<i32>} : memref<256x128xf32, #tpu.memory_space<vmem>>, vector<16xf32>,
        %parallel_loop3A_899 = arith.index_cast %parallel_loop3A_859 : i32 to index
        %parallel_loop3A_900 = arith.constant 80 : index
        %parallel_loop3A_901 = tpu.vector_load %arg15[%parallel_loop3A_899, %parallel_loop3A_900] {strides = array<i32>} : memref<256x128xf32, #tpu.memory_space<vmem>>, vector<16xf32>,
        %parallel_loop3A_902 = arith.mulf %parallel_loop3A_901, %parallel_loop3A_863 : vector<16xf32>
        %parallel_loop3A_903 = arith.index_cast %parallel_loop3A_859 : i32 to index
        %parallel_loop3A_904 = arith.constant 80 : index
        %parallel_loop3A_905 = tpu.vector_load %arg15[%parallel_loop3A_903, %parallel_loop3A_904] {strides = array<i32>} : memref<256x128xf32, #tpu.memory_space<vmem>>, vector<16xf32>,
        tpu.vector_store %arg15[%parallel_loop3A_903, %parallel_loop3A_904], %parallel_loop3A_902 {strides = array<i32>} : memref<256x128xf32, #tpu.memory_space<vmem>>, vector<16xf32>,
        %parallel_loop3A_906 = arith.index_cast %parallel_loop3A_859 : i32 to index
        %parallel_loop3A_907 = arith.constant 96 : index
        %parallel_loop3A_908 = tpu.vector_load %arg15[%parallel_loop3A_906, %parallel_loop3A_907] {strides = array<i32>} : memref<256x128xf32, #tpu.memory_space<vmem>>, vector<16xf32>,
        %parallel_loop3A_909 = arith.mulf %parallel_loop3A_908, %parallel_loop3A_863 : vector<16xf32>
        %parallel_loop3A_910 = arith.index_cast %parallel_loop3A_859 : i32 to index
        %parallel_loop3A_911 = arith.constant 96 : index
        %parallel_loop3A_912 = tpu.vector_load %arg15[%parallel_loop3A_910, %parallel_loop3A_911] {strides = array<i32>} : memref<256x128xf32, #tpu.memory_space<vmem>>, vector<16xf32>,
        tpu.vector_store %arg15[%parallel_loop3A_910, %parallel_loop3A_911], %parallel_loop3A_909 {strides = array<i32>} : memref<256x128xf32, #tpu.memory_space<vmem>>, vector<16xf32>,
        %parallel_loop3A_913 = arith.index_cast %parallel_loop3A_859 : i32 to index
        %parallel_loop3A_914 = arith.constant 112 : index
        %parallel_loop3A_915 = tpu.vector_load %arg15[%parallel_loop3A_913, %parallel_loop3A_914] {strides = array<i32>} : memref<256x128xf32, #tpu.memory_space<vmem>>, vector<16xf32>,
        %parallel_loop3A_916 = arith.mulf %parallel_loop3A_915, %parallel_loop3A_863 : vector<16xf32>
        %parallel_loop3A_917 = arith.index_cast %parallel_loop3A_859 : i32 to index
        %parallel_loop3A_918 = arith.constant 112 : index
        %parallel_loop3A_919 = tpu.vector_load %arg15[%parallel_loop3A_917, %parallel_loop3A_918] {strides = array<i32>} : memref<256x128xf32, #tpu.memory_space<vmem>>, vector<16xf32>,
        tpu.vector_store %arg15[%parallel_loop3A_917, %parallel_loop3A_918], %parallel_loop3A_916 {strides = array<i32>} : memref<256x128xf32, #tpu.memory_space<vmem>>, vector<16xf32>,
      } {sc.loop_unroll_factor = 4 : i64, sc.parallel_access}
      %dma_wait3A_514 = arith.constant 1 : i32
      %dma_wait3A_515 = arith.constant 128 : i32
      %dma_wait3A_516 = arith.constant 0 : i32
      %dma_wait3A_517 = tpu.memref_slice %arg15[%dma_wait3A_515, %dma_wait3A_516] : memref<256x128xf32, #tpu.memory_space<vmem>> -> memref<128x128xf32, #tpu.memory_space<vmem>>
      %dma_wait3A_518 = arith.constant 0 : i32
      %dma_wait3A_519 = tpu.memref_slice %arg12[%dma_wait3A_514, %dma_wait3A_518] : memref<8x128xi32, #tpu.memory_space<vmem>> -> memref<1x128xi32, #tpu.memory_space<vmem>>
      %dma_wait3A_520 = tpu.memref_squeeze %dma_wait3A_519 : memref<1x128xi32, #tpu.memory_space<vmem>> -> memref<128xi32, #tpu.memory_space<vmem>>
      %dma_wait3A_521 = arith.constant 0 : i32
      %dma_wait3A_522 = arith.constant 0 : i32
      %dma_wait3A_523 = tpu.memref_slice %arg17[%dma_wait3A_521, %dma_wait3A_522] : memref<10240x128xf32, #tpu.memory_space<vmem_shared>> -> memref<10240x128xf32, #tpu.memory_space<vmem_shared>>
      tpu.wait_indirect_dma semaphore(%arg21 : memref<!tpu.dma_semaphore, #tpu.memory_space<semaphore_mem>>) src(%dma_wait3A_517 : memref<128x128xf32, #tpu.memory_space<vmem>>) dst(%dma_wait3A_523 : memref<10240x128xf32, #tpu.memory_space<vmem_shared>>)
      %dma_start3A_524 = arith.constant 4 : i32
      %dma_start3A_525 = arith.constant 0 : i32
      %dma_start3A_526 = arith.constant 0 : i32
      %dma_start3A_527 = tpu.memref_slice %arg15[%dma_start3A_525, %dma_start3A_526] : memref<256x128xf32, #tpu.memory_space<vmem>> -> memref<128x128xf32, #tpu.memory_space<vmem>>
      %dma_start3A_528 = arith.constant 0 : i32
      %dma_start3A_529 = tpu.memref_slice %arg11[%dma_start3A_524, %dma_start3A_528] : memref<8x128xi32, #tpu.memory_space<vmem>> -> memref<1x128xi32, #tpu.memory_space<vmem>>
      %dma_start3A_530 = tpu.memref_squeeze %dma_start3A_529 : memref<1x128xi32, #tpu.memory_space<vmem>> -> memref<128xi32, #tpu.memory_space<vmem>>
      %dma_start3A_531 = arith.constant 0 : i32
      %dma_start3A_532 = arith.constant 0 : i32
      %dma_start3A_533 = tpu.memref_slice %arg2[%dma_start3A_531, %dma_start3A_532] : memref<10240x128xf32, #tpu.memory_space<hbm>> -> memref<10240x128xf32, #tpu.memory_space<hbm>>
      tpu.enqueue_indirect_dma source(%dma_start3A_533 : memref<10240x128xf32, #tpu.memory_space<hbm>>) target(%dma_start3A_527 : memref<128x128xf32, #tpu.memory_space<vmem>>) offsets(%dma_start3A_530 : memref<128xi32, #tpu.memory_space<vmem>>) semaphore(%arg20 : memref<!tpu.dma_semaphore, #tpu.memory_space<semaphore_mem>>)
      %dma_start3A_534 = arith.constant 3 : i32
      %dma_start3A_535 = arith.constant 128 : i32
      %dma_start3A_536 = arith.constant 0 : i32
      %dma_start3A_537 = tpu.memref_slice %arg15[%dma_start3A_535, %dma_start3A_536] : memref<256x128xf32, #tpu.memory_space<vmem>> -> memref<128x128xf32, #tpu.memory_space<vmem>>
      %dma_start3A_538 = arith.constant 0 : i32
      %dma_start3A_539 = tpu.memref_slice %arg12[%dma_start3A_534, %dma_start3A_538] : memref<8x128xi32, #tpu.memory_space<vmem>> -> memref<1x128xi32, #tpu.memory_space<vmem>>
      %dma_start3A_540 = tpu.memref_squeeze %dma_start3A_539 : memref<1x128xi32, #tpu.memory_space<vmem>> -> memref<128xi32, #tpu.memory_space<vmem>>
      %dma_start3A_541 = arith.constant 0 : i32
      %dma_start3A_542 = arith.constant 0 : i32
      %dma_start3A_543 = tpu.memref_slice %arg17[%dma_start3A_541, %dma_start3A_542] : memref<10240x128xf32, #tpu.memory_space<vmem_shared>> -> memref<10240x128xf32, #tpu.memory_space<vmem_shared>>
      tpu.enqueue_indirect_dma source(%dma_start3A_537 : memref<128x128xf32, #tpu.memory_space<vmem>>) target(%dma_start3A_543 : memref<10240x128xf32, #tpu.memory_space<vmem_shared>>) offsets(%dma_start3A_540 : memref<128xi32, #tpu.memory_space<vmem>>) semaphore(%arg21 : memref<!tpu.dma_semaphore, #tpu.memory_space<semaphore_mem>>) {add = true}
      %dma_start3A_544 = arith.constant 3 : i32
      %dma_start3A_545 = arith.constant 3 : i32
      %dma_start3A_546 = arith.constant 0 : i32
      %dma_start3A_547 = tpu.memref_slice %arg16[%dma_start3A_544, %dma_start3A_546] : memref<8x128xf32, #tpu.memory_space<vmem>> -> memref<1x128xf32, #tpu.memory_space<vmem>>
      %dma_start3A_548 = tpu.memref_squeeze %dma_start3A_547 : memref<1x128xf32, #tpu.memory_space<vmem>> -> memref<128xf32, #tpu.memory_space<vmem>>
      %dma_start3A_549 = arith.constant 0 : i32
      %dma_start3A_550 = tpu.memref_slice %arg12[%dma_start3A_545, %dma_start3A_549] : memref<8x128xi32, #tpu.memory_space<vmem>> -> memref<1x128xi32, #tpu.memory_space<vmem>>
      %dma_start3A_551 = tpu.memref_squeeze %dma_start3A_550 : memref<1x128xi32, #tpu.memory_space<vmem>> -> memref<128xi32, #tpu.memory_space<vmem>>
      %dma_start3A_552 = arith.constant 0 : i32
      %dma_start3A_553 = tpu.memref_slice %arg18[%dma_start3A_552] : memref<10240xf32, #tpu.memory_space<vmem_shared>> -> memref<10240xf32, #tpu.memory_space<vmem_shared>>
      tpu.enqueue_indirect_dma source(%dma_start3A_548 : memref<128xf32, #tpu.memory_space<vmem>>) target(%dma_start3A_553 : memref<10240xf32, #tpu.memory_space<vmem_shared>>) offsets(%dma_start3A_551 : memref<128xi32, #tpu.memory_space<vmem>>) semaphore(%arg22 : memref<!tpu.dma_semaphore, #tpu.memory_space<semaphore_mem>>) {add = true}
      %dma_wait3A_554 = arith.constant 4 : i32
      %dma_wait3A_555 = arith.constant 0 : i32
      %dma_wait3A_556 = arith.constant 0 : i32
      %dma_wait3A_557 = tpu.memref_slice %arg15[%dma_wait3A_555, %dma_wait3A_556] : memref<256x128xf32, #tpu.memory_space<vmem>> -> memref<128x128xf32, #tpu.memory_space<vmem>>
      %dma_wait3A_558 = arith.constant 0 : i32
      %dma_wait3A_559 = tpu.memref_slice %arg11[%dma_wait3A_554, %dma_wait3A_558] : memref<8x128xi32, #tpu.memory_space<vmem>> -> memref<1x128xi32, #tpu.memory_space<vmem>>
      %dma_wait3A_560 = tpu.memref_squeeze %dma_wait3A_559 : memref<1x128xi32, #tpu.memory_space<vmem>> -> memref<128xi32, #tpu.memory_space<vmem>>
      %dma_wait3A_561 = arith.constant 0 : i32
      %dma_wait3A_562 = arith.constant 0 : i32
      %dma_wait3A_563 = tpu.memref_slice %arg2[%dma_wait3A_561, %dma_wait3A_562] : memref<10240x128xf32, #tpu.memory_space<hbm>> -> memref<10240x128xf32, #tpu.memory_space<hbm>>
      tpu.wait_indirect_dma semaphore(%arg20 : memref<!tpu.dma_semaphore, #tpu.memory_space<semaphore_mem>>) src(%dma_wait3A_563 : memref<10240x128xf32, #tpu.memory_space<hbm>>) dst(%dma_wait3A_557 : memref<128x128xf32, #tpu.memory_space<vmem>>)
      %parallel_loop3A_564 = arith.constant 0 : i32
      %parallel_loop3A_565 = arith.constant 128 : i32
      %parallel_loop3A_566 = arith.constant 1 : i32
      scf.for %parallel_loop3A_857 = %parallel_loop3A_564 to %parallel_loop3A_565 step %parallel_loop3A_566  : i32 {
        %parallel_loop3A_858 = arith.constant 0 : i32
        %parallel_loop3A_859 = arith.addi %parallel_loop3A_858, %parallel_loop3A_857 : i32
        %parallel_loop3A_860 = arith.constant 4 : i32
        %parallel_loop3A_861 = vector.broadcast %parallel_loop3A_860 : i32 to vector<16xi32>
        %parallel_loop3A_862 = vector.broadcast %parallel_loop3A_857 : i32 to vector<16xi32>
        %parallel_loop3A_863 = tpu.vector_load_idx %arg16[%parallel_loop3A_861, %parallel_loop3A_862] : memref<8x128xf32, #tpu.memory_space<vmem>>[vector<16xi32>, vector<16xi32>], vector<16xf32>,
        %parallel_loop3A_864 = arith.index_cast %parallel_loop3A_859 : i32 to index
        %parallel_loop3A_865 = arith.constant 0 : index
        %parallel_loop3A_866 = tpu.vector_load %arg15[%parallel_loop3A_864, %parallel_loop3A_865] {strides = array<i32>} : memref<256x128xf32, #tpu.memory_space<vmem>>, vector<16xf32>,
        %parallel_loop3A_867 = arith.mulf %parallel_loop3A_866, %parallel_loop3A_863 : vector<16xf32>
        %parallel_loop3A_868 = arith.index_cast %parallel_loop3A_859 : i32 to index
        %parallel_loop3A_869 = arith.constant 0 : index
        %parallel_loop3A_870 = tpu.vector_load %arg15[%parallel_loop3A_868, %parallel_loop3A_869] {strides = array<i32>} : memref<256x128xf32, #tpu.memory_space<vmem>>, vector<16xf32>,
        tpu.vector_store %arg15[%parallel_loop3A_868, %parallel_loop3A_869], %parallel_loop3A_867 {strides = array<i32>} : memref<256x128xf32, #tpu.memory_space<vmem>>, vector<16xf32>,
        %parallel_loop3A_871 = arith.index_cast %parallel_loop3A_859 : i32 to index
        %parallel_loop3A_872 = arith.constant 16 : index
        %parallel_loop3A_873 = tpu.vector_load %arg15[%parallel_loop3A_871, %parallel_loop3A_872] {strides = array<i32>} : memref<256x128xf32, #tpu.memory_space<vmem>>, vector<16xf32>,
        %parallel_loop3A_874 = arith.mulf %parallel_loop3A_873, %parallel_loop3A_863 : vector<16xf32>
        %parallel_loop3A_875 = arith.index_cast %parallel_loop3A_859 : i32 to index
        %parallel_loop3A_876 = arith.constant 16 : index
        %parallel_loop3A_877 = tpu.vector_load %arg15[%parallel_loop3A_875, %parallel_loop3A_876] {strides = array<i32>} : memref<256x128xf32, #tpu.memory_space<vmem>>, vector<16xf32>,
        tpu.vector_store %arg15[%parallel_loop3A_875, %parallel_loop3A_876], %parallel_loop3A_874 {strides = array<i32>} : memref<256x128xf32, #tpu.memory_space<vmem>>, vector<16xf32>,
        %parallel_loop3A_878 = arith.index_cast %parallel_loop3A_859 : i32 to index
        %parallel_loop3A_879 = arith.constant 32 : index
        %parallel_loop3A_880 = tpu.vector_load %arg15[%parallel_loop3A_878, %parallel_loop3A_879] {strides = array<i32>} : memref<256x128xf32, #tpu.memory_space<vmem>>, vector<16xf32>,
        %parallel_loop3A_881 = arith.mulf %parallel_loop3A_880, %parallel_loop3A_863 : vector<16xf32>
        %parallel_loop3A_882 = arith.index_cast %parallel_loop3A_859 : i32 to index
        %parallel_loop3A_883 = arith.constant 32 : index
        %parallel_loop3A_884 = tpu.vector_load %arg15[%parallel_loop3A_882, %parallel_loop3A_883] {strides = array<i32>} : memref<256x128xf32, #tpu.memory_space<vmem>>, vector<16xf32>,
        tpu.vector_store %arg15[%parallel_loop3A_882, %parallel_loop3A_883], %parallel_loop3A_881 {strides = array<i32>} : memref<256x128xf32, #tpu.memory_space<vmem>>, vector<16xf32>,
        %parallel_loop3A_885 = arith.index_cast %parallel_loop3A_859 : i32 to index
        %parallel_loop3A_886 = arith.constant 48 : index
        %parallel_loop3A_887 = tpu.vector_load %arg15[%parallel_loop3A_885, %parallel_loop3A_886] {strides = array<i32>} : memref<256x128xf32, #tpu.memory_space<vmem>>, vector<16xf32>,
        %parallel_loop3A_888 = arith.mulf %parallel_loop3A_887, %parallel_loop3A_863 : vector<16xf32>
        %parallel_loop3A_889 = arith.index_cast %parallel_loop3A_859 : i32 to index
        %parallel_loop3A_890 = arith.constant 48 : index
        %parallel_loop3A_891 = tpu.vector_load %arg15[%parallel_loop3A_889, %parallel_loop3A_890] {strides = array<i32>} : memref<256x128xf32, #tpu.memory_space<vmem>>, vector<16xf32>,
        tpu.vector_store %arg15[%parallel_loop3A_889, %parallel_loop3A_890], %parallel_loop3A_888 {strides = array<i32>} : memref<256x128xf32, #tpu.memory_space<vmem>>, vector<16xf32>,
        %parallel_loop3A_892 = arith.index_cast %parallel_loop3A_859 : i32 to index
        %parallel_loop3A_893 = arith.constant 64 : index
        %parallel_loop3A_894 = tpu.vector_load %arg15[%parallel_loop3A_892, %parallel_loop3A_893] {strides = array<i32>} : memref<256x128xf32, #tpu.memory_space<vmem>>, vector<16xf32>,
        %parallel_loop3A_895 = arith.mulf %parallel_loop3A_894, %parallel_loop3A_863 : vector<16xf32>
        %parallel_loop3A_896 = arith.index_cast %parallel_loop3A_859 : i32 to index
        %parallel_loop3A_897 = arith.constant 64 : index
        %parallel_loop3A_898 = tpu.vector_load %arg15[%parallel_loop3A_896, %parallel_loop3A_897] {strides = array<i32>} : memref<256x128xf32, #tpu.memory_space<vmem>>, vector<16xf32>,
        tpu.vector_store %arg15[%parallel_loop3A_896, %parallel_loop3A_897], %parallel_loop3A_895 {strides = array<i32>} : memref<256x128xf32, #tpu.memory_space<vmem>>, vector<16xf32>,
        %parallel_loop3A_899 = arith.index_cast %parallel_loop3A_859 : i32 to index
        %parallel_loop3A_900 = arith.constant 80 : index
        %parallel_loop3A_901 = tpu.vector_load %arg15[%parallel_loop3A_899, %parallel_loop3A_900] {strides = array<i32>} : memref<256x128xf32, #tpu.memory_space<vmem>>, vector<16xf32>,
        %parallel_loop3A_902 = arith.mulf %parallel_loop3A_901, %parallel_loop3A_863 : vector<16xf32>
        %parallel_loop3A_903 = arith.index_cast %parallel_loop3A_859 : i32 to index
        %parallel_loop3A_904 = arith.constant 80 : index
        %parallel_loop3A_905 = tpu.vector_load %arg15[%parallel_loop3A_903, %parallel_loop3A_904] {strides = array<i32>} : memref<256x128xf32, #tpu.memory_space<vmem>>, vector<16xf32>,
        tpu.vector_store %arg15[%parallel_loop3A_903, %parallel_loop3A_904], %parallel_loop3A_902 {strides = array<i32>} : memref<256x128xf32, #tpu.memory_space<vmem>>, vector<16xf32>,
        %parallel_loop3A_906 = arith.index_cast %parallel_loop3A_859 : i32 to index
        %parallel_loop3A_907 = arith.constant 96 : index
        %parallel_loop3A_908 = tpu.vector_load %arg15[%parallel_loop3A_906, %parallel_loop3A_907] {strides = array<i32>} : memref<256x128xf32, #tpu.memory_space<vmem>>, vector<16xf32>,
        %parallel_loop3A_909 = arith.mulf %parallel_loop3A_908, %parallel_loop3A_863 : vector<16xf32>
        %parallel_loop3A_910 = arith.index_cast %parallel_loop3A_859 : i32 to index
        %parallel_loop3A_911 = arith.constant 96 : index
        %parallel_loop3A_912 = tpu.vector_load %arg15[%parallel_loop3A_910, %parallel_loop3A_911] {strides = array<i32>} : memref<256x128xf32, #tpu.memory_space<vmem>>, vector<16xf32>,
        tpu.vector_store %arg15[%parallel_loop3A_910, %parallel_loop3A_911], %parallel_loop3A_909 {strides = array<i32>} : memref<256x128xf32, #tpu.memory_space<vmem>>, vector<16xf32>,
        %parallel_loop3A_913 = arith.index_cast %parallel_loop3A_859 : i32 to index
        %parallel_loop3A_914 = arith.constant 112 : index
        %parallel_loop3A_915 = tpu.vector_load %arg15[%parallel_loop3A_913, %parallel_loop3A_914] {strides = array<i32>} : memref<256x128xf32, #tpu.memory_space<vmem>>, vector<16xf32>,
        %parallel_loop3A_916 = arith.mulf %parallel_loop3A_915, %parallel_loop3A_863 : vector<16xf32>
        %parallel_loop3A_917 = arith.index_cast %parallel_loop3A_859 : i32 to index
        %parallel_loop3A_918 = arith.constant 112 : index
        %parallel_loop3A_919 = tpu.vector_load %arg15[%parallel_loop3A_917, %parallel_loop3A_918] {strides = array<i32>} : memref<256x128xf32, #tpu.memory_space<vmem>>, vector<16xf32>,
        tpu.vector_store %arg15[%parallel_loop3A_917, %parallel_loop3A_918], %parallel_loop3A_916 {strides = array<i32>} : memref<256x128xf32, #tpu.memory_space<vmem>>, vector<16xf32>,
      } {sc.loop_unroll_factor = 4 : i64, sc.parallel_access}
      %dma_wait3A_567 = arith.constant 2 : i32
      %dma_wait3A_568 = arith.constant 0 : i32
      %dma_wait3A_569 = arith.constant 0 : i32
      %dma_wait3A_570 = tpu.memref_slice %arg15[%dma_wait3A_568, %dma_wait3A_569] : memref<256x128xf32, #tpu.memory_space<vmem>> -> memref<128x128xf32, #tpu.memory_space<vmem>>
      %dma_wait3A_571 = arith.constant 0 : i32
      %dma_wait3A_572 = tpu.memref_slice %arg12[%dma_wait3A_567, %dma_wait3A_571] : memref<8x128xi32, #tpu.memory_space<vmem>> -> memref<1x128xi32, #tpu.memory_space<vmem>>
      %dma_wait3A_573 = tpu.memref_squeeze %dma_wait3A_572 : memref<1x128xi32, #tpu.memory_space<vmem>> -> memref<128xi32, #tpu.memory_space<vmem>>
      %dma_wait3A_574 = arith.constant 0 : i32
      %dma_wait3A_575 = arith.constant 0 : i32
      %dma_wait3A_576 = tpu.memref_slice %arg17[%dma_wait3A_574, %dma_wait3A_575] : memref<10240x128xf32, #tpu.memory_space<vmem_shared>> -> memref<10240x128xf32, #tpu.memory_space<vmem_shared>>
      tpu.wait_indirect_dma semaphore(%arg21 : memref<!tpu.dma_semaphore, #tpu.memory_space<semaphore_mem>>) src(%dma_wait3A_570 : memref<128x128xf32, #tpu.memory_space<vmem>>) dst(%dma_wait3A_576 : memref<10240x128xf32, #tpu.memory_space<vmem_shared>>)
      %dma_start3A_577 = arith.constant 5 : i32
      %dma_start3A_578 = arith.constant 128 : i32
      %dma_start3A_579 = arith.constant 0 : i32
      %dma_start3A_580 = tpu.memref_slice %arg15[%dma_start3A_578, %dma_start3A_579] : memref<256x128xf32, #tpu.memory_space<vmem>> -> memref<128x128xf32, #tpu.memory_space<vmem>>
      %dma_start3A_581 = arith.constant 0 : i32
      %dma_start3A_582 = tpu.memref_slice %arg11[%dma_start3A_577, %dma_start3A_581] : memref<8x128xi32, #tpu.memory_space<vmem>> -> memref<1x128xi32, #tpu.memory_space<vmem>>
      %dma_start3A_583 = tpu.memref_squeeze %dma_start3A_582 : memref<1x128xi32, #tpu.memory_space<vmem>> -> memref<128xi32, #tpu.memory_space<vmem>>
      %dma_start3A_584 = arith.constant 0 : i32
      %dma_start3A_585 = arith.constant 0 : i32
      %dma_start3A_586 = tpu.memref_slice %arg2[%dma_start3A_584, %dma_start3A_585] : memref<10240x128xf32, #tpu.memory_space<hbm>> -> memref<10240x128xf32, #tpu.memory_space<hbm>>
      tpu.enqueue_indirect_dma source(%dma_start3A_586 : memref<10240x128xf32, #tpu.memory_space<hbm>>) target(%dma_start3A_580 : memref<128x128xf32, #tpu.memory_space<vmem>>) offsets(%dma_start3A_583 : memref<128xi32, #tpu.memory_space<vmem>>) semaphore(%arg20 : memref<!tpu.dma_semaphore, #tpu.memory_space<semaphore_mem>>)
      %dma_start3A_587 = arith.constant 4 : i32
      %dma_start3A_588 = arith.constant 0 : i32
      %dma_start3A_589 = arith.constant 0 : i32
      %dma_start3A_590 = tpu.memref_slice %arg15[%dma_start3A_588, %dma_start3A_589] : memref<256x128xf32, #tpu.memory_space<vmem>> -> memref<128x128xf32, #tpu.memory_space<vmem>>
      %dma_start3A_591 = arith.constant 0 : i32
      %dma_start3A_592 = tpu.memref_slice %arg12[%dma_start3A_587, %dma_start3A_591] : memref<8x128xi32, #tpu.memory_space<vmem>> -> memref<1x128xi32, #tpu.memory_space<vmem>>
      %dma_start3A_593 = tpu.memref_squeeze %dma_start3A_592 : memref<1x128xi32, #tpu.memory_space<vmem>> -> memref<128xi32, #tpu.memory_space<vmem>>
      %dma_start3A_594 = arith.constant 0 : i32
      %dma_start3A_595 = arith.constant 0 : i32
      %dma_start3A_596 = tpu.memref_slice %arg17[%dma_start3A_594, %dma_start3A_595] : memref<10240x128xf32, #tpu.memory_space<vmem_shared>> -> memref<10240x128xf32, #tpu.memory_space<vmem_shared>>
      tpu.enqueue_indirect_dma source(%dma_start3A_590 : memref<128x128xf32, #tpu.memory_space<vmem>>) target(%dma_start3A_596 : memref<10240x128xf32, #tpu.memory_space<vmem_shared>>) offsets(%dma_start3A_593 : memref<128xi32, #tpu.memory_space<vmem>>) semaphore(%arg21 : memref<!tpu.dma_semaphore, #tpu.memory_space<semaphore_mem>>) {add = true}
      %dma_start3A_597 = arith.constant 4 : i32
      %dma_start3A_598 = arith.constant 4 : i32
      %dma_start3A_599 = arith.constant 0 : i32
      %dma_start3A_600 = tpu.memref_slice %arg16[%dma_start3A_597, %dma_start3A_599] : memref<8x128xf32, #tpu.memory_space<vmem>> -> memref<1x128xf32, #tpu.memory_space<vmem>>
      %dma_start3A_601 = tpu.memref_squeeze %dma_start3A_600 : memref<1x128xf32, #tpu.memory_space<vmem>> -> memref<128xf32, #tpu.memory_space<vmem>>
      %dma_start3A_602 = arith.constant 0 : i32
      %dma_start3A_603 = tpu.memref_slice %arg12[%dma_start3A_598, %dma_start3A_602] : memref<8x128xi32, #tpu.memory_space<vmem>> -> memref<1x128xi32, #tpu.memory_space<vmem>>
      %dma_start3A_604 = tpu.memref_squeeze %dma_start3A_603 : memref<1x128xi32, #tpu.memory_space<vmem>> -> memref<128xi32, #tpu.memory_space<vmem>>
      %dma_start3A_605 = arith.constant 0 : i32
      %dma_start3A_606 = tpu.memref_slice %arg18[%dma_start3A_605] : memref<10240xf32, #tpu.memory_space<vmem_shared>> -> memref<10240xf32, #tpu.memory_space<vmem_shared>>
      tpu.enqueue_indirect_dma source(%dma_start3A_601 : memref<128xf32, #tpu.memory_space<vmem>>) target(%dma_start3A_606 : memref<10240xf32, #tpu.memory_space<vmem_shared>>) offsets(%dma_start3A_604 : memref<128xi32, #tpu.memory_space<vmem>>) semaphore(%arg22 : memref<!tpu.dma_semaphore, #tpu.memory_space<semaphore_mem>>) {add = true}
      %dma_wait3A_607 = arith.constant 5 : i32
      %dma_wait3A_608 = arith.constant 128 : i32
      %dma_wait3A_609 = arith.constant 0 : i32
      %dma_wait3A_610 = tpu.memref_slice %arg15[%dma_wait3A_608, %dma_wait3A_609] : memref<256x128xf32, #tpu.memory_space<vmem>> -> memref<128x128xf32, #tpu.memory_space<vmem>>
      %dma_wait3A_611 = arith.constant 0 : i32
      %dma_wait3A_612 = tpu.memref_slice %arg11[%dma_wait3A_607, %dma_wait3A_611] : memref<8x128xi32, #tpu.memory_space<vmem>> -> memref<1x128xi32, #tpu.memory_space<vmem>>
      %dma_wait3A_613 = tpu.memref_squeeze %dma_wait3A_612 : memref<1x128xi32, #tpu.memory_space<vmem>> -> memref<128xi32, #tpu.memory_space<vmem>>
      %dma_wait3A_614 = arith.constant 0 : i32
      %dma_wait3A_615 = arith.constant 0 : i32
      %dma_wait3A_616 = tpu.memref_slice %arg2[%dma_wait3A_614, %dma_wait3A_615] : memref<10240x128xf32, #tpu.memory_space<hbm>> -> memref<10240x128xf32, #tpu.memory_space<hbm>>
      tpu.wait_indirect_dma semaphore(%arg20 : memref<!tpu.dma_semaphore, #tpu.memory_space<semaphore_mem>>) src(%dma_wait3A_616 : memref<10240x128xf32, #tpu.memory_space<hbm>>) dst(%dma_wait3A_610 : memref<128x128xf32, #tpu.memory_space<vmem>>)
      %parallel_loop3A_617 = arith.constant 0 : i32
      %parallel_loop3A_618 = arith.constant 128 : i32
      %parallel_loop3A_619 = arith.constant 1 : i32
      scf.for %parallel_loop3A_857 = %parallel_loop3A_617 to %parallel_loop3A_618 step %parallel_loop3A_619  : i32 {
        %parallel_loop3A_858 = arith.constant 128 : i32
        %parallel_loop3A_859 = arith.addi %parallel_loop3A_858, %parallel_loop3A_857 : i32
        %parallel_loop3A_860 = arith.constant 5 : i32
        %parallel_loop3A_861 = vector.broadcast %parallel_loop3A_860 : i32 to vector<16xi32>
        %parallel_loop3A_862 = vector.broadcast %parallel_loop3A_857 : i32 to vector<16xi32>
        %parallel_loop3A_863 = tpu.vector_load_idx %arg16[%parallel_loop3A_861, %parallel_loop3A_862] : memref<8x128xf32, #tpu.memory_space<vmem>>[vector<16xi32>, vector<16xi32>], vector<16xf32>,
        %parallel_loop3A_864 = arith.index_cast %parallel_loop3A_859 : i32 to index
        %parallel_loop3A_865 = arith.constant 0 : index
        %parallel_loop3A_866 = tpu.vector_load %arg15[%parallel_loop3A_864, %parallel_loop3A_865] {strides = array<i32>} : memref<256x128xf32, #tpu.memory_space<vmem>>, vector<16xf32>,
        %parallel_loop3A_867 = arith.mulf %parallel_loop3A_866, %parallel_loop3A_863 : vector<16xf32>
        %parallel_loop3A_868 = arith.index_cast %parallel_loop3A_859 : i32 to index
        %parallel_loop3A_869 = arith.constant 0 : index
        %parallel_loop3A_870 = tpu.vector_load %arg15[%parallel_loop3A_868, %parallel_loop3A_869] {strides = array<i32>} : memref<256x128xf32, #tpu.memory_space<vmem>>, vector<16xf32>,
        tpu.vector_store %arg15[%parallel_loop3A_868, %parallel_loop3A_869], %parallel_loop3A_867 {strides = array<i32>} : memref<256x128xf32, #tpu.memory_space<vmem>>, vector<16xf32>,
        %parallel_loop3A_871 = arith.index_cast %parallel_loop3A_859 : i32 to index
        %parallel_loop3A_872 = arith.constant 16 : index
        %parallel_loop3A_873 = tpu.vector_load %arg15[%parallel_loop3A_871, %parallel_loop3A_872] {strides = array<i32>} : memref<256x128xf32, #tpu.memory_space<vmem>>, vector<16xf32>,
        %parallel_loop3A_874 = arith.mulf %parallel_loop3A_873, %parallel_loop3A_863 : vector<16xf32>
        %parallel_loop3A_875 = arith.index_cast %parallel_loop3A_859 : i32 to index
        %parallel_loop3A_876 = arith.constant 16 : index
        %parallel_loop3A_877 = tpu.vector_load %arg15[%parallel_loop3A_875, %parallel_loop3A_876] {strides = array<i32>} : memref<256x128xf32, #tpu.memory_space<vmem>>, vector<16xf32>,
        tpu.vector_store %arg15[%parallel_loop3A_875, %parallel_loop3A_876], %parallel_loop3A_874 {strides = array<i32>} : memref<256x128xf32, #tpu.memory_space<vmem>>, vector<16xf32>,
        %parallel_loop3A_878 = arith.index_cast %parallel_loop3A_859 : i32 to index
        %parallel_loop3A_879 = arith.constant 32 : index
        %parallel_loop3A_880 = tpu.vector_load %arg15[%parallel_loop3A_878, %parallel_loop3A_879] {strides = array<i32>} : memref<256x128xf32, #tpu.memory_space<vmem>>, vector<16xf32>,
        %parallel_loop3A_881 = arith.mulf %parallel_loop3A_880, %parallel_loop3A_863 : vector<16xf32>
        %parallel_loop3A_882 = arith.index_cast %parallel_loop3A_859 : i32 to index
        %parallel_loop3A_883 = arith.constant 32 : index
        %parallel_loop3A_884 = tpu.vector_load %arg15[%parallel_loop3A_882, %parallel_loop3A_883] {strides = array<i32>} : memref<256x128xf32, #tpu.memory_space<vmem>>, vector<16xf32>,
        tpu.vector_store %arg15[%parallel_loop3A_882, %parallel_loop3A_883], %parallel_loop3A_881 {strides = array<i32>} : memref<256x128xf32, #tpu.memory_space<vmem>>, vector<16xf32>,
        %parallel_loop3A_885 = arith.index_cast %parallel_loop3A_859 : i32 to index
        %parallel_loop3A_886 = arith.constant 48 : index
        %parallel_loop3A_887 = tpu.vector_load %arg15[%parallel_loop3A_885, %parallel_loop3A_886] {strides = array<i32>} : memref<256x128xf32, #tpu.memory_space<vmem>>, vector<16xf32>,
        %parallel_loop3A_888 = arith.mulf %parallel_loop3A_887, %parallel_loop3A_863 : vector<16xf32>
        %parallel_loop3A_889 = arith.index_cast %parallel_loop3A_859 : i32 to index
        %parallel_loop3A_890 = arith.constant 48 : index
        %parallel_loop3A_891 = tpu.vector_load %arg15[%parallel_loop3A_889, %parallel_loop3A_890] {strides = array<i32>} : memref<256x128xf32, #tpu.memory_space<vmem>>, vector<16xf32>,
        tpu.vector_store %arg15[%parallel_loop3A_889, %parallel_loop3A_890], %parallel_loop3A_888 {strides = array<i32>} : memref<256x128xf32, #tpu.memory_space<vmem>>, vector<16xf32>,
        %parallel_loop3A_892 = arith.index_cast %parallel_loop3A_859 : i32 to index
        %parallel_loop3A_893 = arith.constant 64 : index
        %parallel_loop3A_894 = tpu.vector_load %arg15[%parallel_loop3A_892, %parallel_loop3A_893] {strides = array<i32>} : memref<256x128xf32, #tpu.memory_space<vmem>>, vector<16xf32>,
        %parallel_loop3A_895 = arith.mulf %parallel_loop3A_894, %parallel_loop3A_863 : vector<16xf32>
        %parallel_loop3A_896 = arith.index_cast %parallel_loop3A_859 : i32 to index
        %parallel_loop3A_897 = arith.constant 64 : index
        %parallel_loop3A_898 = tpu.vector_load %arg15[%parallel_loop3A_896, %parallel_loop3A_897] {strides = array<i32>} : memref<256x128xf32, #tpu.memory_space<vmem>>, vector<16xf32>,
        tpu.vector_store %arg15[%parallel_loop3A_896, %parallel_loop3A_897], %parallel_loop3A_895 {strides = array<i32>} : memref<256x128xf32, #tpu.memory_space<vmem>>, vector<16xf32>,
        %parallel_loop3A_899 = arith.index_cast %parallel_loop3A_859 : i32 to index
        %parallel_loop3A_900 = arith.constant 80 : index
        %parallel_loop3A_901 = tpu.vector_load %arg15[%parallel_loop3A_899, %parallel_loop3A_900] {strides = array<i32>} : memref<256x128xf32, #tpu.memory_space<vmem>>, vector<16xf32>,
        %parallel_loop3A_902 = arith.mulf %parallel_loop3A_901, %parallel_loop3A_863 : vector<16xf32>
        %parallel_loop3A_903 = arith.index_cast %parallel_loop3A_859 : i32 to index
        %parallel_loop3A_904 = arith.constant 80 : index
        %parallel_loop3A_905 = tpu.vector_load %arg15[%parallel_loop3A_903, %parallel_loop3A_904] {strides = array<i32>} : memref<256x128xf32, #tpu.memory_space<vmem>>, vector<16xf32>,
        tpu.vector_store %arg15[%parallel_loop3A_903, %parallel_loop3A_904], %parallel_loop3A_902 {strides = array<i32>} : memref<256x128xf32, #tpu.memory_space<vmem>>, vector<16xf32>,
        %parallel_loop3A_906 = arith.index_cast %parallel_loop3A_859 : i32 to index
        %parallel_loop3A_907 = arith.constant 96 : index
        %parallel_loop3A_908 = tpu.vector_load %arg15[%parallel_loop3A_906, %parallel_loop3A_907] {strides = array<i32>} : memref<256x128xf32, #tpu.memory_space<vmem>>, vector<16xf32>,
        %parallel_loop3A_909 = arith.mulf %parallel_loop3A_908, %parallel_loop3A_863 : vector<16xf32>
        %parallel_loop3A_910 = arith.index_cast %parallel_loop3A_859 : i32 to index
        %parallel_loop3A_911 = arith.constant 96 : index
        %parallel_loop3A_912 = tpu.vector_load %arg15[%parallel_loop3A_910, %parallel_loop3A_911] {strides = array<i32>} : memref<256x128xf32, #tpu.memory_space<vmem>>, vector<16xf32>,
        tpu.vector_store %arg15[%parallel_loop3A_910, %parallel_loop3A_911], %parallel_loop3A_909 {strides = array<i32>} : memref<256x128xf32, #tpu.memory_space<vmem>>, vector<16xf32>,
        %parallel_loop3A_913 = arith.index_cast %parallel_loop3A_859 : i32 to index
        %parallel_loop3A_914 = arith.constant 112 : index
        %parallel_loop3A_915 = tpu.vector_load %arg15[%parallel_loop3A_913, %parallel_loop3A_914] {strides = array<i32>} : memref<256x128xf32, #tpu.memory_space<vmem>>, vector<16xf32>,
        %parallel_loop3A_916 = arith.mulf %parallel_loop3A_915, %parallel_loop3A_863 : vector<16xf32>
        %parallel_loop3A_917 = arith.index_cast %parallel_loop3A_859 : i32 to index
        %parallel_loop3A_918 = arith.constant 112 : index
        %parallel_loop3A_919 = tpu.vector_load %arg15[%parallel_loop3A_917, %parallel_loop3A_918] {strides = array<i32>} : memref<256x128xf32, #tpu.memory_space<vmem>>, vector<16xf32>,
        tpu.vector_store %arg15[%parallel_loop3A_917, %parallel_loop3A_918], %parallel_loop3A_916 {strides = array<i32>} : memref<256x128xf32, #tpu.memory_space<vmem>>, vector<16xf32>,
      } {sc.loop_unroll_factor = 4 : i64, sc.parallel_access}
      %dma_wait3A_620 = arith.constant 3 : i32
      %dma_wait3A_621 = arith.constant 128 : i32
      %dma_wait3A_622 = arith.constant 0 : i32
      %dma_wait3A_623 = tpu.memref_slice %arg15[%dma_wait3A_621, %dma_wait3A_622] : memref<256x128xf32, #tpu.memory_space<vmem>> -> memref<128x128xf32, #tpu.memory_space<vmem>>
      %dma_wait3A_624 = arith.constant 0 : i32
      %dma_wait3A_625 = tpu.memref_slice %arg12[%dma_wait3A_620, %dma_wait3A_624] : memref<8x128xi32, #tpu.memory_space<vmem>> -> memref<1x128xi32, #tpu.memory_space<vmem>>
      %dma_wait3A_626 = tpu.memref_squeeze %dma_wait3A_625 : memref<1x128xi32, #tpu.memory_space<vmem>> -> memref<128xi32, #tpu.memory_space<vmem>>
      %dma_wait3A_627 = arith.constant 0 : i32
      %dma_wait3A_628 = arith.constant 0 : i32
      %dma_wait3A_629 = tpu.memref_slice %arg17[%dma_wait3A_627, %dma_wait3A_628] : memref<10240x128xf32, #tpu.memory_space<vmem_shared>> -> memref<10240x128xf32, #tpu.memory_space<vmem_shared>>
      tpu.wait_indirect_dma semaphore(%arg21 : memref<!tpu.dma_semaphore, #tpu.memory_space<semaphore_mem>>) src(%dma_wait3A_623 : memref<128x128xf32, #tpu.memory_space<vmem>>) dst(%dma_wait3A_629 : memref<10240x128xf32, #tpu.memory_space<vmem_shared>>)
      %dma_start3A_630 = arith.constant 6 : i32
      %dma_start3A_631 = arith.constant 0 : i32
      %dma_start3A_632 = arith.constant 0 : i32
      %dma_start3A_633 = tpu.memref_slice %arg15[%dma_start3A_631, %dma_start3A_632] : memref<256x128xf32, #tpu.memory_space<vmem>> -> memref<128x128xf32, #tpu.memory_space<vmem>>
      %dma_start3A_634 = arith.constant 0 : i32
      %dma_start3A_635 = tpu.memref_slice %arg11[%dma_start3A_630, %dma_start3A_634] : memref<8x128xi32, #tpu.memory_space<vmem>> -> memref<1x128xi32, #tpu.memory_space<vmem>>
      %dma_start3A_636 = tpu.memref_squeeze %dma_start3A_635 : memref<1x128xi32, #tpu.memory_space<vmem>> -> memref<128xi32, #tpu.memory_space<vmem>>
      %dma_start3A_637 = arith.constant 0 : i32
      %dma_start3A_638 = arith.constant 0 : i32
      %dma_start3A_639 = tpu.memref_slice %arg2[%dma_start3A_637, %dma_start3A_638] : memref<10240x128xf32, #tpu.memory_space<hbm>> -> memref<10240x128xf32, #tpu.memory_space<hbm>>
      tpu.enqueue_indirect_dma source(%dma_start3A_639 : memref<10240x128xf32, #tpu.memory_space<hbm>>) target(%dma_start3A_633 : memref<128x128xf32, #tpu.memory_space<vmem>>) offsets(%dma_start3A_636 : memref<128xi32, #tpu.memory_space<vmem>>) semaphore(%arg20 : memref<!tpu.dma_semaphore, #tpu.memory_space<semaphore_mem>>)
      %dma_start3A_640 = arith.constant 5 : i32
      %dma_start3A_641 = arith.constant 128 : i32
      %dma_start3A_642 = arith.constant 0 : i32
      %dma_start3A_643 = tpu.memref_slice %arg15[%dma_start3A_641, %dma_start3A_642] : memref<256x128xf32, #tpu.memory_space<vmem>> -> memref<128x128xf32, #tpu.memory_space<vmem>>
      %dma_start3A_644 = arith.constant 0 : i32
      %dma_start3A_645 = tpu.memref_slice %arg12[%dma_start3A_640, %dma_start3A_644] : memref<8x128xi32, #tpu.memory_space<vmem>> -> memref<1x128xi32, #tpu.memory_space<vmem>>
      %dma_start3A_646 = tpu.memref_squeeze %dma_start3A_645 : memref<1x128xi32, #tpu.memory_space<vmem>> -> memref<128xi32, #tpu.memory_space<vmem>>
      %dma_start3A_647 = arith.constant 0 : i32
      %dma_start3A_648 = arith.constant 0 : i32
      %dma_start3A_649 = tpu.memref_slice %arg17[%dma_start3A_647, %dma_start3A_648] : memref<10240x128xf32, #tpu.memory_space<vmem_shared>> -> memref<10240x128xf32, #tpu.memory_space<vmem_shared>>
      tpu.enqueue_indirect_dma source(%dma_start3A_643 : memref<128x128xf32, #tpu.memory_space<vmem>>) target(%dma_start3A_649 : memref<10240x128xf32, #tpu.memory_space<vmem_shared>>) offsets(%dma_start3A_646 : memref<128xi32, #tpu.memory_space<vmem>>) semaphore(%arg21 : memref<!tpu.dma_semaphore, #tpu.memory_space<semaphore_mem>>) {add = true}
      %dma_start3A_650 = arith.constant 5 : i32
      %dma_start3A_651 = arith.constant 5 : i32
      %dma_start3A_652 = arith.constant 0 : i32
      %dma_start3A_653 = tpu.memref_slice %arg16[%dma_start3A_650, %dma_start3A_652] : memref<8x128xf32, #tpu.memory_space<vmem>> -> memref<1x128xf32, #tpu.memory_space<vmem>>
      %dma_start3A_654 = tpu.memref_squeeze %dma_start3A_653 : memref<1x128xf32, #tpu.memory_space<vmem>> -> memref<128xf32, #tpu.memory_space<vmem>>
      %dma_start3A_655 = arith.constant 0 : i32
      %dma_start3A_656 = tpu.memref_slice %arg12[%dma_start3A_651, %dma_start3A_655] : memref<8x128xi32, #tpu.memory_space<vmem>> -> memref<1x128xi32, #tpu.memory_space<vmem>>
      %dma_start3A_657 = tpu.memref_squeeze %dma_start3A_656 : memref<1x128xi32, #tpu.memory_space<vmem>> -> memref<128xi32, #tpu.memory_space<vmem>>
      %dma_start3A_658 = arith.constant 0 : i32
      %dma_start3A_659 = tpu.memref_slice %arg18[%dma_start3A_658] : memref<10240xf32, #tpu.memory_space<vmem_shared>> -> memref<10240xf32, #tpu.memory_space<vmem_shared>>
      tpu.enqueue_indirect_dma source(%dma_start3A_654 : memref<128xf32, #tpu.memory_space<vmem>>) target(%dma_start3A_659 : memref<10240xf32, #tpu.memory_space<vmem_shared>>) offsets(%dma_start3A_657 : memref<128xi32, #tpu.memory_space<vmem>>) semaphore(%arg22 : memref<!tpu.dma_semaphore, #tpu.memory_space<semaphore_mem>>) {add = true}
      %dma_wait3A_660 = arith.constant 6 : i32
      %dma_wait3A_661 = arith.constant 0 : i32
      %dma_wait3A_662 = arith.constant 0 : i32
      %dma_wait3A_663 = tpu.memref_slice %arg15[%dma_wait3A_661, %dma_wait3A_662] : memref<256x128xf32, #tpu.memory_space<vmem>> -> memref<128x128xf32, #tpu.memory_space<vmem>>
      %dma_wait3A_664 = arith.constant 0 : i32
      %dma_wait3A_665 = tpu.memref_slice %arg11[%dma_wait3A_660, %dma_wait3A_664] : memref<8x128xi32, #tpu.memory_space<vmem>> -> memref<1x128xi32, #tpu.memory_space<vmem>>
      %dma_wait3A_666 = tpu.memref_squeeze %dma_wait3A_665 : memref<1x128xi32, #tpu.memory_space<vmem>> -> memref<128xi32, #tpu.memory_space<vmem>>
      %dma_wait3A_667 = arith.constant 0 : i32
      %dma_wait3A_668 = arith.constant 0 : i32
      %dma_wait3A_669 = tpu.memref_slice %arg2[%dma_wait3A_667, %dma_wait3A_668] : memref<10240x128xf32, #tpu.memory_space<hbm>> -> memref<10240x128xf32, #tpu.memory_space<hbm>>
      tpu.wait_indirect_dma semaphore(%arg20 : memref<!tpu.dma_semaphore, #tpu.memory_space<semaphore_mem>>) src(%dma_wait3A_669 : memref<10240x128xf32, #tpu.memory_space<hbm>>) dst(%dma_wait3A_663 : memref<128x128xf32, #tpu.memory_space<vmem>>)
      %parallel_loop3A_670 = arith.constant 0 : i32
      %parallel_loop3A_671 = arith.constant 128 : i32
      %parallel_loop3A_672 = arith.constant 1 : i32
      scf.for %parallel_loop3A_857 = %parallel_loop3A_670 to %parallel_loop3A_671 step %parallel_loop3A_672  : i32 {
        %parallel_loop3A_858 = arith.constant 0 : i32
        %parallel_loop3A_859 = arith.addi %parallel_loop3A_858, %parallel_loop3A_857 : i32
        %parallel_loop3A_860 = arith.constant 6 : i32
        %parallel_loop3A_861 = vector.broadcast %parallel_loop3A_860 : i32 to vector<16xi32>
        %parallel_loop3A_862 = vector.broadcast %parallel_loop3A_857 : i32 to vector<16xi32>
        %parallel_loop3A_863 = tpu.vector_load_idx %arg16[%parallel_loop3A_861, %parallel_loop3A_862] : memref<8x128xf32, #tpu.memory_space<vmem>>[vector<16xi32>, vector<16xi32>], vector<16xf32>,
        %parallel_loop3A_864 = arith.index_cast %parallel_loop3A_859 : i32 to index
        %parallel_loop3A_865 = arith.constant 0 : index
        %parallel_loop3A_866 = tpu.vector_load %arg15[%parallel_loop3A_864, %parallel_loop3A_865] {strides = array<i32>} : memref<256x128xf32, #tpu.memory_space<vmem>>, vector<16xf32>,
        %parallel_loop3A_867 = arith.mulf %parallel_loop3A_866, %parallel_loop3A_863 : vector<16xf32>
        %parallel_loop3A_868 = arith.index_cast %parallel_loop3A_859 : i32 to index
        %parallel_loop3A_869 = arith.constant 0 : index
        %parallel_loop3A_870 = tpu.vector_load %arg15[%parallel_loop3A_868, %parallel_loop3A_869] {strides = array<i32>} : memref<256x128xf32, #tpu.memory_space<vmem>>, vector<16xf32>,
        tpu.vector_store %arg15[%parallel_loop3A_868, %parallel_loop3A_869], %parallel_loop3A_867 {strides = array<i32>} : memref<256x128xf32, #tpu.memory_space<vmem>>, vector<16xf32>,
        %parallel_loop3A_871 = arith.index_cast %parallel_loop3A_859 : i32 to index
        %parallel_loop3A_872 = arith.constant 16 : index
        %parallel_loop3A_873 = tpu.vector_load %arg15[%parallel_loop3A_871, %parallel_loop3A_872] {strides = array<i32>} : memref<256x128xf32, #tpu.memory_space<vmem>>, vector<16xf32>,
        %parallel_loop3A_874 = arith.mulf %parallel_loop3A_873, %parallel_loop3A_863 : vector<16xf32>
        %parallel_loop3A_875 = arith.index_cast %parallel_loop3A_859 : i32 to index
        %parallel_loop3A_876 = arith.constant 16 : index
        %parallel_loop3A_877 = tpu.vector_load %arg15[%parallel_loop3A_875, %parallel_loop3A_876] {strides = array<i32>} : memref<256x128xf32, #tpu.memory_space<vmem>>, vector<16xf32>,
        tpu.vector_store %arg15[%parallel_loop3A_875, %parallel_loop3A_876], %parallel_loop3A_874 {strides = array<i32>} : memref<256x128xf32, #tpu.memory_space<vmem>>, vector<16xf32>,
        %parallel_loop3A_878 = arith.index_cast %parallel_loop3A_859 : i32 to index
        %parallel_loop3A_879 = arith.constant 32 : index
        %parallel_loop3A_880 = tpu.vector_load %arg15[%parallel_loop3A_878, %parallel_loop3A_879] {strides = array<i32>} : memref<256x128xf32, #tpu.memory_space<vmem>>, vector<16xf32>,
        %parallel_loop3A_881 = arith.mulf %parallel_loop3A_880, %parallel_loop3A_863 : vector<16xf32>
        %parallel_loop3A_882 = arith.index_cast %parallel_loop3A_859 : i32 to index
        %parallel_loop3A_883 = arith.constant 32 : index
        %parallel_loop3A_884 = tpu.vector_load %arg15[%parallel_loop3A_882, %parallel_loop3A_883] {strides = array<i32>} : memref<256x128xf32, #tpu.memory_space<vmem>>, vector<16xf32>,
        tpu.vector_store %arg15[%parallel_loop3A_882, %parallel_loop3A_883], %parallel_loop3A_881 {strides = array<i32>} : memref<256x128xf32, #tpu.memory_space<vmem>>, vector<16xf32>,
        %parallel_loop3A_885 = arith.index_cast %parallel_loop3A_859 : i32 to index
        %parallel_loop3A_886 = arith.constant 48 : index
        %parallel_loop3A_887 = tpu.vector_load %arg15[%parallel_loop3A_885, %parallel_loop3A_886] {strides = array<i32>} : memref<256x128xf32, #tpu.memory_space<vmem>>, vector<16xf32>,
        %parallel_loop3A_888 = arith.mulf %parallel_loop3A_887, %parallel_loop3A_863 : vector<16xf32>
        %parallel_loop3A_889 = arith.index_cast %parallel_loop3A_859 : i32 to index
        %parallel_loop3A_890 = arith.constant 48 : index
        %parallel_loop3A_891 = tpu.vector_load %arg15[%parallel_loop3A_889, %parallel_loop3A_890] {strides = array<i32>} : memref<256x128xf32, #tpu.memory_space<vmem>>, vector<16xf32>,
        tpu.vector_store %arg15[%parallel_loop3A_889, %parallel_loop3A_890], %parallel_loop3A_888 {strides = array<i32>} : memref<256x128xf32, #tpu.memory_space<vmem>>, vector<16xf32>,
        %parallel_loop3A_892 = arith.index_cast %parallel_loop3A_859 : i32 to index
        %parallel_loop3A_893 = arith.constant 64 : index
        %parallel_loop3A_894 = tpu.vector_load %arg15[%parallel_loop3A_892, %parallel_loop3A_893] {strides = array<i32>} : memref<256x128xf32, #tpu.memory_space<vmem>>, vector<16xf32>,
        %parallel_loop3A_895 = arith.mulf %parallel_loop3A_894, %parallel_loop3A_863 : vector<16xf32>
        %parallel_loop3A_896 = arith.index_cast %parallel_loop3A_859 : i32 to index
        %parallel_loop3A_897 = arith.constant 64 : index
        %parallel_loop3A_898 = tpu.vector_load %arg15[%parallel_loop3A_896, %parallel_loop3A_897] {strides = array<i32>} : memref<256x128xf32, #tpu.memory_space<vmem>>, vector<16xf32>,
        tpu.vector_store %arg15[%parallel_loop3A_896, %parallel_loop3A_897], %parallel_loop3A_895 {strides = array<i32>} : memref<256x128xf32, #tpu.memory_space<vmem>>, vector<16xf32>,
        %parallel_loop3A_899 = arith.index_cast %parallel_loop3A_859 : i32 to index
        %parallel_loop3A_900 = arith.constant 80 : index
        %parallel_loop3A_901 = tpu.vector_load %arg15[%parallel_loop3A_899, %parallel_loop3A_900] {strides = array<i32>} : memref<256x128xf32, #tpu.memory_space<vmem>>, vector<16xf32>,
        %parallel_loop3A_902 = arith.mulf %parallel_loop3A_901, %parallel_loop3A_863 : vector<16xf32>
        %parallel_loop3A_903 = arith.index_cast %parallel_loop3A_859 : i32 to index
        %parallel_loop3A_904 = arith.constant 80 : index
        %parallel_loop3A_905 = tpu.vector_load %arg15[%parallel_loop3A_903, %parallel_loop3A_904] {strides = array<i32>} : memref<256x128xf32, #tpu.memory_space<vmem>>, vector<16xf32>,
        tpu.vector_store %arg15[%parallel_loop3A_903, %parallel_loop3A_904], %parallel_loop3A_902 {strides = array<i32>} : memref<256x128xf32, #tpu.memory_space<vmem>>, vector<16xf32>,
        %parallel_loop3A_906 = arith.index_cast %parallel_loop3A_859 : i32 to index
        %parallel_loop3A_907 = arith.constant 96 : index
        %parallel_loop3A_908 = tpu.vector_load %arg15[%parallel_loop3A_906, %parallel_loop3A_907] {strides = array<i32>} : memref<256x128xf32, #tpu.memory_space<vmem>>, vector<16xf32>,
        %parallel_loop3A_909 = arith.mulf %parallel_loop3A_908, %parallel_loop3A_863 : vector<16xf32>
        %parallel_loop3A_910 = arith.index_cast %parallel_loop3A_859 : i32 to index
        %parallel_loop3A_911 = arith.constant 96 : index
        %parallel_loop3A_912 = tpu.vector_load %arg15[%parallel_loop3A_910, %parallel_loop3A_911] {strides = array<i32>} : memref<256x128xf32, #tpu.memory_space<vmem>>, vector<16xf32>,
        tpu.vector_store %arg15[%parallel_loop3A_910, %parallel_loop3A_911], %parallel_loop3A_909 {strides = array<i32>} : memref<256x128xf32, #tpu.memory_space<vmem>>, vector<16xf32>,
        %parallel_loop3A_913 = arith.index_cast %parallel_loop3A_859 : i32 to index
        %parallel_loop3A_914 = arith.constant 112 : index
        %parallel_loop3A_915 = tpu.vector_load %arg15[%parallel_loop3A_913, %parallel_loop3A_914] {strides = array<i32>} : memref<256x128xf32, #tpu.memory_space<vmem>>, vector<16xf32>,
        %parallel_loop3A_916 = arith.mulf %parallel_loop3A_915, %parallel_loop3A_863 : vector<16xf32>
        %parallel_loop3A_917 = arith.index_cast %parallel_loop3A_859 : i32 to index
        %parallel_loop3A_918 = arith.constant 112 : index
        %parallel_loop3A_919 = tpu.vector_load %arg15[%parallel_loop3A_917, %parallel_loop3A_918] {strides = array<i32>} : memref<256x128xf32, #tpu.memory_space<vmem>>, vector<16xf32>,
        tpu.vector_store %arg15[%parallel_loop3A_917, %parallel_loop3A_918], %parallel_loop3A_916 {strides = array<i32>} : memref<256x128xf32, #tpu.memory_space<vmem>>, vector<16xf32>,
      } {sc.loop_unroll_factor = 4 : i64, sc.parallel_access}
      %dma_wait3A_673 = arith.constant 4 : i32
      %dma_wait3A_674 = arith.constant 0 : i32
      %dma_wait3A_675 = arith.constant 0 : i32
      %dma_wait3A_676 = tpu.memref_slice %arg15[%dma_wait3A_674, %dma_wait3A_675] : memref<256x128xf32, #tpu.memory_space<vmem>> -> memref<128x128xf32, #tpu.memory_space<vmem>>
      %dma_wait3A_677 = arith.constant 0 : i32
      %dma_wait3A_678 = tpu.memref_slice %arg12[%dma_wait3A_673, %dma_wait3A_677] : memref<8x128xi32, #tpu.memory_space<vmem>> -> memref<1x128xi32, #tpu.memory_space<vmem>>
      %dma_wait3A_679 = tpu.memref_squeeze %dma_wait3A_678 : memref<1x128xi32, #tpu.memory_space<vmem>> -> memref<128xi32, #tpu.memory_space<vmem>>
      %dma_wait3A_680 = arith.constant 0 : i32
      %dma_wait3A_681 = arith.constant 0 : i32
      %dma_wait3A_682 = tpu.memref_slice %arg17[%dma_wait3A_680, %dma_wait3A_681] : memref<10240x128xf32, #tpu.memory_space<vmem_shared>> -> memref<10240x128xf32, #tpu.memory_space<vmem_shared>>
      tpu.wait_indirect_dma semaphore(%arg21 : memref<!tpu.dma_semaphore, #tpu.memory_space<semaphore_mem>>) src(%dma_wait3A_676 : memref<128x128xf32, #tpu.memory_space<vmem>>) dst(%dma_wait3A_682 : memref<10240x128xf32, #tpu.memory_space<vmem_shared>>)
      %dma_start3A_683 = arith.constant 7 : i32
      %dma_start3A_684 = arith.constant 128 : i32
      %dma_start3A_685 = arith.constant 0 : i32
      %dma_start3A_686 = tpu.memref_slice %arg15[%dma_start3A_684, %dma_start3A_685] : memref<256x128xf32, #tpu.memory_space<vmem>> -> memref<128x128xf32, #tpu.memory_space<vmem>>
      %dma_start3A_687 = arith.constant 0 : i32
      %dma_start3A_688 = tpu.memref_slice %arg11[%dma_start3A_683, %dma_start3A_687] : memref<8x128xi32, #tpu.memory_space<vmem>> -> memref<1x128xi32, #tpu.memory_space<vmem>>
      %dma_start3A_689 = tpu.memref_squeeze %dma_start3A_688 : memref<1x128xi32, #tpu.memory_space<vmem>> -> memref<128xi32, #tpu.memory_space<vmem>>
      %dma_start3A_690 = arith.constant 0 : i32
      %dma_start3A_691 = arith.constant 0 : i32
      %dma_start3A_692 = tpu.memref_slice %arg2[%dma_start3A_690, %dma_start3A_691] : memref<10240x128xf32, #tpu.memory_space<hbm>> -> memref<10240x128xf32, #tpu.memory_space<hbm>>
      tpu.enqueue_indirect_dma source(%dma_start3A_692 : memref<10240x128xf32, #tpu.memory_space<hbm>>) target(%dma_start3A_686 : memref<128x128xf32, #tpu.memory_space<vmem>>) offsets(%dma_start3A_689 : memref<128xi32, #tpu.memory_space<vmem>>) semaphore(%arg20 : memref<!tpu.dma_semaphore, #tpu.memory_space<semaphore_mem>>)
      %dma_start3A_693 = arith.constant 6 : i32
      %dma_start3A_694 = arith.constant 0 : i32
      %dma_start3A_695 = arith.constant 0 : i32
      %dma_start3A_696 = tpu.memref_slice %arg15[%dma_start3A_694, %dma_start3A_695] : memref<256x128xf32, #tpu.memory_space<vmem>> -> memref<128x128xf32, #tpu.memory_space<vmem>>
      %dma_start3A_697 = arith.constant 0 : i32
      %dma_start3A_698 = tpu.memref_slice %arg12[%dma_start3A_693, %dma_start3A_697] : memref<8x128xi32, #tpu.memory_space<vmem>> -> memref<1x128xi32, #tpu.memory_space<vmem>>
      %dma_start3A_699 = tpu.memref_squeeze %dma_start3A_698 : memref<1x128xi32, #tpu.memory_space<vmem>> -> memref<128xi32, #tpu.memory_space<vmem>>
      %dma_start3A_700 = arith.constant 0 : i32
      %dma_start3A_701 = arith.constant 0 : i32
      %dma_start3A_702 = tpu.memref_slice %arg17[%dma_start3A_700, %dma_start3A_701] : memref<10240x128xf32, #tpu.memory_space<vmem_shared>> -> memref<10240x128xf32, #tpu.memory_space<vmem_shared>>
      tpu.enqueue_indirect_dma source(%dma_start3A_696 : memref<128x128xf32, #tpu.memory_space<vmem>>) target(%dma_start3A_702 : memref<10240x128xf32, #tpu.memory_space<vmem_shared>>) offsets(%dma_start3A_699 : memref<128xi32, #tpu.memory_space<vmem>>) semaphore(%arg21 : memref<!tpu.dma_semaphore, #tpu.memory_space<semaphore_mem>>) {add = true}
      %dma_start3A_703 = arith.constant 6 : i32
      %dma_start3A_704 = arith.constant 6 : i32
      %dma_start3A_705 = arith.constant 0 : i32
      %dma_start3A_706 = tpu.memref_slice %arg16[%dma_start3A_703, %dma_start3A_705] : memref<8x128xf32, #tpu.memory_space<vmem>> -> memref<1x128xf32, #tpu.memory_space<vmem>>
      %dma_start3A_707 = tpu.memref_squeeze %dma_start3A_706 : memref<1x128xf32, #tpu.memory_space<vmem>> -> memref<128xf32, #tpu.memory_space<vmem>>
      %dma_start3A_708 = arith.constant 0 : i32
      %dma_start3A_709 = tpu.memref_slice %arg12[%dma_start3A_704, %dma_start3A_708] : memref<8x128xi32, #tpu.memory_space<vmem>> -> memref<1x128xi32, #tpu.memory_space<vmem>>
      %dma_start3A_710 = tpu.memref_squeeze %dma_start3A_709 : memref<1x128xi32, #tpu.memory_space<vmem>> -> memref<128xi32, #tpu.memory_space<vmem>>
      %dma_start3A_711 = arith.constant 0 : i32
      %dma_start3A_712 = tpu.memref_slice %arg18[%dma_start3A_711] : memref<10240xf32, #tpu.memory_space<vmem_shared>> -> memref<10240xf32, #tpu.memory_space<vmem_shared>>
      tpu.enqueue_indirect_dma source(%dma_start3A_707 : memref<128xf32, #tpu.memory_space<vmem>>) target(%dma_start3A_712 : memref<10240xf32, #tpu.memory_space<vmem_shared>>) offsets(%dma_start3A_710 : memref<128xi32, #tpu.memory_space<vmem>>) semaphore(%arg22 : memref<!tpu.dma_semaphore, #tpu.memory_space<semaphore_mem>>) {add = true}
      %dma_wait3A_713 = arith.constant 7 : i32
      %dma_wait3A_714 = arith.constant 128 : i32
      %dma_wait3A_715 = arith.constant 0 : i32
      %dma_wait3A_716 = tpu.memref_slice %arg15[%dma_wait3A_714, %dma_wait3A_715] : memref<256x128xf32, #tpu.memory_space<vmem>> -> memref<128x128xf32, #tpu.memory_space<vmem>>
      %dma_wait3A_717 = arith.constant 0 : i32
      %dma_wait3A_718 = tpu.memref_slice %arg11[%dma_wait3A_713, %dma_wait3A_717] : memref<8x128xi32, #tpu.memory_space<vmem>> -> memref<1x128xi32, #tpu.memory_space<vmem>>
      %dma_wait3A_719 = tpu.memref_squeeze %dma_wait3A_718 : memref<1x128xi32, #tpu.memory_space<vmem>> -> memref<128xi32, #tpu.memory_space<vmem>>
      %dma_wait3A_720 = arith.constant 0 : i32
      %dma_wait3A_721 = arith.constant 0 : i32
      %dma_wait3A_722 = tpu.memref_slice %arg2[%dma_wait3A_720, %dma_wait3A_721] : memref<10240x128xf32, #tpu.memory_space<hbm>> -> memref<10240x128xf32, #tpu.memory_space<hbm>>
      tpu.wait_indirect_dma semaphore(%arg20 : memref<!tpu.dma_semaphore, #tpu.memory_space<semaphore_mem>>) src(%dma_wait3A_722 : memref<10240x128xf32, #tpu.memory_space<hbm>>) dst(%dma_wait3A_716 : memref<128x128xf32, #tpu.memory_space<vmem>>)
      %parallel_loop3A_723 = arith.constant 0 : i32
      %parallel_loop3A_724 = arith.constant 128 : i32
      %parallel_loop3A_725 = arith.constant 1 : i32
      scf.for %parallel_loop3A_857 = %parallel_loop3A_723 to %parallel_loop3A_724 step %parallel_loop3A_725  : i32 {
        %parallel_loop3A_858 = arith.constant 128 : i32
        %parallel_loop3A_859 = arith.addi %parallel_loop3A_858, %parallel_loop3A_857 : i32
        %parallel_loop3A_860 = arith.constant 7 : i32
        %parallel_loop3A_861 = vector.broadcast %parallel_loop3A_860 : i32 to vector<16xi32>
        %parallel_loop3A_862 = vector.broadcast %parallel_loop3A_857 : i32 to vector<16xi32>
        %parallel_loop3A_863 = tpu.vector_load_idx %arg16[%parallel_loop3A_861, %parallel_loop3A_862] : memref<8x128xf32, #tpu.memory_space<vmem>>[vector<16xi32>, vector<16xi32>], vector<16xf32>,
        %parallel_loop3A_864 = arith.index_cast %parallel_loop3A_859 : i32 to index
        %parallel_loop3A_865 = arith.constant 0 : index
        %parallel_loop3A_866 = tpu.vector_load %arg15[%parallel_loop3A_864, %parallel_loop3A_865] {strides = array<i32>} : memref<256x128xf32, #tpu.memory_space<vmem>>, vector<16xf32>,
        %parallel_loop3A_867 = arith.mulf %parallel_loop3A_866, %parallel_loop3A_863 : vector<16xf32>
        %parallel_loop3A_868 = arith.index_cast %parallel_loop3A_859 : i32 to index
        %parallel_loop3A_869 = arith.constant 0 : index
        %parallel_loop3A_870 = tpu.vector_load %arg15[%parallel_loop3A_868, %parallel_loop3A_869] {strides = array<i32>} : memref<256x128xf32, #tpu.memory_space<vmem>>, vector<16xf32>,
        tpu.vector_store %arg15[%parallel_loop3A_868, %parallel_loop3A_869], %parallel_loop3A_867 {strides = array<i32>} : memref<256x128xf32, #tpu.memory_space<vmem>>, vector<16xf32>,
        %parallel_loop3A_871 = arith.index_cast %parallel_loop3A_859 : i32 to index
        %parallel_loop3A_872 = arith.constant 16 : index
        %parallel_loop3A_873 = tpu.vector_load %arg15[%parallel_loop3A_871, %parallel_loop3A_872] {strides = array<i32>} : memref<256x128xf32, #tpu.memory_space<vmem>>, vector<16xf32>,
        %parallel_loop3A_874 = arith.mulf %parallel_loop3A_873, %parallel_loop3A_863 : vector<16xf32>
        %parallel_loop3A_875 = arith.index_cast %parallel_loop3A_859 : i32 to index
        %parallel_loop3A_876 = arith.constant 16 : index
        %parallel_loop3A_877 = tpu.vector_load %arg15[%parallel_loop3A_875, %parallel_loop3A_876] {strides = array<i32>} : memref<256x128xf32, #tpu.memory_space<vmem>>, vector<16xf32>,
        tpu.vector_store %arg15[%parallel_loop3A_875, %parallel_loop3A_876], %parallel_loop3A_874 {strides = array<i32>} : memref<256x128xf32, #tpu.memory_space<vmem>>, vector<16xf32>,
        %parallel_loop3A_878 = arith.index_cast %parallel_loop3A_859 : i32 to index
        %parallel_loop3A_879 = arith.constant 32 : index
        %parallel_loop3A_880 = tpu.vector_load %arg15[%parallel_loop3A_878, %parallel_loop3A_879] {strides = array<i32>} : memref<256x128xf32, #tpu.memory_space<vmem>>, vector<16xf32>,
        %parallel_loop3A_881 = arith.mulf %parallel_loop3A_880, %parallel_loop3A_863 : vector<16xf32>
        %parallel_loop3A_882 = arith.index_cast %parallel_loop3A_859 : i32 to index
        %parallel_loop3A_883 = arith.constant 32 : index
        %parallel_loop3A_884 = tpu.vector_load %arg15[%parallel_loop3A_882, %parallel_loop3A_883] {strides = array<i32>} : memref<256x128xf32, #tpu.memory_space<vmem>>, vector<16xf32>,
        tpu.vector_store %arg15[%parallel_loop3A_882, %parallel_loop3A_883], %parallel_loop3A_881 {strides = array<i32>} : memref<256x128xf32, #tpu.memory_space<vmem>>, vector<16xf32>,
        %parallel_loop3A_885 = arith.index_cast %parallel_loop3A_859 : i32 to index
        %parallel_loop3A_886 = arith.constant 48 : index
        %parallel_loop3A_887 = tpu.vector_load %arg15[%parallel_loop3A_885, %parallel_loop3A_886] {strides = array<i32>} : memref<256x128xf32, #tpu.memory_space<vmem>>, vector<16xf32>,
        %parallel_loop3A_888 = arith.mulf %parallel_loop3A_887, %parallel_loop3A_863 : vector<16xf32>
        %parallel_loop3A_889 = arith.index_cast %parallel_loop3A_859 : i32 to index
        %parallel_loop3A_890 = arith.constant 48 : index
        %parallel_loop3A_891 = tpu.vector_load %arg15[%parallel_loop3A_889, %parallel_loop3A_890] {strides = array<i32>} : memref<256x128xf32, #tpu.memory_space<vmem>>, vector<16xf32>,
        tpu.vector_store %arg15[%parallel_loop3A_889, %parallel_loop3A_890], %parallel_loop3A_888 {strides = array<i32>} : memref<256x128xf32, #tpu.memory_space<vmem>>, vector<16xf32>,
        %parallel_loop3A_892 = arith.index_cast %parallel_loop3A_859 : i32 to index
        %parallel_loop3A_893 = arith.constant 64 : index
        %parallel_loop3A_894 = tpu.vector_load %arg15[%parallel_loop3A_892, %parallel_loop3A_893] {strides = array<i32>} : memref<256x128xf32, #tpu.memory_space<vmem>>, vector<16xf32>,
        %parallel_loop3A_895 = arith.mulf %parallel_loop3A_894, %parallel_loop3A_863 : vector<16xf32>
        %parallel_loop3A_896 = arith.index_cast %parallel_loop3A_859 : i32 to index
        %parallel_loop3A_897 = arith.constant 64 : index
        %parallel_loop3A_898 = tpu.vector_load %arg15[%parallel_loop3A_896, %parallel_loop3A_897] {strides = array<i32>} : memref<256x128xf32, #tpu.memory_space<vmem>>, vector<16xf32>,
        tpu.vector_store %arg15[%parallel_loop3A_896, %parallel_loop3A_897], %parallel_loop3A_895 {strides = array<i32>} : memref<256x128xf32, #tpu.memory_space<vmem>>, vector<16xf32>,
        %parallel_loop3A_899 = arith.index_cast %parallel_loop3A_859 : i32 to index
        %parallel_loop3A_900 = arith.constant 80 : index
        %parallel_loop3A_901 = tpu.vector_load %arg15[%parallel_loop3A_899, %parallel_loop3A_900] {strides = array<i32>} : memref<256x128xf32, #tpu.memory_space<vmem>>, vector<16xf32>,
        %parallel_loop3A_902 = arith.mulf %parallel_loop3A_901, %parallel_loop3A_863 : vector<16xf32>
        %parallel_loop3A_903 = arith.index_cast %parallel_loop3A_859 : i32 to index
        %parallel_loop3A_904 = arith.constant 80 : index
        %parallel_loop3A_905 = tpu.vector_load %arg15[%parallel_loop3A_903, %parallel_loop3A_904] {strides = array<i32>} : memref<256x128xf32, #tpu.memory_space<vmem>>, vector<16xf32>,
        tpu.vector_store %arg15[%parallel_loop3A_903, %parallel_loop3A_904], %parallel_loop3A_902 {strides = array<i32>} : memref<256x128xf32, #tpu.memory_space<vmem>>, vector<16xf32>,
        %parallel_loop3A_906 = arith.index_cast %parallel_loop3A_859 : i32 to index
        %parallel_loop3A_907 = arith.constant 96 : index
        %parallel_loop3A_908 = tpu.vector_load %arg15[%parallel_loop3A_906, %parallel_loop3A_907] {strides = array<i32>} : memref<256x128xf32, #tpu.memory_space<vmem>>, vector<16xf32>,
        %parallel_loop3A_909 = arith.mulf %parallel_loop3A_908, %parallel_loop3A_863 : vector<16xf32>
        %parallel_loop3A_910 = arith.index_cast %parallel_loop3A_859 : i32 to index
        %parallel_loop3A_911 = arith.constant 96 : index
        %parallel_loop3A_912 = tpu.vector_load %arg15[%parallel_loop3A_910, %parallel_loop3A_911] {strides = array<i32>} : memref<256x128xf32, #tpu.memory_space<vmem>>, vector<16xf32>,
        tpu.vector_store %arg15[%parallel_loop3A_910, %parallel_loop3A_911], %parallel_loop3A_909 {strides = array<i32>} : memref<256x128xf32, #tpu.memory_space<vmem>>, vector<16xf32>,
        %parallel_loop3A_913 = arith.index_cast %parallel_loop3A_859 : i32 to index
        %parallel_loop3A_914 = arith.constant 112 : index
        %parallel_loop3A_915 = tpu.vector_load %arg15[%parallel_loop3A_913, %parallel_loop3A_914] {strides = array<i32>} : memref<256x128xf32, #tpu.memory_space<vmem>>, vector<16xf32>,
        %parallel_loop3A_916 = arith.mulf %parallel_loop3A_915, %parallel_loop3A_863 : vector<16xf32>
        %parallel_loop3A_917 = arith.index_cast %parallel_loop3A_859 : i32 to index
        %parallel_loop3A_918 = arith.constant 112 : index
        %parallel_loop3A_919 = tpu.vector_load %arg15[%parallel_loop3A_917, %parallel_loop3A_918] {strides = array<i32>} : memref<256x128xf32, #tpu.memory_space<vmem>>, vector<16xf32>,
        tpu.vector_store %arg15[%parallel_loop3A_917, %parallel_loop3A_918], %parallel_loop3A_916 {strides = array<i32>} : memref<256x128xf32, #tpu.memory_space<vmem>>, vector<16xf32>,
      } {sc.loop_unroll_factor = 4 : i64, sc.parallel_access}
      %dma_wait3A_726 = arith.constant 5 : i32
      %dma_wait3A_727 = arith.constant 128 : i32
      %dma_wait3A_728 = arith.constant 0 : i32
      %dma_wait3A_729 = tpu.memref_slice %arg15[%dma_wait3A_727, %dma_wait3A_728] : memref<256x128xf32, #tpu.memory_space<vmem>> -> memref<128x128xf32, #tpu.memory_space<vmem>>
      %dma_wait3A_730 = arith.constant 0 : i32
      %dma_wait3A_731 = tpu.memref_slice %arg12[%dma_wait3A_726, %dma_wait3A_730] : memref<8x128xi32, #tpu.memory_space<vmem>> -> memref<1x128xi32, #tpu.memory_space<vmem>>
      %dma_wait3A_732 = tpu.memref_squeeze %dma_wait3A_731 : memref<1x128xi32, #tpu.memory_space<vmem>> -> memref<128xi32, #tpu.memory_space<vmem>>
      %dma_wait3A_733 = arith.constant 0 : i32
      %dma_wait3A_734 = arith.constant 0 : i32
      %dma_wait3A_735 = tpu.memref_slice %arg17[%dma_wait3A_733, %dma_wait3A_734] : memref<10240x128xf32, #tpu.memory_space<vmem_shared>> -> memref<10240x128xf32, #tpu.memory_space<vmem_shared>>
      tpu.wait_indirect_dma semaphore(%arg21 : memref<!tpu.dma_semaphore, #tpu.memory_space<semaphore_mem>>) src(%dma_wait3A_729 : memref<128x128xf32, #tpu.memory_space<vmem>>) dst(%dma_wait3A_735 : memref<10240x128xf32, #tpu.memory_space<vmem_shared>>)
      %dma_start3A_736 = arith.constant 7 : i32
      %dma_start3A_737 = arith.constant 128 : i32
      %dma_start3A_738 = arith.constant 0 : i32
      %dma_start3A_739 = tpu.memref_slice %arg15[%dma_start3A_737, %dma_start3A_738] : memref<256x128xf32, #tpu.memory_space<vmem>> -> memref<128x128xf32, #tpu.memory_space<vmem>>
      %dma_start3A_740 = arith.constant 0 : i32
      %dma_start3A_741 = tpu.memref_slice %arg12[%dma_start3A_736, %dma_start3A_740] : memref<8x128xi32, #tpu.memory_space<vmem>> -> memref<1x128xi32, #tpu.memory_space<vmem>>
      %dma_start3A_742 = tpu.memref_squeeze %dma_start3A_741 : memref<1x128xi32, #tpu.memory_space<vmem>> -> memref<128xi32, #tpu.memory_space<vmem>>
      %dma_start3A_743 = arith.constant 0 : i32
      %dma_start3A_744 = arith.constant 0 : i32
      %dma_start3A_745 = tpu.memref_slice %arg17[%dma_start3A_743, %dma_start3A_744] : memref<10240x128xf32, #tpu.memory_space<vmem_shared>> -> memref<10240x128xf32, #tpu.memory_space<vmem_shared>>
      tpu.enqueue_indirect_dma source(%dma_start3A_739 : memref<128x128xf32, #tpu.memory_space<vmem>>) target(%dma_start3A_745 : memref<10240x128xf32, #tpu.memory_space<vmem_shared>>) offsets(%dma_start3A_742 : memref<128xi32, #tpu.memory_space<vmem>>) semaphore(%arg21 : memref<!tpu.dma_semaphore, #tpu.memory_space<semaphore_mem>>) {add = true}
      %dma_start3A_746 = arith.constant 7 : i32
      %dma_start3A_747 = arith.constant 7 : i32
      %dma_start3A_748 = arith.constant 0 : i32
      %dma_start3A_749 = tpu.memref_slice %arg16[%dma_start3A_746, %dma_start3A_748] : memref<8x128xf32, #tpu.memory_space<vmem>> -> memref<1x128xf32, #tpu.memory_space<vmem>>
      %dma_start3A_750 = tpu.memref_squeeze %dma_start3A_749 : memref<1x128xf32, #tpu.memory_space<vmem>> -> memref<128xf32, #tpu.memory_space<vmem>>
      %dma_start3A_751 = arith.constant 0 : i32
      %dma_start3A_752 = tpu.memref_slice %arg12[%dma_start3A_747, %dma_start3A_751] : memref<8x128xi32, #tpu.memory_space<vmem>> -> memref<1x128xi32, #tpu.memory_space<vmem>>
      %dma_start3A_753 = tpu.memref_squeeze %dma_start3A_752 : memref<1x128xi32, #tpu.memory_space<vmem>> -> memref<128xi32, #tpu.memory_space<vmem>>
      %dma_start3A_754 = arith.constant 0 : i32
      %dma_start3A_755 = tpu.memref_slice %arg18[%dma_start3A_754] : memref<10240xf32, #tpu.memory_space<vmem_shared>> -> memref<10240xf32, #tpu.memory_space<vmem_shared>>
      tpu.enqueue_indirect_dma source(%dma_start3A_750 : memref<128xf32, #tpu.memory_space<vmem>>) target(%dma_start3A_755 : memref<10240xf32, #tpu.memory_space<vmem_shared>>) offsets(%dma_start3A_753 : memref<128xi32, #tpu.memory_space<vmem>>) semaphore(%arg22 : memref<!tpu.dma_semaphore, #tpu.memory_space<semaphore_mem>>) {add = true}
      %dma_wait3A_756 = arith.constant 6 : i32
      %dma_wait3A_757 = arith.constant 0 : i32
      %dma_wait3A_758 = arith.constant 0 : i32
      %dma_wait3A_759 = tpu.memref_slice %arg15[%dma_wait3A_757, %dma_wait3A_758] : memref<256x128xf32, #tpu.memory_space<vmem>> -> memref<128x128xf32, #tpu.memory_space<vmem>>
      %dma_wait3A_760 = arith.constant 0 : i32
      %dma_wait3A_761 = tpu.memref_slice %arg12[%dma_wait3A_756, %dma_wait3A_760] : memref<8x128xi32, #tpu.memory_space<vmem>> -> memref<1x128xi32, #tpu.memory_space<vmem>>
      %dma_wait3A_762 = tpu.memref_squeeze %dma_wait3A_761 : memref<1x128xi32, #tpu.memory_space<vmem>> -> memref<128xi32, #tpu.memory_space<vmem>>
      %dma_wait3A_763 = arith.constant 0 : i32
      %dma_wait3A_764 = arith.constant 0 : i32
      %dma_wait3A_765 = tpu.memref_slice %arg17[%dma_wait3A_763, %dma_wait3A_764] : memref<10240x128xf32, #tpu.memory_space<vmem_shared>> -> memref<10240x128xf32, #tpu.memory_space<vmem_shared>>
      tpu.wait_indirect_dma semaphore(%arg21 : memref<!tpu.dma_semaphore, #tpu.memory_space<semaphore_mem>>) src(%dma_wait3A_759 : memref<128x128xf32, #tpu.memory_space<vmem>>) dst(%dma_wait3A_765 : memref<10240x128xf32, #tpu.memory_space<vmem_shared>>)
      %dma_wait3A_766 = arith.constant 7 : i32
      %dma_wait3A_767 = arith.constant 128 : i32
      %dma_wait3A_768 = arith.constant 0 : i32
      %dma_wait3A_769 = tpu.memref_slice %arg15[%dma_wait3A_767, %dma_wait3A_768] : memref<256x128xf32, #tpu.memory_space<vmem>> -> memref<128x128xf32, #tpu.memory_space<vmem>>
      %dma_wait3A_770 = arith.constant 0 : i32
      %dma_wait3A_771 = tpu.memref_slice %arg12[%dma_wait3A_766, %dma_wait3A_770] : memref<8x128xi32, #tpu.memory_space<vmem>> -> memref<1x128xi32, #tpu.memory_space<vmem>>
      %dma_wait3A_772 = tpu.memref_squeeze %dma_wait3A_771 : memref<1x128xi32, #tpu.memory_space<vmem>> -> memref<128xi32, #tpu.memory_space<vmem>>
      %dma_wait3A_773 = arith.constant 0 : i32
      %dma_wait3A_774 = arith.constant 0 : i32
      %dma_wait3A_775 = tpu.memref_slice %arg17[%dma_wait3A_773, %dma_wait3A_774] : memref<10240x128xf32, #tpu.memory_space<vmem_shared>> -> memref<10240x128xf32, #tpu.memory_space<vmem_shared>>
      tpu.wait_indirect_dma semaphore(%arg21 : memref<!tpu.dma_semaphore, #tpu.memory_space<semaphore_mem>>) src(%dma_wait3A_769 : memref<128x128xf32, #tpu.memory_space<vmem>>) dst(%dma_wait3A_775 : memref<10240x128xf32, #tpu.memory_space<vmem_shared>>)
      %dma_wait3A_776 = arith.constant 0 : i32
      %dma_wait3A_777 = arith.constant 0 : i32
      %dma_wait3A_778 = arith.constant 0 : i32
      %dma_wait3A_779 = tpu.memref_slice %arg16[%dma_wait3A_776, %dma_wait3A_778] : memref<8x128xf32, #tpu.memory_space<vmem>> -> memref<1x128xf32, #tpu.memory_space<vmem>>
      %dma_wait3A_780 = tpu.memref_squeeze %dma_wait3A_779 : memref<1x128xf32, #tpu.memory_space<vmem>> -> memref<128xf32, #tpu.memory_space<vmem>>
      %dma_wait3A_781 = arith.constant 0 : i32
      %dma_wait3A_782 = tpu.memref_slice %arg12[%dma_wait3A_777, %dma_wait3A_781] : memref<8x128xi32, #tpu.memory_space<vmem>> -> memref<1x128xi32, #tpu.memory_space<vmem>>
      %dma_wait3A_783 = tpu.memref_squeeze %dma_wait3A_782 : memref<1x128xi32, #tpu.memory_space<vmem>> -> memref<128xi32, #tpu.memory_space<vmem>>
      %dma_wait3A_784 = arith.constant 0 : i32
      %dma_wait3A_785 = tpu.memref_slice %arg18[%dma_wait3A_784] : memref<10240xf32, #tpu.memory_space<vmem_shared>> -> memref<10240xf32, #tpu.memory_space<vmem_shared>>
      tpu.wait_indirect_dma semaphore(%arg22 : memref<!tpu.dma_semaphore, #tpu.memory_space<semaphore_mem>>) src(%dma_wait3A_780 : memref<128xf32, #tpu.memory_space<vmem>>) dst(%dma_wait3A_785 : memref<10240xf32, #tpu.memory_space<vmem_shared>>)
      %dma_wait3A_786 = arith.constant 1 : i32
      %dma_wait3A_787 = arith.constant 1 : i32
      %dma_wait3A_788 = arith.constant 0 : i32
      %dma_wait3A_789 = tpu.memref_slice %arg16[%dma_wait3A_786, %dma_wait3A_788] : memref<8x128xf32, #tpu.memory_space<vmem>> -> memref<1x128xf32, #tpu.memory_space<vmem>>
      %dma_wait3A_790 = tpu.memref_squeeze %dma_wait3A_789 : memref<1x128xf32, #tpu.memory_space<vmem>> -> memref<128xf32, #tpu.memory_space<vmem>>
      %dma_wait3A_791 = arith.constant 0 : i32
      %dma_wait3A_792 = tpu.memref_slice %arg12[%dma_wait3A_787, %dma_wait3A_791] : memref<8x128xi32, #tpu.memory_space<vmem>> -> memref<1x128xi32, #tpu.memory_space<vmem>>
      %dma_wait3A_793 = tpu.memref_squeeze %dma_wait3A_792 : memref<1x128xi32, #tpu.memory_space<vmem>> -> memref<128xi32, #tpu.memory_space<vmem>>
      %dma_wait3A_794 = arith.constant 0 : i32
      %dma_wait3A_795 = tpu.memref_slice %arg18[%dma_wait3A_794] : memref<10240xf32, #tpu.memory_space<vmem_shared>> -> memref<10240xf32, #tpu.memory_space<vmem_shared>>
      tpu.wait_indirect_dma semaphore(%arg22 : memref<!tpu.dma_semaphore, #tpu.memory_space<semaphore_mem>>) src(%dma_wait3A_790 : memref<128xf32, #tpu.memory_space<vmem>>) dst(%dma_wait3A_795 : memref<10240xf32, #tpu.memory_space<vmem_shared>>)
      %dma_wait3A_796 = arith.constant 2 : i32
      %dma_wait3A_797 = arith.constant 2 : i32
      %dma_wait3A_798 = arith.constant 0 : i32
      %dma_wait3A_799 = tpu.memref_slice %arg16[%dma_wait3A_796, %dma_wait3A_798] : memref<8x128xf32, #tpu.memory_space<vmem>> -> memref<1x128xf32, #tpu.memory_space<vmem>>
      %dma_wait3A_800 = tpu.memref_squeeze %dma_wait3A_799 : memref<1x128xf32, #tpu.memory_space<vmem>> -> memref<128xf32, #tpu.memory_space<vmem>>
      %dma_wait3A_801 = arith.constant 0 : i32
      %dma_wait3A_802 = tpu.memref_slice %arg12[%dma_wait3A_797, %dma_wait3A_801] : memref<8x128xi32, #tpu.memory_space<vmem>> -> memref<1x128xi32, #tpu.memory_space<vmem>>
      %dma_wait3A_803 = tpu.memref_squeeze %dma_wait3A_802 : memref<1x128xi32, #tpu.memory_space<vmem>> -> memref<128xi32, #tpu.memory_space<vmem>>
      %dma_wait3A_804 = arith.constant 0 : i32
      %dma_wait3A_805 = tpu.memref_slice %arg18[%dma_wait3A_804] : memref<10240xf32, #tpu.memory_space<vmem_shared>> -> memref<10240xf32, #tpu.memory_space<vmem_shared>>
      tpu.wait_indirect_dma semaphore(%arg22 : memref<!tpu.dma_semaphore, #tpu.memory_space<semaphore_mem>>) src(%dma_wait3A_800 : memref<128xf32, #tpu.memory_space<vmem>>) dst(%dma_wait3A_805 : memref<10240xf32, #tpu.memory_space<vmem_shared>>)
      %dma_wait3A_806 = arith.constant 3 : i32
      %dma_wait3A_807 = arith.constant 3 : i32
      %dma_wait3A_808 = arith.constant 0 : i32
      %dma_wait3A_809 = tpu.memref_slice %arg16[%dma_wait3A_806, %dma_wait3A_808] : memref<8x128xf32, #tpu.memory_space<vmem>> -> memref<1x128xf32, #tpu.memory_space<vmem>>
      %dma_wait3A_810 = tpu.memref_squeeze %dma_wait3A_809 : memref<1x128xf32, #tpu.memory_space<vmem>> -> memref<128xf32, #tpu.memory_space<vmem>>
      %dma_wait3A_811 = arith.constant 0 : i32
      %dma_wait3A_812 = tpu.memref_slice %arg12[%dma_wait3A_807, %dma_wait3A_811] : memref<8x128xi32, #tpu.memory_space<vmem>> -> memref<1x128xi32, #tpu.memory_space<vmem>>
      %dma_wait3A_813 = tpu.memref_squeeze %dma_wait3A_812 : memref<1x128xi32, #tpu.memory_space<vmem>> -> memref<128xi32, #tpu.memory_space<vmem>>
      %dma_wait3A_814 = arith.constant 0 : i32
      %dma_wait3A_815 = tpu.memref_slice %arg18[%dma_wait3A_814] : memref<10240xf32, #tpu.memory_space<vmem_shared>> -> memref<10240xf32, #tpu.memory_space<vmem_shared>>
      tpu.wait_indirect_dma semaphore(%arg22 : memref<!tpu.dma_semaphore, #tpu.memory_space<semaphore_mem>>) src(%dma_wait3A_810 : memref<128xf32, #tpu.memory_space<vmem>>) dst(%dma_wait3A_815 : memref<10240xf32, #tpu.memory_space<vmem_shared>>)
      %dma_wait3A_816 = arith.constant 4 : i32
      %dma_wait3A_817 = arith.constant 4 : i32
      %dma_wait3A_818 = arith.constant 0 : i32
      %dma_wait3A_819 = tpu.memref_slice %arg16[%dma_wait3A_816, %dma_wait3A_818] : memref<8x128xf32, #tpu.memory_space<vmem>> -> memref<1x128xf32, #tpu.memory_space<vmem>>
      %dma_wait3A_820 = tpu.memref_squeeze %dma_wait3A_819 : memref<1x128xf32, #tpu.memory_space<vmem>> -> memref<128xf32, #tpu.memory_space<vmem>>
      %dma_wait3A_821 = arith.constant 0 : i32
      %dma_wait3A_822 = tpu.memref_slice %arg12[%dma_wait3A_817, %dma_wait3A_821] : memref<8x128xi32, #tpu.memory_space<vmem>> -> memref<1x128xi32, #tpu.memory_space<vmem>>
      %dma_wait3A_823 = tpu.memref_squeeze %dma_wait3A_822 : memref<1x128xi32, #tpu.memory_space<vmem>> -> memref<128xi32, #tpu.memory_space<vmem>>
      %dma_wait3A_824 = arith.constant 0 : i32
      %dma_wait3A_825 = tpu.memref_slice %arg18[%dma_wait3A_824] : memref<10240xf32, #tpu.memory_space<vmem_shared>> -> memref<10240xf32, #tpu.memory_space<vmem_shared>>
      tpu.wait_indirect_dma semaphore(%arg22 : memref<!tpu.dma_semaphore, #tpu.memory_space<semaphore_mem>>) src(%dma_wait3A_820 : memref<128xf32, #tpu.memory_space<vmem>>) dst(%dma_wait3A_825 : memref<10240xf32, #tpu.memory_space<vmem_shared>>)
      %dma_wait3A_826 = arith.constant 5 : i32
      %dma_wait3A_827 = arith.constant 5 : i32
      %dma_wait3A_828 = arith.constant 0 : i32
      %dma_wait3A_829 = tpu.memref_slice %arg16[%dma_wait3A_826, %dma_wait3A_828] : memref<8x128xf32, #tpu.memory_space<vmem>> -> memref<1x128xf32, #tpu.memory_space<vmem>>
      %dma_wait3A_830 = tpu.memref_squeeze %dma_wait3A_829 : memref<1x128xf32, #tpu.memory_space<vmem>> -> memref<128xf32, #tpu.memory_space<vmem>>
      %dma_wait3A_831 = arith.constant 0 : i32
      %dma_wait3A_832 = tpu.memref_slice %arg12[%dma_wait3A_827, %dma_wait3A_831] : memref<8x128xi32, #tpu.memory_space<vmem>> -> memref<1x128xi32, #tpu.memory_space<vmem>>
      %dma_wait3A_833 = tpu.memref_squeeze %dma_wait3A_832 : memref<1x128xi32, #tpu.memory_space<vmem>> -> memref<128xi32, #tpu.memory_space<vmem>>
      %dma_wait3A_834 = arith.constant 0 : i32
      %dma_wait3A_835 = tpu.memref_slice %arg18[%dma_wait3A_834] : memref<10240xf32, #tpu.memory_space<vmem_shared>> -> memref<10240xf32, #tpu.memory_space<vmem_shared>>
      tpu.wait_indirect_dma semaphore(%arg22 : memref<!tpu.dma_semaphore, #tpu.memory_space<semaphore_mem>>) src(%dma_wait3A_830 : memref<128xf32, #tpu.memory_space<vmem>>) dst(%dma_wait3A_835 : memref<10240xf32, #tpu.memory_space<vmem_shared>>)
      %dma_wait3A_836 = arith.constant 6 : i32
      %dma_wait3A_837 = arith.constant 6 : i32
      %dma_wait3A_838 = arith.constant 0 : i32
      %dma_wait3A_839 = tpu.memref_slice %arg16[%dma_wait3A_836, %dma_wait3A_838] : memref<8x128xf32, #tpu.memory_space<vmem>> -> memref<1x128xf32, #tpu.memory_space<vmem>>
      %dma_wait3A_840 = tpu.memref_squeeze %dma_wait3A_839 : memref<1x128xf32, #tpu.memory_space<vmem>> -> memref<128xf32, #tpu.memory_space<vmem>>
      %dma_wait3A_841 = arith.constant 0 : i32
      %dma_wait3A_842 = tpu.memref_slice %arg12[%dma_wait3A_837, %dma_wait3A_841] : memref<8x128xi32, #tpu.memory_space<vmem>> -> memref<1x128xi32, #tpu.memory_space<vmem>>
      %dma_wait3A_843 = tpu.memref_squeeze %dma_wait3A_842 : memref<1x128xi32, #tpu.memory_space<vmem>> -> memref<128xi32, #tpu.memory_space<vmem>>
      %dma_wait3A_844 = arith.constant 0 : i32
      %dma_wait3A_845 = tpu.memref_slice %arg18[%dma_wait3A_844] : memref<10240xf32, #tpu.memory_space<vmem_shared>> -> memref<10240xf32, #tpu.memory_space<vmem_shared>>
      tpu.wait_indirect_dma semaphore(%arg22 : memref<!tpu.dma_semaphore, #tpu.memory_space<semaphore_mem>>) src(%dma_wait3A_840 : memref<128xf32, #tpu.memory_space<vmem>>) dst(%dma_wait3A_845 : memref<10240xf32, #tpu.memory_space<vmem_shared>>)
      %dma_wait3A_846 = arith.constant 7 : i32
      %dma_wait3A_847 = arith.constant 7 : i32
      %dma_wait3A_848 = arith.constant 0 : i32
      %dma_wait3A_849 = tpu.memref_slice %arg16[%dma_wait3A_846, %dma_wait3A_848] : memref<8x128xf32, #tpu.memory_space<vmem>> -> memref<1x128xf32, #tpu.memory_space<vmem>>
      %dma_wait3A_850 = tpu.memref_squeeze %dma_wait3A_849 : memref<1x128xf32, #tpu.memory_space<vmem>> -> memref<128xf32, #tpu.memory_space<vmem>>
      %dma_wait3A_851 = arith.constant 0 : i32
      %dma_wait3A_852 = tpu.memref_slice %arg12[%dma_wait3A_847, %dma_wait3A_851] : memref<8x128xi32, #tpu.memory_space<vmem>> -> memref<1x128xi32, #tpu.memory_space<vmem>>
      %dma_wait3A_853 = tpu.memref_squeeze %dma_wait3A_852 : memref<1x128xi32, #tpu.memory_space<vmem>> -> memref<128xi32, #tpu.memory_space<vmem>>
      %dma_wait3A_854 = arith.constant 0 : i32
      %dma_wait3A_855 = tpu.memref_slice %arg18[%dma_wait3A_854] : memref<10240xf32, #tpu.memory_space<vmem_shared>> -> memref<10240xf32, #tpu.memory_space<vmem_shared>>
      tpu.wait_indirect_dma semaphore(%arg22 : memref<!tpu.dma_semaphore, #tpu.memory_space<semaphore_mem>>) src(%dma_wait3A_850 : memref<128xf32, #tpu.memory_space<vmem>>) dst(%dma_wait3A_855 : memref<10240xf32, #tpu.memory_space<vmem_shared>>)
      %scan3A_856 = arith.constant 0 : i32
      scf.yield %scan3A_856 : i32
    }
    %scan3A_10 = arith.constant 10 : i32
    %barrier3A_11 = arith.constant 0 : index
    tpu.barrier barrier_id(%barrier3A_11)
    %mul3A_12 = arith.constant 640 : i32
    %mul3A_13 = arith.muli %arg1, %mul3A_12 : i32
    %mul3A_14 = arith.constant 640 : i32
    %mul3A_15 = arith.muli %arg1, %mul3A_14 : i32
    "tpu.region"() ({
      %run_scoped3A = tpu.sem_alloc : memref<!tpu.dma_semaphore, #tpu.memory_space<semaphore_mem>>
      %dma_start3A = arith.constant 0 : i32
      %dma_start3A_21 = tpu.memref_slice %arg9[%arg0, %mul3A_15, %dma_start3A] : memref<2x10240x128xf32, #tpu.memory_space<hbm>> -> memref<1x640x128xf32, #tpu.memory_space<hbm>>
      %dma_start3A_22 = tpu.memref_squeeze %dma_start3A_21 : memref<1x640x128xf32, #tpu.memory_space<hbm>> -> memref<640x128xf32, #tpu.memory_space<hbm>>
      %dma_start3A_23 = arith.constant 0 : i32
      %dma_start3A_24 = tpu.memref_slice %arg17[%mul3A_13, %dma_start3A_23] : memref<10240x128xf32, #tpu.memory_space<vmem_shared>> -> memref<640x128xf32, #tpu.memory_space<vmem_shared>>
      tpu.enqueue_dma source(%dma_start3A_24 : memref<640x128xf32, #tpu.memory_space<vmem_shared>>) target(%dma_start3A_22 : memref<640x128xf32, #tpu.memory_space<hbm>>) target_semaphore(%run_scoped3A : memref<!tpu.dma_semaphore, #tpu.memory_space<semaphore_mem>>)
      %dma_wait3A = arith.constant 0 : i32
      %dma_wait3A_25 = tpu.memref_slice %arg9[%arg0, %mul3A_15, %dma_wait3A] : memref<2x10240x128xf32, #tpu.memory_space<hbm>> -> memref<1x640x128xf32, #tpu.memory_space<hbm>>
      %dma_wait3A_26 = tpu.memref_squeeze %dma_wait3A_25 : memref<1x640x128xf32, #tpu.memory_space<hbm>> -> memref<640x128xf32, #tpu.memory_space<hbm>>
      %dma_wait3A_27 = arith.constant 0 : i32
      %dma_wait3A_28 = tpu.memref_slice %arg17[%mul3A_13, %dma_wait3A_27] : memref<10240x128xf32, #tpu.memory_space<vmem_shared>> -> memref<640x128xf32, #tpu.memory_space<vmem_shared>>
      tpu.wait_dma2 semaphore(%run_scoped3A : memref<!tpu.dma_semaphore, #tpu.memory_space<semaphore_mem>>) src(%dma_wait3A_28 : memref<640x128xf32, #tpu.memory_space<vmem_shared>>) dst(%dma_wait3A_26 : memref<640x128xf32, #tpu.memory_space<hbm>>)
      tpu.yield
    }) : () -> ()
    %eq3A_16 = arith.constant 0 : i32
    %eq3A_17 = arith.cmpi eq, %arg1, %eq3A_16 : i32
    %convert_element_type3A_18 = arith.extui %eq3A_17 : i1 to i32
    %cond3A_19 = arith.constant 0 : i32
    %cond3A_20 = arith.cmpi ne, %convert_element_type3A_18, %cond3A_19 : i32
    scf.if %cond3A_20 {
      "tpu.region"() ({
        %run_scoped3A = tpu.sem_alloc : memref<!tpu.dma_semaphore, #tpu.memory_space<semaphore_mem>>
        %dma_start3A = arith.constant 0 : i32
        %dma_start3A_21 = tpu.memref_slice %arg10[%arg0, %dma_start3A] : memref<2x10240xf32, #tpu.memory_space<hbm>> -> memref<1x10240xf32, #tpu.memory_space<hbm>>
        %dma_start3A_22 = tpu.memref_squeeze %dma_start3A_21 : memref<1x10240xf32, #tpu.memory_space<hbm>> -> memref<10240xf32, #tpu.memory_space<hbm>>
        tpu.enqueue_dma source(%arg18 : memref<10240xf32, #tpu.memory_space<vmem_shared>>) target(%dma_start3A_22 : memref<10240xf32, #tpu.memory_space<hbm>>) target_semaphore(%run_scoped3A : memref<!tpu.dma_semaphore, #tpu.memory_space<semaphore_mem>>)
        %dma_wait3A = arith.constant 0 : i32
        %dma_wait3A_23 = tpu.memref_slice %arg10[%arg0, %dma_wait3A] : memref<2x10240xf32, #tpu.memory_space<hbm>> -> memref<1x10240xf32, #tpu.memory_space<hbm>>
        %dma_wait3A_24 = tpu.memref_squeeze %dma_wait3A_23 : memref<1x10240xf32, #tpu.memory_space<hbm>> -> memref<10240xf32, #tpu.memory_space<hbm>>
        tpu.wait_dma2 semaphore(%run_scoped3A : memref<!tpu.dma_semaphore, #tpu.memory_space<semaphore_mem>>) src(%arg18 : memref<10240xf32, #tpu.memory_space<vmem_shared>>) dst(%dma_wait3A_24 : memref<10240xf32, #tpu.memory_space<hbm>>)
        tpu.yield
      }) : () -> ()
    } else {
    }
    return
  }
}

module attributes {stable_mosaic.version = 14 : i64} {
  func.func @_dense_body(%arg0: i32, %arg1: memref<1024x128xf32, #tpu.memory_space<vmem>>, %arg2: memref<1024x128xf32, #tpu.memory_space<vmem>>, %arg3: memref<128x128xf32, #tpu.memory_space<vmem>>, %arg4: memref<128xf32, #tpu.memory_space<vmem>>, %arg5: memref<128xf32, #tpu.memory_space<vmem>>, %arg6: memref<1024x128xf32, #tpu.memory_space<vmem>>, %arg7: memref<1024xf32, #tpu.memory_space<vmem>>, %arg8: memref<1024xf32, #tpu.memory_space<vmem>>) attributes {dimension_semantics = [#tpu.dimension_semantics<arbitrary>], iteration_bounds = array<i64: 10>, scalar_prefetch = 0 : i64, scratch_operands = 0 : i64, tpu.core_type = #tpu.core_type<tc>, window_params = [{transform_indices = @transform_0, window_bounds = array<i64: 1024, 128>}, {transform_indices = @transform_1, window_bounds = array<i64: 1024, 128>}, {pipeline_mode = #tpu.pipeline_mode<synchronous>, transform_indices = @transform_2, window_bounds = array<i64: 128, 128>}, {pipeline_mode = #tpu.pipeline_mode<synchronous>, transform_indices = @transform_3, window_bounds = array<i64: 128>}, {pipeline_mode = #tpu.pipeline_mode<synchronous>, transform_indices = @transform_4, window_bounds = array<i64: 128>}, {transform_indices = @transform_5, window_bounds = array<i64: 1024, 128>}, {transform_indices = @transform_6, window_bounds = array<i64: 1024>}, {transform_indices = @transform_7, window_bounds = array<i64: 1024>}]} {
    %get3A = arith.constant 0 : index
    %get3A_0 = arith.constant 0 : index
    %get3A_1 = vector.load %arg1[%get3A, %get3A_0] : memref<1024x128xf32, #tpu.memory_space<vmem>>, vector<1024x128xf32>
    %get3A_2 = arith.constant 0 : index
    %get3A_3 = arith.constant 0 : index
    %get3A_4 = vector.load %arg3[%get3A_2, %get3A_3] : memref<128x128xf32, #tpu.memory_space<vmem>>, vector<128x128xf32>
    %dot_general3A = arith.constant dense<0.000000e+00> : vector<1024x128xf32>
    %dot_general3A_5 = tpu.matmul %get3A_1, %get3A_4, %dot_general3A {dimension_numbers = #tpu.dot_dimension_numbers<[1], [0], [0], [1], [0, 0, 1, 1], [], []>, transpose_lhs_hint = false} : vector<1024x128xf32>, vector<128x128xf32>, vector<1024x128xf32> -> vector<1024x128xf32>
    %swap3A = arith.constant 0 : index
    %swap3A_6 = arith.constant 0 : index
    %swap3A_7 = vector.load %arg6[%swap3A, %swap3A_6] : memref<1024x128xf32, #tpu.memory_space<vmem>>, vector<1024x128xf32>
    tpu.vector_store %arg6[%swap3A, %swap3A_6], %dot_general3A_5 {strides = array<i32>} : memref<1024x128xf32, #tpu.memory_space<vmem>>, vector<1024x128xf32>,
    %get3A_8 = arith.constant 0 : index
    %get3A_9 = vector.load %arg4[%get3A_8] : memref<128xf32, #tpu.memory_space<vmem>>, vector<128xf32>
    %dot_general3A_10 = arith.constant dense<0.000000e+00> : vector<1024xf32>
    %dot_general3A_11 = tpu.matmul %dot_general3A_5, %get3A_9, %dot_general3A_10 {dimension_numbers = #tpu.dot_dimension_numbers<[1], [0], [0], [], [0, 0], [], []>, transpose_lhs_hint = false} : vector<1024x128xf32>, vector<128xf32>, vector<1024xf32> -> vector<1024xf32>
    %swap3A_12 = arith.constant 0 : index
    %swap3A_13 = vector.load %arg7[%swap3A_12] : memref<1024xf32, #tpu.memory_space<vmem>>, vector<1024xf32>
    tpu.vector_store %arg7[%swap3A_12], %dot_general3A_11 {strides = array<i32>} : memref<1024xf32, #tpu.memory_space<vmem>>, vector<1024xf32>,
    %get3A_14 = arith.constant 0 : index
    %get3A_15 = arith.constant 0 : index
    %get3A_16 = vector.load %arg2[%get3A_14, %get3A_15] : memref<1024x128xf32, #tpu.memory_space<vmem>>, vector<1024x128xf32>
    %get3A_17 = arith.constant 0 : index
    %get3A_18 = vector.load %arg5[%get3A_17] : memref<128xf32, #tpu.memory_space<vmem>>, vector<128xf32>
    %dot_general3A_19 = arith.constant dense<0.000000e+00> : vector<1024xf32>
    %dot_general3A_20 = tpu.matmul %get3A_16, %get3A_18, %dot_general3A_19 {dimension_numbers = #tpu.dot_dimension_numbers<[1], [0], [0], [], [0, 0], [], []>, transpose_lhs_hint = false} : vector<1024x128xf32>, vector<128xf32>, vector<1024xf32> -> vector<1024xf32>
    %swap3A_21 = arith.constant 0 : index
    %swap3A_22 = vector.load %arg8[%swap3A_21] : memref<1024xf32, #tpu.memory_space<vmem>>, vector<1024xf32>
    tpu.vector_store %arg8[%swap3A_21], %dot_general3A_20 {strides = array<i32>} : memref<1024xf32, #tpu.memory_space<vmem>>, vector<1024xf32>,
    return
  }
  func.func @transform_0(%arg0: i32) -> (i32, i32) {
    %c0_i32 = arith.constant 0 : i32
    %c0_i32_0 = arith.constant 0 : i32
    return %arg0, %c0_i32 : i32, i32
  }
  func.func @transform_1(%arg0: i32) -> (i32, i32) {
    %c0_i32 = arith.constant 0 : i32
    %c0_i32_0 = arith.constant 0 : i32
    return %arg0, %c0_i32 : i32, i32
  }
  func.func @transform_2(%arg0: i32) -> (i32, i32) {
    %c0_i32 = arith.constant 0 : i32
    %c0_i32_0 = arith.constant 0 : i32
    %c0_i32_1 = arith.constant 0 : i32
    return %c0_i32, %c0_i32_0 : i32, i32
  }
  func.func @transform_3(%arg0: i32) -> i32 {
    %c0_i32 = arith.constant 0 : i32
    %c0_i32_0 = arith.constant 0 : i32
    return %c0_i32 : i32
  }
  func.func @transform_4(%arg0: i32) -> i32 {
    %c0_i32 = arith.constant 0 : i32
    %c0_i32_0 = arith.constant 0 : i32
    return %c0_i32 : i32
  }
  func.func @transform_5(%arg0: i32) -> (i32, i32) {
    %c0_i32 = arith.constant 0 : i32
    %c0_i32_0 = arith.constant 0 : i32
    return %arg0, %c0_i32 : i32, i32
  }
  func.func @transform_6(%arg0: i32) -> i32 {
    %c0_i32 = arith.constant 0 : i32
    return %arg0 : i32
  }
  func.func @transform_7(%arg0: i32) -> i32 {
    %c0_i32 = arith.constant 0 : i32
    return %arg0 : i32
  }
}

module attributes {stable_mosaic.version = 14 : i64} {
  func.func @_combine_body(%arg0: i32, %arg1: memref<2x1024x128xf32, #tpu.memory_space<vmem>>, %arg2: memref<2x1x1x1024xf32, #tpu.memory_space<vmem>>, %arg3: memref<128xf32, #tpu.memory_space<vmem>>, %arg4: memref<1024x128xf32, #tpu.memory_space<vmem>>) attributes {dimension_semantics = [#tpu.dimension_semantics<arbitrary>], iteration_bounds = array<i64: 10>, scalar_prefetch = 0 : i64, scratch_operands = 0 : i64, tpu.core_type = #tpu.core_type<tc>, window_params = [{transform_indices = @transform_0, window_bounds = array<i64: 2, 1024, 128>}, {transform_indices = @transform_1, window_bounds = array<i64: 2, 1, 1, 1024>}, {pipeline_mode = #tpu.pipeline_mode<synchronous>, transform_indices = @transform_2, window_bounds = array<i64: 128>}, {transform_indices = @transform_3, window_bounds = array<i64: 1024, 128>}]} {
    %get3A = arith.constant 0 : index
    %get3A_0 = arith.constant 0 : index
    %get3A_1 = arith.constant 0 : index
    %get3A_2 = vector.load %arg1[%get3A, %get3A_0, %get3A_1] : memref<2x1024x128xf32, #tpu.memory_space<vmem>>, vector<1x1024x128xf32>
    %get3A_3 = vector.shape_cast %get3A_2 : vector<1x1024x128xf32> to vector<1024x128xf32>
    %get3A_4 = arith.constant 1 : index
    %get3A_5 = arith.constant 0 : index
    %get3A_6 = arith.constant 0 : index
    %get3A_7 = vector.load %arg1[%get3A_4, %get3A_5, %get3A_6] : memref<2x1024x128xf32, #tpu.memory_space<vmem>>, vector<1x1024x128xf32>
    %get3A_8 = vector.shape_cast %get3A_7 : vector<1x1024x128xf32> to vector<1024x128xf32>
    %add3A = arith.addf %get3A_3, %get3A_8 : vector<1024x128xf32>
    %get3A_9 = arith.constant 0 : index
    %get3A_10 = arith.constant 0 : index
    %get3A_11 = arith.constant 0 : index
    %get3A_12 = arith.constant 0 : index
    %get3A_13 = vector.load %arg2[%get3A_9, %get3A_10, %get3A_11, %get3A_12] : memref<2x1x1x1024xf32, #tpu.memory_space<vmem>>, vector<1x1x1x1024xf32>
    %get3A_14 = vector.shape_cast %get3A_13 : vector<1x1x1x1024xf32> to vector<1024xf32>
    %get3A_15 = arith.constant 1 : index
    %get3A_16 = arith.constant 0 : index
    %get3A_17 = arith.constant 0 : index
    %get3A_18 = arith.constant 0 : index
    %get3A_19 = vector.load %arg2[%get3A_15, %get3A_16, %get3A_17, %get3A_18] : memref<2x1x1x1024xf32, #tpu.memory_space<vmem>>, vector<1x1x1x1024xf32>
    %get3A_20 = vector.shape_cast %get3A_19 : vector<1x1x1x1024xf32> to vector<1024xf32>
    %add3A_21 = arith.addf %get3A_14, %get3A_20 : vector<1024xf32>
    %broadcast_in_dim3A = vector.shape_cast %add3A_21 : vector<1024xf32> to vector<1024x1xf32>
    %add3A_22 = arith.constant 1.000000e-16 : f32
    %add3A_23 = vector.broadcast %add3A_22 : f32 to vector<1024x1xf32>
    %add3A_24 = arith.addf %broadcast_in_dim3A, %add3A_23 : vector<1024x1xf32>
    %div3A = vector.broadcast %add3A_24 : vector<1024x1xf32> to vector<1024x128xf32>
    %div3A_25 = arith.divf %add3A, %div3A : vector<1024x128xf32>
    %get3A_26 = arith.constant 0 : index
    %get3A_27 = vector.load %arg3[%get3A_26] : memref<128xf32, #tpu.memory_space<vmem>>, vector<128xf32>
    %broadcast_in_dim3A_28 = vector.shape_cast %get3A_27 : vector<128xf32> to vector<1x128xf32>
    %add3A_29 = vector.broadcast %broadcast_in_dim3A_28 : vector<1x128xf32> to vector<1024x128xf32>
    %add3A_30 = arith.addf %div3A_25, %add3A_29 : vector<1024x128xf32>
    %max3A = arith.constant 0.000000e+00 : f32
    %max3A_31 = vector.broadcast %max3A : f32 to vector<1024x128xf32>
    %max3A_32 = arith.maximumf %add3A_30, %max3A_31 : vector<1024x128xf32>
    %swap3A = arith.constant 0 : index
    %swap3A_33 = arith.constant 0 : index
    %swap3A_34 = vector.load %arg4[%swap3A, %swap3A_33] : memref<1024x128xf32, #tpu.memory_space<vmem>>, vector<1024x128xf32>
    tpu.vector_store %arg4[%swap3A, %swap3A_33], %max3A_32 {strides = array<i32>} : memref<1024x128xf32, #tpu.memory_space<vmem>>, vector<1024x128xf32>,
    return
  }
  func.func @transform_0(%arg0: i32) -> (i32, i32, i32) {
    %c0_i32 = arith.constant 0 : i32
    %c0_i32_0 = arith.constant 0 : i32
    %c0_i32_1 = arith.constant 0 : i32
    return %c0_i32, %arg0, %c0_i32_0 : i32, i32, i32
  }
  func.func @transform_1(%arg0: i32) -> (i32, i32, i32, i32) {
    %c0_i32 = arith.constant 0 : i32
    %c0_i32_0 = arith.constant 0 : i32
    %c0_i32_1 = arith.constant 0 : i32
    %c0_i32_2 = arith.constant 0 : i32
    return %c0_i32, %arg0, %c0_i32_0, %c0_i32_1 : i32, i32, i32, i32
  }
  func.func @transform_2(%arg0: i32) -> i32 {
    %c0_i32 = arith.constant 0 : i32
    %c0_i32_0 = arith.constant 0 : i32
    return %c0_i32 : i32
  }
  func.func @transform_3(%arg0: i32) -> (i32, i32) {
    %c0_i32 = arith.constant 0 : i32
    %c0_i32_0 = arith.constant 0 : i32
    return %arg0, %c0_i32 : i32, i32
  }
}

</mosaic_0001>

<sc_bundles>
// kernel: kernel.5.cloned.1.call-start
scs
__scs_entry_jumppad:
0x0: {  	(pc) =	sbr.rel $0x88, $3  }
0x1: {  	(tag) =	ssettag $0x0;
	lr =	simm.s32 $0x1  }
0x2: {  	[smem:$0x3F99] =	sst lr;
	_ =	strace $0xD0000000  }
0x3: {  	_ = 	snop  }
0x4: {  	_ = 	snop  }
0x5: {  	_ = 	snop  }
0x6: {  	_ = 	snop  }
0x7: {  	_ = 	snop  }
__scs_overlays_trampoline_lowered:
0x8: {  	[smem:$0x3FA8] =	sst s0  }
0x9: {  	[smem:$0x3FA9] =	sst s1  }
0xa: {  	[smem:$0x3FAA] =	sst s2  }
0xb: {  	[smem:$0x3FAB] =	sst s3  }
0xc: {  	[smem:$0x3FAC] =	sst s4  }
0xd: {  	[smem:$0x3FAD] =	sst s5  }
0xe: {  	[smem:$0x3FAE] =	sst s6  }
0xf: {  	[smem:$0x3FAF] =	sst s7  }
0x10: {  	[smem:$0x3FB0] =	sst s8  }
0x11: {  	[smem:$0x3FB1] =	sst s9;
	s0 =	simm.s32 @!p0 $0x0  }
0x12: {  	s1 =	sld [smem:$0x3F97];
	s0 =	simm.s32 @p0 $0x1  }
0x13: {  	[smem:$0x3FB2] =	sst s0;
	s0 =	simm.s32 @!p1 $0x0  }
0x14: {  	s2 =	sld [smem:$0x3F96];
	s0 =	simm.s32 @p1 $0x1  }
0x15: {  	[smem:$0x3FB3] =	sst s0;
	s0 =	simm.s32 @!p2 $0x0  }
0x16: {  	s3 =	sld [smem:$0x3FDB];
	s0 =	simm.s32 @p2 $0x1  }
0x17: {  	s4 =	simm.s32 $0x1BF5;
	[smem:$0x3FB5] =	sst s0  }
0x18: {  	s0 =	sld [smem:$0x3F98];
	_ =	swait.ge [sflag:s4], $0x0  }
0x19: {  	s7 =	sld [smem:$0x3F99]  }
0x1a: {  	s8 =	sadd.s32 $0xFFFFE003, lr  }
0x1b: {  	s9 =	sadd.s32 $0xFFFFFEF7, lr;
	s5 =	simm.s32 $0xFFFFFFFF;
	p2 =	slt.u32 s8, $0xFFFFF086  }
0x1c: {  	p1 =	slt.u32 s9, $0xF7A;
	s5 =	simm.s32 @!p2 $0x0  }
0x1d: {  	s5 =	simm.s32 @p1 $0x1;
	p0 =	seq.s32 s7, s2  }
0x1e: {  	s7 =	smul.u32 @!p0 $0xF7A, s2;
	p2 =	seq.s32 @!p0 s5, $0x0  }
0x1f: {  	s9 =	smul.u32 $0xF7A, s1;
	s8 =	simm.s32 @!p0 $0x1BF5;
	p2 =	por !p2, p0  }
0x20: {  	[sflag:s8] =	ssyncset.s32 @!p0 $0xFFFFF086;
	s6 =	sadd.s32 @!p0 s3, s7;
	s7 =	simm.s32 @!p0 $0x108  }
0x21: {  	s3 =	sadd.s32 s3, s9;
	s6 =	sadd.s32 @!p0 $0x88, s6;
	s7 =	simm.s32 @p2 $0x1082  }
0x22: {  	[simem:s7], [sflag:s8] =	dma.local @!p0 [hbm:s6], $0xF7A  }
0x23: {  	s9 =	sor.u32 $0xD0000000, s2;
	s6 =	simm.s32 $0x108;
	_ =	swait.ge @!p0 [sflag:s8], $0x0  }
0x24: {  	s3 =	sadd.s32 $0x88, s3;
	s6 =	simm.s32 @!p1 $0x1082;
	[sflag:s4] =	ssyncset.s32 $0xFFFFF086  }
0x25: {  	[simem:s6], [sflag:s4] =	dma.local [hbm:s3], $0xF7A  }
0x26: {  	[smem:$0x3F99] =	sst s1;
	(tag) =	ssettag s2;
	_ =	strace s9  }
0x27: {  	s1 =	sld [smem:$0x3FA9]  }
0x28: {  	s2 =	sld [smem:$0x3FAA]  }
0x29: {  	s4 =	sld [smem:$0x3FAC]  }
0x2a: {  	p0 =	seq.s32 s5, $0x0;
	s5 =	sld [smem:$0x3FAD]  }
0x2b: {  	s6 =	sld [smem:$0x3FAE]  }
0x2c: {  	s7 =	sld [smem:$0x3FAF]  }
0x2d: {  	s3 =	simm.s32 $0x108;
	s8 =	sld [smem:$0x3FB0]  }
0x2e: {  	s3 =	simm.s32 @!p0 $0x1082;
	s9 =	sld [smem:$0x3FB1]  }
0x2f: {  	lr =	sadd.s32 s0, s3;
	s0 =	sld [smem:$0x3FA8]  }
0x30: {  	s3 =	sld [smem:$0x3FAB]  }
0x31: {  	[smem:$0x3FB4] =	sst s10  }
0x32: {  	s10 =	sld [smem:$0x3FB2];
	_ =	sdelay $0x3  }
0x33: {  	p0 =	seq.s32 s10, $0x1;
	s10 =	sld [smem:$0x3FB4];
	_ =	sdelay $0x3  }
0x34: {  	[smem:$0x3FB4] =	sst s10  }
0x35: {  	s10 =	sld [smem:$0x3FB3];
	_ =	sdelay $0x3  }
0x36: {  	p1 =	seq.s32 s10, $0x1;
	s10 =	sld [smem:$0x3FB4];
	_ =	sdelay $0x3  }
0x37: {  	[smem:$0x3FB4] =	sst s10  }
0x38: {  	s10 =	sld [smem:$0x3FB5]  }
0x39: {  	_ = 	snop;
	(pc) =	sbr.ind lr, $3  }
0x3a: {  	_ = 	snop  }
0x3b: {  	_ = 	snop  }
0x3c: {  	p2 =	seq.s32 s10, $0x1;
	s10 =	sld [smem:$0x3FB4]  }
0x3d: {  	_ =	shalt  }
0x3e: {  	_ =	shalt  }
0x3f: {  	_ =	shalt  }
0x40: {  	_ =	shalt  }
0x41: {  	_ =	shalt  }
0x42: {  	_ =	shalt  }
0x43: {  	_ =	shalt  }
0x44: {  	_ =	shalt  }
0x45: {  	_ =	shalt  }
0x46: {  	_ =	shalt  }
0x47: {  	_ =	shalt  }
0x48: {  	_ =	shalt  }
0x49: {  	_ =	shalt  }
0x4a: {  	_ =	shalt  }
0x4b: {  	_ =	shalt  }
0x4c: {  	_ =	shalt  }
0x4d: {  	_ =	shalt  }
0x4e: {  	_ =	shalt  }
0x4f: {  	_ =	shalt  }
0x50: {  	_ =	shalt  }
0x51: {  	_ =	shalt  }
0x52: {  	_ =	shalt  }
0x53: {  	_ =	shalt  }
0x54: {  	_ =	shalt  }
0x55: {  	_ =	shalt  }
0x56: {  	_ =	shalt  }
0x57: {  	_ =	shalt  }
0x58: {  	_ =	shalt  }
0x59: {  	_ =	shalt  }
0x5a: {  	_ =	shalt  }
0x5b: {  	_ =	shalt  }
0x5c: {  	_ =	shalt  }
0x5d: {  	_ =	shalt  }
0x5e: {  	_ =	shalt  }
0x5f: {  	_ =	shalt  }
0x60: {  	_ =	shalt  }
0x61: {  	_ =	shalt  }
0x62: {  	_ =	shalt  }
0x63: {  	_ =	shalt  }
0x64: {  	_ =	shalt  }
0x65: {  	_ =	shalt  }
0x66: {  	_ =	shalt  }
0x67: {  	_ =	shalt  }
0x68: {  	_ =	shalt  }
0x69: {  	_ =	shalt  }
0x6a: {  	_ =	shalt  }
0x6b: {  	_ =	shalt  }
0x6c: {  	_ =	shalt  }
0x6d: {  	_ =	shalt  }
0x6e: {  	_ =	shalt  }
0x6f: {  	_ =	shalt  }
0x70: {  	_ =	shalt  }
0x71: {  	_ =	shalt  }
0x72: {  	_ =	shalt  }
0x73: {  	_ =	shalt  }
0x74: {  	_ =	shalt  }
0x75: {  	_ =	shalt  }
0x76: {  	_ =	shalt  }
0x77: {  	_ =	shalt  }
0x78: {  	_ =	shalt  }
0x79: {  	_ =	shalt  }
0x7a: {  	_ =	shalt  }
0x7b: {  	_ =	shalt  }
0x7c: {  	_ =	shalt  }
0x7d: {  	_ =	shalt  }
0x7e: {  	_ =	shalt  }
0x7f: {  	_ =	shalt  }
0x80: {  	_ =	shalt  }
0x81: {  	_ =	shalt  }
0x82: {  	_ =	shalt  }
0x83: {  	_ =	shalt  }
0x84: {  	_ =	shalt  }
0x85: {  	_ =	shalt  }
0x86: {  	_ =	shalt  }
0x87: {  	_ =	shalt  }
.Lfunc_end0:
.L_simem_size_0:
called_computation_lowered:
.L_overlay_start_0:
0x88: {  	s2 =	sld [smem:$0x3FD9]  }
0x89: {  	s3 =	sld [smem:$0x3FFE];
	_ =	sdelay $0x1  }
0x8a: {  	s1 =	srdreg.scid  }
0x8b: {  	s0 =	sand.u32 $0x1, s1  }
0x8c: {  	s17 =	sshll.u32 s0, $0xA;
	s2 =	sadd.s32 s3, s2  }
0x8d: {  	s2 =	sadd.s32 s2, s17  }
0x8e: {  	[smem:$0x3FC0] =	sst s2  }
0x8f: {  	_ = 	snop  }
0x90: {  	s2 =	sld [smem:$0x3FD0];
	(tm) =	ssettm $0x1  }
0x91: {  	s18 =	sld [smem:$0x3FFB];
	_ =	sdelay $0x3  }
0x92: {  	_ =	strace s18  }
0x93: {  	s3 =	sld [smem:$0x3FFC];
	_ =	sdelay $0x3  }
0x94: {  	_ =	strace s3  }
0x95: {  	s3 =	sld [smem:$0x3FFD];
	_ =	sdelay $0x3  }
0x96: {  	_ =	strace s3  }
0x97: {  	_ =	strace $0x8FFFFFFF  }
0x98: {  	s19 =	sld [smem:$0x3FDB];
	_ =	sdelay $0x1  }
0x99: {  	s4 =	simm.s32 $_scs_section_size  }
0x9a: {  	s5 =	simm.s32 $_size__tile_overlayer_lowered;
	s6 =	simm.s32 $_tile_overlayer_lowered  }
0x9b: {  	s22 =	simm.s32 $0x1BFF;
	s21 =	sshll.u32 s6, $0x1;
	s3 =	sadd.s32 s4, s19  }
0x9c: {  	s7 =	simm.s32 $0x0;
	s20 =	sshll.u32 s5, $0x1;
	s5 =	sadd.s32 s21, s3  }
0x9d: {  	[timem:s7], [sflag:s22] =	dma.local [hbm:s5], s20  }
0x9e: {  	_ =	swait.ge [sflag:s22], s20  }
0x9f: {  	s4 =	ssub.s32 $0x0, s20;
	[sflag:s22] =	ssyncset.done $0x0  }
0xa0: {  	[sflag:s22] =	ssyncadd.s32 s4;
	_ =	sdelay $0x1  }
0xa1: {  	s23 =	simm.s32 $0x1B8B  }
0xa2: {  	_ =	swait.ge [sflag:s23], $0x1  }
0xa3: {  	[sflag:s23] =	ssyncset.done $0x0  }
0xa4: {  	s25 =	simm.s32 $0x1B8E;
	s24 =	sld [smem:$0x3FFE];
	[sflag:s23] =	ssyncadd.s32 $0xFFFFFFFF  }
0xa5: {  	s26 =	simm.s32 $execute0_lowered;
	[smem:$0x3FD2] =	sst s25  }
0xa6: {  	s5 =	sshll.u32 s26, $0x1;
	_ =	strace $0x80000046;
	[dreg:$0x1] =	wrdreg $0xFFFFFFFF  }
0xa7: {  	s28 =	simm.s32 $_size_execute0_lowered;
	s3 =	sadd.s32 s3, s5;
	[dreg:$0x0] =	wrdreg $0x0  }
0xa8: {  	s5 =	sshll.u32 s28, $0x1;
	[dreg:$0x2] =	wrdreg s3  }
0xa9: {  	[dreg:$0x3] =	wrdreg s5  }
0xaa: {  	[dreg:$0x4] =	wrdreg $0xC0  }
0xab: {  	_ =	task [dreg:s7], $0x5FFFF  }
0xac: {  	[dreg:$0x1] =	wrdreg $0xFFFFFFFF  }
0xad: {  	[dreg:$0x0] =	wrdreg $0x60  }
0xae: {  	[dreg:$0x2] =	wrdreg s24  }
0xaf: {  	[dreg:$0x3] =	wrdreg s2  }
0xb0: {  	[dreg:$0x4] =	wrdreg $0x94000  }
0xb1: {  	[dreg:$0x5] =	wrdreg $0x1D4000  }
0xb2: {  	[dreg:$0x6] =	wrdreg $0x9  }
0xb3: {  	_ =	task.clear_ibuf [dreg:s7], $0x7FFFF;
	_ =	strace $0x90000046  }
0xb4: {  	s29 =	simm.s32 $0x9;
	_ =	strace $0x80000048  }
0xb5: {  	_ =	swait.ge [sflag:s29], $0x1  }
0xb6: {  	[sflag:s29] =	ssyncadd.s32 $0xFFFFFFFF  }
0xb7: {  	_ =	strace $0x90000048  }
0xb8: {  	_ =	sfence  }
0xb9: {  	s30 =	sld [smem:$0x0];
	_ =	sdelay $0x2  }
0xba: {  	s31 =	sshll.u32 s1, $0xD;
	s1 =	sshrl.u32 s1, $0x2  }
0xbb: {  	s3 =	sand.u32 $0x4000, s31;
	s1 =	sadd.s32 s1, s30  }
0xbc: {  	s0 =	sor.u32 s3, s0;
	s1 =	sshll.u32 s1, $0x11  }
0xbd: {  	s0 =	sor.u32 s1, s0  }
0xbe: {  	s0 =	sadd.s32 $0x8F2B, s0  }
0xbf: {  	[sflag:s0] =	ssyncadd.remote.s32 $0x1  }
0xc0: {  	_ =	sfence.sel $0xFFFF  }
0xc1: {  	[dreg:$0x0] =	wrdreg $0xFFFFFFFF;
	(pc) =	sbr.abs _section_cstart, $3  }
0xc2: {  	[dreg:$0x1] =	wrdreg $0xFFFFFFFF  }
0xc3: {  	_ =	task.clear_ibuf [dreg:s7], $0x2FFFF;
	_ =	strace $0x9FFFFFFF  }
0xc4: {  	(tm) =	ssettm $0x7FFFFFFF  }
0xc5: {  	_ =	shalt  }
tec
execute0_lowered:
.L_overlay_start_1:
0x0: {  	(tag) =	ssettag $0x1  }
0x1: {  	s0 =	rddreg [dreg:$0x0]  }
0x2: {  	s2 =	rddreg [dreg:$0x2]  }
0x3: {  	s3 =	rddreg [dreg:$0x3];
	s13 =	simm.s32 $0x0  }
0x4: {  	s1 =	srdreg.scid;
	s4 =	stileid.u32;
	s17 =	simm.s32 $0x5  }
0x5: {  	s31 =	simm.s32 $0x100;
	s29 =	simm.s32 $0x500;
	s15 =	simm.s32 $0x600  }
0x6: {  	s28 =	simm.s32 $0x380;
	s14 =	simm.s32 $0x1;
	s16 =	simm.s32 $0x1000  }
0x7: {  	s30 =	simm.s32 $0x3;
	[smem:$0x7FF] =	sst s13;
	s1 =	sand.u32 $0x1, s1  }
0x8: {  	s8 =	smul.u32 $0x14000, s4;
	s5 =	sadd.s32 $0xC000, s0;
	s6 =	sadd.s32 $0x34000, s0  }
0x9: {  	s7 =	sadd.s32 $0x34600, s0;
	s10 =	sadd.s32 $0x2000, s0;
	s19 =	sadd.s32 $0x35200, s0  }
0xa: {  	s12 =	sadd.s32 $0x34C00, s0;
	s23 =	sshll.u32 s4, $0x6;
	s24 =	sshll.u32 s4, $0x8  }
0xb: {  	p0 =	sne.s32 s4, $0x0;
	_ =	strace $0x80000047;
	[dreg:$0x6] =	wrdreg s10  }
0xc: {  	s4 =	simm.s32 $0x680;
	s9 =	smul.u32 $0x140000, s1;
	[dreg:$0x7] =	wrdreg s19  }
0xd: {  	s20 =	smul.u32 $0x500, s1;
	s11 =	ssub.s32 $0x2, s1;
	[dreg:$0x8] =	wrdreg s12  }
0xe: {  	s1 =	sshll.u32 s1, $0x7;
	s18 =	sor.u32 $0x1C05, s23;
	s19 =	simm.s32 $0x400  }
0xf: {  	s23 =	simm.s32 $0x700;
	s10 =	simm.s32 $0x4;
	s21 =	sshrl.u32 s11, $0x1  }
0x10: {  	s1 =	sor.u32 s1, s24;
	s24 =	simm.s32 $0x480;
	[dreg:$0x9] =	wrdreg s18  }
0x11: {  	s9 =	sadd.s32 s8, s9;
	s22 =	ssub.s32 s11, s21;
	s8 =	sadd.s32 s8, s2  }
0x12: {  	[dreg:$0xa] =	wrdreg s1;
	s21 =	simm.s32 $0x300;
	s11 =	simm.s32 $0x2  }
0x13: {  	s1 =	simm.s32 $0x9000;
	s9 =	sshrl.u32 s9, $0x3;
	s26 =	smax.u32 s22, $0x1  }
0x14: {  	s9 =	sadd.s32 s9, s0;
	[dreg:$0xd] =	wrdreg s26;
	s26 =	sshrl.u32 @!p0 s3, $0x3  }
0x15: {  	s0 =	sadd.s32 s20, s0;
	s25 =	sadd.s32 $0x37A00, s9;
	[dreg:$0xf] =	wrdreg s26  }
0x16: {  	s22 =	simm.s32 $0x5000;
	s0 =	sadd.s32 $0x87A00, s0;
	[dreg:$0xb] =	wrdreg s25  }
0x17: {  	s20 =	simm.s32 $0x80;
	[dreg:$0xc] =	wrdreg s0;
	s25 =	sshrl.u32 s8, $0x3  }
0x18: {  	s9 =	simm.s32 $0x580;
	s0 =	simm.s32 $0x780;
	[dreg:$0xe] =	wrdreg s25  }
.LBB2_1:
0x19: {  	[dreg:$0x5] =	wrdreg s13  }
0x1a: {  	s8 =	rddreg [dreg:$0x7]  }
0x1b: {  	[spmem:s25], [sflag:s18] =	dma.local [hbm:s8], $0x2800  }
0x1c: {  	_ =	swait.ge [sflag:s17], $0x2800  }
0x1d: {  	[sflag:s17] =	ssyncset.done $0x0  }
0x1e: {  	s8 =	rddreg [dreg:$0x8];
	[sflag:s17] =	ssyncadd.s32 $0xFFFFD800  }
0x1f: {  	[spmem:s26], [sflag:s18] =	dma.local @!p0 [hbm:s8], $0x500  }
0x20: {  	s8 =	simm.s32 @!p0 $0x5  }
0x21: {  	_ =	swait.ge @!p0 [sflag:s8], $0x500  }
0x22: {  	[sflag:s8] =	ssyncset.done @!p0 $0x0  }
0x23: {  	[sflag:s8] =	ssyncadd.s32 @!p0 $0xFFFFFB00  }
0x24: {  	s25 =	simm.s32 $0x0;
	[bflag:$0x0] =	sbarrier.arrive $0xFFFF  }
.LBB2_2:
0x25: {  	s8 =	sshll.u32 s25, $0xC;
	s12 =	rddreg [dreg:$0xa]  }
0x26: {  	s18 =	rddreg [dreg:$0x1];
	s12 =	sor.u32 s12, s8  }
0x27: {  	s8 =	simm.s32 $0x0;
	s13 =	sadd.s32 s18, s12  }
0x28: {  	[tilespmem:s8], [sflag:$0x5] =	stream.linear.gather [hbm4b:s13+s8], $0x400, $0x38;
	[tilespmem:$0x1D680] =	vst v63  }
0x29: {  	_ =	swait.ge [sflag:s17], $0x400  }
0x2a: {  	[sflag:s17] =	ssyncset.done $0x0;
	s26 =	rddreg [dreg:$0x6]  }
0x2b: {  	[sflag:s17] =	ssyncadd.s32 $0xFFFFFC00;
	s12 =	sadd.s32 s26, s12  }
0x2c: {  	[tilespmem:s19], [sflag:$0x5] =	stream.linear.gather [hbm4b:s12+s8], $0x400, $0x38;
	[tilespmem:$0x1D680] =	vst v63  }
0x2d: {  	_ =	swait.ge [sflag:s17], $0x400  }
0x2e: {  	[sflag:s17] =	ssyncset.done $0x0  }
0x2f: {  	s18 =	simm.s32 $0x800;
	[sflag:s17] =	ssyncadd.s32 $0xFFFFFC00  }
0x30: {  	[tilespmem:s18], [sflag:$0x1] =	stream.indirect.gather [hbm4b:s6+s20], $0x1, s8, s20, $0xb8;
	[tilespmem:$0x1D680] =	vst v63  }
0x31: {  	s26 =	simm.s32 $0xC00  }
0x32: {  	[tilespmem:s26], [sflag:$0x1] =	stream.indirect.gather [hbm4b:s7+s20], $0x1, s19, s20, $0xb8;
	[tilespmem:$0x1D680] =	vst v63  }
0x33: {  	s13 =	simm.s32 $0x880  }
0x34: {  	[tilespmem:s13], [sflag:$0x1] =	stream.indirect.gather [hbm4b:s6+s20], $0x1, s20, s20, $0xb8;
	[tilespmem:$0x1D680] =	vst v63  }
0x35: {  	s18 =	simm.s32 $0xC80  }
0x36: {  	[tilespmem:s18], [sflag:$0x1] =	stream.indirect.gather [hbm4b:s7+s20], $0x1, s24, s20, $0xb8;
	[tilespmem:$0x1D680] =	vst v63  }
0x37: {  	s26 =	simm.s32 $0x900  }
0x38: {  	[tilespmem:s26], [sflag:$0x1] =	stream.indirect.gather [hbm4b:s6+s20], $0x1, s31, s20, $0xb8;
	[tilespmem:$0x1D680] =	vst v63  }
0x39: {  	s13 =	simm.s32 $0xD00  }
0x3a: {  	[tilespmem:s13], [sflag:$0x1] =	stream.indirect.gather [hbm4b:s7+s20], $0x1, s29, s20, $0xb8;
	[tilespmem:$0x1D680] =	vst v63  }
0x3b: {  	s18 =	simm.s32 $0x180;
	s26 =	simm.s32 $0x980  }
0x3c: {  	[tilespmem:s26], [sflag:$0x1] =	stream.indirect.gather [hbm4b:s6+s20], $0x1, s18, s20, $0xb8;
	[tilespmem:$0x1D680] =	vst v63  }
0x3d: {  	s13 =	simm.s32 $0xD80  }
0x3e: {  	[tilespmem:s13], [sflag:$0x1] =	stream.indirect.gather [hbm4b:s7+s20], $0x1, s9, s20, $0xb8;
	[tilespmem:$0x1D680] =	vst v63  }
0x3f: {  	s18 =	simm.s32 $0x200;
	s26 =	simm.s32 $0xA00  }
0x40: {  	[tilespmem:s26], [sflag:$0x1] =	stream.indirect.gather [hbm4b:s6+s20], $0x1, s18, s20, $0xb8;
	[tilespmem:$0x1D680] =	vst v63  }
0x41: {  	s13 =	simm.s32 $0xE00  }
0x42: {  	[tilespmem:s13], [sflag:$0x1] =	stream.indirect.gather [hbm4b:s7+s20], $0x1, s15, s20, $0xb8;
	[tilespmem:$0x1D680] =	vst v63  }
0x43: {  	s18 =	simm.s32 $0x280;
	s26 =	simm.s32 $0xA80  }
0x44: {  	[tilespmem:s26], [sflag:$0x1] =	stream.indirect.gather [hbm4b:s6+s20], $0x1, s18, s20, $0xb8;
	[tilespmem:$0x1D680] =	vst v63  }
0x45: {  	s18 =	simm.s32 $0xE80  }
0x46: {  	[tilespmem:s18], [sflag:$0x1] =	stream.indirect.gather [hbm4b:s7+s20], $0x1, s4, s20, $0xb8;
	[tilespmem:$0x1D680] =	vst v63  }
0x47: {  	s26 =	simm.s32 $0xB00  }
0x48: {  	[tilespmem:s26], [sflag:$0x1] =	stream.indirect.gather [hbm4b:s6+s20], $0x1, s21, s20, $0xb8;
	[tilespmem:$0x1D680] =	vst v63  }
0x49: {  	s13 =	simm.s32 $0xF00  }
0x4a: {  	[tilespmem:s13], [sflag:$0x1] =	stream.indirect.gather [hbm4b:s7+s20], $0x1, s23, s20, $0xb8;
	[tilespmem:$0x1D680] =	vst v63  }
0x4b: {  	s18 =	simm.s32 $0xB80  }
0x4c: {  	[tilespmem:s18], [sflag:$0x1] =	stream.indirect.gather [hbm4b:s6+s20], $0x1, s28, s20, $0xb8;
	[tilespmem:$0x1D680] =	vst v63  }
0x4d: {  	s26 =	simm.s32 $0xF80  }
0x4e: {  	[tilespmem:s26], [sflag:$0x1] =	stream.indirect.gather [hbm4b:s7+s20], $0x1, s0, s20, $0xb8;
	[tilespmem:$0x1D680] =	vst v63  }
0x4f: {  	_ =	swait.ge [sflag:s14], $0x80  }
0x50: {  	[sflag:s14] =	ssyncset.done $0x0  }
0x51: {  	[sflag:s14] =	ssyncadd.s32 $0xFFFFFF80  }
0x52: {  	_ =	swait.ge [sflag:s14], $0x80  }
0x53: {  	[sflag:s14] =	ssyncset.done $0x0  }
0x54: {  	[sflag:s14] =	ssyncadd.s32 $0xFFFFFF80  }
0x55: {  	_ =	swait.ge [sflag:s14], $0x80  }
0x56: {  	[sflag:s14] =	ssyncset.done $0x0  }
0x57: {  	[sflag:s14] =	ssyncadd.s32 $0xFFFFFF80  }
0x58: {  	_ =	swait.ge [sflag:s14], $0x80  }
0x59: {  	[sflag:s14] =	ssyncset.done $0x0  }
0x5a: {  	[sflag:s14] =	ssyncadd.s32 $0xFFFFFF80  }
0x5b: {  	_ =	swait.ge [sflag:s14], $0x80  }
0x5c: {  	[sflag:s14] =	ssyncset.done $0x0  }
0x5d: {  	[sflag:s14] =	ssyncadd.s32 $0xFFFFFF80  }
0x5e: {  	_ =	swait.ge [sflag:s14], $0x80  }
0x5f: {  	[sflag:s14] =	ssyncset.done $0x0  }
0x60: {  	[sflag:s14] =	ssyncadd.s32 $0xFFFFFF80  }
0x61: {  	_ =	swait.ge [sflag:s14], $0x80  }
0x62: {  	[sflag:s14] =	ssyncset.done $0x0  }
0x63: {  	[sflag:s14] =	ssyncadd.s32 $0xFFFFFF80  }
0x64: {  	_ =	swait.ge [sflag:s14], $0x80  }
0x65: {  	[sflag:s14] =	ssyncset.done $0x0  }
0x66: {  	[sflag:s14] =	ssyncadd.s32 $0xFFFFFF80  }
0x67: {  	_ =	swait.ge [sflag:s14], $0x80  }
0x68: {  	[sflag:s14] =	ssyncset.done $0x0  }
0x69: {  	[sflag:s14] =	ssyncadd.s32 $0xFFFFFF80  }
0x6a: {  	_ =	swait.ge [sflag:s14], $0x80  }
0x6b: {  	[sflag:s14] =	ssyncset.done $0x0  }
0x6c: {  	[sflag:s14] =	ssyncadd.s32 $0xFFFFFF80  }
0x6d: {  	_ =	swait.ge [sflag:s14], $0x80  }
0x6e: {  	[sflag:s14] =	ssyncset.done $0x0  }
0x6f: {  	[sflag:s14] =	ssyncadd.s32 $0xFFFFFF80  }
0x70: {  	_ =	swait.ge [sflag:s14], $0x80  }
0x71: {  	[sflag:s14] =	ssyncset.done $0x0  }
0x72: {  	[sflag:s14] =	ssyncadd.s32 $0xFFFFFF80  }
0x73: {  	_ =	swait.ge [sflag:s14], $0x80  }
0x74: {  	[sflag:s14] =	ssyncset.done $0x0  }
0x75: {  	[sflag:s14] =	ssyncadd.s32 $0xFFFFFF80  }
0x76: {  	_ =	swait.ge [sflag:s14], $0x80  }
0x77: {  	[sflag:s14] =	ssyncset.done $0x0  }
0x78: {  	[sflag:s14] =	ssyncadd.s32 $0xFFFFFF80  }
0x79: {  	_ =	swait.ge [sflag:s14], $0x80  }
0x7a: {  	[sflag:s14] =	ssyncset.done $0x0  }
0x7b: {  	[sflag:s14] =	ssyncadd.s32 $0xFFFFFF80  }
0x7c: {  	_ =	swait.ge [sflag:s14], $0x80  }
0x7d: {  	[sflag:s14] =	ssyncset.done $0x0  }
0x7e: {  	[sflag:s14] =	ssyncadd.s32 $0xFFFFFF80  }
0x7f: {  	[tilespmem:s16], [sflag:$0x2] =	stream.indirect.gather [hbm4b:s5+s20], $0x80, s8, s20, $0xb8;
	[tilespmem:$0x1D680] =	vst v63  }
0x80: {  	s8 =	simm.s32 $0x0  }
0x81: {  	v0 =	vld [tilespmem:s8+$0x800]  }
0x82: {  	v1 =	vld [tilespmem:s8+$0xC00];
	_ =	sdelay $0x4  }
0x83: {  	v0 =	vadd.f32 v1, v0;
	_ =	sdelay $0x1  }
0x84: {  	s12 =	simm.s32 $0x10;
	v1 =	vmul.f32 $2.000000030e-01, v0  }
0x85: {  	v2 =	vld [tilespmem:s12+$0x800];
	vm0 =	vgt.f32 v0, $0.0e+00  }
0x86: {  	v3 =	vld [tilespmem:s12+$0xC00];
	v0 =	vsel vm0, v0, v1  }
0x87: {  	s31 =	simm.s32 $0x20;
	v0 =	vmul.f32 $1.442695020e+00, v0  }
0x88: {  	v1 =	vld [tilespmem:s31+$0x800]  }
0x89: {  	(erf) = vpow2.f32 v0;
	v0 =	vld [tilespmem:s31+$0xC00];
	_ =	sdelay $0x1  }
0x8a: {  	v2 =	vadd.f32 v3, v2;
	_ =	sdelay $0x1  }
0x8b: {  	v3 =	vmul.f32 $2.000000030e-01, v2  }
0x8c: {  	vm14 =	vgt.f32 v2, $0.0e+00;
	v4 =	vadd.f32 v0, v1  }
0x8d: {  	v0 =	vsel vm14, v2, v3  }
0x8e: {  	s26 =	simm.s32 $0x30;
	v1 =	vmul.f32 $1.442695020e+00, v0;
	v2 =	vmul.f32 $2.000000030e-01, v4  }
0x8f: {  	v0 =	vld [tilespmem:s26+$0x800]  }
0x90: {  	(erf) = vpow2.f32 v1;
	v1 =	vld [tilespmem:s26+$0xC00]  }
0x91: {  	vm15 =	vgt.f32 v4, $0.0e+00  }
0x92: {  	s13 =	simm.s32 $0x100;
	v3 =	vsel vm15, v4, v2;
	v2 =	vpop (erf)  }
.LBB2_3:
0x93: {  	s18 =	sshra.s32 s13, $0x2  }
0x94: {  	v3 =	vmul.f32 $1.442695020e+00, v3;
	[tilespmem:s8+$0x9000] =	vst v2;
	s8 =	smov.u32 s12;
	s12 =	smov.u32 s31;
	p1 =	sne.s32 s13, $0xFC0  }
.Ltmp0:
0x95: {  	s13 =	sadd.s32 $0x40, s13;
	v2 =	vadd.f32 v1, v0;
	v0 =	vld [tilespmem:s18+$0x800];
	(pc) =	sbr.rel @p1 .LBB2_3-.Ltmp0, $4  }
0x96: {  	s31 =	smov.u32 s26;
	s26 =	smov.u32 s18;
	v1 =	vld [tilespmem:s18+$0xC00];
	(erf) = vpow2.f32 v3  }
0x97: {  	v3 =	vmul.f32 $2.000000030e-01, v2  }
0x98: {  	vm0 =	vgt.f32 v2, $0.0e+00  }
0x99: {  	v3 =	vsel vm0, v2, v3;
	v2 =	vpop (erf)  }
0x9a: {  	_ = 	snop  }
0x9b: {  	v0 =	vadd.f32 v1, v0;
	_ =	sdelay $0x1  }
0x9c: {  	v1 =	vmul.f32 $2.000000030e-01, v0  }
0x9d: {  	vm0 =	vgt.f32 v0, $0.0e+00  }
0x9e: {  	v3 =	vmul.f32 $1.442695020e+00, v3;
	v0 =	vsel vm0, v0, v1  }
0x9f: {  	v0 =	vmul.f32 $1.442695020e+00, v0  }
0xa0: {  	(erf) = vpow2.f32 v3  }
0xa1: {  	(erf) = vpow2.f32 v0;
	_ =	sdelay $0x4  }
0xa2: {  	s13 =	simm.s32 $0x0  }
0xa3: {  	s18 =	simm.s32 $0x2;
	v0 =	vmov s13  }
0xa4: {  	[tilespmem:s8+$0x9000] =	vst v2;
	v2 =	vmov s18;
	v1 =	vpop (erf);
	v0 =	vand.u32 $0xFFFFFFFC, v0  }
0xa5: {  	v2 =	vand.u32 $0xFFFFFFFE, v2;
	[tilespmem:s12+$0x9000] =	vst v1;
	v0 =	vbroadcast v0, $0x0;
	v1 =	vpop (erf)  }
0xa6: {  	v2 =	vbroadcast v2, $0x0;
	[tilespmem:s31+$0x9000] =	vst v1;
	v1 =	vpop (erf)  }
0xa7: {  	[tilespmem:s26+$0x9000] =	vst v1  }
0xa8: {  	_ =	swait.ge [sflag:s11], $0x4000  }
0xa9: {  	[sflag:s11] =	ssyncset.done $0x0  }
0xaa: {  	[sflag:s11] =	ssyncadd.s32 $0xFFFFC000  }
0xab: {  	v0 =	vld.idx.msk [tilespmem:v0+s1+$0x0], $0xffff  }
0xac: {  	s8 =	simm.s32 $0x1100;
	v1 =	vld.idx.msk [tilespmem:v2+s1+$0x0], $0xffff  }
0xad: {  	v3 =	vld [tilespmem:s8+$0x70]  }
0xae: {  	v4 =	vld [tilespmem:s8+$0xFFFFFF00]  }
0xaf: {  	s31 =	simm.s32 $0x1;
	v5 =	vld [tilespmem:s8+$0xFFFFFF10]  }
0xb0: {  	v2 =	vmov s31;
	v6 =	vld [tilespmem:s8+$0xFFFFFF20]  }
0xb1: {  	v7 =	vld [tilespmem:s8+$0xFFFFFF30];
	v2 =	vand.u32 $0xFFFFFFFD, v2  }
0xb2: {  	v8 =	vld [tilespmem:s8+$0xFFFFFF40];
	v2 =	vbroadcast v2, $0x0  }
0xb3: {  	v9 =	vld [tilespmem:s8+$0xFFFFFF50]  }
0xb4: {  	v10 =	vld [tilespmem:s8+$0xFFFFFF60];
	v4 =	vmul.f32 v4, v0  }
0xb5: {  	v12 =	vld [tilespmem:s8+$0x40];
	v3 =	vmul.f32 v3, v1  }
0xb6: {  	[tilespmem:s8+$0xFFFFFF00] =	vst v4;
	v4 =	vmul.f32 v5, v0;
	v5 =	vld [tilespmem:s8+$0xFFFFFF70]  }
0xb7: {  	[tilespmem:s8+$0x70] =	vst v3;
	v3 =	vmul.f32 v6, v0;
	v6 =	vld [tilespmem:s8+$0xFFFFFF80]  }
0xb8: {  	v2 =	vld.idx.msk [tilespmem:v2+s1+$0x0], $0xffff;
	[tilespmem:s8+$0xFFFFFF10] =	vst v4;
	v4 =	vmul.f32 v7, v0  }
0xb9: {  	v7 =	vld [tilespmem:s8+$0xFFFFFF90];
	[tilespmem:s8+$0xFFFFFF20] =	vst v3;
	v3 =	vmul.f32 v8, v0  }
0xba: {  	v8 =	vld [tilespmem:s8+$0xFFFFFFA0];
	[tilespmem:s8+$0xFFFFFF30] =	vst v4;
	v4 =	vmul.f32 v9, v0  }
0xbb: {  	v9 =	vld [tilespmem:s8+$0xFFFFFFB0];
	[tilespmem:s8+$0xFFFFFF40] =	vst v3;
	v3 =	vmul.f32 v10, v0  }
0xbc: {  	v10 =	vld [tilespmem:s8+$0xFFFFFFC0];
	v5 =	vmul.f32 v5, v0;
	[tilespmem:s8+$0xFFFFFF50] =	vst v4  }
0xbd: {  	v4 =	vmul.f32 v6, v2;
	v6 =	vld [tilespmem:s8+$0xFFFFFFD0];
	[tilespmem:s8+$0xFFFFFF60] =	vst v3  }
0xbe: {  	s13 =	simm.s32 $0x3;
	v3 =	vld [tilespmem:s8+$0xFFFFFFE0];
	v7 =	vmul.f32 v7, v2;
	[tilespmem:s8+$0xFFFFFF70] =	vst v5  }
0xbf: {  	v11 =	vmov s13;
	v5 =	vld [tilespmem:s8+$0xFFFFFFF0];
	[tilespmem:s8+$0xFFFFFF80] =	vst v4;
	v4 =	vmul.f32 v8, v2  }
0xc0: {  	v8 =	vld [tilespmem:s8+$0x0];
	[tilespmem:s8+$0xFFFFFF90] =	vst v7;
	v7 =	vmul.f32 v9, v2  }
0xc1: {  	v9 =	vld [tilespmem:s8+$0x10];
	[tilespmem:s8+$0xFFFFFFA0] =	vst v4;
	v4 =	vmul.f32 v10, v2  }
0xc2: {  	[tilespmem:s8+$0xFFFFFFB0] =	vst v7;
	v6 =	vmul.f32 v6, v2;
	v7 =	vld [tilespmem:s8+$0x20]  }
0xc3: {  	v10 =	vld [tilespmem:s8+$0x30];
	v3 =	vmul.f32 v3, v2;
	[tilespmem:s8+$0xFFFFFFC0] =	vst v4  }
0xc4: {  	v0 =	vld.idx.msk [tilespmem:v11+s1+$0x0], $0xffff;
	v2 =	vmul.f32 v5, v2;
	[tilespmem:s8+$0xFFFFFFD0] =	vst v6  }
0xc5: {  	[tilespmem:s8+$0xFFFFFFE0] =	vst v3;
	v4 =	vmul.f32 v8, v1;
	v3 =	vld [tilespmem:s8+$0x50]  }
0xc6: {  	s18 =	simm.s32 $0x4;
	[tilespmem:s8+$0xFFFFFFF0] =	vst v2;
	v5 =	vmul.f32 v9, v1;
	v2 =	vld [tilespmem:s8+$0x60]  }
0xc7: {  	s26 =	simm.s32 $0x7;
	v6 =	vmov s18;
	[tilespmem:s8+$0x0] =	vst v4;
	v8 =	vmul.f32 v7, v1;
	v7 =	vld [tilespmem:s8+$0x80]  }
0xc8: {  	s31 =	simm.s32 $0x5;
	v11 =	vand.u32 $0xFFFFFFFC, v6;
	v6 =	vld [tilespmem:s8+$0x90];
	v4 =	vmov s26;
	v9 =	vmul.f32 v10, v1;
	[tilespmem:s8+$0x10] =	vst v5  }
0xc9: {  	s12 =	simm.s32 $0x1100;
	s13 =	simm.s32 $0x6;
	s26 =	simm.s32 $0x8;
	v10 =	vmul.f32 v12, v1;
	v5 =	vbroadcast v11, $0x0;
	v11 =	vmov s31;
	[tilespmem:s8+$0x20] =	vst v8;
	v8 =	vld [tilespmem:s8+$0xA0]  }
.LBB2_5:
0xca: {  	p1 =	slt.u32 s26, $0x7C;
	v11 =	vand.u32 $0xFFFFFFFD, v11;
	v12 =	vmov s13;
	[tilespmem:s8+$0x30] =	vst v9;
	v3 =	vmul.f32 v3, v1;
	v9 =	vld [tilespmem:s8+$0xB0]  }
0xcb: {  	v11 =	vbroadcast v11, $0x0;
	v12 =	vand.u32 $0xFFFFFFFE, v12;
	[tilespmem:s8+$0x40] =	vst v10;
	v1 =	vmul.f32 v2, v1;
	v2 =	vld [tilespmem:s8+$0xC0]  }
0xcc: {  	v10 =	vbroadcast v12, $0x0;
	[tilespmem:s8+$0x50] =	vst v3;
	v3 =	vmul.f32 v7, v0;
	v7 =	vld [tilespmem:s8+$0xD0]  }
0xcd: {  	[tilespmem:s8+$0x60] =	vst v1;
	v1 =	vmul.f32 v6, v0;
	v6 =	vld [tilespmem:s8+$0xE0]  }
0xce: {  	[tilespmem:s8+$0x80] =	vst v3;
	v3 =	vmul.f32 v8, v0;
	v8 =	vld [tilespmem:s8+$0xF0]  }
0xcf: {  	v4 =	vld.idx.msk [tilespmem:v4+s1+$0x0], $0xffff;
	[tilespmem:s8+$0x90] =	vst v1;
	v1 =	vmul.f32 v9, v0  }
0xd0: {  	v5 =	vld.idx.msk [tilespmem:v5+s1+$0x0], $0xffff;
	[tilespmem:s8+$0xA0] =	vst v3;
	v2 =	vmul.f32 v2, v0  }
0xd1: {  	v3 =	vld.idx.msk [tilespmem:v11+s1+$0x0], $0xffff;
	[tilespmem:s8+$0xB0] =	vst v1;
	v7 =	vmul.f32 v7, v0  }
0xd2: {  	s8 =	sadd.s32 $0x200, s8;
	v1 =	vld.idx.msk [tilespmem:v10+s1+$0x0], $0xffff;
	[tilespmem:s12+$0xC0] =	vst v2;
	v2 =	vmul.f32 v6, v0  }
0xd3: {  	v6 =	vld [tilespmem:s8+$0x70];
	[tilespmem:s12+$0xD0] =	vst v7;
	v8 =	vmul.f32 v8, v0  }
0xd4: {  	v7 =	vld [tilespmem:s8+$0xFFFFFF00];
	[tilespmem:s12+$0xE0] =	vst v2  }
0xd5: {  	v0 =	vmov v4;
	v2 =	vld [tilespmem:s8+$0xFFFFFF10];
	[tilespmem:s12+$0xF0] =	vst v8;
	s12 =	smov.u32 s8  }
0xd6: {  	v4 =	vld [tilespmem:s8+$0xFFFFFF20]  }
0xd7: {  	v8 =	vld [tilespmem:s8+$0xFFFFFF30]  }
0xd8: {  	v9 =	vld [tilespmem:s8+$0xFFFFFF40];
	v6 =	vmul.f32 v6, v1  }
0xd9: {  	v7 =	vmul.f32 v7, v5;
	v10 =	vld [tilespmem:s8+$0xFFFFFF50]  }
0xda: {  	v2 =	vmul.f32 v2, v5;
	v11 =	vld [tilespmem:s8+$0xFFFFFF60];
	[tilespmem:s8+$0x70] =	vst v6  }
0xdb: {  	[tilespmem:s8+$0xFFFFFF00] =	vst v7;
	v4 =	vmul.f32 v4, v5;
	v6 =	vld [tilespmem:s8+$0xFFFFFF70]  }
0xdc: {  	[tilespmem:s8+$0xFFFFFF10] =	vst v2;
	v2 =	vmul.f32 v8, v5;
	v7 =	vld [tilespmem:s8+$0xFFFFFF80]  }
0xdd: {  	[tilespmem:s8+$0xFFFFFF20] =	vst v4;
	v4 =	vmul.f32 v9, v5;
	v8 =	vld [tilespmem:s8+$0xFFFFFF90]  }
0xde: {  	[tilespmem:s8+$0xFFFFFF30] =	vst v2;
	v2 =	vmul.f32 v10, v5;
	v9 =	vld [tilespmem:s8+$0xFFFFFFA0]  }
0xdf: {  	[tilespmem:s8+$0xFFFFFF40] =	vst v4;
	v4 =	vmul.f32 v11, v5;
	v10 =	vld [tilespmem:s8+$0xFFFFFFB0]  }
0xe0: {  	[tilespmem:s8+$0xFFFFFF50] =	vst v2;
	v2 =	vmul.f32 v6, v5;
	v5 =	vld [tilespmem:s8+$0xFFFFFFC0]  }
0xe1: {  	[tilespmem:s8+$0xFFFFFF60] =	vst v4;
	v4 =	vmul.f32 v7, v3;
	v6 =	vld [tilespmem:s8+$0xFFFFFFD0]  }
0xe2: {  	[tilespmem:s8+$0xFFFFFF70] =	vst v2;
	v2 =	vmul.f32 v8, v3;
	v7 =	vld [tilespmem:s8+$0xFFFFFFE0]  }
0xe3: {  	[tilespmem:s8+$0xFFFFFF80] =	vst v4;
	v4 =	vmul.f32 v9, v3;
	v8 =	vld [tilespmem:s8+$0xFFFFFFF0]  }
0xe4: {  	[tilespmem:s8+$0xFFFFFF90] =	vst v2;
	v2 =	vmul.f32 v10, v3;
	v9 =	vld [tilespmem:s8+$0x0]  }
0xe5: {  	[tilespmem:s8+$0xFFFFFFA0] =	vst v4;
	v4 =	vmul.f32 v5, v3;
	v5 =	vld [tilespmem:s8+$0x10]  }
0xe6: {  	[tilespmem:s8+$0xFFFFFFB0] =	vst v2;
	v2 =	vmul.f32 v6, v3;
	v6 =	vld [tilespmem:s8+$0x20]  }
0xe7: {  	[tilespmem:s8+$0xFFFFFFC0] =	vst v4;
	v4 =	vmul.f32 v7, v3;
	v10 =	vld [tilespmem:s8+$0x30]  }
0xe8: {  	[tilespmem:s8+$0xFFFFFFD0] =	vst v2;
	v2 =	vmul.f32 v8, v3;
	v8 =	vld [tilespmem:s8+$0x40]  }
.Ltmp1:
0xe9: {  	[tilespmem:s8+$0xFFFFFFE0] =	vst v4;
	v4 =	vmul.f32 v9, v1;
	v3 =	vld [tilespmem:s8+$0x50];
	(pc) =	sbr.rel @p1 .LBB2_5-.Ltmp1, $4  }
0xea: {  	[tilespmem:s8+$0xFFFFFFF0] =	vst v2;
	v5 =	vmul.f32 v5, v1;
	v2 =	vld [tilespmem:s8+$0x60]  }
0xeb: {  	s13 =	sadd.s32 $0x3, s26;
	v9 =	vmov s26;
	[tilespmem:s8+$0x0] =	vst v4;
	v12 =	vmul.f32 v6, v1;
	v7 =	vld [tilespmem:s8+$0x80]  }
0xec: {  	s18 =	sadd.s32 $0x1, s26;
	v11 =	vand.u32 $0xFFFFFFFC, v9;
	v4 =	vmov s13;
	[tilespmem:s8+$0x10] =	vst v5;
	v9 =	vmul.f32 v10, v1;
	v6 =	vld [tilespmem:s8+$0x90]  }
0xed: {  	s13 =	sadd.s32 $0x2, s26;
	s26 =	sadd.s32 $0x4, s26;
	v5 =	vbroadcast v11, $0x0;
	v11 =	vmov s18;
	[tilespmem:s8+$0x20] =	vst v12;
	v10 =	vmul.f32 v8, v1;
	v8 =	vld [tilespmem:s8+$0xA0]  }
0xee: {  	v12 =	vld [tilespmem:s8+$0xB0]  }
0xef: {  	v14 =	vld [tilespmem:s8+$0xC0]  }
0xf0: {  	v13 =	vmov s13;
	v15 =	vld [tilespmem:s8+$0xD0]  }
0xf1: {  	v16 =	vld [tilespmem:s8+$0xE0];
	[tilespmem:s8+$0x30] =	vst v9;
	v3 =	vmul.f32 v3, v1;
	v13 =	vand.u32 $0xFFFFFFFE, v13  }
0xf2: {  	v11 =	vand.u32 $0xFFFFFFFD, v11;
	v4 =	vld.idx.msk [tilespmem:v4+s1+$0x0], $0xffff;
	[tilespmem:s8+$0x40] =	vst v10;
	v1 =	vmul.f32 v2, v1;
	v13 =	vbroadcast v13, $0x0  }
0xf3: {  	s26 =	sadd.s32 $0x200, s8;
	v11 =	vbroadcast v11, $0x0;
	v2 =	vld.idx.msk [tilespmem:v5+s1+$0x0], $0xffff;
	v7 =	vmul.f32 v7, v0;
	[tilespmem:s8+$0x50] =	vst v3  }
0xf4: {  	v9 =	vld [tilespmem:s26+$0xFFFFFF00];
	v3 =	vmul.f32 v6, v0;
	[tilespmem:s8+$0x60] =	vst v1  }
0xf5: {  	[tilespmem:s8+$0x80] =	vst v7;
	v7 =	vld [tilespmem:s8+$0xF0];
	v1 =	vmul.f32 v8, v0  }
0xf6: {  	v10 =	vld [tilespmem:s26+$0xFFFFFF10];
	[tilespmem:s8+$0x90] =	vst v3;
	v3 =	vmul.f32 v12, v0  }
0xf7: {  	v8 =	vld [tilespmem:s26+$0x70];
	[tilespmem:s8+$0xA0] =	vst v1;
	v1 =	vmul.f32 v14, v0  }
0xf8: {  	[tilespmem:s8+$0xB0] =	vst v3;
	v3 =	vmul.f32 v15, v0;
	v6 =	vld.idx.msk [tilespmem:v13+s1+$0x0], $0xffff  }
0xf9: {  	v5 =	vld.idx.msk [tilespmem:v11+s1+$0x0], $0xffff;
	[tilespmem:s12+$0xC0] =	vst v1;
	v1 =	vmul.f32 v16, v0  }
0xfa: {  	v11 =	vld [tilespmem:s26+$0xFFFFFF20];
	[tilespmem:s12+$0xD0] =	vst v3;
	v0 =	vmul.f32 v7, v0  }
0xfb: {  	v3 =	vld [tilespmem:s26+$0xFFFFFF30];
	[tilespmem:s12+$0xE0] =	vst v1  }
0xfc: {  	v1 =	vld [tilespmem:s26+$0xFFFFFF40];
	[tilespmem:s12+$0xF0] =	vst v0;
	v0 =	vmul.f32 v9, v2  }
0xfd: {  	v7 =	vmul.f32 v8, v6;
	v8 =	vld [tilespmem:s26+$0xFFFFFF50]  }
0xfe: {  	v9 =	vmul.f32 v10, v2;
	v10 =	vld [tilespmem:s26+$0xFFFFFF60];
	[tilespmem:s26+$0xFFFFFF00] =	vst v0  }
0xff: {  	v0 =	vmul.f32 v11, v2;
	[tilespmem:s26+$0x70] =	vst v7;
	v7 =	vld [tilespmem:s26+$0xFFFFFF70]  }
0x100: {  	[tilespmem:s26+$0xFFFFFF10] =	vst v9;
	v9 =	vld [tilespmem:s26+$0xFFFFFF80];
	v3 =	vmul.f32 v3, v2  }
0x101: {  	[tilespmem:s26+$0xFFFFFF20] =	vst v0;
	v0 =	vmul.f32 v1, v2;
	v1 =	vld [tilespmem:s26+$0xFFFFFF90]  }
0x102: {  	[tilespmem:s26+$0xFFFFFF30] =	vst v3;
	v3 =	vmul.f32 v8, v2;
	v8 =	vld [tilespmem:s26+$0xFFFFFFA0]  }
0x103: {  	[tilespmem:s26+$0xFFFFFF40] =	vst v0;
	v0 =	vmul.f32 v10, v2;
	v10 =	vld [tilespmem:s26+$0xFFFFFFB0]  }
0x104: {  	[tilespmem:s26+$0xFFFFFF50] =	vst v3;
	v2 =	vmul.f32 v7, v2;
	v3 =	vld [tilespmem:s26+$0xFFFFFFC0]  }
0x105: {  	[tilespmem:s26+$0xFFFFFF60] =	vst v0;
	v0 =	vmul.f32 v9, v5;
	v7 =	vld [tilespmem:s26+$0xFFFFFFD0]  }
0x106: {  	v1 =	vmul.f32 v1, v5;
	[tilespmem:s26+$0xFFFFFF70] =	vst v2;
	v2 =	vld [tilespmem:s26+$0xFFFFFFE0]  }
0x107: {  	[tilespmem:s26+$0xFFFFFF80] =	vst v0;
	v0 =	vmul.f32 v8, v5;
	v8 =	vld [tilespmem:s26+$0xFFFFFFF0]  }
0x108: {  	v9 =	vld [tilespmem:s26+$0x0];
	[tilespmem:s26+$0xFFFFFF90] =	vst v1;
	v1 =	vmul.f32 v10, v5  }
0x109: {  	[tilespmem:s26+$0xFFFFFFA0] =	vst v0;
	v0 =	vmul.f32 v3, v5;
	v3 =	vld [tilespmem:s26+$0x10]  }
0x10a: {  	[tilespmem:s26+$0xFFFFFFB0] =	vst v1;
	v1 =	vmul.f32 v7, v5;
	v7 =	vld [tilespmem:s26+$0x20]  }
0x10b: {  	[tilespmem:s26+$0xFFFFFFC0] =	vst v0;
	v0 =	vmul.f32 v2, v5;
	v2 =	vld [tilespmem:s26+$0x30]  }
0x10c: {  	[tilespmem:s26+$0xFFFFFFD0] =	vst v1;
	v1 =	vmul.f32 v8, v5;
	v5 =	vld [tilespmem:s26+$0x40]  }
0x10d: {  	v8 =	vld [tilespmem:s26+$0x50];
	[tilespmem:s26+$0xFFFFFFE0] =	vst v0;
	v0 =	vmul.f32 v9, v6  }
0x10e: {  	[tilespmem:s26+$0xFFFFFFF0] =	vst v1;
	v1 =	vmul.f32 v3, v6;
	v3 =	vld [tilespmem:s26+$0x60]  }
0x10f: {  	[tilespmem:s26+$0x0] =	vst v0;
	v0 =	vmul.f32 v7, v6;
	v7 =	vld [tilespmem:s26+$0x80]  }
0x110: {  	[tilespmem:s26+$0x10] =	vst v1;
	v1 =	vmul.f32 v2, v6;
	v2 =	vld [tilespmem:s26+$0x90]  }
0x111: {  	[tilespmem:s26+$0x20] =	vst v0;
	v0 =	vmul.f32 v5, v6;
	v5 =	vld [tilespmem:s26+$0xA0]  }
0x112: {  	[tilespmem:s26+$0x30] =	vst v1;
	v1 =	vmul.f32 v8, v6;
	v8 =	vld [tilespmem:s26+$0xB0]  }
0x113: {  	[tilespmem:s26+$0x40] =	vst v0;
	v0 =	vmul.f32 v3, v6;
	v3 =	vld [tilespmem:s26+$0xC0]  }
0x114: {  	v6 =	vld [tilespmem:s26+$0xD0];
	[tilespmem:s26+$0x50] =	vst v1;
	v1 =	vmul.f32 v7, v4  }
0x115: {  	[tilespmem:s26+$0x60] =	vst v0;
	v0 =	vmul.f32 v2, v4;
	v2 =	vld [tilespmem:s26+$0xE0]  }
0x116: {  	[tilespmem:s26+$0x80] =	vst v1;
	v1 =	vmul.f32 v5, v4;
	v5 =	vld [tilespmem:s26+$0xF0]  }
0x117: {  	[tilespmem:s26+$0x90] =	vst v0;
	v0 =	vmul.f32 v8, v4  }
0x118: {  	[tilespmem:s26+$0xA0] =	vst v1;
	v1 =	vmul.f32 v3, v4  }
0x119: {  	[tilespmem:s26+$0xB0] =	vst v0;
	v0 =	vmul.f32 v6, v4  }
0x11a: {  	[tilespmem:s26+$0xC0] =	vst v1;
	v1 =	vmul.f32 v2, v4  }
0x11b: {  	[tilespmem:s26+$0xD0] =	vst v0;
	v0 =	vmul.f32 v5, v4  }
0x11c: {  	s18 =	simm.s32 $0x0;
	[tilespmem:s26+$0xE0] =	vst v1  }
0x11d: {  	s13 =	simm.s32 $0x3;
	s8 =	simm.s32 $0x5000;
	[tilespmem:s26+$0xF0] =	vst v0;
	v0 =	vmov s18  }
0x11e: {  	v1 =	vmov s13;
	[tilespmem:s8], [sflag:$0x2] =	stream.indirect.gather [hbm4b:s5+s20], $0x80, s20, s20, $0xb8;
	v0 =	vand.u32 $0x7C, v0;
	[tilespmem:$0x1D680] =	vst v63  }
0x11f: {  	v1 =	vand.u32 $0x7F, v1;
	v0 =	vor.u32 $0x80, v0  }
0x120: {  	v1 =	vor.u32 $0x80, v1;
	[spmem:s2] =	stream.indirect.scatter.add.f32 [tilespmem:s16], [sflag:$0x3], $0x80, s19, s20, $0xb8;
	v0 =	vbroadcast v0, $0x0;
	[tilespmem:$0x1D680] =	vst v63  }
0x121: {  	v1 =	vbroadcast v1, $0x0  }
0x122: {  	[spmem:s3] =	stream.indirect.scatter.add.f32 [tilespmem:s1], [sflag:$0x4], $0x1, s19, s20, $0xb8;
	[tilespmem:$0x1D680] =	vst v63  }
0x123: {  	_ =	swait.ge [sflag:s11], $0x4000  }
0x124: {  	[sflag:s11] =	ssyncset.done $0x0  }
0x125: {  	[sflag:s11] =	ssyncadd.s32 $0xFFFFC000  }
0x126: {  	s18 =	simm.s32 $0x1;
	v2 =	vld.idx.msk [tilespmem:v0+s1+$0x0], $0xffff  }
0x127: {  	v3 =	vmov s18;
	v0 =	vld.idx.msk [tilespmem:v1+s1+$0x0], $0xffff  }
0x128: {  	v1 =	vand.u32 $0x7D, v3;
	v3 =	vld [tilespmem:s8+$0x1F0]  }
0x129: {  	v4 =	vld [tilespmem:s8+$0x0]  }
0x12a: {  	v5 =	vld [tilespmem:s8+$0x10]  }
0x12b: {  	v6 =	vld [tilespmem:s8+$0x20];
	v1 =	vor.u32 $0x80, v1  }
0x12c: {  	v7 =	vld [tilespmem:s8+$0x30];
	v1 =	vbroadcast v1, $0x0  }
0x12d: {  	v8 =	vld [tilespmem:s8+$0x40]  }
0x12e: {  	v9 =	vld [tilespmem:s8+$0x50];
	v4 =	vmul.f32 v4, v2  }
0x12f: {  	v10 =	vld [tilespmem:s8+$0x60];
	v3 =	vmul.f32 v3, v0  }
0x130: {  	[tilespmem:s8+$0x0] =	vst v4;
	v4 =	vld [tilespmem:s8+$0x70]  }
0x131: {  	s26 =	simm.s32 $0x2;
	v5 =	vmul.f32 v5, v2;
	[tilespmem:s8+$0x1F0] =	vst v3;
	v3 =	vmul.f32 v6, v2;
	v6 =	vld [tilespmem:s8+$0x90]  }
0x132: {  	v11 =	vmov s26;
	v62 =	vld.idx.msk [tilespmem:v1+s1+$0x0], $0xffff  }
0x133: {  	[tilespmem:s8+$0x10] =	vst v5;
	v5 =	vmul.f32 v7, v2;
	v1 =	vand.u32 $0x7E, v11;
	v11 =	vld [tilespmem:s8+$0x80]  }
0x134: {  	v10 =	vmul.f32 v10, v2;
	v7 =	vld [tilespmem:s8+$0xA0];
	v1 =	vor.u32 $0x80, v1;
	[tilespmem:s8+$0x20] =	vst v3;
	v3 =	vmul.f32 v8, v2  }
0x135: {  	v8 =	vld [tilespmem:s8+$0xB0];
	[tilespmem:s8+$0x30] =	vst v5;
	v5 =	vmul.f32 v9, v2;
	v1 =	vbroadcast v1, $0x0  }
0x136: {  	[tilespmem:s8+$0x60] =	vst v10;
	v9 =	vld [tilespmem:s8+$0xC0]  }
0x137: {  	[tilespmem:s8+$0x50] =	vst v5;
	v5 =	vld [tilespmem:s8+$0xE0];
	v2 =	vmul.f32 v4, v2  }
0x138: {  	[tilespmem:s8+$0x40] =	vst v3;
	v4 =	vld [tilespmem:s8+$0xF0];
	v3 =	vmul.f32 v11, v62  }
0x139: {  	v11 =	vld [tilespmem:s8+$0xD0];
	[tilespmem:s8+$0x70] =	vst v2;
	v2 =	vmul.f32 v7, v62  }
0x13a: {  	[tilespmem:s8+$0x80] =	vst v3;
	v3 =	vmul.f32 v6, v62;
	v6 =	vld [tilespmem:s8+$0x100]  }
0x13b: {  	v1 =	vld.idx.msk [tilespmem:v1+s1+$0x0], $0xffff;
	[tilespmem:s8+$0xA0] =	vst v2;
	v2 =	vmul.f32 v9, v62  }
0x13c: {  	v7 =	vld [tilespmem:s8+$0x110];
	[tilespmem:s8+$0x90] =	vst v3;
	v3 =	vmul.f32 v8, v62  }
0x13d: {  	v5 =	vmul.f32 v5, v62;
	v8 =	vld [tilespmem:s8+$0x120];
	[tilespmem:s8+$0xC0] =	vst v2  }
0x13e: {  	s13 =	simm.s32 $0x4;
	v9 =	vld [tilespmem:s8+$0x130];
	[tilespmem:s8+$0xB0] =	vst v3;
	v3 =	vmul.f32 v11, v62  }
0x13f: {  	s18 =	simm.s32 $0x5;
	v10 =	vmov s13;
	v2 =	vld [tilespmem:s8+$0x140];
	[tilespmem:s8+$0xE0] =	vst v5;
	v11 =	vmul.f32 v4, v62  }
0x140: {  	s26 =	simm.s32 $0x6;
	v63 =	vmov s18;
	v10 =	vand.u32 $0x7C, v10;
	[tilespmem:s8+$0xD0] =	vst v3;
	v6 =	vmul.f32 v6, v1;
	v3 =	vld [tilespmem:s8+$0x150]  }
0x141: {  	v5 =	vor.u32 $0x80, v10;
	v10 =	vmov s26;
	v4 =	vld [tilespmem:s8+$0x160];
	v7 =	vmul.f32 v7, v1;
	[tilespmem:s8+$0xF0] =	vst v11  }
0x142: {  	s31 =	simm.s32 $0x100;
	v10 =	vand.u32 $0x7E, v10;
	v11 =	vand.u32 $0x7D, v63;
	v8 =	vmul.f32 v8, v1;
	[tilespmem:s8+$0x100] =	vst v6;
	v6 =	vld [tilespmem:s8+$0x170]  }
0x143: {  	s12 =	simm.s32 $0x5000;
	s13 =	simm.s32 $0x7;
	s26 =	simm.s32 $0x8;
	v5 =	vbroadcast v5, $0x0;
	v9 =	vmul.f32 v9, v1;
	v11 =	vor.u32 $0x80, v11;
	[tilespmem:s8+$0x110] =	vst v7;
	v7 =	vld [tilespmem:s8+$0x180]  }
.LBB2_7:
0x144: {  	p1 =	slt.u32 s26, $0x7C;
	v10 =	vor.u32 $0x80, v10;
	v12 =	vmov s13;
	[tilespmem:s8+$0x120] =	vst v8;
	v2 =	vmul.f32 v2, v1;
	v8 =	vld [tilespmem:s8+$0x190]  }
0x145: {  	v11 =	vbroadcast v11, $0x0;
	v12 =	vand.u32 $0x7F, v12;
	[tilespmem:s8+$0x130] =	vst v9;
	v3 =	vmul.f32 v3, v1;
	v9 =	vld [tilespmem:s8+$0x1A0]  }
0x146: {  	v10 =	vbroadcast v10, $0x0;
	v12 =	vor.u32 $0x80, v12;
	[tilespmem:s8+$0x140] =	vst v2;
	v2 =	vmul.f32 v4, v1;
	v4 =	vld [tilespmem:s8+$0x1B0]  }
0x147: {  	v12 =	vbroadcast v12, $0x0;
	[tilespmem:s8+$0x150] =	vst v3;
	v1 =	vmul.f32 v6, v1;
	v3 =	vld [tilespmem:s8+$0x1C0]  }
0x148: {  	[tilespmem:s8+$0x160] =	vst v2;
	v2 =	vmul.f32 v7, v0;
	v6 =	vld [tilespmem:s8+$0x1D0]  }
0x149: {  	[tilespmem:s8+$0x170] =	vst v1;
	v1 =	vmul.f32 v8, v0;
	v7 =	vld [tilespmem:s8+$0x1E0]  }
0x14a: {  	v5 =	vld.idx.msk [tilespmem:v5+s1+$0x0], $0xffff;
	[tilespmem:s8+$0x180] =	vst v2;
	v2 =	vmul.f32 v9, v0  }
0x14b: {  	v8 =	vld.idx.msk [tilespmem:v11+s1+$0x0], $0xffff;
	[tilespmem:s8+$0x190] =	vst v1;
	v4 =	vmul.f32 v4, v0  }
0x14c: {  	v1 =	vld.idx.msk [tilespmem:v10+s1+$0x0], $0xffff;
	[tilespmem:s8+$0x1A0] =	vst v2;
	v2 =	vmul.f32 v3, v0  }
0x14d: {  	s8 =	sadd.s32 $0x200, s8;
	v3 =	vld.idx.msk [tilespmem:v12+s1+$0x0], $0xffff;
	[tilespmem:s12+$0x1B0] =	vst v4;
	v4 =	vmul.f32 v6, v0  }
0x14e: {  	v6 =	vld [tilespmem:s8+$0x1F0];
	[tilespmem:s12+$0x1C0] =	vst v2;
	v0 =	vmul.f32 v7, v0  }
0x14f: {  	v2 =	vld [tilespmem:s8+$0x0];
	[tilespmem:s12+$0x1D0] =	vst v4  }
0x150: {  	v4 =	vld [tilespmem:s8+$0x10];
	[tilespmem:s12+$0x1E0] =	vst v0;
	s12 =	smov.u32 s8  }
0x151: {  	v7 =	vld [tilespmem:s8+$0x20]  }
0x152: {  	v9 =	vld [tilespmem:s8+$0x30]  }
0x153: {  	v0 =	vmov v3;
	v10 =	vld [tilespmem:s8+$0x40];
	v6 =	vmul.f32 v6, v3  }
0x154: {  	v2 =	vmul.f32 v2, v5;
	v3 =	vld [tilespmem:s8+$0x50]  }
0x155: {  	v4 =	vmul.f32 v4, v5;
	v11 =	vld [tilespmem:s8+$0x60];
	[tilespmem:s8+$0x1F0] =	vst v6  }
0x156: {  	[tilespmem:s8+$0x0] =	vst v2;
	v2 =	vmul.f32 v7, v5;
	v6 =	vld [tilespmem:s8+$0x70]  }
0x157: {  	[tilespmem:s8+$0x10] =	vst v4;
	v4 =	vmul.f32 v9, v5;
	v7 =	vld [tilespmem:s8+$0x80]  }
0x158: {  	[tilespmem:s8+$0x20] =	vst v2;
	v2 =	vmul.f32 v10, v5;
	v9 =	vld [tilespmem:s8+$0x90]  }
0x159: {  	[tilespmem:s8+$0x30] =	vst v4;
	v3 =	vmul.f32 v3, v5;
	v4 =	vld [tilespmem:s8+$0xA0]  }
0x15a: {  	[tilespmem:s8+$0x40] =	vst v2;
	v2 =	vmul.f32 v11, v5;
	v10 =	vld [tilespmem:s8+$0xB0]  }
0x15b: {  	[tilespmem:s8+$0x50] =	vst v3;
	v3 =	vmul.f32 v6, v5;
	v5 =	vld [tilespmem:s8+$0xC0]  }
0x15c: {  	[tilespmem:s8+$0x60] =	vst v2;
	v2 =	vmul.f32 v7, v8;
	v6 =	vld [tilespmem:s8+$0xD0]  }
0x15d: {  	[tilespmem:s8+$0x70] =	vst v3;
	v3 =	vmul.f32 v9, v8;
	v7 =	vld [tilespmem:s8+$0xE0]  }
0x15e: {  	[tilespmem:s8+$0x80] =	vst v2;
	v2 =	vmul.f32 v4, v8;
	v4 =	vld [tilespmem:s8+$0xF0]  }
0x15f: {  	[tilespmem:s8+$0x90] =	vst v3;
	v3 =	vmul.f32 v10, v8;
	v9 =	vld [tilespmem:s8+$0x100]  }
0x160: {  	[tilespmem:s8+$0xA0] =	vst v2;
	v2 =	vmul.f32 v5, v8;
	v5 =	vld [tilespmem:s8+$0x110]  }
0x161: {  	[tilespmem:s8+$0xB0] =	vst v3;
	v3 =	vmul.f32 v6, v8;
	v6 =	vld [tilespmem:s8+$0x120]  }
0x162: {  	[tilespmem:s8+$0xC0] =	vst v2;
	v7 =	vmul.f32 v7, v8;
	v12 =	vld [tilespmem:s8+$0x130]  }
.Ltmp2:
0x163: {  	s13 =	sadd.s32 $0x1, s26;
	v10 =	vmov s26;
	[tilespmem:s8+$0xD0] =	vst v3;
	v4 =	vmul.f32 v4, v8;
	v2 =	vld [tilespmem:s8+$0x140];
	(pc) =	sbr.rel @p1 .LBB2_7-.Ltmp2, $4  }
0x164: {  	v8 =	vand.u32 $0x7C, v10;
	v10 =	vmov s13;
	s13 =	sadd.s32 $0x2, s26;
	[tilespmem:s8+$0xE0] =	vst v7;
	v7 =	vmul.f32 v9, v1;
	v3 =	vld [tilespmem:s8+$0x150]  }
0x165: {  	v9 =	vor.u32 $0x80, v8;
	v8 =	vmov s13;
	[tilespmem:s8+$0xF0] =	vst v4;
	v13 =	vmul.f32 v5, v1;
	v4 =	vld [tilespmem:s8+$0x160]  }
0x166: {  	v11 =	vand.u32 $0x7D, v10;
	v10 =	vand.u32 $0x7E, v8;
	[tilespmem:s8+$0x100] =	vst v7;
	v8 =	vmul.f32 v6, v1;
	v6 =	vld [tilespmem:s8+$0x170]  }
0x167: {  	s13 =	sadd.s32 $0x3, s26;
	s26 =	sadd.s32 $0x4, s26;
	v5 =	vbroadcast v9, $0x0;
	v11 =	vor.u32 $0x80, v11;
	[tilespmem:s8+$0x110] =	vst v13;
	v9 =	vmul.f32 v12, v1;
	v7 =	vld [tilespmem:s8+$0x180]  }
0x168: {  	v13 =	vld [tilespmem:s8+$0x190]  }
0x169: {  	v14 =	vld [tilespmem:s8+$0x1A0]  }
0x16a: {  	v12 =	vmov s13;
	v10 =	vor.u32 $0x80, v10;
	v11 =	vbroadcast v11, $0x0;
	v15 =	vld [tilespmem:s8+$0x1B0]  }
0x16b: {  	v16 =	vld [tilespmem:s8+$0x1C0];
	[tilespmem:s8+$0x120] =	vst v8;
	v2 =	vmul.f32 v2, v1;
	v12 =	vand.u32 $0x7F, v12;
	v10 =	vbroadcast v10, $0x0  }
0x16c: {  	v8 =	vld [tilespmem:s8+$0x1D0];
	[tilespmem:s8+$0x130] =	vst v9;
	v3 =	vmul.f32 v3, v1;
	v12 =	vor.u32 $0x80, v12  }
0x16d: {  	v9 =	vld [tilespmem:s8+$0x1E0];
	[tilespmem:s8+$0x140] =	vst v2;
	v2 =	vmul.f32 v4, v1;
	v12 =	vbroadcast v12, $0x0  }
0x16e: {  	s26 =	sadd.s32 $0x200, s8;
	v4 =	vld.idx.msk [tilespmem:v5+s1+$0x0], $0xffff;
	[tilespmem:s8+$0x150] =	vst v3;
	v1 =	vmul.f32 v6, v1  }
0x16f: {  	[tilespmem:s8+$0x160] =	vst v2;
	v2 =	vmul.f32 v7, v0;
	v7 =	vld [tilespmem:s26+$0x1F0]  }
0x170: {  	[tilespmem:s8+$0x170] =	vst v1;
	v1 =	vmul.f32 v13, v0;
	v3 =	vld.idx.msk [tilespmem:v11+s1+$0x0], $0xffff  }
0x171: {  	[tilespmem:s8+$0x180] =	vst v2;
	v2 =	vmul.f32 v14, v0;
	v5 =	vld.idx.msk [tilespmem:v10+s1+$0x0], $0xffff  }
0x172: {  	[tilespmem:s8+$0x190] =	vst v1;
	v1 =	vmul.f32 v15, v0;
	v10 =	vld [tilespmem:s26+$0x0]  }
0x173: {  	[tilespmem:s8+$0x1A0] =	vst v2;
	v2 =	vmul.f32 v16, v0;
	v6 =	vld.idx.msk [tilespmem:v12+s1+$0x0], $0xffff  }
0x174: {  	v11 =	vld [tilespmem:s26+$0x10];
	[tilespmem:s12+$0x1B0] =	vst v1;
	v1 =	vmul.f32 v8, v0  }
0x175: {  	v8 =	vld [tilespmem:s26+$0x20];
	v0 =	vmul.f32 v9, v0;
	[tilespmem:s12+$0x1C0] =	vst v2  }
0x176: {  	v2 =	vld [tilespmem:s26+$0x30];
	[tilespmem:s12+$0x1D0] =	vst v1  }
0x177: {  	v1 =	vld [tilespmem:s26+$0x40];
	[tilespmem:s12+$0x1E0] =	vst v0;
	v0 =	vmul.f32 v10, v4  }
0x178: {  	v9 =	vld [tilespmem:s26+$0x50];
	v7 =	vmul.f32 v7, v6  }
0x179: {  	v10 =	vmul.f32 v11, v4;
	v11 =	vld [tilespmem:s26+$0x60];
	[tilespmem:s26+$0x0] =	vst v0  }
0x17a: {  	v0 =	vmul.f32 v8, v4;
	[tilespmem:s26+$0x1F0] =	vst v7;
	v7 =	vld [tilespmem:s26+$0x70]  }
0x17b: {  	[tilespmem:s26+$0x10] =	vst v10;
	v8 =	vld [tilespmem:s26+$0x80];
	v2 =	vmul.f32 v2, v4  }
0x17c: {  	[tilespmem:s26+$0x20] =	vst v0;
	v0 =	vmul.f32 v1, v4;
	v1 =	vld [tilespmem:s26+$0x90]  }
0x17d: {  	[tilespmem:s26+$0x30] =	vst v2;
	v2 =	vmul.f32 v9, v4;
	v9 =	vld [tilespmem:s26+$0xA0]  }
0x17e: {  	v10 =	vld [tilespmem:s26+$0xB0];
	[tilespmem:s26+$0x40] =	vst v0;
	v0 =	vmul.f32 v11, v4  }
0x17f: {  	[tilespmem:s26+$0x50] =	vst v2;
	v2 =	vmul.f32 v7, v4;
	v4 =	vld [tilespmem:s26+$0xC0]  }
0x180: {  	[tilespmem:s26+$0x60] =	vst v0;
	v0 =	vmul.f32 v8, v3;
	v7 =	vld [tilespmem:s26+$0xD0]  }
0x181: {  	v1 =	vmul.f32 v1, v3;
	[tilespmem:s26+$0x70] =	vst v2;
	v2 =	vld [tilespmem:s26+$0xE0]  }
0x182: {  	v8 =	vld [tilespmem:s26+$0xF0];
	[tilespmem:s26+$0x80] =	vst v0;
	v0 =	vmul.f32 v9, v3  }
0x183: {  	v9 =	vld [tilespmem:s26+$0x100];
	[tilespmem:s26+$0x90] =	vst v1;
	v1 =	vmul.f32 v10, v3  }
0x184: {  	[tilespmem:s26+$0xA0] =	vst v0;
	v0 =	vmul.f32 v4, v3;
	v4 =	vld [tilespmem:s26+$0x110]  }
0x185: {  	[tilespmem:s26+$0xB0] =	vst v1;
	v1 =	vmul.f32 v7, v3;
	v7 =	vld [tilespmem:s26+$0x120]  }
0x186: {  	[tilespmem:s26+$0xC0] =	vst v0;
	v0 =	vmul.f32 v2, v3;
	v2 =	vld [tilespmem:s26+$0x130]  }
0x187: {  	[tilespmem:s26+$0xD0] =	vst v1;
	v1 =	vmul.f32 v8, v3;
	v3 =	vld [tilespmem:s26+$0x140]  }
0x188: {  	v8 =	vld [tilespmem:s26+$0x150];
	[tilespmem:s26+$0xE0] =	vst v0;
	v0 =	vmul.f32 v9, v5  }
0x189: {  	[tilespmem:s26+$0xF0] =	vst v1;
	v1 =	vmul.f32 v4, v5;
	v4 =	vld [tilespmem:s26+$0x160]  }
0x18a: {  	[tilespmem:s26+$0x100] =	vst v0;
	v0 =	vmul.f32 v7, v5;
	v7 =	vld [tilespmem:s26+$0x170]  }
0x18b: {  	[tilespmem:s26+$0x110] =	vst v1;
	v1 =	vmul.f32 v2, v5;
	v2 =	vld [tilespmem:s26+$0x180]  }
0x18c: {  	[tilespmem:s26+$0x120] =	vst v0;
	v0 =	vmul.f32 v3, v5;
	v3 =	vld [tilespmem:s26+$0x190]  }
0x18d: {  	[tilespmem:s26+$0x130] =	vst v1;
	v1 =	vmul.f32 v8, v5;
	v8 =	vld [tilespmem:s26+$0x1A0]  }
0x18e: {  	[tilespmem:s26+$0x140] =	vst v0;
	v0 =	vmul.f32 v4, v5;
	v4 =	vld [tilespmem:s26+$0x1B0]  }
0x18f: {  	[tilespmem:s26+$0x150] =	vst v1;
	v1 =	vmul.f32 v7, v5;
	v5 =	vld [tilespmem:s26+$0x1C0]  }
0x190: {  	[tilespmem:s26+$0x160] =	vst v0;
	v0 =	vmul.f32 v2, v6;
	v2 =	vld [tilespmem:s26+$0x1D0]  }
0x191: {  	[tilespmem:s26+$0x170] =	vst v1;
	v1 =	vmul.f32 v3, v6;
	v3 =	vld [tilespmem:s26+$0x1E0]  }
0x192: {  	[tilespmem:s26+$0x180] =	vst v0;
	v0 =	vmul.f32 v8, v6  }
0x193: {  	[tilespmem:s26+$0x190] =	vst v1;
	v1 =	vmul.f32 v4, v6  }
0x194: {  	[tilespmem:s26+$0x1A0] =	vst v0;
	v0 =	vmul.f32 v5, v6  }
0x195: {  	[tilespmem:s26+$0x1B0] =	vst v1;
	v1 =	vmul.f32 v2, v6  }
0x196: {  	[tilespmem:s26+$0x1C0] =	vst v0;
	v0 =	vmul.f32 v3, v6  }
0x197: {  	s18 =	simm.s32 $0x0;
	[tilespmem:s26+$0x1D0] =	vst v1  }
0x198: {  	s12 =	simm.s32 $0x3;
	[tilespmem:s26+$0x1E0] =	vst v0;
	v0 =	vmov s18  }
0x199: {  	v1 =	vmov s12;
	[tilespmem:s16], [sflag:$0x2] =	stream.indirect.gather [hbm4b:s5+s20], $0x80, s31, s20, $0xb8;
	v0 =	vand.u32 $0x7C, v0;
	[tilespmem:$0x1D680] =	vst v63  }
0x19a: {  	v1 =	vand.u32 $0x7F, v1;
	v0 =	vor.u32 $0x100, v0  }
0x19b: {  	v1 =	vor.u32 $0x100, v1;
	[spmem:s2] =	stream.indirect.scatter.add.f32 [tilespmem:s22], [sflag:$0x3], $0x80, s24, s20, $0xb8;
	v0 =	vbroadcast v0, $0x0;
	[tilespmem:$0x1D680] =	vst v63  }
0x19c: {  	s13 =	simm.s32 $0x9080;
	v1 =	vbroadcast v1, $0x0  }
0x19d: {  	[spmem:s3] =	stream.indirect.scatter.add.f32 [tilespmem:s13], [sflag:$0x4], $0x1, s24, s20, $0xb8;
	[tilespmem:$0x1D680] =	vst v63  }
0x19e: {  	_ =	swait.ge [sflag:s11], $0x4000  }
0x19f: {  	[sflag:s11] =	ssyncset.done $0x0  }
0x1a0: {  	[sflag:s11] =	ssyncadd.s32 $0xFFFFC000  }
0x1a1: {  	s18 =	simm.s32 $0x1;
	v2 =	vld.idx.msk [tilespmem:v0+s1+$0x0], $0xffff  }
0x1a2: {  	s8 =	simm.s32 $0x1100;
	v3 =	vmov s18;
	v0 =	vld.idx.msk [tilespmem:v1+s1+$0x0], $0xffff  }
0x1a3: {  	v1 =	vand.u32 $0x7D, v3;
	v3 =	vld [tilespmem:s8+$0xF0]  }
0x1a4: {  	v4 =	vld [tilespmem:s8+$0xFFFFFF00]  }
0x1a5: {  	v5 =	vld [tilespmem:s8+$0xFFFFFF10]  }
0x1a6: {  	v6 =	vld [tilespmem:s8+$0xFFFFFF20];
	v1 =	vor.u32 $0x100, v1  }
0x1a7: {  	v7 =	vld [tilespmem:s8+$0xFFFFFF30];
	v1 =	vbroadcast v1, $0x0  }
0x1a8: {  	v8 =	vld [tilespmem:s8+$0xFFFFFF40]  }
0x1a9: {  	v9 =	vld [tilespmem:s8+$0xFFFFFF50];
	v4 =	vmul.f32 v4, v2  }
0x1aa: {  	v10 =	vld [tilespmem:s8+$0xFFFFFF60];
	v3 =	vmul.f32 v3, v0  }
0x1ab: {  	[tilespmem:s8+$0xFFFFFF00] =	vst v4;
	v4 =	vld [tilespmem:s8+$0xFFFFFF70]  }
0x1ac: {  	s26 =	simm.s32 $0x2;
	v5 =	vmul.f32 v5, v2;
	[tilespmem:s8+$0xF0] =	vst v3;
	v3 =	vmul.f32 v6, v2;
	v6 =	vld [tilespmem:s8+$0xFFFFFF90]  }
0x1ad: {  	v11 =	vmov s26;
	v62 =	vld.idx.msk [tilespmem:v1+s1+$0x0], $0xffff  }
0x1ae: {  	[tilespmem:s8+$0xFFFFFF10] =	vst v5;
	v5 =	vmul.f32 v7, v2;
	v1 =	vand.u32 $0x7E, v11;
	v11 =	vld [tilespmem:s8+$0xFFFFFF80]  }
0x1af: {  	v10 =	vmul.f32 v10, v2;
	v7 =	vld [tilespmem:s8+$0xFFFFFFA0];
	v1 =	vor.u32 $0x100, v1;
	[tilespmem:s8+$0xFFFFFF20] =	vst v3;
	v3 =	vmul.f32 v8, v2  }
0x1b0: {  	v8 =	vld [tilespmem:s8+$0xFFFFFFB0];
	[tilespmem:s8+$0xFFFFFF30] =	vst v5;
	v5 =	vmul.f32 v9, v2;
	v1 =	vbroadcast v1, $0x0  }
0x1b1: {  	[tilespmem:s8+$0xFFFFFF60] =	vst v10;
	v9 =	vld [tilespmem:s8+$0xFFFFFFC0]  }
0x1b2: {  	[tilespmem:s8+$0xFFFFFF50] =	vst v5;
	v5 =	vld [tilespmem:s8+$0xFFFFFFE0];
	v2 =	vmul.f32 v4, v2  }
0x1b3: {  	[tilespmem:s8+$0xFFFFFF40] =	vst v3;
	v4 =	vld [tilespmem:s8+$0xFFFFFFF0];
	v3 =	vmul.f32 v11, v62  }
0x1b4: {  	v11 =	vld [tilespmem:s8+$0xFFFFFFD0];
	[tilespmem:s8+$0xFFFFFF70] =	vst v2;
	v2 =	vmul.f32 v7, v62  }
0x1b5: {  	[tilespmem:s8+$0xFFFFFF80] =	vst v3;
	v3 =	vmul.f32 v6, v62;
	v6 =	vld [tilespmem:s8+$0x0]  }
0x1b6: {  	v1 =	vld.idx.msk [tilespmem:v1+s1+$0x0], $0xffff;
	[tilespmem:s8+$0xFFFFFFA0] =	vst v2;
	v2 =	vmul.f32 v9, v62  }
0x1b7: {  	v7 =	vld [tilespmem:s8+$0x10];
	[tilespmem:s8+$0xFFFFFF90] =	vst v3;
	v3 =	vmul.f32 v8, v62  }
0x1b8: {  	v5 =	vmul.f32 v5, v62;
	v8 =	vld [tilespmem:s8+$0x20];
	[tilespmem:s8+$0xFFFFFFC0] =	vst v2  }
0x1b9: {  	s13 =	simm.s32 $0x4;
	v9 =	vld [tilespmem:s8+$0x30];
	[tilespmem:s8+$0xFFFFFFB0] =	vst v3;
	v3 =	vmul.f32 v11, v62  }
0x1ba: {  	s18 =	simm.s32 $0x5;
	v10 =	vmov s13;
	v2 =	vld [tilespmem:s8+$0x40];
	[tilespmem:s8+$0xFFFFFFE0] =	vst v5;
	v11 =	vmul.f32 v4, v62  }
0x1bb: {  	s26 =	simm.s32 $0x6;
	v63 =	vmov s18;
	v10 =	vand.u32 $0x7C, v10;
	[tilespmem:s8+$0xFFFFFFD0] =	vst v3;
	v6 =	vmul.f32 v6, v1;
	v3 =	vld [tilespmem:s8+$0x50]  }
0x1bc: {  	v5 =	vor.u32 $0x100, v10;
	v10 =	vmov s26;
	v4 =	vld [tilespmem:s8+$0x60];
	v7 =	vmul.f32 v7, v1;
	[tilespmem:s8+$0xFFFFFFF0] =	vst v11  }
0x1bd: {  	v10 =	vand.u32 $0x7E, v10;
	v11 =	vand.u32 $0x7D, v63;
	v8 =	vmul.f32 v8, v1;
	[tilespmem:s8+$0x0] =	vst v6;
	v6 =	vld [tilespmem:s8+$0x70]  }
0x1be: {  	s12 =	simm.s32 $0x1100;
	s13 =	simm.s32 $0x7;
	s26 =	simm.s32 $0x8;
	v5 =	vbroadcast v5, $0x0;
	v9 =	vmul.f32 v9, v1;
	v11 =	vor.u32 $0x100, v11;
	[tilespmem:s8+$0x10] =	vst v7;
	v7 =	vld [tilespmem:s8+$0x80]  }
.LBB2_9:
0x1bf: {  	p1 =	slt.u32 s26, $0x7C;
	v10 =	vor.u32 $0x100, v10;
	v12 =	vmov s13;
	[tilespmem:s8+$0x20] =	vst v8;
	v2 =	vmul.f32 v2, v1;
	v8 =	vld [tilespmem:s8+$0x90]  }
0x1c0: {  	v11 =	vbroadcast v11, $0x0;
	v12 =	vand.u32 $0x7F, v12;
	[tilespmem:s8+$0x30] =	vst v9;
	v3 =	vmul.f32 v3, v1;
	v9 =	vld [tilespmem:s8+$0xA0]  }
0x1c1: {  	v10 =	vbroadcast v10, $0x0;
	v12 =	vor.u32 $0x100, v12;
	[tilespmem:s8+$0x40] =	vst v2;
	v2 =	vmul.f32 v4, v1;
	v4 =	vld [tilespmem:s8+$0xB0]  }
0x1c2: {  	v12 =	vbroadcast v12, $0x0;
	[tilespmem:s8+$0x50] =	vst v3;
	v1 =	vmul.f32 v6, v1;
	v3 =	vld [tilespmem:s8+$0xC0]  }
0x1c3: {  	[tilespmem:s8+$0x60] =	vst v2;
	v2 =	vmul.f32 v7, v0;
	v6 =	vld [tilespmem:s8+$0xD0]  }
0x1c4: {  	[tilespmem:s8+$0x70] =	vst v1;
	v1 =	vmul.f32 v8, v0;
	v7 =	vld [tilespmem:s8+$0xE0]  }
0x1c5: {  	v5 =	vld.idx.msk [tilespmem:v5+s1+$0x0], $0xffff;
	[tilespmem:s8+$0x80] =	vst v2;
	v2 =	vmul.f32 v9, v0  }
0x1c6: {  	v8 =	vld.idx.msk [tilespmem:v11+s1+$0x0], $0xffff;
	[tilespmem:s8+$0x90] =	vst v1;
	v4 =	vmul.f32 v4, v0  }
0x1c7: {  	v1 =	vld.idx.msk [tilespmem:v10+s1+$0x0], $0xffff;
	[tilespmem:s8+$0xA0] =	vst v2;
	v2 =	vmul.f32 v3, v0  }
0x1c8: {  	s8 =	sadd.s32 $0x200, s8;
	v3 =	vld.idx.msk [tilespmem:v12+s1+$0x0], $0xffff;
	[tilespmem:s12+$0xB0] =	vst v4;
	v4 =	vmul.f32 v6, v0  }
0x1c9: {  	v6 =	vld [tilespmem:s8+$0xF0];
	[tilespmem:s12+$0xC0] =	vst v2;
	v0 =	vmul.f32 v7, v0  }
0x1ca: {  	v2 =	vld [tilespmem:s8+$0xFFFFFF00];
	[tilespmem:s12+$0xD0] =	vst v4  }
0x1cb: {  	v4 =	vld [tilespmem:s8+$0xFFFFFF10];
	[tilespmem:s12+$0xE0] =	vst v0;
	s12 =	smov.u32 s8  }
0x1cc: {  	v7 =	vld [tilespmem:s8+$0xFFFFFF20]  }
0x1cd: {  	v9 =	vld [tilespmem:s8+$0xFFFFFF30]  }
0x1ce: {  	v0 =	vmov v3;
	v10 =	vld [tilespmem:s8+$0xFFFFFF40];
	v6 =	vmul.f32 v6, v3  }
0x1cf: {  	v2 =	vmul.f32 v2, v5;
	v3 =	vld [tilespmem:s8+$0xFFFFFF50]  }
0x1d0: {  	v4 =	vmul.f32 v4, v5;
	v11 =	vld [tilespmem:s8+$0xFFFFFF60];
	[tilespmem:s8+$0xF0] =	vst v6  }
0x1d1: {  	[tilespmem:s8+$0xFFFFFF00] =	vst v2;
	v2 =	vmul.f32 v7, v5;
	v6 =	vld [tilespmem:s8+$0xFFFFFF70]  }
0x1d2: {  	[tilespmem:s8+$0xFFFFFF10] =	vst v4;
	v4 =	vmul.f32 v9, v5;
	v7 =	vld [tilespmem:s8+$0xFFFFFF80]  }
0x1d3: {  	[tilespmem:s8+$0xFFFFFF20] =	vst v2;
	v2 =	vmul.f32 v10, v5;
	v9 =	vld [tilespmem:s8+$0xFFFFFF90]  }
0x1d4: {  	[tilespmem:s8+$0xFFFFFF30] =	vst v4;
	v3 =	vmul.f32 v3, v5;
	v4 =	vld [tilespmem:s8+$0xFFFFFFA0]  }
0x1d5: {  	[tilespmem:s8+$0xFFFFFF40] =	vst v2;
	v2 =	vmul.f32 v11, v5;
	v10 =	vld [tilespmem:s8+$0xFFFFFFB0]  }
0x1d6: {  	[tilespmem:s8+$0xFFFFFF50] =	vst v3;
	v3 =	vmul.f32 v6, v5;
	v5 =	vld [tilespmem:s8+$0xFFFFFFC0]  }
0x1d7: {  	[tilespmem:s8+$0xFFFFFF60] =	vst v2;
	v2 =	vmul.f32 v7, v8;
	v6 =	vld [tilespmem:s8+$0xFFFFFFD0]  }
0x1d8: {  	[tilespmem:s8+$0xFFFFFF70] =	vst v3;
	v3 =	vmul.f32 v9, v8;
	v7 =	vld [tilespmem:s8+$0xFFFFFFE0]  }
0x1d9: {  	[tilespmem:s8+$0xFFFFFF80] =	vst v2;
	v2 =	vmul.f32 v4, v8;
	v4 =	vld [tilespmem:s8+$0xFFFFFFF0]  }
0x1da: {  	[tilespmem:s8+$0xFFFFFF90] =	vst v3;
	v3 =	vmul.f32 v10, v8;
	v9 =	vld [tilespmem:s8+$0x0]  }
0x1db: {  	[tilespmem:s8+$0xFFFFFFA0] =	vst v2;
	v2 =	vmul.f32 v5, v8;
	v5 =	vld [tilespmem:s8+$0x10]  }
0x1dc: {  	[tilespmem:s8+$0xFFFFFFB0] =	vst v3;
	v3 =	vmul.f32 v6, v8;
	v6 =	vld [tilespmem:s8+$0x20]  }
0x1dd: {  	[tilespmem:s8+$0xFFFFFFC0] =	vst v2;
	v7 =	vmul.f32 v7, v8;
	v12 =	vld [tilespmem:s8+$0x30]  }
.Ltmp3:
0x1de: {  	s13 =	sadd.s32 $0x1, s26;
	v10 =	vmov s26;
	[tilespmem:s8+$0xFFFFFFD0] =	vst v3;
	v4 =	vmul.f32 v4, v8;
	v2 =	vld [tilespmem:s8+$0x40];
	(pc) =	sbr.rel @p1 .LBB2_9-.Ltmp3, $4  }
0x1df: {  	v8 =	vand.u32 $0x7C, v10;
	v10 =	vmov s13;
	s13 =	sadd.s32 $0x2, s26;
	[tilespmem:s8+$0xFFFFFFE0] =	vst v7;
	v7 =	vmul.f32 v9, v1;
	v3 =	vld [tilespmem:s8+$0x50]  }
0x1e0: {  	v9 =	vor.u32 $0x100, v8;
	v8 =	vmov s13;
	[tilespmem:s8+$0xFFFFFFF0] =	vst v4;
	v13 =	vmul.f32 v5, v1;
	v4 =	vld [tilespmem:s8+$0x60]  }
0x1e1: {  	v11 =	vand.u32 $0x7D, v10;
	v10 =	vand.u32 $0x7E, v8;
	[tilespmem:s8+$0x0] =	vst v7;
	v8 =	vmul.f32 v6, v1;
	v6 =	vld [tilespmem:s8+$0x70]  }
0x1e2: {  	s13 =	sadd.s32 $0x3, s26;
	s26 =	sadd.s32 $0x4, s26;
	v5 =	vbroadcast v9, $0x0;
	v11 =	vor.u32 $0x100, v11;
	[tilespmem:s8+$0x10] =	vst v13;
	v9 =	vmul.f32 v12, v1;
	v7 =	vld [tilespmem:s8+$0x80]  }
0x1e3: {  	v13 =	vld [tilespmem:s8+$0x90]  }
0x1e4: {  	v14 =	vld [tilespmem:s8+$0xA0]  }
0x1e5: {  	v12 =	vmov s13;
	v10 =	vor.u32 $0x100, v10;
	v11 =	vbroadcast v11, $0x0;
	v15 =	vld [tilespmem:s8+$0xB0]  }
0x1e6: {  	v16 =	vld [tilespmem:s8+$0xC0];
	[tilespmem:s8+$0x20] =	vst v8;
	v2 =	vmul.f32 v2, v1;
	v12 =	vand.u32 $0x7F, v12;
	v10 =	vbroadcast v10, $0x0  }
0x1e7: {  	v8 =	vld [tilespmem:s8+$0xD0];
	[tilespmem:s8+$0x30] =	vst v9;
	v3 =	vmul.f32 v3, v1;
	v12 =	vor.u32 $0x100, v12  }
0x1e8: {  	v9 =	vld [tilespmem:s8+$0xE0];
	[tilespmem:s8+$0x40] =	vst v2;
	v2 =	vmul.f32 v4, v1;
	v12 =	vbroadcast v12, $0x0  }
0x1e9: {  	s26 =	sadd.s32 $0x200, s8;
	v4 =	vld.idx.msk [tilespmem:v5+s1+$0x0], $0xffff;
	[tilespmem:s8+$0x50] =	vst v3;
	v1 =	vmul.f32 v6, v1  }
0x1ea: {  	[tilespmem:s8+$0x60] =	vst v2;
	v2 =	vmul.f32 v7, v0;
	v7 =	vld [tilespmem:s26+$0xF0]  }
0x1eb: {  	[tilespmem:s8+$0x70] =	vst v1;
	v1 =	vmul.f32 v13, v0;
	v3 =	vld.idx.msk [tilespmem:v11+s1+$0x0], $0xffff  }
0x1ec: {  	[tilespmem:s8+$0x80] =	vst v2;
	v2 =	vmul.f32 v14, v0;
	v5 =	vld.idx.msk [tilespmem:v10+s1+$0x0], $0xffff  }
0x1ed: {  	[tilespmem:s8+$0x90] =	vst v1;
	v1 =	vmul.f32 v15, v0;
	v10 =	vld [tilespmem:s26+$0xFFFFFF00]  }
0x1ee: {  	[tilespmem:s8+$0xA0] =	vst v2;
	v2 =	vmul.f32 v16, v0;
	v6 =	vld.idx.msk [tilespmem:v12+s1+$0x0], $0xffff  }
0x1ef: {  	v11 =	vld [tilespmem:s26+$0xFFFFFF10];
	[tilespmem:s12+$0xB0] =	vst v1;
	v1 =	vmul.f32 v8, v0  }
0x1f0: {  	v8 =	vld [tilespmem:s26+$0xFFFFFF20];
	v0 =	vmul.f32 v9, v0;
	[tilespmem:s12+$0xC0] =	vst v2  }
0x1f1: {  	v2 =	vld [tilespmem:s26+$0xFFFFFF30];
	[tilespmem:s12+$0xD0] =	vst v1  }
0x1f2: {  	v1 =	vld [tilespmem:s26+$0xFFFFFF40];
	[tilespmem:s12+$0xE0] =	vst v0;
	v0 =	vmul.f32 v10, v4  }
0x1f3: {  	v9 =	vld [tilespmem:s26+$0xFFFFFF50];
	v7 =	vmul.f32 v7, v6  }
0x1f4: {  	v10 =	vmul.f32 v11, v4;
	v11 =	vld [tilespmem:s26+$0xFFFFFF60];
	[tilespmem:s26+$0xFFFFFF00] =	vst v0  }
0x1f5: {  	v0 =	vmul.f32 v8, v4;
	[tilespmem:s26+$0xF0] =	vst v7;
	v7 =	vld [tilespmem:s26+$0xFFFFFF70]  }
0x1f6: {  	[tilespmem:s26+$0xFFFFFF10] =	vst v10;
	v8 =	vld [tilespmem:s26+$0xFFFFFF80];
	v2 =	vmul.f32 v2, v4  }
0x1f7: {  	[tilespmem:s26+$0xFFFFFF20] =	vst v0;
	v0 =	vmul.f32 v1, v4;
	v1 =	vld [tilespmem:s26+$0xFFFFFF90]  }
0x1f8: {  	[tilespmem:s26+$0xFFFFFF30] =	vst v2;
	v2 =	vmul.f32 v9, v4;
	v9 =	vld [tilespmem:s26+$0xFFFFFFA0]  }
0x1f9: {  	v10 =	vld [tilespmem:s26+$0xFFFFFFB0];
	[tilespmem:s26+$0xFFFFFF40] =	vst v0;
	v0 =	vmul.f32 v11, v4  }
0x1fa: {  	[tilespmem:s26+$0xFFFFFF50] =	vst v2;
	v2 =	vmul.f32 v7, v4;
	v4 =	vld [tilespmem:s26+$0xFFFFFFC0]  }
0x1fb: {  	[tilespmem:s26+$0xFFFFFF60] =	vst v0;
	v0 =	vmul.f32 v8, v3;
	v7 =	vld [tilespmem:s26+$0xFFFFFFD0]  }
0x1fc: {  	v1 =	vmul.f32 v1, v3;
	[tilespmem:s26+$0xFFFFFF70] =	vst v2;
	v2 =	vld [tilespmem:s26+$0xFFFFFFE0]  }
0x1fd: {  	v8 =	vld [tilespmem:s26+$0xFFFFFFF0];
	[tilespmem:s26+$0xFFFFFF80] =	vst v0;
	v0 =	vmul.f32 v9, v3  }
0x1fe: {  	v9 =	vld [tilespmem:s26+$0x0];
	[tilespmem:s26+$0xFFFFFF90] =	vst v1;
	v1 =	vmul.f32 v10, v3  }
0x1ff: {  	[tilespmem:s26+$0xFFFFFFA0] =	vst v0;
	v0 =	vmul.f32 v4, v3;
	v4 =	vld [tilespmem:s26+$0x10]  }
0x200: {  	[tilespmem:s26+$0xFFFFFFB0] =	vst v1;
	v1 =	vmul.f32 v7, v3;
	v7 =	vld [tilespmem:s26+$0x20]  }
0x201: {  	[tilespmem:s26+$0xFFFFFFC0] =	vst v0;
	v0 =	vmul.f32 v2, v3;
	v2 =	vld [tilespmem:s26+$0x30]  }
0x202: {  	[tilespmem:s26+$0xFFFFFFD0] =	vst v1;
	v1 =	vmul.f32 v8, v3;
	v3 =	vld [tilespmem:s26+$0x40]  }
0x203: {  	v8 =	vld [tilespmem:s26+$0x50];
	[tilespmem:s26+$0xFFFFFFE0] =	vst v0;
	v0 =	vmul.f32 v9, v5  }
0x204: {  	[tilespmem:s26+$0xFFFFFFF0] =	vst v1;
	v1 =	vmul.f32 v4, v5;
	v4 =	vld [tilespmem:s26+$0x60]  }
0x205: {  	[tilespmem:s26+$0x0] =	vst v0;
	v0 =	vmul.f32 v7, v5;
	v7 =	vld [tilespmem:s26+$0x70]  }
0x206: {  	[tilespmem:s26+$0x10] =	vst v1;
	v1 =	vmul.f32 v2, v5;
	v2 =	vld [tilespmem:s26+$0x80]  }
0x207: {  	[tilespmem:s26+$0x20] =	vst v0;
	v0 =	vmul.f32 v3, v5;
	v3 =	vld [tilespmem:s26+$0x90]  }
0x208: {  	[tilespmem:s26+$0x30] =	vst v1;
	v1 =	vmul.f32 v8, v5;
	v8 =	vld [tilespmem:s26+$0xA0]  }
0x209: {  	[tilespmem:s26+$0x40] =	vst v0;
	v0 =	vmul.f32 v4, v5;
	v4 =	vld [tilespmem:s26+$0xB0]  }
0x20a: {  	[tilespmem:s26+$0x50] =	vst v1;
	v1 =	vmul.f32 v7, v5;
	v5 =	vld [tilespmem:s26+$0xC0]  }
0x20b: {  	[tilespmem:s26+$0x60] =	vst v0;
	v0 =	vmul.f32 v2, v6;
	v2 =	vld [tilespmem:s26+$0xD0]  }
0x20c: {  	[tilespmem:s26+$0x70] =	vst v1;
	v1 =	vmul.f32 v3, v6;
	v3 =	vld [tilespmem:s26+$0xE0]  }
0x20d: {  	[tilespmem:s26+$0x80] =	vst v0;
	v0 =	vmul.f32 v8, v6  }
0x20e: {  	[tilespmem:s26+$0x90] =	vst v1;
	v1 =	vmul.f32 v4, v6  }
0x20f: {  	[tilespmem:s26+$0xA0] =	vst v0;
	v0 =	vmul.f32 v5, v6  }
0x210: {  	[tilespmem:s26+$0xB0] =	vst v1;
	v1 =	vmul.f32 v2, v6  }
0x211: {  	[tilespmem:s26+$0xC0] =	vst v0;
	v0 =	vmul.f32 v3, v6  }
0x212: {  	[tilespmem:s26+$0xD0] =	vst v1  }
0x213: {  	[tilespmem:s26+$0xE0] =	vst v0  }
0x214: {  	_ =	swait.ge [sflag:s30], $0x4000  }
0x215: {  	s13 =	simm.s32 $0x0;
	s18 =	simm.s32 $0x3;
	[sflag:s30] =	ssyncset.done $0x0  }
0x216: {  	s8 =	simm.s32 $0x5000;
	v0 =	vmov s13;
	s26 =	simm.s32 $0x180;
	[sflag:s30] =	ssyncadd.s32 $0xFFFFC000  }
0x217: {  	v1 =	vmov s18;
	v0 =	vand.u32 $0x7C, v0;
	[tilespmem:s8], [sflag:$0x2] =	stream.indirect.gather [hbm4b:s5+s20], $0x80, s26, s20, $0xb8;
	[tilespmem:$0x1D680] =	vst v63  }
0x218: {  	v1 =	vand.u32 $0x7F, v1;
	v0 =	vor.u32 $0x180, v0  }
0x219: {  	v1 =	vor.u32 $0x180, v1;
	v0 =	vbroadcast v0, $0x0;
	[spmem:s2] =	stream.indirect.scatter.add.f32 [tilespmem:s16], [sflag:$0x3], $0x80, s29, s20, $0xb8;
	[tilespmem:$0x1D680] =	vst v63  }
0x21a: {  	s13 =	simm.s32 $0x9100;
	v1 =	vbroadcast v1, $0x0  }
0x21b: {  	[spmem:s3] =	stream.indirect.scatter.add.f32 [tilespmem:s13], [sflag:$0x4], $0x1, s29, s20, $0xb8;
	[tilespmem:$0x1D680] =	vst v63  }
0x21c: {  	_ =	swait.ge [sflag:s11], $0x4000  }
0x21d: {  	[sflag:s11] =	ssyncset.done $0x0  }
0x21e: {  	[sflag:s11] =	ssyncadd.s32 $0xFFFFC000  }
0x21f: {  	s18 =	simm.s32 $0x1;
	v2 =	vld.idx.msk [tilespmem:v0+s1+$0x0], $0xffff  }
0x220: {  	v3 =	vmov s18;
	v0 =	vld.idx.msk [tilespmem:v1+s1+$0x0], $0xffff  }
0x221: {  	v1 =	vand.u32 $0x7D, v3;
	v3 =	vld [tilespmem:s8+$0x1F0]  }
0x222: {  	v4 =	vld [tilespmem:s8+$0x0]  }
0x223: {  	v5 =	vld [tilespmem:s8+$0x10]  }
0x224: {  	v6 =	vld [tilespmem:s8+$0x20];
	v1 =	vor.u32 $0x180, v1  }
0x225: {  	v7 =	vld [tilespmem:s8+$0x30];
	v1 =	vbroadcast v1, $0x0  }
0x226: {  	v8 =	vld [tilespmem:s8+$0x40]  }
0x227: {  	v9 =	vld [tilespmem:s8+$0x50];
	v4 =	vmul.f32 v4, v2  }
0x228: {  	v10 =	vld [tilespmem:s8+$0x60];
	v3 =	vmul.f32 v3, v0  }
0x229: {  	[tilespmem:s8+$0x0] =	vst v4;
	v4 =	vld [tilespmem:s8+$0x70]  }
0x22a: {  	s26 =	simm.s32 $0x2;
	v5 =	vmul.f32 v5, v2;
	[tilespmem:s8+$0x1F0] =	vst v3;
	v3 =	vmul.f32 v6, v2;
	v6 =	vld [tilespmem:s8+$0x90]  }
0x22b: {  	v11 =	vmov s26;
	v62 =	vld.idx.msk [tilespmem:v1+s1+$0x0], $0xffff  }
0x22c: {  	[tilespmem:s8+$0x10] =	vst v5;
	v5 =	vmul.f32 v7, v2;
	v1 =	vand.u32 $0x7E, v11;
	v11 =	vld [tilespmem:s8+$0x80]  }
0x22d: {  	v10 =	vmul.f32 v10, v2;
	v7 =	vld [tilespmem:s8+$0xA0];
	v1 =	vor.u32 $0x180, v1;
	[tilespmem:s8+$0x20] =	vst v3;
	v3 =	vmul.f32 v8, v2  }
0x22e: {  	v8 =	vld [tilespmem:s8+$0xB0];
	[tilespmem:s8+$0x30] =	vst v5;
	v5 =	vmul.f32 v9, v2;
	v1 =	vbroadcast v1, $0x0  }
0x22f: {  	[tilespmem:s8+$0x60] =	vst v10;
	v9 =	vld [tilespmem:s8+$0xC0]  }
0x230: {  	[tilespmem:s8+$0x50] =	vst v5;
	v5 =	vld [tilespmem:s8+$0xE0];
	v2 =	vmul.f32 v4, v2  }
0x231: {  	[tilespmem:s8+$0x40] =	vst v3;
	v4 =	vld [tilespmem:s8+$0xF0];
	v3 =	vmul.f32 v11, v62  }
0x232: {  	v11 =	vld [tilespmem:s8+$0xD0];
	[tilespmem:s8+$0x70] =	vst v2;
	v2 =	vmul.f32 v7, v62  }
0x233: {  	[tilespmem:s8+$0x80] =	vst v3;
	v3 =	vmul.f32 v6, v62;
	v6 =	vld [tilespmem:s8+$0x100]  }
0x234: {  	v1 =	vld.idx.msk [tilespmem:v1+s1+$0x0], $0xffff;
	[tilespmem:s8+$0xA0] =	vst v2;
	v2 =	vmul.f32 v9, v62  }
0x235: {  	v7 =	vld [tilespmem:s8+$0x110];
	[tilespmem:s8+$0x90] =	vst v3;
	v3 =	vmul.f32 v8, v62  }
0x236: {  	v5 =	vmul.f32 v5, v62;
	v8 =	vld [tilespmem:s8+$0x120];
	[tilespmem:s8+$0xC0] =	vst v2  }
0x237: {  	s13 =	simm.s32 $0x4;
	v9 =	vld [tilespmem:s8+$0x130];
	[tilespmem:s8+$0xB0] =	vst v3;
	v3 =	vmul.f32 v11, v62  }
0x238: {  	s18 =	simm.s32 $0x5;
	v10 =	vmov s13;
	v2 =	vld [tilespmem:s8+$0x140];
	[tilespmem:s8+$0xE0] =	vst v5;
	v11 =	vmul.f32 v4, v62  }
0x239: {  	v63 =	vmov s18;
	s26 =	simm.s32 $0x6;
	v10 =	vand.u32 $0x7C, v10;
	[tilespmem:s8+$0xD0] =	vst v3;
	v6 =	vmul.f32 v6, v1;
	v3 =	vld [tilespmem:s8+$0x150]  }
0x23a: {  	v5 =	vor.u32 $0x180, v10;
	v10 =	vmov s26;
	v4 =	vld [tilespmem:s8+$0x160];
	v7 =	vmul.f32 v7, v1;
	[tilespmem:s8+$0xF0] =	vst v11  }
0x23b: {  	v10 =	vand.u32 $0x7E, v10;
	v11 =	vand.u32 $0x7D, v63;
	v8 =	vmul.f32 v8, v1;
	[tilespmem:s8+$0x100] =	vst v6;
	v6 =	vld [tilespmem:s8+$0x170]  }
0x23c: {  	s12 =	simm.s32 $0x5000;
	s13 =	simm.s32 $0x7;
	s26 =	simm.s32 $0x8;
	v5 =	vbroadcast v5, $0x0;
	v9 =	vmul.f32 v9, v1;
	v11 =	vor.u32 $0x180, v11;
	[tilespmem:s8+$0x110] =	vst v7;
	v7 =	vld [tilespmem:s8+$0x180]  }
.LBB2_11:
0x23d: {  	p1 =	slt.u32 s26, $0x7C;
	v10 =	vor.u32 $0x180, v10;
	v12 =	vmov s13;
	[tilespmem:s8+$0x120] =	vst v8;
	v2 =	vmul.f32 v2, v1;
	v8 =	vld [tilespmem:s8+$0x190]  }
0x23e: {  	v11 =	vbroadcast v11, $0x0;
	v12 =	vand.u32 $0x7F, v12;
	[tilespmem:s8+$0x130] =	vst v9;
	v3 =	vmul.f32 v3, v1;
	v9 =	vld [tilespmem:s8+$0x1A0]  }
0x23f: {  	v10 =	vbroadcast v10, $0x0;
	v12 =	vor.u32 $0x180, v12;
	[tilespmem:s8+$0x140] =	vst v2;
	v2 =	vmul.f32 v4, v1;
	v4 =	vld [tilespmem:s8+$0x1B0]  }
0x240: {  	v12 =	vbroadcast v12, $0x0;
	[tilespmem:s8+$0x150] =	vst v3;
	v1 =	vmul.f32 v6, v1;
	v3 =	vld [tilespmem:s8+$0x1C0]  }
0x241: {  	[tilespmem:s8+$0x160] =	vst v2;
	v2 =	vmul.f32 v7, v0;
	v6 =	vld [tilespmem:s8+$0x1D0]  }
0x242: {  	[tilespmem:s8+$0x170] =	vst v1;
	v1 =	vmul.f32 v8, v0;
	v7 =	vld [tilespmem:s8+$0x1E0]  }
0x243: {  	v5 =	vld.idx.msk [tilespmem:v5+s1+$0x0], $0xffff;
	[tilespmem:s8+$0x180] =	vst v2;
	v2 =	vmul.f32 v9, v0  }
0x244: {  	v8 =	vld.idx.msk [tilespmem:v11+s1+$0x0], $0xffff;
	[tilespmem:s8+$0x190] =	vst v1;
	v4 =	vmul.f32 v4, v0  }
0x245: {  	v1 =	vld.idx.msk [tilespmem:v10+s1+$0x0], $0xffff;
	[tilespmem:s8+$0x1A0] =	vst v2;
	v2 =	vmul.f32 v3, v0  }
0x246: {  	s8 =	sadd.s32 $0x200, s8;
	v3 =	vld.idx.msk [tilespmem:v12+s1+$0x0], $0xffff;
	[tilespmem:s12+$0x1B0] =	vst v4;
	v4 =	vmul.f32 v6, v0  }
0x247: {  	v6 =	vld [tilespmem:s8+$0x1F0];
	[tilespmem:s12+$0x1C0] =	vst v2;
	v0 =	vmul.f32 v7, v0  }
0x248: {  	v2 =	vld [tilespmem:s8+$0x0];
	[tilespmem:s12+$0x1D0] =	vst v4  }
0x249: {  	v4 =	vld [tilespmem:s8+$0x10];
	[tilespmem:s12+$0x1E0] =	vst v0;
	s12 =	smov.u32 s8  }
0x24a: {  	v7 =	vld [tilespmem:s8+$0x20]  }
0x24b: {  	v9 =	vld [tilespmem:s8+$0x30]  }
0x24c: {  	v0 =	vmov v3;
	v10 =	vld [tilespmem:s8+$0x40];
	v6 =	vmul.f32 v6, v3  }
0x24d: {  	v2 =	vmul.f32 v2, v5;
	v3 =	vld [tilespmem:s8+$0x50]  }
0x24e: {  	v4 =	vmul.f32 v4, v5;
	v11 =	vld [tilespmem:s8+$0x60];
	[tilespmem:s8+$0x1F0] =	vst v6  }
0x24f: {  	[tilespmem:s8+$0x0] =	vst v2;
	v2 =	vmul.f32 v7, v5;
	v6 =	vld [tilespmem:s8+$0x70]  }
0x250: {  	[tilespmem:s8+$0x10] =	vst v4;
	v4 =	vmul.f32 v9, v5;
	v7 =	vld [tilespmem:s8+$0x80]  }
0x251: {  	[tilespmem:s8+$0x20] =	vst v2;
	v2 =	vmul.f32 v10, v5;
	v9 =	vld [tilespmem:s8+$0x90]  }
0x252: {  	[tilespmem:s8+$0x30] =	vst v4;
	v3 =	vmul.f32 v3, v5;
	v4 =	vld [tilespmem:s8+$0xA0]  }
0x253: {  	[tilespmem:s8+$0x40] =	vst v2;
	v2 =	vmul.f32 v11, v5;
	v10 =	vld [tilespmem:s8+$0xB0]  }
0x254: {  	[tilespmem:s8+$0x50] =	vst v3;
	v3 =	vmul.f32 v6, v5;
	v5 =	vld [tilespmem:s8+$0xC0]  }
0x255: {  	[tilespmem:s8+$0x60] =	vst v2;
	v2 =	vmul.f32 v7, v8;
	v6 =	vld [tilespmem:s8+$0xD0]  }
0x256: {  	[tilespmem:s8+$0x70] =	vst v3;
	v3 =	vmul.f32 v9, v8;
	v7 =	vld [tilespmem:s8+$0xE0]  }
0x257: {  	[tilespmem:s8+$0x80] =	vst v2;
	v2 =	vmul.f32 v4, v8;
	v4 =	vld [tilespmem:s8+$0xF0]  }
0x258: {  	[tilespmem:s8+$0x90] =	vst v3;
	v3 =	vmul.f32 v10, v8;
	v9 =	vld [tilespmem:s8+$0x100]  }
0x259: {  	[tilespmem:s8+$0xA0] =	vst v2;
	v2 =	vmul.f32 v5, v8;
	v5 =	vld [tilespmem:s8+$0x110]  }
0x25a: {  	[tilespmem:s8+$0xB0] =	vst v3;
	v3 =	vmul.f32 v6, v8;
	v6 =	vld [tilespmem:s8+$0x120]  }
0x25b: {  	[tilespmem:s8+$0xC0] =	vst v2;
	v7 =	vmul.f32 v7, v8;
	v12 =	vld [tilespmem:s8+$0x130]  }
.Ltmp4:
0x25c: {  	s13 =	sadd.s32 $0x1, s26;
	v10 =	vmov s26;
	[tilespmem:s8+$0xD0] =	vst v3;
	v4 =	vmul.f32 v4, v8;
	v2 =	vld [tilespmem:s8+$0x140];
	(pc) =	sbr.rel @p1 .LBB2_11-.Ltmp4, $4  }
0x25d: {  	v8 =	vand.u32 $0x7C, v10;
	v10 =	vmov s13;
	s13 =	sadd.s32 $0x2, s26;
	[tilespmem:s8+$0xE0] =	vst v7;
	v7 =	vmul.f32 v9, v1;
	v3 =	vld [tilespmem:s8+$0x150]  }
0x25e: {  	v9 =	vor.u32 $0x180, v8;
	v8 =	vmov s13;
	[tilespmem:s8+$0xF0] =	vst v4;
	v13 =	vmul.f32 v5, v1;
	v4 =	vld [tilespmem:s8+$0x160]  }
0x25f: {  	v11 =	vand.u32 $0x7D, v10;
	v10 =	vand.u32 $0x7E, v8;
	[tilespmem:s8+$0x100] =	vst v7;
	v8 =	vmul.f32 v6, v1;
	v6 =	vld [tilespmem:s8+$0x170]  }
0x260: {  	s13 =	sadd.s32 $0x3, s26;
	s26 =	sadd.s32 $0x4, s26;
	v5 =	vbroadcast v9, $0x0;
	v11 =	vor.u32 $0x180, v11;
	[tilespmem:s8+$0x110] =	vst v13;
	v9 =	vmul.f32 v12, v1;
	v7 =	vld [tilespmem:s8+$0x180]  }
0x261: {  	v13 =	vld [tilespmem:s8+$0x190]  }
0x262: {  	v14 =	vld [tilespmem:s8+$0x1A0]  }
0x263: {  	v12 =	vmov s13;
	v10 =	vor.u32 $0x180, v10;
	v11 =	vbroadcast v11, $0x0;
	v15 =	vld [tilespmem:s8+$0x1B0]  }
0x264: {  	v16 =	vld [tilespmem:s8+$0x1C0];
	[tilespmem:s8+$0x120] =	vst v8;
	v2 =	vmul.f32 v2, v1;
	v12 =	vand.u32 $0x7F, v12;
	v10 =	vbroadcast v10, $0x0  }
0x265: {  	v8 =	vld [tilespmem:s8+$0x1D0];
	[tilespmem:s8+$0x130] =	vst v9;
	v3 =	vmul.f32 v3, v1;
	v12 =	vor.u32 $0x180, v12  }
0x266: {  	v9 =	vld [tilespmem:s8+$0x1E0];
	[tilespmem:s8+$0x140] =	vst v2;
	v2 =	vmul.f32 v4, v1;
	v12 =	vbroadcast v12, $0x0  }
0x267: {  	s26 =	sadd.s32 $0x200, s8;
	v4 =	vld.idx.msk [tilespmem:v5+s1+$0x0], $0xffff;
	[tilespmem:s8+$0x150] =	vst v3;
	v1 =	vmul.f32 v6, v1  }
0x268: {  	[tilespmem:s8+$0x160] =	vst v2;
	v2 =	vmul.f32 v7, v0;
	v7 =	vld [tilespmem:s26+$0x1F0]  }
0x269: {  	[tilespmem:s8+$0x170] =	vst v1;
	v1 =	vmul.f32 v13, v0;
	v3 =	vld.idx.msk [tilespmem:v11+s1+$0x0], $0xffff  }
0x26a: {  	[tilespmem:s8+$0x180] =	vst v2;
	v2 =	vmul.f32 v14, v0;
	v5 =	vld.idx.msk [tilespmem:v10+s1+$0x0], $0xffff  }
0x26b: {  	[tilespmem:s8+$0x190] =	vst v1;
	v1 =	vmul.f32 v15, v0;
	v10 =	vld [tilespmem:s26+$0x0]  }
0x26c: {  	[tilespmem:s8+$0x1A0] =	vst v2;
	v2 =	vmul.f32 v16, v0;
	v6 =	vld.idx.msk [tilespmem:v12+s1+$0x0], $0xffff  }
0x26d: {  	v11 =	vld [tilespmem:s26+$0x10];
	[tilespmem:s12+$0x1B0] =	vst v1;
	v1 =	vmul.f32 v8, v0  }
0x26e: {  	v8 =	vld [tilespmem:s26+$0x20];
	v0 =	vmul.f32 v9, v0;
	[tilespmem:s12+$0x1C0] =	vst v2  }
0x26f: {  	v2 =	vld [tilespmem:s26+$0x30];
	[tilespmem:s12+$0x1D0] =	vst v1  }
0x270: {  	v1 =	vld [tilespmem:s26+$0x40];
	[tilespmem:s12+$0x1E0] =	vst v0;
	v0 =	vmul.f32 v10, v4  }
0x271: {  	v9 =	vld [tilespmem:s26+$0x50];
	v7 =	vmul.f32 v7, v6  }
0x272: {  	v10 =	vmul.f32 v11, v4;
	v11 =	vld [tilespmem:s26+$0x60];
	[tilespmem:s26+$0x0] =	vst v0  }
0x273: {  	v0 =	vmul.f32 v8, v4;
	[tilespmem:s26+$0x1F0] =	vst v7;
	v7 =	vld [tilespmem:s26+$0x70]  }
0x274: {  	[tilespmem:s26+$0x10] =	vst v10;
	v8 =	vld [tilespmem:s26+$0x80];
	v2 =	vmul.f32 v2, v4  }
0x275: {  	[tilespmem:s26+$0x20] =	vst v0;
	v0 =	vmul.f32 v1, v4;
	v1 =	vld [tilespmem:s26+$0x90]  }
0x276: {  	[tilespmem:s26+$0x30] =	vst v2;
	v2 =	vmul.f32 v9, v4;
	v9 =	vld [tilespmem:s26+$0xA0]  }
0x277: {  	v10 =	vld [tilespmem:s26+$0xB0];
	[tilespmem:s26+$0x40] =	vst v0;
	v0 =	vmul.f32 v11, v4  }
0x278: {  	[tilespmem:s26+$0x50] =	vst v2;
	v2 =	vmul.f32 v7, v4;
	v4 =	vld [tilespmem:s26+$0xC0]  }
0x279: {  	[tilespmem:s26+$0x60] =	vst v0;
	v0 =	vmul.f32 v8, v3;
	v7 =	vld [tilespmem:s26+$0xD0]  }
0x27a: {  	v1 =	vmul.f32 v1, v3;
	[tilespmem:s26+$0x70] =	vst v2;
	v2 =	vld [tilespmem:s26+$0xE0]  }
0x27b: {  	v8 =	vld [tilespmem:s26+$0xF0];
	[tilespmem:s26+$0x80] =	vst v0;
	v0 =	vmul.f32 v9, v3  }
0x27c: {  	v9 =	vld [tilespmem:s26+$0x100];
	[tilespmem:s26+$0x90] =	vst v1;
	v1 =	vmul.f32 v10, v3  }
0x27d: {  	[tilespmem:s26+$0xA0] =	vst v0;
	v0 =	vmul.f32 v4, v3;
	v4 =	vld [tilespmem:s26+$0x110]  }
0x27e: {  	[tilespmem:s26+$0xB0] =	vst v1;
	v1 =	vmul.f32 v7, v3;
	v7 =	vld [tilespmem:s26+$0x120]  }
0x27f: {  	[tilespmem:s26+$0xC0] =	vst v0;
	v0 =	vmul.f32 v2, v3;
	v2 =	vld [tilespmem:s26+$0x130]  }
0x280: {  	[tilespmem:s26+$0xD0] =	vst v1;
	v1 =	vmul.f32 v8, v3;
	v3 =	vld [tilespmem:s26+$0x140]  }
0x281: {  	v8 =	vld [tilespmem:s26+$0x150];
	[tilespmem:s26+$0xE0] =	vst v0;
	v0 =	vmul.f32 v9, v5  }
0x282: {  	[tilespmem:s26+$0xF0] =	vst v1;
	v1 =	vmul.f32 v4, v5;
	v4 =	vld [tilespmem:s26+$0x160]  }
0x283: {  	[tilespmem:s26+$0x100] =	vst v0;
	v0 =	vmul.f32 v7, v5;
	v7 =	vld [tilespmem:s26+$0x170]  }
0x284: {  	[tilespmem:s26+$0x110] =	vst v1;
	v1 =	vmul.f32 v2, v5;
	v2 =	vld [tilespmem:s26+$0x180]  }
0x285: {  	[tilespmem:s26+$0x120] =	vst v0;
	v0 =	vmul.f32 v3, v5;
	v3 =	vld [tilespmem:s26+$0x190]  }
0x286: {  	[tilespmem:s26+$0x130] =	vst v1;
	v1 =	vmul.f32 v8, v5;
	v8 =	vld [tilespmem:s26+$0x1A0]  }
0x287: {  	[tilespmem:s26+$0x140] =	vst v0;
	v0 =	vmul.f32 v4, v5;
	v4 =	vld [tilespmem:s26+$0x1B0]  }
0x288: {  	[tilespmem:s26+$0x150] =	vst v1;
	v1 =	vmul.f32 v7, v5;
	v5 =	vld [tilespmem:s26+$0x1C0]  }
0x289: {  	[tilespmem:s26+$0x160] =	vst v0;
	v0 =	vmul.f32 v2, v6;
	v2 =	vld [tilespmem:s26+$0x1D0]  }
0x28a: {  	[tilespmem:s26+$0x170] =	vst v1;
	v1 =	vmul.f32 v3, v6;
	v3 =	vld [tilespmem:s26+$0x1E0]  }
0x28b: {  	[tilespmem:s26+$0x180] =	vst v0;
	v0 =	vmul.f32 v8, v6  }
0x28c: {  	[tilespmem:s26+$0x190] =	vst v1;
	v1 =	vmul.f32 v4, v6  }
0x28d: {  	[tilespmem:s26+$0x1A0] =	vst v0;
	v0 =	vmul.f32 v5, v6  }
0x28e: {  	[tilespmem:s26+$0x1B0] =	vst v1;
	v1 =	vmul.f32 v2, v6  }
0x28f: {  	[tilespmem:s26+$0x1C0] =	vst v0;
	v0 =	vmul.f32 v3, v6  }
0x290: {  	[tilespmem:s26+$0x1D0] =	vst v1  }
0x291: {  	[tilespmem:s26+$0x1E0] =	vst v0  }
0x292: {  	_ =	swait.ge [sflag:s30], $0x4000  }
0x293: {  	s13 =	simm.s32 $0x0;
	[sflag:s30] =	ssyncset.done $0x0  }
0x294: {  	s18 =	simm.s32 $0x3;
	v0 =	vmov s13;
	s26 =	simm.s32 $0x200;
	[sflag:s30] =	ssyncadd.s32 $0xFFFFC000  }
0x295: {  	v1 =	vmov s18;
	v0 =	vand.u32 $0x7C, v0;
	[tilespmem:s16], [sflag:$0x2] =	stream.indirect.gather [hbm4b:s5+s20], $0x80, s26, s20, $0xb8;
	[tilespmem:$0x1D680] =	vst v63  }
0x296: {  	v1 =	vand.u32 $0x7F, v1;
	v0 =	vor.u32 $0x200, v0  }
0x297: {  	v1 =	vor.u32 $0x200, v1;
	v0 =	vbroadcast v0, $0x0;
	[spmem:s2] =	stream.indirect.scatter.add.f32 [tilespmem:s22], [sflag:$0x3], $0x80, s9, s20, $0xb8;
	[tilespmem:$0x1D680] =	vst v63  }
0x298: {  	s13 =	simm.s32 $0x9180;
	v1 =	vbroadcast v1, $0x0  }
0x299: {  	[spmem:s3] =	stream.indirect.scatter.add.f32 [tilespmem:s13], [sflag:$0x4], $0x1, s9, s20, $0xb8;
	[tilespmem:$0x1D680] =	vst v63  }
0x29a: {  	_ =	swait.ge [sflag:s11], $0x4000  }
0x29b: {  	[sflag:s11] =	ssyncset.done $0x0  }
0x29c: {  	[sflag:s11] =	ssyncadd.s32 $0xFFFFC000  }
0x29d: {  	s18 =	simm.s32 $0x1;
	v2 =	vld.idx.msk [tilespmem:v0+s1+$0x0], $0xffff  }
0x29e: {  	s8 =	simm.s32 $0x1100;
	v3 =	vmov s18;
	v0 =	vld.idx.msk [tilespmem:v1+s1+$0x0], $0xffff  }
0x29f: {  	v1 =	vand.u32 $0x7D, v3;
	v3 =	vld [tilespmem:s8+$0xF0]  }
0x2a0: {  	v4 =	vld [tilespmem:s8+$0xFFFFFF00]  }
0x2a1: {  	v5 =	vld [tilespmem:s8+$0xFFFFFF10]  }
0x2a2: {  	v6 =	vld [tilespmem:s8+$0xFFFFFF20];
	v1 =	vor.u32 $0x200, v1  }
0x2a3: {  	v7 =	vld [tilespmem:s8+$0xFFFFFF30];
	v1 =	vbroadcast v1, $0x0  }
0x2a4: {  	v8 =	vld [tilespmem:s8+$0xFFFFFF40]  }
0x2a5: {  	v9 =	vld [tilespmem:s8+$0xFFFFFF50];
	v4 =	vmul.f32 v4, v2  }
0x2a6: {  	v10 =	vld [tilespmem:s8+$0xFFFFFF60];
	v3 =	vmul.f32 v3, v0  }
0x2a7: {  	[tilespmem:s8+$0xFFFFFF00] =	vst v4;
	v4 =	vld [tilespmem:s8+$0xFFFFFF70]  }
0x2a8: {  	s26 =	simm.s32 $0x2;
	v5 =	vmul.f32 v5, v2;
	[tilespmem:s8+$0xF0] =	vst v3;
	v3 =	vmul.f32 v6, v2;
	v6 =	vld [tilespmem:s8+$0xFFFFFF90]  }
0x2a9: {  	v11 =	vmov s26;
	v62 =	vld.idx.msk [tilespmem:v1+s1+$0x0], $0xffff  }
0x2aa: {  	[tilespmem:s8+$0xFFFFFF10] =	vst v5;
	v5 =	vmul.f32 v7, v2;
	v1 =	vand.u32 $0x7E, v11;
	v11 =	vld [tilespmem:s8+$0xFFFFFF80]  }
0x2ab: {  	v10 =	vmul.f32 v10, v2;
	v7 =	vld [tilespmem:s8+$0xFFFFFFA0];
	v1 =	vor.u32 $0x200, v1;
	[tilespmem:s8+$0xFFFFFF20] =	vst v3;
	v3 =	vmul.f32 v8, v2  }
0x2ac: {  	v8 =	vld [tilespmem:s8+$0xFFFFFFB0];
	[tilespmem:s8+$0xFFFFFF30] =	vst v5;
	v5 =	vmul.f32 v9, v2;
	v1 =	vbroadcast v1, $0x0  }
0x2ad: {  	[tilespmem:s8+$0xFFFFFF60] =	vst v10;
	v9 =	vld [tilespmem:s8+$0xFFFFFFC0]  }
0x2ae: {  	[tilespmem:s8+$0xFFFFFF50] =	vst v5;
	v5 =	vld [tilespmem:s8+$0xFFFFFFE0];
	v2 =	vmul.f32 v4, v2  }
0x2af: {  	[tilespmem:s8+$0xFFFFFF40] =	vst v3;
	v4 =	vld [tilespmem:s8+$0xFFFFFFF0];
	v3 =	vmul.f32 v11, v62  }
0x2b0: {  	v11 =	vld [tilespmem:s8+$0xFFFFFFD0];
	[tilespmem:s8+$0xFFFFFF70] =	vst v2;
	v2 =	vmul.f32 v7, v62  }
0x2b1: {  	[tilespmem:s8+$0xFFFFFF80] =	vst v3;
	v3 =	vmul.f32 v6, v62;
	v6 =	vld [tilespmem:s8+$0x0]  }
0x2b2: {  	v1 =	vld.idx.msk [tilespmem:v1+s1+$0x0], $0xffff;
	[tilespmem:s8+$0xFFFFFFA0] =	vst v2;
	v2 =	vmul.f32 v9, v62  }
0x2b3: {  	v7 =	vld [tilespmem:s8+$0x10];
	[tilespmem:s8+$0xFFFFFF90] =	vst v3;
	v3 =	vmul.f32 v8, v62  }
0x2b4: {  	v5 =	vmul.f32 v5, v62;
	v8 =	vld [tilespmem:s8+$0x20];
	[tilespmem:s8+$0xFFFFFFC0] =	vst v2  }
0x2b5: {  	s13 =	simm.s32 $0x4;
	v9 =	vld [tilespmem:s8+$0x30];
	[tilespmem:s8+$0xFFFFFFB0] =	vst v3;
	v3 =	vmul.f32 v11, v62  }
0x2b6: {  	s18 =	simm.s32 $0x5;
	v10 =	vmov s13;
	v2 =	vld [tilespmem:s8+$0x40];
	[tilespmem:s8+$0xFFFFFFE0] =	vst v5;
	v11 =	vmul.f32 v4, v62  }
0x2b7: {  	v63 =	vmov s18;
	s26 =	simm.s32 $0x6;
	v10 =	vand.u32 $0x7C, v10;
	[tilespmem:s8+$0xFFFFFFD0] =	vst v3;
	v6 =	vmul.f32 v6, v1;
	v3 =	vld [tilespmem:s8+$0x50]  }
0x2b8: {  	v5 =	vor.u32 $0x200, v10;
	v10 =	vmov s26;
	v4 =	vld [tilespmem:s8+$0x60];
	v7 =	vmul.f32 v7, v1;
	[tilespmem:s8+$0xFFFFFFF0] =	vst v11  }
0x2b9: {  	v10 =	vand.u32 $0x7E, v10;
	v11 =	vand.u32 $0x7D, v63;
	v8 =	vmul.f32 v8, v1;
	[tilespmem:s8+$0x0] =	vst v6;
	v6 =	vld [tilespmem:s8+$0x70]  }
0x2ba: {  	s12 =	simm.s32 $0x1100;
	s13 =	simm.s32 $0x7;
	s26 =	simm.s32 $0x8;
	v5 =	vbroadcast v5, $0x0;
	v9 =	vmul.f32 v9, v1;
	v11 =	vor.u32 $0x200, v11;
	[tilespmem:s8+$0x10] =	vst v7;
	v7 =	vld [tilespmem:s8+$0x80]  }
.LBB2_13:
0x2bb: {  	p1 =	slt.u32 s26, $0x7C;
	v10 =	vor.u32 $0x200, v10;
	v12 =	vmov s13;
	[tilespmem:s8+$0x20] =	vst v8;
	v2 =	vmul.f32 v2, v1;
	v8 =	vld [tilespmem:s8+$0x90]  }
0x2bc: {  	v11 =	vbroadcast v11, $0x0;
	v12 =	vand.u32 $0x7F, v12;
	[tilespmem:s8+$0x30] =	vst v9;
	v3 =	vmul.f32 v3, v1;
	v9 =	vld [tilespmem:s8+$0xA0]  }
0x2bd: {  	v10 =	vbroadcast v10, $0x0;
	v12 =	vor.u32 $0x200, v12;
	[tilespmem:s8+$0x40] =	vst v2;
	v2 =	vmul.f32 v4, v1;
	v4 =	vld [tilespmem:s8+$0xB0]  }
0x2be: {  	v12 =	vbroadcast v12, $0x0;
	[tilespmem:s8+$0x50] =	vst v3;
	v1 =	vmul.f32 v6, v1;
	v3 =	vld [tilespmem:s8+$0xC0]  }
0x2bf: {  	[tilespmem:s8+$0x60] =	vst v2;
	v2 =	vmul.f32 v7, v0;
	v6 =	vld [tilespmem:s8+$0xD0]  }
0x2c0: {  	[tilespmem:s8+$0x70] =	vst v1;
	v1 =	vmul.f32 v8, v0;
	v7 =	vld [tilespmem:s8+$0xE0]  }
0x2c1: {  	v5 =	vld.idx.msk [tilespmem:v5+s1+$0x0], $0xffff;
	[tilespmem:s8+$0x80] =	vst v2;
	v2 =	vmul.f32 v9, v0  }
0x2c2: {  	v8 =	vld.idx.msk [tilespmem:v11+s1+$0x0], $0xffff;
	[tilespmem:s8+$0x90] =	vst v1;
	v4 =	vmul.f32 v4, v0  }
0x2c3: {  	v1 =	vld.idx.msk [tilespmem:v10+s1+$0x0], $0xffff;
	[tilespmem:s8+$0xA0] =	vst v2;
	v2 =	vmul.f32 v3, v0  }
0x2c4: {  	s8 =	sadd.s32 $0x200, s8;
	v3 =	vld.idx.msk [tilespmem:v12+s1+$0x0], $0xffff;
	[tilespmem:s12+$0xB0] =	vst v4;
	v4 =	vmul.f32 v6, v0  }
0x2c5: {  	v6 =	vld [tilespmem:s8+$0xF0];
	[tilespmem:s12+$0xC0] =	vst v2;
	v0 =	vmul.f32 v7, v0  }
0x2c6: {  	v2 =	vld [tilespmem:s8+$0xFFFFFF00];
	[tilespmem:s12+$0xD0] =	vst v4  }
0x2c7: {  	v4 =	vld [tilespmem:s8+$0xFFFFFF10];
	[tilespmem:s12+$0xE0] =	vst v0;
	s12 =	smov.u32 s8  }
0x2c8: {  	v7 =	vld [tilespmem:s8+$0xFFFFFF20]  }
0x2c9: {  	v9 =	vld [tilespmem:s8+$0xFFFFFF30]  }
0x2ca: {  	v0 =	vmov v3;
	v10 =	vld [tilespmem:s8+$0xFFFFFF40];
	v6 =	vmul.f32 v6, v3  }
0x2cb: {  	v2 =	vmul.f32 v2, v5;
	v3 =	vld [tilespmem:s8+$0xFFFFFF50]  }
0x2cc: {  	v4 =	vmul.f32 v4, v5;
	v11 =	vld [tilespmem:s8+$0xFFFFFF60];
	[tilespmem:s8+$0xF0] =	vst v6  }
0x2cd: {  	[tilespmem:s8+$0xFFFFFF00] =	vst v2;
	v2 =	vmul.f32 v7, v5;
	v6 =	vld [tilespmem:s8+$0xFFFFFF70]  }
0x2ce: {  	[tilespmem:s8+$0xFFFFFF10] =	vst v4;
	v4 =	vmul.f32 v9, v5;
	v7 =	vld [tilespmem:s8+$0xFFFFFF80]  }
0x2cf: {  	[tilespmem:s8+$0xFFFFFF20] =	vst v2;
	v2 =	vmul.f32 v10, v5;
	v9 =	vld [tilespmem:s8+$0xFFFFFF90]  }
0x2d0: {  	[tilespmem:s8+$0xFFFFFF30] =	vst v4;
	v3 =	vmul.f32 v3, v5;
	v4 =	vld [tilespmem:s8+$0xFFFFFFA0]  }
0x2d1: {  	[tilespmem:s8+$0xFFFFFF40] =	vst v2;
	v2 =	vmul.f32 v11, v5;
	v10 =	vld [tilespmem:s8+$0xFFFFFFB0]  }
0x2d2: {  	[tilespmem:s8+$0xFFFFFF50] =	vst v3;
	v3 =	vmul.f32 v6, v5;
	v5 =	vld [tilespmem:s8+$0xFFFFFFC0]  }
0x2d3: {  	[tilespmem:s8+$0xFFFFFF60] =	vst v2;
	v2 =	vmul.f32 v7, v8;
	v6 =	vld [tilespmem:s8+$0xFFFFFFD0]  }
0x2d4: {  	[tilespmem:s8+$0xFFFFFF70] =	vst v3;
	v3 =	vmul.f32 v9, v8;
	v7 =	vld [tilespmem:s8+$0xFFFFFFE0]  }
0x2d5: {  	[tilespmem:s8+$0xFFFFFF80] =	vst v2;
	v2 =	vmul.f32 v4, v8;
	v4 =	vld [tilespmem:s8+$0xFFFFFFF0]  }
0x2d6: {  	[tilespmem:s8+$0xFFFFFF90] =	vst v3;
	v3 =	vmul.f32 v10, v8;
	v9 =	vld [tilespmem:s8+$0x0]  }
0x2d7: {  	[tilespmem:s8+$0xFFFFFFA0] =	vst v2;
	v2 =	vmul.f32 v5, v8;
	v5 =	vld [tilespmem:s8+$0x10]  }
0x2d8: {  	[tilespmem:s8+$0xFFFFFFB0] =	vst v3;
	v3 =	vmul.f32 v6, v8;
	v6 =	vld [tilespmem:s8+$0x20]  }
0x2d9: {  	[tilespmem:s8+$0xFFFFFFC0] =	vst v2;
	v7 =	vmul.f32 v7, v8;
	v12 =	vld [tilespmem:s8+$0x30]  }
.Ltmp5:
0x2da: {  	s13 =	sadd.s32 $0x1, s26;
	v10 =	vmov s26;
	[tilespmem:s8+$0xFFFFFFD0] =	vst v3;
	v4 =	vmul.f32 v4, v8;
	v2 =	vld [tilespmem:s8+$0x40];
	(pc) =	sbr.rel @p1 .LBB2_13-.Ltmp5, $4  }
0x2db: {  	v8 =	vand.u32 $0x7C, v10;
	v10 =	vmov s13;
	s13 =	sadd.s32 $0x2, s26;
	[tilespmem:s8+$0xFFFFFFE0] =	vst v7;
	v7 =	vmul.f32 v9, v1;
	v3 =	vld [tilespmem:s8+$0x50]  }
0x2dc: {  	v9 =	vor.u32 $0x200, v8;
	v8 =	vmov s13;
	[tilespmem:s8+$0xFFFFFFF0] =	vst v4;
	v13 =	vmul.f32 v5, v1;
	v4 =	vld [tilespmem:s8+$0x60]  }
0x2dd: {  	v11 =	vand.u32 $0x7D, v10;
	v10 =	vand.u32 $0x7E, v8;
	[tilespmem:s8+$0x0] =	vst v7;
	v8 =	vmul.f32 v6, v1;
	v6 =	vld [tilespmem:s8+$0x70]  }
0x2de: {  	s13 =	sadd.s32 $0x3, s26;
	s26 =	sadd.s32 $0x4, s26;
	v5 =	vbroadcast v9, $0x0;
	v11 =	vor.u32 $0x200, v11;
	[tilespmem:s8+$0x10] =	vst v13;
	v9 =	vmul.f32 v12, v1;
	v7 =	vld [tilespmem:s8+$0x80]  }
0x2df: {  	v13 =	vld [tilespmem:s8+$0x90]  }
0x2e0: {  	v14 =	vld [tilespmem:s8+$0xA0]  }
0x2e1: {  	v12 =	vmov s13;
	v10 =	vor.u32 $0x200, v10;
	v11 =	vbroadcast v11, $0x0;
	v15 =	vld [tilespmem:s8+$0xB0]  }
0x2e2: {  	v16 =	vld [tilespmem:s8+$0xC0];
	[tilespmem:s8+$0x20] =	vst v8;
	v2 =	vmul.f32 v2, v1;
	v12 =	vand.u32 $0x7F, v12;
	v10 =	vbroadcast v10, $0x0  }
0x2e3: {  	v8 =	vld [tilespmem:s8+$0xD0];
	[tilespmem:s8+$0x30] =	vst v9;
	v3 =	vmul.f32 v3, v1;
	v12 =	vor.u32 $0x200, v12  }
0x2e4: {  	v9 =	vld [tilespmem:s8+$0xE0];
	[tilespmem:s8+$0x40] =	vst v2;
	v2 =	vmul.f32 v4, v1;
	v12 =	vbroadcast v12, $0x0  }
0x2e5: {  	s26 =	sadd.s32 $0x200, s8;
	v4 =	vld.idx.msk [tilespmem:v5+s1+$0x0], $0xffff;
	[tilespmem:s8+$0x50] =	vst v3;
	v1 =	vmul.f32 v6, v1  }
0x2e6: {  	[tilespmem:s8+$0x60] =	vst v2;
	v2 =	vmul.f32 v7, v0;
	v7 =	vld [tilespmem:s26+$0xF0]  }
0x2e7: {  	[tilespmem:s8+$0x70] =	vst v1;
	v1 =	vmul.f32 v13, v0;
	v3 =	vld.idx.msk [tilespmem:v11+s1+$0x0], $0xffff  }
0x2e8: {  	[tilespmem:s8+$0x80] =	vst v2;
	v2 =	vmul.f32 v14, v0;
	v5 =	vld.idx.msk [tilespmem:v10+s1+$0x0], $0xffff  }
0x2e9: {  	[tilespmem:s8+$0x90] =	vst v1;
	v1 =	vmul.f32 v15, v0;
	v10 =	vld [tilespmem:s26+$0xFFFFFF00]  }
0x2ea: {  	[tilespmem:s8+$0xA0] =	vst v2;
	v2 =	vmul.f32 v16, v0;
	v6 =	vld.idx.msk [tilespmem:v12+s1+$0x0], $0xffff  }
0x2eb: {  	v11 =	vld [tilespmem:s26+$0xFFFFFF10];
	[tilespmem:s12+$0xB0] =	vst v1;
	v1 =	vmul.f32 v8, v0  }
0x2ec: {  	v8 =	vld [tilespmem:s26+$0xFFFFFF20];
	v0 =	vmul.f32 v9, v0;
	[tilespmem:s12+$0xC0] =	vst v2  }
0x2ed: {  	v2 =	vld [tilespmem:s26+$0xFFFFFF30];
	[tilespmem:s12+$0xD0] =	vst v1  }
0x2ee: {  	v1 =	vld [tilespmem:s26+$0xFFFFFF40];
	[tilespmem:s12+$0xE0] =	vst v0;
	v0 =	vmul.f32 v10, v4  }
0x2ef: {  	v9 =	vld [tilespmem:s26+$0xFFFFFF50];
	v7 =	vmul.f32 v7, v6  }
0x2f0: {  	v10 =	vmul.f32 v11, v4;
	v11 =	vld [tilespmem:s26+$0xFFFFFF60];
	[tilespmem:s26+$0xFFFFFF00] =	vst v0  }
0x2f1: {  	v0 =	vmul.f32 v8, v4;
	[tilespmem:s26+$0xF0] =	vst v7;
	v7 =	vld [tilespmem:s26+$0xFFFFFF70]  }
0x2f2: {  	[tilespmem:s26+$0xFFFFFF10] =	vst v10;
	v8 =	vld [tilespmem:s26+$0xFFFFFF80];
	v2 =	vmul.f32 v2, v4  }
0x2f3: {  	[tilespmem:s26+$0xFFFFFF20] =	vst v0;
	v0 =	vmul.f32 v1, v4;
	v1 =	vld [tilespmem:s26+$0xFFFFFF90]  }
0x2f4: {  	[tilespmem:s26+$0xFFFFFF30] =	vst v2;
	v2 =	vmul.f32 v9, v4;
	v9 =	vld [tilespmem:s26+$0xFFFFFFA0]  }
0x2f5: {  	v10 =	vld [tilespmem:s26+$0xFFFFFFB0];
	[tilespmem:s26+$0xFFFFFF40] =	vst v0;
	v0 =	vmul.f32 v11, v4  }
0x2f6: {  	[tilespmem:s26+$0xFFFFFF50] =	vst v2;
	v2 =	vmul.f32 v7, v4;
	v4 =	vld [tilespmem:s26+$0xFFFFFFC0]  }
0x2f7: {  	[tilespmem:s26+$0xFFFFFF60] =	vst v0;
	v0 =	vmul.f32 v8, v3;
	v7 =	vld [tilespmem:s26+$0xFFFFFFD0]  }
0x2f8: {  	v1 =	vmul.f32 v1, v3;
	[tilespmem:s26+$0xFFFFFF70] =	vst v2;
	v2 =	vld [tilespmem:s26+$0xFFFFFFE0]  }
0x2f9: {  	v8 =	vld [tilespmem:s26+$0xFFFFFFF0];
	[tilespmem:s26+$0xFFFFFF80] =	vst v0;
	v0 =	vmul.f32 v9, v3  }
0x2fa: {  	v9 =	vld [tilespmem:s26+$0x0];
	[tilespmem:s26+$0xFFFFFF90] =	vst v1;
	v1 =	vmul.f32 v10, v3  }
0x2fb: {  	[tilespmem:s26+$0xFFFFFFA0] =	vst v0;
	v0 =	vmul.f32 v4, v3;
	v4 =	vld [tilespmem:s26+$0x10]  }
0x2fc: {  	[tilespmem:s26+$0xFFFFFFB0] =	vst v1;
	v1 =	vmul.f32 v7, v3;
	v7 =	vld [tilespmem:s26+$0x20]  }
0x2fd: {  	[tilespmem:s26+$0xFFFFFFC0] =	vst v0;
	v0 =	vmul.f32 v2, v3;
	v2 =	vld [tilespmem:s26+$0x30]  }
0x2fe: {  	[tilespmem:s26+$0xFFFFFFD0] =	vst v1;
	v1 =	vmul.f32 v8, v3;
	v3 =	vld [tilespmem:s26+$0x40]  }
0x2ff: {  	v8 =	vld [tilespmem:s26+$0x50];
	[tilespmem:s26+$0xFFFFFFE0] =	vst v0;
	v0 =	vmul.f32 v9, v5  }
0x300: {  	[tilespmem:s26+$0xFFFFFFF0] =	vst v1;
	v1 =	vmul.f32 v4, v5;
	v4 =	vld [tilespmem:s26+$0x60]  }
0x301: {  	[tilespmem:s26+$0x0] =	vst v0;
	v0 =	vmul.f32 v7, v5;
	v7 =	vld [tilespmem:s26+$0x70]  }
0x302: {  	[tilespmem:s26+$0x10] =	vst v1;
	v1 =	vmul.f32 v2, v5;
	v2 =	vld [tilespmem:s26+$0x80]  }
0x303: {  	[tilespmem:s26+$0x20] =	vst v0;
	v0 =	vmul.f32 v3, v5;
	v3 =	vld [tilespmem:s26+$0x90]  }
0x304: {  	[tilespmem:s26+$0x30] =	vst v1;
	v1 =	vmul.f32 v8, v5;
	v8 =	vld [tilespmem:s26+$0xA0]  }
0x305: {  	[tilespmem:s26+$0x40] =	vst v0;
	v0 =	vmul.f32 v4, v5;
	v4 =	vld [tilespmem:s26+$0xB0]  }
0x306: {  	[tilespmem:s26+$0x50] =	vst v1;
	v1 =	vmul.f32 v7, v5;
	v5 =	vld [tilespmem:s26+$0xC0]  }
0x307: {  	[tilespmem:s26+$0x60] =	vst v0;
	v0 =	vmul.f32 v2, v6;
	v2 =	vld [tilespmem:s26+$0xD0]  }
0x308: {  	[tilespmem:s26+$0x70] =	vst v1;
	v1 =	vmul.f32 v3, v6;
	v3 =	vld [tilespmem:s26+$0xE0]  }
0x309: {  	[tilespmem:s26+$0x80] =	vst v0;
	v0 =	vmul.f32 v8, v6  }
0x30a: {  	[tilespmem:s26+$0x90] =	vst v1;
	v1 =	vmul.f32 v4, v6  }
0x30b: {  	[tilespmem:s26+$0xA0] =	vst v0;
	v0 =	vmul.f32 v5, v6  }
0x30c: {  	[tilespmem:s26+$0xB0] =	vst v1;
	v1 =	vmul.f32 v2, v6  }
0x30d: {  	[tilespmem:s26+$0xC0] =	vst v0;
	v0 =	vmul.f32 v3, v6  }
0x30e: {  	[tilespmem:s26+$0xD0] =	vst v1  }
0x30f: {  	[tilespmem:s26+$0xE0] =	vst v0  }
0x310: {  	_ =	swait.ge [sflag:s30], $0x4000  }
0x311: {  	s13 =	simm.s32 $0x0;
	s18 =	simm.s32 $0x3;
	[sflag:s30] =	ssyncset.done $0x0  }
0x312: {  	s8 =	simm.s32 $0x5000;
	v0 =	vmov s13;
	s26 =	simm.s32 $0x280;
	[sflag:s30] =	ssyncadd.s32 $0xFFFFC000  }
0x313: {  	v1 =	vmov s18;
	v0 =	vand.u32 $0x7C, v0;
	[tilespmem:s8], [sflag:$0x2] =	stream.indirect.gather [hbm4b:s5+s20], $0x80, s26, s20, $0xb8;
	[tilespmem:$0x1D680] =	vst v63  }
0x314: {  	v1 =	vand.u32 $0x7F, v1;
	v0 =	vor.u32 $0x280, v0  }
0x315: {  	v1 =	vor.u32 $0x280, v1;
	v0 =	vbroadcast v0, $0x0;
	[spmem:s2] =	stream.indirect.scatter.add.f32 [tilespmem:s16], [sflag:$0x3], $0x80, s15, s20, $0xb8;
	[tilespmem:$0x1D680] =	vst v63  }
0x316: {  	s13 =	simm.s32 $0x9200;
	v1 =	vbroadcast v1, $0x0  }
0x317: {  	[spmem:s3] =	stream.indirect.scatter.add.f32 [tilespmem:s13], [sflag:$0x4], $0x1, s15, s20, $0xb8;
	[tilespmem:$0x1D680] =	vst v63  }
0x318: {  	_ =	swait.ge [sflag:s11], $0x4000  }
0x319: {  	[sflag:s11] =	ssyncset.done $0x0  }
0x31a: {  	[sflag:s11] =	ssyncadd.s32 $0xFFFFC000  }
0x31b: {  	s18 =	simm.s32 $0x1;
	v2 =	vld.idx.msk [tilespmem:v0+s1+$0x0], $0xffff  }
0x31c: {  	v3 =	vmov s18;
	v0 =	vld.idx.msk [tilespmem:v1+s1+$0x0], $0xffff  }
0x31d: {  	v1 =	vand.u32 $0x7D, v3;
	v3 =	vld [tilespmem:s8+$0x1F0]  }
0x31e: {  	v4 =	vld [tilespmem:s8+$0x0]  }
0x31f: {  	v5 =	vld [tilespmem:s8+$0x10]  }
0x320: {  	v6 =	vld [tilespmem:s8+$0x20];
	v1 =	vor.u32 $0x280, v1  }
0x321: {  	v7 =	vld [tilespmem:s8+$0x30];
	v1 =	vbroadcast v1, $0x0  }
0x322: {  	v8 =	vld [tilespmem:s8+$0x40]  }
0x323: {  	v9 =	vld [tilespmem:s8+$0x50];
	v4 =	vmul.f32 v4, v2  }
0x324: {  	v10 =	vld [tilespmem:s8+$0x60];
	v3 =	vmul.f32 v3, v0  }
0x325: {  	[tilespmem:s8+$0x0] =	vst v4;
	v4 =	vld [tilespmem:s8+$0x70]  }
0x326: {  	s26 =	simm.s32 $0x2;
	v5 =	vmul.f32 v5, v2;
	[tilespmem:s8+$0x1F0] =	vst v3;
	v3 =	vmul.f32 v6, v2;
	v6 =	vld [tilespmem:s8+$0x90]  }
0x327: {  	v11 =	vmov s26;
	v62 =	vld.idx.msk [tilespmem:v1+s1+$0x0], $0xffff  }
0x328: {  	[tilespmem:s8+$0x10] =	vst v5;
	v5 =	vmul.f32 v7, v2;
	v1 =	vand.u32 $0x7E, v11;
	v11 =	vld [tilespmem:s8+$0x80]  }
0x329: {  	v10 =	vmul.f32 v10, v2;
	v7 =	vld [tilespmem:s8+$0xA0];
	v1 =	vor.u32 $0x280, v1;
	[tilespmem:s8+$0x20] =	vst v3;
	v3 =	vmul.f32 v8, v2  }
0x32a: {  	v8 =	vld [tilespmem:s8+$0xB0];
	[tilespmem:s8+$0x30] =	vst v5;
	v5 =	vmul.f32 v9, v2;
	v1 =	vbroadcast v1, $0x0  }
0x32b: {  	[tilespmem:s8+$0x60] =	vst v10;
	v9 =	vld [tilespmem:s8+$0xC0]  }
0x32c: {  	[tilespmem:s8+$0x50] =	vst v5;
	v5 =	vld [tilespmem:s8+$0xE0];
	v2 =	vmul.f32 v4, v2  }
0x32d: {  	[tilespmem:s8+$0x40] =	vst v3;
	v4 =	vld [tilespmem:s8+$0xF0];
	v3 =	vmul.f32 v11, v62  }
0x32e: {  	v11 =	vld [tilespmem:s8+$0xD0];
	[tilespmem:s8+$0x70] =	vst v2;
	v2 =	vmul.f32 v7, v62  }
0x32f: {  	[tilespmem:s8+$0x80] =	vst v3;
	v3 =	vmul.f32 v6, v62;
	v6 =	vld [tilespmem:s8+$0x100]  }
0x330: {  	v1 =	vld.idx.msk [tilespmem:v1+s1+$0x0], $0xffff;
	[tilespmem:s8+$0xA0] =	vst v2;
	v2 =	vmul.f32 v9, v62  }
0x331: {  	v7 =	vld [tilespmem:s8+$0x110];
	[tilespmem:s8+$0x90] =	vst v3;
	v3 =	vmul.f32 v8, v62  }
0x332: {  	v5 =	vmul.f32 v5, v62;
	v8 =	vld [tilespmem:s8+$0x120];
	[tilespmem:s8+$0xC0] =	vst v2  }
0x333: {  	s13 =	simm.s32 $0x4;
	v9 =	vld [tilespmem:s8+$0x130];
	[tilespmem:s8+$0xB0] =	vst v3;
	v3 =	vmul.f32 v11, v62  }
0x334: {  	s18 =	simm.s32 $0x5;
	v10 =	vmov s13;
	v2 =	vld [tilespmem:s8+$0x140];
	[tilespmem:s8+$0xE0] =	vst v5;
	v11 =	vmul.f32 v4, v62  }
0x335: {  	v63 =	vmov s18;
	s26 =	simm.s32 $0x6;
	v10 =	vand.u32 $0x7C, v10;
	[tilespmem:s8+$0xD0] =	vst v3;
	v6 =	vmul.f32 v6, v1;
	v3 =	vld [tilespmem:s8+$0x150]  }
0x336: {  	v5 =	vor.u32 $0x280, v10;
	v10 =	vmov s26;
	v4 =	vld [tilespmem:s8+$0x160];
	v7 =	vmul.f32 v7, v1;
	[tilespmem:s8+$0xF0] =	vst v11  }
0x337: {  	v10 =	vand.u32 $0x7E, v10;
	v11 =	vand.u32 $0x7D, v63;
	v8 =	vmul.f32 v8, v1;
	[tilespmem:s8+$0x100] =	vst v6;
	v6 =	vld [tilespmem:s8+$0x170]  }
0x338: {  	s12 =	simm.s32 $0x5000;
	s13 =	simm.s32 $0x7;
	s26 =	simm.s32 $0x8;
	v5 =	vbroadcast v5, $0x0;
	v9 =	vmul.f32 v9, v1;
	v11 =	vor.u32 $0x280, v11;
	[tilespmem:s8+$0x110] =	vst v7;
	v7 =	vld [tilespmem:s8+$0x180]  }
.LBB2_15:
0x339: {  	p1 =	slt.u32 s26, $0x7C;
	v10 =	vor.u32 $0x280, v10;
	v12 =	vmov s13;
	[tilespmem:s8+$0x120] =	vst v8;
	v2 =	vmul.f32 v2, v1;
	v8 =	vld [tilespmem:s8+$0x190]  }
0x33a: {  	v11 =	vbroadcast v11, $0x0;
	v12 =	vand.u32 $0x7F, v12;
	[tilespmem:s8+$0x130] =	vst v9;
	v3 =	vmul.f32 v3, v1;
	v9 =	vld [tilespmem:s8+$0x1A0]  }
0x33b: {  	v10 =	vbroadcast v10, $0x0;
	v12 =	vor.u32 $0x280, v12;
	[tilespmem:s8+$0x140] =	vst v2;
	v2 =	vmul.f32 v4, v1;
	v4 =	vld [tilespmem:s8+$0x1B0]  }
0x33c: {  	v12 =	vbroadcast v12, $0x0;
	[tilespmem:s8+$0x150] =	vst v3;
	v1 =	vmul.f32 v6, v1;
	v3 =	vld [tilespmem:s8+$0x1C0]  }
0x33d: {  	[tilespmem:s8+$0x160] =	vst v2;
	v2 =	vmul.f32 v7, v0;
	v6 =	vld [tilespmem:s8+$0x1D0]  }
0x33e: {  	[tilespmem:s8+$0x170] =	vst v1;
	v1 =	vmul.f32 v8, v0;
	v7 =	vld [tilespmem:s8+$0x1E0]  }
0x33f: {  	v5 =	vld.idx.msk [tilespmem:v5+s1+$0x0], $0xffff;
	[tilespmem:s8+$0x180] =	vst v2;
	v2 =	vmul.f32 v9, v0  }
0x340: {  	v8 =	vld.idx.msk [tilespmem:v11+s1+$0x0], $0xffff;
	[tilespmem:s8+$0x190] =	vst v1;
	v4 =	vmul.f32 v4, v0  }
0x341: {  	v1 =	vld.idx.msk [tilespmem:v10+s1+$0x0], $0xffff;
	[tilespmem:s8+$0x1A0] =	vst v2;
	v2 =	vmul.f32 v3, v0  }
0x342: {  	s8 =	sadd.s32 $0x200, s8;
	v3 =	vld.idx.msk [tilespmem:v12+s1+$0x0], $0xffff;
	[tilespmem:s12+$0x1B0] =	vst v4;
	v4 =	vmul.f32 v6, v0  }
0x343: {  	v6 =	vld [tilespmem:s8+$0x1F0];
	[tilespmem:s12+$0x1C0] =	vst v2;
	v0 =	vmul.f32 v7, v0  }
0x344: {  	v2 =	vld [tilespmem:s8+$0x0];
	[tilespmem:s12+$0x1D0] =	vst v4  }
0x345: {  	v4 =	vld [tilespmem:s8+$0x10];
	[tilespmem:s12+$0x1E0] =	vst v0;
	s12 =	smov.u32 s8  }
0x346: {  	v7 =	vld [tilespmem:s8+$0x20]  }
0x347: {  	v9 =	vld [tilespmem:s8+$0x30]  }
0x348: {  	v0 =	vmov v3;
	v10 =	vld [tilespmem:s8+$0x40];
	v6 =	vmul.f32 v6, v3  }
0x349: {  	v2 =	vmul.f32 v2, v5;
	v3 =	vld [tilespmem:s8+$0x50]  }
0x34a: {  	v4 =	vmul.f32 v4, v5;
	v11 =	vld [tilespmem:s8+$0x60];
	[tilespmem:s8+$0x1F0] =	vst v6  }
0x34b: {  	[tilespmem:s8+$0x0] =	vst v2;
	v2 =	vmul.f32 v7, v5;
	v6 =	vld [tilespmem:s8+$0x70]  }
0x34c: {  	[tilespmem:s8+$0x10] =	vst v4;
	v4 =	vmul.f32 v9, v5;
	v7 =	vld [tilespmem:s8+$0x80]  }
0x34d: {  	[tilespmem:s8+$0x20] =	vst v2;
	v2 =	vmul.f32 v10, v5;
	v9 =	vld [tilespmem:s8+$0x90]  }
0x34e: {  	[tilespmem:s8+$0x30] =	vst v4;
	v3 =	vmul.f32 v3, v5;
	v4 =	vld [tilespmem:s8+$0xA0]  }
0x34f: {  	[tilespmem:s8+$0x40] =	vst v2;
	v2 =	vmul.f32 v11, v5;
	v10 =	vld [tilespmem:s8+$0xB0]  }
0x350: {  	[tilespmem:s8+$0x50] =	vst v3;
	v3 =	vmul.f32 v6, v5;
	v5 =	vld [tilespmem:s8+$0xC0]  }
0x351: {  	[tilespmem:s8+$0x60] =	vst v2;
	v2 =	vmul.f32 v7, v8;
	v6 =	vld [tilespmem:s8+$0xD0]  }
0x352: {  	[tilespmem:s8+$0x70] =	vst v3;
	v3 =	vmul.f32 v9, v8;
	v7 =	vld [tilespmem:s8+$0xE0]  }
0x353: {  	[tilespmem:s8+$0x80] =	vst v2;
	v2 =	vmul.f32 v4, v8;
	v4 =	vld [tilespmem:s8+$0xF0]  }
0x354: {  	[tilespmem:s8+$0x90] =	vst v3;
	v3 =	vmul.f32 v10, v8;
	v9 =	vld [tilespmem:s8+$0x100]  }
0x355: {  	[tilespmem:s8+$0xA0] =	vst v2;
	v2 =	vmul.f32 v5, v8;
	v5 =	vld [tilespmem:s8+$0x110]  }
0x356: {  	[tilespmem:s8+$0xB0] =	vst v3;
	v3 =	vmul.f32 v6, v8;
	v6 =	vld [tilespmem:s8+$0x120]  }
0x357: {  	[tilespmem:s8+$0xC0] =	vst v2;
	v7 =	vmul.f32 v7, v8;
	v12 =	vld [tilespmem:s8+$0x130]  }
.Ltmp6:
0x358: {  	s13 =	sadd.s32 $0x1, s26;
	v10 =	vmov s26;
	[tilespmem:s8+$0xD0] =	vst v3;
	v4 =	vmul.f32 v4, v8;
	v2 =	vld [tilespmem:s8+$0x140];
	(pc) =	sbr.rel @p1 .LBB2_15-.Ltmp6, $4  }
0x359: {  	v8 =	vand.u32 $0x7C, v10;
	v10 =	vmov s13;
	s13 =	sadd.s32 $0x2, s26;
	[tilespmem:s8+$0xE0] =	vst v7;
	v7 =	vmul.f32 v9, v1;
	v3 =	vld [tilespmem:s8+$0x150]  }
0x35a: {  	v9 =	vor.u32 $0x280, v8;
	v8 =	vmov s13;
	[tilespmem:s8+$0xF0] =	vst v4;
	v13 =	vmul.f32 v5, v1;
	v4 =	vld [tilespmem:s8+$0x160]  }
0x35b: {  	v11 =	vand.u32 $0x7D, v10;
	v10 =	vand.u32 $0x7E, v8;
	[tilespmem:s8+$0x100] =	vst v7;
	v8 =	vmul.f32 v6, v1;
	v6 =	vld [tilespmem:s8+$0x170]  }
0x35c: {  	s13 =	sadd.s32 $0x3, s26;
	s26 =	sadd.s32 $0x4, s26;
	v5 =	vbroadcast v9, $0x0;
	v11 =	vor.u32 $0x280, v11;
	[tilespmem:s8+$0x110] =	vst v13;
	v9 =	vmul.f32 v12, v1;
	v7 =	vld [tilespmem:s8+$0x180]  }
0x35d: {  	v13 =	vld [tilespmem:s8+$0x190]  }
0x35e: {  	v14 =	vld [tilespmem:s8+$0x1A0]  }
0x35f: {  	v12 =	vmov s13;
	v10 =	vor.u32 $0x280, v10;
	v11 =	vbroadcast v11, $0x0;
	v15 =	vld [tilespmem:s8+$0x1B0]  }
0x360: {  	v16 =	vld [tilespmem:s8+$0x1C0];
	[tilespmem:s8+$0x120] =	vst v8;
	v2 =	vmul.f32 v2, v1;
	v12 =	vand.u32 $0x7F, v12;
	v10 =	vbroadcast v10, $0x0  }
0x361: {  	v8 =	vld [tilespmem:s8+$0x1D0];
	[tilespmem:s8+$0x130] =	vst v9;
	v3 =	vmul.f32 v3, v1;
	v12 =	vor.u32 $0x280, v12  }
0x362: {  	v9 =	vld [tilespmem:s8+$0x1E0];
	[tilespmem:s8+$0x140] =	vst v2;
	v2 =	vmul.f32 v4, v1;
	v12 =	vbroadcast v12, $0x0  }
0x363: {  	s26 =	sadd.s32 $0x200, s8;
	v4 =	vld.idx.msk [tilespmem:v5+s1+$0x0], $0xffff;
	[tilespmem:s8+$0x150] =	vst v3;
	v1 =	vmul.f32 v6, v1  }
0x364: {  	[tilespmem:s8+$0x160] =	vst v2;
	v2 =	vmul.f32 v7, v0;
	v7 =	vld [tilespmem:s26+$0x1F0]  }
0x365: {  	[tilespmem:s8+$0x170] =	vst v1;
	v1 =	vmul.f32 v13, v0;
	v3 =	vld.idx.msk [tilespmem:v11+s1+$0x0], $0xffff  }
0x366: {  	[tilespmem:s8+$0x180] =	vst v2;
	v2 =	vmul.f32 v14, v0;
	v5 =	vld.idx.msk [tilespmem:v10+s1+$0x0], $0xffff  }
0x367: {  	[tilespmem:s8+$0x190] =	vst v1;
	v1 =	vmul.f32 v15, v0;
	v10 =	vld [tilespmem:s26+$0x0]  }
0x368: {  	[tilespmem:s8+$0x1A0] =	vst v2;
	v2 =	vmul.f32 v16, v0;
	v6 =	vld.idx.msk [tilespmem:v12+s1+$0x0], $0xffff  }
0x369: {  	v11 =	vld [tilespmem:s26+$0x10];
	[tilespmem:s12+$0x1B0] =	vst v1;
	v1 =	vmul.f32 v8, v0  }
0x36a: {  	v8 =	vld [tilespmem:s26+$0x20];
	v0 =	vmul.f32 v9, v0;
	[tilespmem:s12+$0x1C0] =	vst v2  }
0x36b: {  	v2 =	vld [tilespmem:s26+$0x30];
	[tilespmem:s12+$0x1D0] =	vst v1  }
0x36c: {  	v1 =	vld [tilespmem:s26+$0x40];
	[tilespmem:s12+$0x1E0] =	vst v0;
	v0 =	vmul.f32 v10, v4  }
0x36d: {  	v9 =	vld [tilespmem:s26+$0x50];
	v7 =	vmul.f32 v7, v6  }
0x36e: {  	v10 =	vmul.f32 v11, v4;
	v11 =	vld [tilespmem:s26+$0x60];
	[tilespmem:s26+$0x0] =	vst v0  }
0x36f: {  	v0 =	vmul.f32 v8, v4;
	[tilespmem:s26+$0x1F0] =	vst v7;
	v7 =	vld [tilespmem:s26+$0x70]  }
0x370: {  	[tilespmem:s26+$0x10] =	vst v10;
	v8 =	vld [tilespmem:s26+$0x80];
	v2 =	vmul.f32 v2, v4  }
0x371: {  	[tilespmem:s26+$0x20] =	vst v0;
	v0 =	vmul.f32 v1, v4;
	v1 =	vld [tilespmem:s26+$0x90]  }
0x372: {  	[tilespmem:s26+$0x30] =	vst v2;
	v2 =	vmul.f32 v9, v4;
	v9 =	vld [tilespmem:s26+$0xA0]  }
0x373: {  	v10 =	vld [tilespmem:s26+$0xB0];
	[tilespmem:s26+$0x40] =	vst v0;
	v0 =	vmul.f32 v11, v4  }
0x374: {  	[tilespmem:s26+$0x50] =	vst v2;
	v2 =	vmul.f32 v7, v4;
	v4 =	vld [tilespmem:s26+$0xC0]  }
0x375: {  	[tilespmem:s26+$0x60] =	vst v0;
	v0 =	vmul.f32 v8, v3;
	v7 =	vld [tilespmem:s26+$0xD0]  }
0x376: {  	v1 =	vmul.f32 v1, v3;
	[tilespmem:s26+$0x70] =	vst v2;
	v2 =	vld [tilespmem:s26+$0xE0]  }
0x377: {  	v8 =	vld [tilespmem:s26+$0xF0];
	[tilespmem:s26+$0x80] =	vst v0;
	v0 =	vmul.f32 v9, v3  }
0x378: {  	v9 =	vld [tilespmem:s26+$0x100];
	[tilespmem:s26+$0x90] =	vst v1;
	v1 =	vmul.f32 v10, v3  }
0x379: {  	[tilespmem:s26+$0xA0] =	vst v0;
	v0 =	vmul.f32 v4, v3;
	v4 =	vld [tilespmem:s26+$0x110]  }
0x37a: {  	[tilespmem:s26+$0xB0] =	vst v1;
	v1 =	vmul.f32 v7, v3;
	v7 =	vld [tilespmem:s26+$0x120]  }
0x37b: {  	[tilespmem:s26+$0xC0] =	vst v0;
	v0 =	vmul.f32 v2, v3;
	v2 =	vld [tilespmem:s26+$0x130]  }
0x37c: {  	[tilespmem:s26+$0xD0] =	vst v1;
	v1 =	vmul.f32 v8, v3;
	v3 =	vld [tilespmem:s26+$0x140]  }
0x37d: {  	v8 =	vld [tilespmem:s26+$0x150];
	[tilespmem:s26+$0xE0] =	vst v0;
	v0 =	vmul.f32 v9, v5  }
0x37e: {  	[tilespmem:s26+$0xF0] =	vst v1;
	v1 =	vmul.f32 v4, v5;
	v4 =	vld [tilespmem:s26+$0x160]  }
0x37f: {  	[tilespmem:s26+$0x100] =	vst v0;
	v0 =	vmul.f32 v7, v5;
	v7 =	vld [tilespmem:s26+$0x170]  }
0x380: {  	[tilespmem:s26+$0x110] =	vst v1;
	v1 =	vmul.f32 v2, v5;
	v2 =	vld [tilespmem:s26+$0x180]  }
0x381: {  	[tilespmem:s26+$0x120] =	vst v0;
	v0 =	vmul.f32 v3, v5;
	v3 =	vld [tilespmem:s26+$0x190]  }
0x382: {  	[tilespmem:s26+$0x130] =	vst v1;
	v1 =	vmul.f32 v8, v5;
	v8 =	vld [tilespmem:s26+$0x1A0]  }
0x383: {  	[tilespmem:s26+$0x140] =	vst v0;
	v0 =	vmul.f32 v4, v5;
	v4 =	vld [tilespmem:s26+$0x1B0]  }
0x384: {  	[tilespmem:s26+$0x150] =	vst v1;
	v1 =	vmul.f32 v7, v5;
	v5 =	vld [tilespmem:s26+$0x1C0]  }
0x385: {  	[tilespmem:s26+$0x160] =	vst v0;
	v0 =	vmul.f32 v2, v6;
	v2 =	vld [tilespmem:s26+$0x1D0]  }
0x386: {  	[tilespmem:s26+$0x170] =	vst v1;
	v1 =	vmul.f32 v3, v6;
	v3 =	vld [tilespmem:s26+$0x1E0]  }
0x387: {  	[tilespmem:s26+$0x180] =	vst v0;
	v0 =	vmul.f32 v8, v6  }
0x388: {  	[tilespmem:s26+$0x190] =	vst v1;
	v1 =	vmul.f32 v4, v6  }
0x389: {  	[tilespmem:s26+$0x1A0] =	vst v0;
	v0 =	vmul.f32 v5, v6  }
0x38a: {  	[tilespmem:s26+$0x1B0] =	vst v1;
	v1 =	vmul.f32 v2, v6  }
0x38b: {  	[tilespmem:s26+$0x1C0] =	vst v0;
	v0 =	vmul.f32 v3, v6  }
0x38c: {  	[tilespmem:s26+$0x1D0] =	vst v1  }
0x38d: {  	[tilespmem:s26+$0x1E0] =	vst v0  }
0x38e: {  	_ =	swait.ge [sflag:s30], $0x4000  }
0x38f: {  	s26 =	simm.s32 $0x0;
	[sflag:s30] =	ssyncset.done $0x0  }
0x390: {  	s12 =	simm.s32 $0x3;
	v0 =	vmov s26;
	[sflag:s30] =	ssyncadd.s32 $0xFFFFC000  }
0x391: {  	v1 =	vmov s12;
	v0 =	vand.u32 $0x7C, v0;
	[tilespmem:s16], [sflag:$0x2] =	stream.indirect.gather [hbm4b:s5+s20], $0x80, s21, s20, $0xb8;
	[tilespmem:$0x1D680] =	vst v63  }
0x392: {  	v1 =	vand.u32 $0x7F, v1;
	v0 =	vor.u32 $0x300, v0  }
0x393: {  	v1 =	vor.u32 $0x300, v1;
	v0 =	vbroadcast v0, $0x0;
	[spmem:s2] =	stream.indirect.scatter.add.f32 [tilespmem:s22], [sflag:$0x3], $0x80, s4, s20, $0xb8;
	[tilespmem:$0x1D680] =	vst v63  }
0x394: {  	s13 =	simm.s32 $0x9280;
	v1 =	vbroadcast v1, $0x0  }
0x395: {  	[spmem:s3] =	stream.indirect.scatter.add.f32 [tilespmem:s13], [sflag:$0x4], $0x1, s4, s20, $0xb8;
	[tilespmem:$0x1D680] =	vst v63  }
0x396: {  	_ =	swait.ge [sflag:s11], $0x4000  }
0x397: {  	[sflag:s11] =	ssyncset.done $0x0  }
0x398: {  	[sflag:s11] =	ssyncadd.s32 $0xFFFFC000  }
0x399: {  	s18 =	simm.s32 $0x1;
	v2 =	vld.idx.msk [tilespmem:v0+s1+$0x0], $0xffff  }
0x39a: {  	s8 =	simm.s32 $0x1100;
	v3 =	vmov s18;
	v0 =	vld.idx.msk [tilespmem:v1+s1+$0x0], $0xffff  }
0x39b: {  	v1 =	vand.u32 $0x7D, v3;
	v3 =	vld [tilespmem:s8+$0xF0]  }
0x39c: {  	v4 =	vld [tilespmem:s8+$0xFFFFFF00]  }
0x39d: {  	v5 =	vld [tilespmem:s8+$0xFFFFFF10]  }
0x39e: {  	v6 =	vld [tilespmem:s8+$0xFFFFFF20];
	v1 =	vor.u32 $0x300, v1  }
0x39f: {  	v7 =	vld [tilespmem:s8+$0xFFFFFF30];
	v1 =	vbroadcast v1, $0x0  }
0x3a0: {  	v8 =	vld [tilespmem:s8+$0xFFFFFF40]  }
0x3a1: {  	v9 =	vld [tilespmem:s8+$0xFFFFFF50];
	v4 =	vmul.f32 v4, v2  }
0x3a2: {  	v10 =	vld [tilespmem:s8+$0xFFFFFF60];
	v3 =	vmul.f32 v3, v0  }
0x3a3: {  	[tilespmem:s8+$0xFFFFFF00] =	vst v4;
	v4 =	vld [tilespmem:s8+$0xFFFFFF70]  }
0x3a4: {  	s26 =	simm.s32 $0x2;
	v5 =	vmul.f32 v5, v2;
	[tilespmem:s8+$0xF0] =	vst v3;
	v3 =	vmul.f32 v6, v2;
	v6 =	vld [tilespmem:s8+$0xFFFFFF90]  }
0x3a5: {  	v11 =	vmov s26;
	v62 =	vld.idx.msk [tilespmem:v1+s1+$0x0], $0xffff  }
0x3a6: {  	[tilespmem:s8+$0xFFFFFF10] =	vst v5;
	v5 =	vmul.f32 v7, v2;
	v1 =	vand.u32 $0x7E, v11;
	v11 =	vld [tilespmem:s8+$0xFFFFFF80]  }
0x3a7: {  	v10 =	vmul.f32 v10, v2;
	v7 =	vld [tilespmem:s8+$0xFFFFFFA0];
	v1 =	vor.u32 $0x300, v1;
	[tilespmem:s8+$0xFFFFFF20] =	vst v3;
	v3 =	vmul.f32 v8, v2  }
0x3a8: {  	v8 =	vld [tilespmem:s8+$0xFFFFFFB0];
	[tilespmem:s8+$0xFFFFFF30] =	vst v5;
	v5 =	vmul.f32 v9, v2;
	v1 =	vbroadcast v1, $0x0  }
0x3a9: {  	[tilespmem:s8+$0xFFFFFF60] =	vst v10;
	v9 =	vld [tilespmem:s8+$0xFFFFFFC0]  }
0x3aa: {  	[tilespmem:s8+$0xFFFFFF50] =	vst v5;
	v5 =	vld [tilespmem:s8+$0xFFFFFFE0];
	v2 =	vmul.f32 v4, v2  }
0x3ab: {  	[tilespmem:s8+$0xFFFFFF40] =	vst v3;
	v4 =	vld [tilespmem:s8+$0xFFFFFFF0];
	v3 =	vmul.f32 v11, v62  }
0x3ac: {  	v11 =	vld [tilespmem:s8+$0xFFFFFFD0];
	[tilespmem:s8+$0xFFFFFF70] =	vst v2;
	v2 =	vmul.f32 v7, v62  }
0x3ad: {  	[tilespmem:s8+$0xFFFFFF80] =	vst v3;
	v3 =	vmul.f32 v6, v62;
	v6 =	vld [tilespmem:s8+$0x0]  }
0x3ae: {  	v1 =	vld.idx.msk [tilespmem:v1+s1+$0x0], $0xffff;
	[tilespmem:s8+$0xFFFFFFA0] =	vst v2;
	v2 =	vmul.f32 v9, v62  }
0x3af: {  	v7 =	vld [tilespmem:s8+$0x10];
	[tilespmem:s8+$0xFFFFFF90] =	vst v3;
	v3 =	vmul.f32 v8, v62  }
0x3b0: {  	v5 =	vmul.f32 v5, v62;
	v8 =	vld [tilespmem:s8+$0x20];
	[tilespmem:s8+$0xFFFFFFC0] =	vst v2  }
0x3b1: {  	s13 =	simm.s32 $0x4;
	v9 =	vld [tilespmem:s8+$0x30];
	[tilespmem:s8+$0xFFFFFFB0] =	vst v3;
	v3 =	vmul.f32 v11, v62  }
0x3b2: {  	s18 =	simm.s32 $0x5;
	v10 =	vmov s13;
	v2 =	vld [tilespmem:s8+$0x40];
	[tilespmem:s8+$0xFFFFFFE0] =	vst v5;
	v11 =	vmul.f32 v4, v62  }
0x3b3: {  	v63 =	vmov s18;
	s26 =	simm.s32 $0x6;
	v10 =	vand.u32 $0x7C, v10;
	[tilespmem:s8+$0xFFFFFFD0] =	vst v3;
	v6 =	vmul.f32 v6, v1;
	v3 =	vld [tilespmem:s8+$0x50]  }
0x3b4: {  	v5 =	vor.u32 $0x300, v10;
	v10 =	vmov s26;
	v4 =	vld [tilespmem:s8+$0x60];
	v7 =	vmul.f32 v7, v1;
	[tilespmem:s8+$0xFFFFFFF0] =	vst v11  }
0x3b5: {  	v10 =	vand.u32 $0x7E, v10;
	v11 =	vand.u32 $0x7D, v63;
	v8 =	vmul.f32 v8, v1;
	[tilespmem:s8+$0x0] =	vst v6;
	v6 =	vld [tilespmem:s8+$0x70]  }
0x3b6: {  	s12 =	simm.s32 $0x1100;
	s13 =	simm.s32 $0x7;
	s26 =	simm.s32 $0x8;
	v5 =	vbroadcast v5, $0x0;
	v9 =	vmul.f32 v9, v1;
	v11 =	vor.u32 $0x300, v11;
	[tilespmem:s8+$0x10] =	vst v7;
	v7 =	vld [tilespmem:s8+$0x80]  }
.LBB2_17:
0x3b7: {  	p1 =	slt.u32 s26, $0x7C;
	v10 =	vor.u32 $0x300, v10;
	v12 =	vmov s13;
	[tilespmem:s8+$0x20] =	vst v8;
	v2 =	vmul.f32 v2, v1;
	v8 =	vld [tilespmem:s8+$0x90]  }
0x3b8: {  	v11 =	vbroadcast v11, $0x0;
	v12 =	vand.u32 $0x7F, v12;
	[tilespmem:s8+$0x30] =	vst v9;
	v3 =	vmul.f32 v3, v1;
	v9 =	vld [tilespmem:s8+$0xA0]  }
0x3b9: {  	v10 =	vbroadcast v10, $0x0;
	v12 =	vor.u32 $0x300, v12;
	[tilespmem:s8+$0x40] =	vst v2;
	v2 =	vmul.f32 v4, v1;
	v4 =	vld [tilespmem:s8+$0xB0]  }
0x3ba: {  	v12 =	vbroadcast v12, $0x0;
	[tilespmem:s8+$0x50] =	vst v3;
	v1 =	vmul.f32 v6, v1;
	v3 =	vld [tilespmem:s8+$0xC0]  }
0x3bb: {  	[tilespmem:s8+$0x60] =	vst v2;
	v2 =	vmul.f32 v7, v0;
	v6 =	vld [tilespmem:s8+$0xD0]  }
0x3bc: {  	[tilespmem:s8+$0x70] =	vst v1;
	v1 =	vmul.f32 v8, v0;
	v7 =	vld [tilespmem:s8+$0xE0]  }
0x3bd: {  	v5 =	vld.idx.msk [tilespmem:v5+s1+$0x0], $0xffff;
	[tilespmem:s8+$0x80] =	vst v2;
	v2 =	vmul.f32 v9, v0  }
0x3be: {  	v8 =	vld.idx.msk [tilespmem:v11+s1+$0x0], $0xffff;
	[tilespmem:s8+$0x90] =	vst v1;
	v4 =	vmul.f32 v4, v0  }
0x3bf: {  	v1 =	vld.idx.msk [tilespmem:v10+s1+$0x0], $0xffff;
	[tilespmem:s8+$0xA0] =	vst v2;
	v2 =	vmul.f32 v3, v0  }
0x3c0: {  	s8 =	sadd.s32 $0x200, s8;
	v3 =	vld.idx.msk [tilespmem:v12+s1+$0x0], $0xffff;
	[tilespmem:s12+$0xB0] =	vst v4;
	v4 =	vmul.f32 v6, v0  }
0x3c1: {  	v6 =	vld [tilespmem:s8+$0xF0];
	[tilespmem:s12+$0xC0] =	vst v2;
	v0 =	vmul.f32 v7, v0  }
0x3c2: {  	v2 =	vld [tilespmem:s8+$0xFFFFFF00];
	[tilespmem:s12+$0xD0] =	vst v4  }
0x3c3: {  	v4 =	vld [tilespmem:s8+$0xFFFFFF10];
	[tilespmem:s12+$0xE0] =	vst v0;
	s12 =	smov.u32 s8  }
0x3c4: {  	v7 =	vld [tilespmem:s8+$0xFFFFFF20]  }
0x3c5: {  	v9 =	vld [tilespmem:s8+$0xFFFFFF30]  }
0x3c6: {  	v0 =	vmov v3;
	v10 =	vld [tilespmem:s8+$0xFFFFFF40];
	v6 =	vmul.f32 v6, v3  }
0x3c7: {  	v2 =	vmul.f32 v2, v5;
	v3 =	vld [tilespmem:s8+$0xFFFFFF50]  }
0x3c8: {  	v4 =	vmul.f32 v4, v5;
	v11 =	vld [tilespmem:s8+$0xFFFFFF60];
	[tilespmem:s8+$0xF0] =	vst v6  }
0x3c9: {  	[tilespmem:s8+$0xFFFFFF00] =	vst v2;
	v2 =	vmul.f32 v7, v5;
	v6 =	vld [tilespmem:s8+$0xFFFFFF70]  }
0x3ca: {  	[tilespmem:s8+$0xFFFFFF10] =	vst v4;
	v4 =	vmul.f32 v9, v5;
	v7 =	vld [tilespmem:s8+$0xFFFFFF80]  }
0x3cb: {  	[tilespmem:s8+$0xFFFFFF20] =	vst v2;
	v2 =	vmul.f32 v10, v5;
	v9 =	vld [tilespmem:s8+$0xFFFFFF90]  }
0x3cc: {  	[tilespmem:s8+$0xFFFFFF30] =	vst v4;
	v3 =	vmul.f32 v3, v5;
	v4 =	vld [tilespmem:s8+$0xFFFFFFA0]  }
0x3cd: {  	[tilespmem:s8+$0xFFFFFF40] =	vst v2;
	v2 =	vmul.f32 v11, v5;
	v10 =	vld [tilespmem:s8+$0xFFFFFFB0]  }
0x3ce: {  	[tilespmem:s8+$0xFFFFFF50] =	vst v3;
	v3 =	vmul.f32 v6, v5;
	v5 =	vld [tilespmem:s8+$0xFFFFFFC0]  }
0x3cf: {  	[tilespmem:s8+$0xFFFFFF60] =	vst v2;
	v2 =	vmul.f32 v7, v8;
	v6 =	vld [tilespmem:s8+$0xFFFFFFD0]  }
0x3d0: {  	[tilespmem:s8+$0xFFFFFF70] =	vst v3;
	v3 =	vmul.f32 v9, v8;
	v7 =	vld [tilespmem:s8+$0xFFFFFFE0]  }
0x3d1: {  	[tilespmem:s8+$0xFFFFFF80] =	vst v2;
	v2 =	vmul.f32 v4, v8;
	v4 =	vld [tilespmem:s8+$0xFFFFFFF0]  }
0x3d2: {  	[tilespmem:s8+$0xFFFFFF90] =	vst v3;
	v3 =	vmul.f32 v10, v8;
	v9 =	vld [tilespmem:s8+$0x0]  }
0x3d3: {  	[tilespmem:s8+$0xFFFFFFA0] =	vst v2;
	v2 =	vmul.f32 v5, v8;
	v5 =	vld [tilespmem:s8+$0x10]  }
0x3d4: {  	[tilespmem:s8+$0xFFFFFFB0] =	vst v3;
	v3 =	vmul.f32 v6, v8;
	v6 =	vld [tilespmem:s8+$0x20]  }
0x3d5: {  	[tilespmem:s8+$0xFFFFFFC0] =	vst v2;
	v7 =	vmul.f32 v7, v8;
	v12 =	vld [tilespmem:s8+$0x30]  }
.Ltmp7:
0x3d6: {  	s13 =	sadd.s32 $0x1, s26;
	v10 =	vmov s26;
	[tilespmem:s8+$0xFFFFFFD0] =	vst v3;
	v4 =	vmul.f32 v4, v8;
	v2 =	vld [tilespmem:s8+$0x40];
	(pc) =	sbr.rel @p1 .LBB2_17-.Ltmp7, $4  }
0x3d7: {  	v8 =	vand.u32 $0x7C, v10;
	v10 =	vmov s13;
	s13 =	sadd.s32 $0x2, s26;
	[tilespmem:s8+$0xFFFFFFE0] =	vst v7;
	v7 =	vmul.f32 v9, v1;
	v3 =	vld [tilespmem:s8+$0x50]  }
0x3d8: {  	v9 =	vor.u32 $0x300, v8;
	v8 =	vmov s13;
	[tilespmem:s8+$0xFFFFFFF0] =	vst v4;
	v13 =	vmul.f32 v5, v1;
	v4 =	vld [tilespmem:s8+$0x60]  }
0x3d9: {  	v11 =	vand.u32 $0x7D, v10;
	v10 =	vand.u32 $0x7E, v8;
	[tilespmem:s8+$0x0] =	vst v7;
	v8 =	vmul.f32 v6, v1;
	v6 =	vld [tilespmem:s8+$0x70]  }
0x3da: {  	s13 =	sadd.s32 $0x3, s26;
	s26 =	sadd.s32 $0x4, s26;
	v5 =	vbroadcast v9, $0x0;
	v11 =	vor.u32 $0x300, v11;
	[tilespmem:s8+$0x10] =	vst v13;
	v9 =	vmul.f32 v12, v1;
	v7 =	vld [tilespmem:s8+$0x80]  }
0x3db: {  	v13 =	vld [tilespmem:s8+$0x90]  }
0x3dc: {  	v14 =	vld [tilespmem:s8+$0xA0]  }
0x3dd: {  	v12 =	vmov s13;
	v10 =	vor.u32 $0x300, v10;
	v11 =	vbroadcast v11, $0x0;
	v15 =	vld [tilespmem:s8+$0xB0]  }
0x3de: {  	v16 =	vld [tilespmem:s8+$0xC0];
	[tilespmem:s8+$0x20] =	vst v8;
	v2 =	vmul.f32 v2, v1;
	v12 =	vand.u32 $0x7F, v12;
	v10 =	vbroadcast v10, $0x0  }
0x3df: {  	v8 =	vld [tilespmem:s8+$0xD0];
	[tilespmem:s8+$0x30] =	vst v9;
	v3 =	vmul.f32 v3, v1;
	v12 =	vor.u32 $0x300, v12  }
0x3e0: {  	v9 =	vld [tilespmem:s8+$0xE0];
	[tilespmem:s8+$0x40] =	vst v2;
	v2 =	vmul.f32 v4, v1;
	v12 =	vbroadcast v12, $0x0  }
0x3e1: {  	s26 =	sadd.s32 $0x200, s8;
	v4 =	vld.idx.msk [tilespmem:v5+s1+$0x0], $0xffff;
	[tilespmem:s8+$0x50] =	vst v3;
	v1 =	vmul.f32 v6, v1  }
0x3e2: {  	[tilespmem:s8+$0x60] =	vst v2;
	v2 =	vmul.f32 v7, v0;
	v7 =	vld [tilespmem:s26+$0xF0]  }
0x3e3: {  	[tilespmem:s8+$0x70] =	vst v1;
	v1 =	vmul.f32 v13, v0;
	v3 =	vld.idx.msk [tilespmem:v11+s1+$0x0], $0xffff  }
0x3e4: {  	[tilespmem:s8+$0x80] =	vst v2;
	v2 =	vmul.f32 v14, v0;
	v5 =	vld.idx.msk [tilespmem:v10+s1+$0x0], $0xffff  }
0x3e5: {  	[tilespmem:s8+$0x90] =	vst v1;
	v1 =	vmul.f32 v15, v0;
	v10 =	vld [tilespmem:s26+$0xFFFFFF00]  }
0x3e6: {  	[tilespmem:s8+$0xA0] =	vst v2;
	v2 =	vmul.f32 v16, v0;
	v6 =	vld.idx.msk [tilespmem:v12+s1+$0x0], $0xffff  }
0x3e7: {  	v11 =	vld [tilespmem:s26+$0xFFFFFF10];
	[tilespmem:s12+$0xB0] =	vst v1;
	v1 =	vmul.f32 v8, v0  }
0x3e8: {  	v8 =	vld [tilespmem:s26+$0xFFFFFF20];
	v0 =	vmul.f32 v9, v0;
	[tilespmem:s12+$0xC0] =	vst v2  }
0x3e9: {  	v2 =	vld [tilespmem:s26+$0xFFFFFF30];
	[tilespmem:s12+$0xD0] =	vst v1  }
0x3ea: {  	v1 =	vld [tilespmem:s26+$0xFFFFFF40];
	[tilespmem:s12+$0xE0] =	vst v0;
	v0 =	vmul.f32 v10, v4  }
0x3eb: {  	v9 =	vld [tilespmem:s26+$0xFFFFFF50];
	v7 =	vmul.f32 v7, v6  }
0x3ec: {  	v10 =	vmul.f32 v11, v4;
	v11 =	vld [tilespmem:s26+$0xFFFFFF60];
	[tilespmem:s26+$0xFFFFFF00] =	vst v0  }
0x3ed: {  	v0 =	vmul.f32 v8, v4;
	[tilespmem:s26+$0xF0] =	vst v7;
	v7 =	vld [tilespmem:s26+$0xFFFFFF70]  }
0x3ee: {  	[tilespmem:s26+$0xFFFFFF10] =	vst v10;
	v8 =	vld [tilespmem:s26+$0xFFFFFF80];
	v2 =	vmul.f32 v2, v4  }
0x3ef: {  	[tilespmem:s26+$0xFFFFFF20] =	vst v0;
	v0 =	vmul.f32 v1, v4;
	v1 =	vld [tilespmem:s26+$0xFFFFFF90]  }
0x3f0: {  	[tilespmem:s26+$0xFFFFFF30] =	vst v2;
	v2 =	vmul.f32 v9, v4;
	v9 =	vld [tilespmem:s26+$0xFFFFFFA0]  }
0x3f1: {  	v10 =	vld [tilespmem:s26+$0xFFFFFFB0];
	[tilespmem:s26+$0xFFFFFF40] =	vst v0;
	v0 =	vmul.f32 v11, v4  }
0x3f2: {  	[tilespmem:s26+$0xFFFFFF50] =	vst v2;
	v2 =	vmul.f32 v7, v4;
	v4 =	vld [tilespmem:s26+$0xFFFFFFC0]  }
0x3f3: {  	[tilespmem:s26+$0xFFFFFF60] =	vst v0;
	v0 =	vmul.f32 v8, v3;
	v7 =	vld [tilespmem:s26+$0xFFFFFFD0]  }
0x3f4: {  	v1 =	vmul.f32 v1, v3;
	[tilespmem:s26+$0xFFFFFF70] =	vst v2;
	v2 =	vld [tilespmem:s26+$0xFFFFFFE0]  }
0x3f5: {  	v8 =	vld [tilespmem:s26+$0xFFFFFFF0];
	[tilespmem:s26+$0xFFFFFF80] =	vst v0;
	v0 =	vmul.f32 v9, v3  }
0x3f6: {  	v9 =	vld [tilespmem:s26+$0x0];
	[tilespmem:s26+$0xFFFFFF90] =	vst v1;
	v1 =	vmul.f32 v10, v3  }
0x3f7: {  	[tilespmem:s26+$0xFFFFFFA0] =	vst v0;
	v0 =	vmul.f32 v4, v3;
	v4 =	vld [tilespmem:s26+$0x10]  }
0x3f8: {  	[tilespmem:s26+$0xFFFFFFB0] =	vst v1;
	v1 =	vmul.f32 v7, v3;
	v7 =	vld [tilespmem:s26+$0x20]  }
0x3f9: {  	[tilespmem:s26+$0xFFFFFFC0] =	vst v0;
	v0 =	vmul.f32 v2, v3;
	v2 =	vld [tilespmem:s26+$0x30]  }
0x3fa: {  	[tilespmem:s26+$0xFFFFFFD0] =	vst v1;
	v1 =	vmul.f32 v8, v3;
	v3 =	vld [tilespmem:s26+$0x40]  }
0x3fb: {  	v8 =	vld [tilespmem:s26+$0x50];
	[tilespmem:s26+$0xFFFFFFE0] =	vst v0;
	v0 =	vmul.f32 v9, v5  }
0x3fc: {  	[tilespmem:s26+$0xFFFFFFF0] =	vst v1;
	v1 =	vmul.f32 v4, v5;
	v4 =	vld [tilespmem:s26+$0x60]  }
0x3fd: {  	[tilespmem:s26+$0x0] =	vst v0;
	v0 =	vmul.f32 v7, v5;
	v7 =	vld [tilespmem:s26+$0x70]  }
0x3fe: {  	[tilespmem:s26+$0x10] =	vst v1;
	v1 =	vmul.f32 v2, v5;
	v2 =	vld [tilespmem:s26+$0x80]  }
0x3ff: {  	[tilespmem:s26+$0x20] =	vst v0;
	v0 =	vmul.f32 v3, v5;
	v3 =	vld [tilespmem:s26+$0x90]  }
0x400: {  	[tilespmem:s26+$0x30] =	vst v1;
	v1 =	vmul.f32 v8, v5;
	v8 =	vld [tilespmem:s26+$0xA0]  }
0x401: {  	[tilespmem:s26+$0x40] =	vst v0;
	v0 =	vmul.f32 v4, v5;
	v4 =	vld [tilespmem:s26+$0xB0]  }
0x402: {  	[tilespmem:s26+$0x50] =	vst v1;
	v1 =	vmul.f32 v7, v5;
	v5 =	vld [tilespmem:s26+$0xC0]  }
0x403: {  	[tilespmem:s26+$0x60] =	vst v0;
	v0 =	vmul.f32 v2, v6;
	v2 =	vld [tilespmem:s26+$0xD0]  }
0x404: {  	[tilespmem:s26+$0x70] =	vst v1;
	v1 =	vmul.f32 v3, v6;
	v3 =	vld [tilespmem:s26+$0xE0]  }
0x405: {  	[tilespmem:s26+$0x80] =	vst v0;
	v0 =	vmul.f32 v8, v6  }
0x406: {  	[tilespmem:s26+$0x90] =	vst v1;
	v1 =	vmul.f32 v4, v6  }
0x407: {  	[tilespmem:s26+$0xA0] =	vst v0;
	v0 =	vmul.f32 v5, v6  }
0x408: {  	[tilespmem:s26+$0xB0] =	vst v1;
	v1 =	vmul.f32 v2, v6  }
0x409: {  	[tilespmem:s26+$0xC0] =	vst v0;
	v0 =	vmul.f32 v3, v6  }
0x40a: {  	[tilespmem:s26+$0xD0] =	vst v1  }
0x40b: {  	[tilespmem:s26+$0xE0] =	vst v0  }
0x40c: {  	_ =	swait.ge [sflag:s30], $0x4000  }
0x40d: {  	s18 =	simm.s32 $0x0;
	[sflag:s30] =	ssyncset.done $0x0  }
0x40e: {  	s8 =	simm.s32 $0x5000;
	v0 =	vmov s18;
	s26 =	simm.s32 $0x3;
	[sflag:s30] =	ssyncadd.s32 $0xFFFFC000  }
0x40f: {  	v0 =	vand.u32 $0x7C, v0;
	v1 =	vmov s26;
	[tilespmem:s8], [sflag:$0x2] =	stream.indirect.gather [hbm4b:s5+s20], $0x80, s28, s20, $0xb8;
	[tilespmem:$0x1D680] =	vst v63  }
0x410: {  	v0 =	vor.u32 $0x380, v0;
	v1 =	vand.u32 $0x7F, v1  }
0x411: {  	v0 =	vbroadcast v0, $0x0;
	v1 =	vor.u32 $0x380, v1;
	[spmem:s2] =	stream.indirect.scatter.add.f32 [tilespmem:s16], [sflag:$0x3], $0x80, s23, s20, $0xb8;
	[tilespmem:$0x1D680] =	vst v63  }
0x412: {  	s13 =	simm.s32 $0x9300;
	v1 =	vbroadcast v1, $0x0  }
0x413: {  	[spmem:s3] =	stream.indirect.scatter.add.f32 [tilespmem:s13], [sflag:$0x4], $0x1, s23, s20, $0xb8;
	[tilespmem:$0x1D680] =	vst v63  }
0x414: {  	_ =	swait.ge [sflag:s11], $0x4000  }
0x415: {  	[sflag:s11] =	ssyncset.done $0x0  }
0x416: {  	[sflag:s11] =	ssyncadd.s32 $0xFFFFC000  }
0x417: {  	s18 =	simm.s32 $0x1;
	v2 =	vld.idx.msk [tilespmem:v0+s1+$0x0], $0xffff  }
0x418: {  	v3 =	vmov s18;
	v0 =	vld.idx.msk [tilespmem:v1+s1+$0x0], $0xffff  }
0x419: {  	v1 =	vand.u32 $0x7D, v3;
	v3 =	vld [tilespmem:s8+$0x1F0]  }
0x41a: {  	v4 =	vld [tilespmem:s8+$0x0]  }
0x41b: {  	v5 =	vld [tilespmem:s8+$0x10]  }
0x41c: {  	v6 =	vld [tilespmem:s8+$0x20];
	v1 =	vor.u32 $0x380, v1  }
0x41d: {  	v7 =	vld [tilespmem:s8+$0x30];
	v1 =	vbroadcast v1, $0x0  }
0x41e: {  	v8 =	vld [tilespmem:s8+$0x40]  }
0x41f: {  	v9 =	vld [tilespmem:s8+$0x50];
	v4 =	vmul.f32 v4, v2  }
0x420: {  	v10 =	vld [tilespmem:s8+$0x60];
	v3 =	vmul.f32 v3, v0  }
0x421: {  	[tilespmem:s8+$0x0] =	vst v4;
	v4 =	vld [tilespmem:s8+$0x70]  }
0x422: {  	s26 =	simm.s32 $0x2;
	v5 =	vmul.f32 v5, v2;
	[tilespmem:s8+$0x1F0] =	vst v3;
	v3 =	vmul.f32 v6, v2;
	v6 =	vld [tilespmem:s8+$0x90]  }
0x423: {  	v11 =	vmov s26;
	v62 =	vld.idx.msk [tilespmem:v1+s1+$0x0], $0xffff  }
0x424: {  	[tilespmem:s8+$0x10] =	vst v5;
	v5 =	vmul.f32 v7, v2;
	v1 =	vand.u32 $0x7E, v11;
	v11 =	vld [tilespmem:s8+$0x80]  }
0x425: {  	v10 =	vmul.f32 v10, v2;
	v7 =	vld [tilespmem:s8+$0xA0];
	v1 =	vor.u32 $0x380, v1;
	[tilespmem:s8+$0x20] =	vst v3;
	v3 =	vmul.f32 v8, v2  }
0x426: {  	v8 =	vld [tilespmem:s8+$0xB0];
	[tilespmem:s8+$0x30] =	vst v5;
	v5 =	vmul.f32 v9, v2;
	v1 =	vbroadcast v1, $0x0  }
0x427: {  	[tilespmem:s8+$0x60] =	vst v10;
	v9 =	vld [tilespmem:s8+$0xC0]  }
0x428: {  	[tilespmem:s8+$0x50] =	vst v5;
	v5 =	vld [tilespmem:s8+$0xE0];
	v2 =	vmul.f32 v4, v2  }
0x429: {  	[tilespmem:s8+$0x40] =	vst v3;
	v4 =	vld [tilespmem:s8+$0xF0];
	v3 =	vmul.f32 v11, v62  }
0x42a: {  	v11 =	vld [tilespmem:s8+$0xD0];
	[tilespmem:s8+$0x70] =	vst v2;
	v2 =	vmul.f32 v7, v62  }
0x42b: {  	[tilespmem:s8+$0x80] =	vst v3;
	v3 =	vmul.f32 v6, v62;
	v6 =	vld [tilespmem:s8+$0x100]  }
0x42c: {  	v1 =	vld.idx.msk [tilespmem:v1+s1+$0x0], $0xffff;
	[tilespmem:s8+$0xA0] =	vst v2;
	v2 =	vmul.f32 v9, v62  }
0x42d: {  	v7 =	vld [tilespmem:s8+$0x110];
	[tilespmem:s8+$0x90] =	vst v3;
	v3 =	vmul.f32 v8, v62  }
0x42e: {  	v5 =	vmul.f32 v5, v62;
	v8 =	vld [tilespmem:s8+$0x120];
	[tilespmem:s8+$0xC0] =	vst v2  }
0x42f: {  	s13 =	simm.s32 $0x4;
	v9 =	vld [tilespmem:s8+$0x130];
	[tilespmem:s8+$0xB0] =	vst v3;
	v3 =	vmul.f32 v11, v62  }
0x430: {  	s18 =	simm.s32 $0x5;
	v10 =	vmov s13;
	v2 =	vld [tilespmem:s8+$0x140];
	[tilespmem:s8+$0xE0] =	vst v5;
	v11 =	vmul.f32 v4, v62  }
0x431: {  	v63 =	vmov s18;
	s26 =	simm.s32 $0x6;
	v10 =	vand.u32 $0x7C, v10;
	[tilespmem:s8+$0xD0] =	vst v3;
	v6 =	vmul.f32 v6, v1;
	v3 =	vld [tilespmem:s8+$0x150]  }
0x432: {  	v5 =	vor.u32 $0x380, v10;
	v10 =	vmov s26;
	v4 =	vld [tilespmem:s8+$0x160];
	v7 =	vmul.f32 v7, v1;
	[tilespmem:s8+$0xF0] =	vst v11  }
0x433: {  	v10 =	vand.u32 $0x7E, v10;
	v11 =	vand.u32 $0x7D, v63;
	v8 =	vmul.f32 v8, v1;
	[tilespmem:s8+$0x100] =	vst v6;
	v6 =	vld [tilespmem:s8+$0x170]  }
0x434: {  	s12 =	simm.s32 $0x5000;
	s13 =	simm.s32 $0x7;
	s26 =	simm.s32 $0x8;
	v5 =	vbroadcast v5, $0x0;
	v9 =	vmul.f32 v9, v1;
	v11 =	vor.u32 $0x380, v11;
	[tilespmem:s8+$0x110] =	vst v7;
	v7 =	vld [tilespmem:s8+$0x180]  }
.LBB2_19:
0x435: {  	p1 =	slt.u32 s26, $0x7C;
	v10 =	vor.u32 $0x380, v10;
	v12 =	vmov s13;
	[tilespmem:s8+$0x120] =	vst v8;
	v2 =	vmul.f32 v2, v1;
	v8 =	vld [tilespmem:s8+$0x190]  }
0x436: {  	v11 =	vbroadcast v11, $0x0;
	v12 =	vand.u32 $0x7F, v12;
	[tilespmem:s8+$0x130] =	vst v9;
	v3 =	vmul.f32 v3, v1;
	v9 =	vld [tilespmem:s8+$0x1A0]  }
0x437: {  	v10 =	vbroadcast v10, $0x0;
	v12 =	vor.u32 $0x380, v12;
	[tilespmem:s8+$0x140] =	vst v2;
	v2 =	vmul.f32 v4, v1;
	v4 =	vld [tilespmem:s8+$0x1B0]  }
0x438: {  	v12 =	vbroadcast v12, $0x0;
	[tilespmem:s8+$0x150] =	vst v3;
	v1 =	vmul.f32 v6, v1;
	v3 =	vld [tilespmem:s8+$0x1C0]  }
0x439: {  	[tilespmem:s8+$0x160] =	vst v2;
	v2 =	vmul.f32 v7, v0;
	v6 =	vld [tilespmem:s8+$0x1D0]  }
0x43a: {  	[tilespmem:s8+$0x170] =	vst v1;
	v1 =	vmul.f32 v8, v0;
	v7 =	vld [tilespmem:s8+$0x1E0]  }
0x43b: {  	v5 =	vld.idx.msk [tilespmem:v5+s1+$0x0], $0xffff;
	[tilespmem:s8+$0x180] =	vst v2;
	v2 =	vmul.f32 v9, v0  }
0x43c: {  	v8 =	vld.idx.msk [tilespmem:v11+s1+$0x0], $0xffff;
	[tilespmem:s8+$0x190] =	vst v1;
	v4 =	vmul.f32 v4, v0  }
0x43d: {  	v1 =	vld.idx.msk [tilespmem:v10+s1+$0x0], $0xffff;
	[tilespmem:s8+$0x1A0] =	vst v2;
	v2 =	vmul.f32 v3, v0  }
0x43e: {  	s8 =	sadd.s32 $0x200, s8;
	v3 =	vld.idx.msk [tilespmem:v12+s1+$0x0], $0xffff;
	[tilespmem:s12+$0x1B0] =	vst v4;
	v4 =	vmul.f32 v6, v0  }
0x43f: {  	v6 =	vld [tilespmem:s8+$0x1F0];
	[tilespmem:s12+$0x1C0] =	vst v2;
	v0 =	vmul.f32 v7, v0  }
0x440: {  	v2 =	vld [tilespmem:s8+$0x0];
	[tilespmem:s12+$0x1D0] =	vst v4  }
0x441: {  	v4 =	vld [tilespmem:s8+$0x10];
	[tilespmem:s12+$0x1E0] =	vst v0;
	s12 =	smov.u32 s8  }
0x442: {  	v7 =	vld [tilespmem:s8+$0x20]  }
0x443: {  	v9 =	vld [tilespmem:s8+$0x30]  }
0x444: {  	v0 =	vmov v3;
	v10 =	vld [tilespmem:s8+$0x40];
	v6 =	vmul.f32 v6, v3  }
0x445: {  	v2 =	vmul.f32 v2, v5;
	v3 =	vld [tilespmem:s8+$0x50]  }
0x446: {  	v4 =	vmul.f32 v4, v5;
	v11 =	vld [tilespmem:s8+$0x60];
	[tilespmem:s8+$0x1F0] =	vst v6  }
0x447: {  	[tilespmem:s8+$0x0] =	vst v2;
	v2 =	vmul.f32 v7, v5;
	v6 =	vld [tilespmem:s8+$0x70]  }
0x448: {  	[tilespmem:s8+$0x10] =	vst v4;
	v4 =	vmul.f32 v9, v5;
	v7 =	vld [tilespmem:s8+$0x80]  }
0x449: {  	[tilespmem:s8+$0x20] =	vst v2;
	v2 =	vmul.f32 v10, v5;
	v9 =	vld [tilespmem:s8+$0x90]  }
0x44a: {  	[tilespmem:s8+$0x30] =	vst v4;
	v3 =	vmul.f32 v3, v5;
	v4 =	vld [tilespmem:s8+$0xA0]  }
0x44b: {  	[tilespmem:s8+$0x40] =	vst v2;
	v2 =	vmul.f32 v11, v5;
	v10 =	vld [tilespmem:s8+$0xB0]  }
0x44c: {  	[tilespmem:s8+$0x50] =	vst v3;
	v3 =	vmul.f32 v6, v5;
	v5 =	vld [tilespmem:s8+$0xC0]  }
0x44d: {  	[tilespmem:s8+$0x60] =	vst v2;
	v2 =	vmul.f32 v7, v8;
	v6 =	vld [tilespmem:s8+$0xD0]  }
0x44e: {  	[tilespmem:s8+$0x70] =	vst v3;
	v3 =	vmul.f32 v9, v8;
	v7 =	vld [tilespmem:s8+$0xE0]  }
0x44f: {  	[tilespmem:s8+$0x80] =	vst v2;
	v2 =	vmul.f32 v4, v8;
	v4 =	vld [tilespmem:s8+$0xF0]  }
0x450: {  	[tilespmem:s8+$0x90] =	vst v3;
	v3 =	vmul.f32 v10, v8;
	v9 =	vld [tilespmem:s8+$0x100]  }
0x451: {  	[tilespmem:s8+$0xA0] =	vst v2;
	v2 =	vmul.f32 v5, v8;
	v5 =	vld [tilespmem:s8+$0x110]  }
0x452: {  	[tilespmem:s8+$0xB0] =	vst v3;
	v3 =	vmul.f32 v6, v8;
	v6 =	vld [tilespmem:s8+$0x120]  }
0x453: {  	[tilespmem:s8+$0xC0] =	vst v2;
	v7 =	vmul.f32 v7, v8;
	v12 =	vld [tilespmem:s8+$0x130]  }
.Ltmp8:
0x454: {  	s13 =	sadd.s32 $0x1, s26;
	v10 =	vmov s26;
	[tilespmem:s8+$0xD0] =	vst v3;
	v4 =	vmul.f32 v4, v8;
	v2 =	vld [tilespmem:s8+$0x140];
	(pc) =	sbr.rel @p1 .LBB2_19-.Ltmp8, $4  }
0x455: {  	v8 =	vand.u32 $0x7C, v10;
	v10 =	vmov s13;
	s13 =	sadd.s32 $0x2, s26;
	[tilespmem:s8+$0xE0] =	vst v7;
	v7 =	vmul.f32 v9, v1;
	v3 =	vld [tilespmem:s8+$0x150]  }
0x456: {  	v9 =	vor.u32 $0x380, v8;
	v8 =	vmov s13;
	[tilespmem:s8+$0xF0] =	vst v4;
	v13 =	vmul.f32 v5, v1;
	v4 =	vld [tilespmem:s8+$0x160]  }
0x457: {  	v11 =	vand.u32 $0x7D, v10;
	v10 =	vand.u32 $0x7E, v8;
	[tilespmem:s8+$0x100] =	vst v7;
	v8 =	vmul.f32 v6, v1;
	v6 =	vld [tilespmem:s8+$0x170]  }
0x458: {  	s13 =	sadd.s32 $0x3, s26;
	s26 =	sadd.s32 $0x4, s26;
	v5 =	vbroadcast v9, $0x0;
	v11 =	vor.u32 $0x380, v11;
	[tilespmem:s8+$0x110] =	vst v13;
	v9 =	vmul.f32 v12, v1;
	v7 =	vld [tilespmem:s8+$0x180]  }
0x459: {  	v13 =	vld [tilespmem:s8+$0x190]  }
0x45a: {  	v14 =	vld [tilespmem:s8+$0x1A0]  }
0x45b: {  	v15 =	vld [tilespmem:s8+$0x1B0]  }
0x45c: {  	v16 =	vld [tilespmem:s8+$0x1C0]  }
0x45d: {  	[tilespmem:s8+$0x120] =	vst v8;
	v2 =	vmul.f32 v2, v1;
	v42 =	vld [tilespmem:s8+$0x1D0]  }
0x45e: {  	v43 =	vld [tilespmem:s8+$0x1E0];
	[tilespmem:s8+$0x130] =	vst v9;
	v3 =	vmul.f32 v3, v1  }
0x45f: {  	s26 =	sadd.s32 $0x200, s8;
	v45 =	vld.idx.msk [tilespmem:v5+s1+$0x0], $0xffff;
	[tilespmem:s8+$0x140] =	vst v2;
	v44 =	vmul.f32 v4, v1  }
0x460: {  	v51 =	vld [tilespmem:s26+$0x1F0];
	[tilespmem:s8+$0x150] =	vst v3;
	v46 =	vmul.f32 v6, v1  }
0x461: {  	v53 =	vld [tilespmem:s26+$0x0];
	[tilespmem:s8+$0x160] =	vst v44;
	v48 =	vmul.f32 v7, v0  }
0x462: {  	v55 =	vld [tilespmem:s26+$0x10];
	[tilespmem:s8+$0x170] =	vst v46;
	v49 =	vmul.f32 v13, v0  }
0x463: {  	v57 =	vld [tilespmem:s26+$0x20];
	v50 =	vmul.f32 v14, v0;
	[tilespmem:s8+$0x180] =	vst v48  }
0x464: {  	v11 =	vbroadcast v11, $0x0;
	v59 =	vld [tilespmem:s26+$0x30];
	v52 =	vmul.f32 v15, v0;
	[tilespmem:s8+$0x190] =	vst v49  }
0x465: {  	v60 =	vld [tilespmem:s26+$0x40];
	v54 =	vmul.f32 v16, v0;
	[tilespmem:s8+$0x1A0] =	vst v50  }
0x466: {  	v62 =	vld [tilespmem:s26+$0x50];
	v56 =	vmul.f32 v42, v0;
	[tilespmem:s12+$0x1B0] =	vst v52  }
0x467: {  	v17 =	vld [tilespmem:s26+$0x90];
	v58 =	vmul.f32 v43, v0;
	[tilespmem:s12+$0x1C0] =	vst v54  }
0x468: {  	v14 =	vld [tilespmem:s26+$0x70];
	v61 =	vmul.f32 v53, v45;
	[tilespmem:s12+$0x1D0] =	vst v56  }
0x469: {  	v15 =	vld [tilespmem:s26+$0x80];
	v63 =	vmul.f32 v55, v45;
	[tilespmem:s12+$0x1E0] =	vst v58  }
0x46a: {  	v47 =	vld.idx.msk [tilespmem:v11+s1+$0x0], $0xffff;
	v13 =	vmul.f32 v57, v45;
	[tilespmem:s26+$0x0] =	vst v61  }
0x46b: {  	v10 =	vor.u32 $0x380, v10;
	v19 =	vld [tilespmem:s26+$0xA0];
	v2 =	vmul.f32 v59, v45;
	[tilespmem:s26+$0x10] =	vst v63  }
0x46c: {  	v10 =	vbroadcast v10, $0x0;
	v21 =	vld [tilespmem:s26+$0xB0];
	v16 =	vmul.f32 v60, v45;
	[tilespmem:s26+$0x20] =	vst v13  }
0x46d: {  	v23 =	vld [tilespmem:s26+$0xC0];
	v18 =	vmul.f32 v62, v45;
	[tilespmem:s26+$0x30] =	vst v2  }
0x46e: {  	v25 =	vld [tilespmem:s26+$0xD0];
	[tilespmem:s26+$0x40] =	vst v16;
	v22 =	vmul.f32 v14, v45  }
0x46f: {  	v12 =	vmov s13;
	v26 =	vld [tilespmem:s26+$0xE0];
	[tilespmem:s26+$0x50] =	vst v18;
	v24 =	vmul.f32 v15, v47  }
0x470: {  	v12 =	vand.u32 $0x7F, v12;
	v28 =	vld [tilespmem:s26+$0xF0];
	v1 =	vmul.f32 v17, v47;
	[tilespmem:s26+$0x70] =	vst v22  }
0x471: {  	v30 =	vld [tilespmem:s26+$0x100];
	v12 =	vor.u32 $0x380, v12;
	v27 =	vmul.f32 v19, v47;
	[tilespmem:s26+$0x80] =	vst v24  }
0x472: {  	v12 =	vbroadcast v12, $0x0;
	v5 =	vld.idx.msk [tilespmem:v10+s1+$0x0], $0xffff;
	v29 =	vmul.f32 v21, v47;
	[tilespmem:s26+$0x90] =	vst v1  }
0x473: {  	v32 =	vld [tilespmem:s26+$0x110];
	v31 =	vmul.f32 v23, v47;
	[tilespmem:s26+$0xA0] =	vst v27  }
0x474: {  	v34 =	vld [tilespmem:s26+$0x120];
	v33 =	vmul.f32 v25, v47;
	[tilespmem:s26+$0xB0] =	vst v29  }
0x475: {  	v38 =	vld [tilespmem:s26+$0x140];
	v35 =	vmul.f32 v26, v47;
	[tilespmem:s26+$0xC0] =	vst v31  }
0x476: {  	v40 =	vld [tilespmem:s26+$0x150];
	v37 =	vmul.f32 v28, v47;
	[tilespmem:s26+$0xD0] =	vst v33  }
0x477: {  	v44 =	vld [tilespmem:s26+$0x170];
	v39 =	vmul.f32 v30, v5;
	[tilespmem:s26+$0xE0] =	vst v35  }
0x478: {  	v6 =	vld.idx.msk [tilespmem:v12+s1+$0x0], $0xffff;
	v41 =	vmul.f32 v32, v5;
	[tilespmem:s26+$0xF0] =	vst v37  }
0x479: {  	v12 =	vld [tilespmem:s26+$0x60];
	v43 =	vmul.f32 v34, v5;
	[tilespmem:s26+$0x100] =	vst v39  }
0x47a: {  	v36 =	vld [tilespmem:s26+$0x130];
	v47 =	vmul.f32 v38, v5;
	[tilespmem:s26+$0x110] =	vst v41  }
0x47b: {  	v42 =	vld [tilespmem:s26+$0x160];
	v49 =	vmul.f32 v40, v5;
	[tilespmem:s26+$0x120] =	vst v43  }
0x47c: {  	v46 =	vld [tilespmem:s26+$0x180];
	v53 =	vmul.f32 v44, v5;
	[tilespmem:s26+$0x140] =	vst v47  }
0x47d: {  	v48 =	vld [tilespmem:s26+$0x190];
	v7 =	vmul.f32 v51, v6;
	[tilespmem:s26+$0x150] =	vst v49  }
0x47e: {  	v50 =	vld [tilespmem:s26+$0x1A0];
	v20 =	vmul.f32 v12, v45;
	[tilespmem:s26+$0x170] =	vst v53  }
0x47f: {  	v52 =	vld [tilespmem:s26+$0x1B0];
	v45 =	vmul.f32 v36, v5;
	[tilespmem:s26+$0x1F0] =	vst v7  }
0x480: {  	v54 =	vld [tilespmem:s26+$0x1C0];
	v51 =	vmul.f32 v42, v5;
	[tilespmem:s26+$0x60] =	vst v20  }
0x481: {  	v56 =	vld [tilespmem:s26+$0x1D0];
	v55 =	vmul.f32 v46, v6;
	[tilespmem:s26+$0x130] =	vst v45  }
0x482: {  	v58 =	vld [tilespmem:s26+$0x1E0];
	v57 =	vmul.f32 v48, v6;
	[tilespmem:s26+$0x160] =	vst v51  }
0x483: {  	v59 =	vmul.f32 v50, v6;
	[tilespmem:s26+$0x180] =	vst v55  }
0x484: {  	v60 =	vmul.f32 v52, v6;
	[tilespmem:s26+$0x190] =	vst v57  }
0x485: {  	v61 =	vmul.f32 v54, v6;
	[tilespmem:s26+$0x1A0] =	vst v59  }
0x486: {  	v62 =	vmul.f32 v56, v6;
	[tilespmem:s26+$0x1B0] =	vst v60  }
0x487: {  	v63 =	vmul.f32 v58, v6;
	[tilespmem:s26+$0x1C0] =	vst v61  }
0x488: {  	[tilespmem:s26+$0x1D0] =	vst v62  }
0x489: {  	[tilespmem:s26+$0x1E0] =	vst v63  }
0x48a: {  	_ =	swait.ge [sflag:s30], $0x4000  }
0x48b: {  	[sflag:s30] =	ssyncset.done $0x0  }
0x48c: {  	[sflag:s30] =	ssyncadd.s32 $0xFFFFC000  }
0x48d: {  	[spmem:s2] =	stream.indirect.scatter.add.f32 [tilespmem:s22], [sflag:$0x3], $0x80, s0, s20, $0xb8;
	[tilespmem:$0x1D680] =	vst v63  }
0x48e: {  	s26 =	simm.s32 $0x9380  }
0x48f: {  	[spmem:s3] =	stream.indirect.scatter.add.f32 [tilespmem:s26], [sflag:$0x4], $0x1, s0, s20, $0xb8;
	[tilespmem:$0x1D680] =	vst v63  }
0x490: {  	_ =	swait.ge [sflag:s30], $0x4000  }
0x491: {  	[sflag:s30] =	ssyncset.done $0x0  }
0x492: {  	[sflag:s30] =	ssyncadd.s32 $0xFFFFC000  }
0x493: {  	_ =	swait.ge [sflag:s30], $0x4000  }
0x494: {  	[sflag:s30] =	ssyncset.done $0x0  }
0x495: {  	[sflag:s30] =	ssyncadd.s32 $0xFFFFC000  }
0x496: {  	_ =	swait.ge [sflag:s10], $0x80  }
0x497: {  	[sflag:s10] =	ssyncset.done $0x0  }
0x498: {  	[sflag:s10] =	ssyncadd.s32 $0xFFFFFF80  }
0x499: {  	_ =	swait.ge [sflag:s10], $0x80  }
0x49a: {  	[sflag:s10] =	ssyncset.done $0x0  }
0x49b: {  	[sflag:s10] =	ssyncadd.s32 $0xFFFFFF80  }
0x49c: {  	_ =	swait.ge [sflag:s10], $0x80  }
0x49d: {  	[sflag:s10] =	ssyncset.done $0x0  }
0x49e: {  	[sflag:s10] =	ssyncadd.s32 $0xFFFFFF80  }
0x49f: {  	_ =	swait.ge [sflag:s10], $0x80  }
0x4a0: {  	[sflag:s10] =	ssyncset.done $0x0  }
0x4a1: {  	[sflag:s10] =	ssyncadd.s32 $0xFFFFFF80  }
0x4a2: {  	_ =	swait.ge [sflag:s10], $0x80  }
0x4a3: {  	[sflag:s10] =	ssyncset.done $0x0  }
0x4a4: {  	[sflag:s10] =	ssyncadd.s32 $0xFFFFFF80  }
0x4a5: {  	_ =	swait.ge [sflag:s10], $0x80  }
0x4a6: {  	[sflag:s10] =	ssyncset.done $0x0  }
0x4a7: {  	s25 =	sadd.s32 $0x1, s25;
	[sflag:s10] =	ssyncadd.s32 $0xFFFFFF80  }
0x4a8: {  	p1 =	sne.s32 s25, $0xA;
	_ =	swait.ge [sflag:s10], $0x80  }
.Ltmp9:
0x4a9: {  	[sflag:s10] =	ssyncset.done $0x0;
	(pc) =	sbr.rel @p1 .LBB2_2-.Ltmp9, $4  }
0x4aa: {  	[sflag:s10] =	ssyncadd.s32 $0xFFFFFF80  }
0x4ab: {  	_ =	swait.ge [sflag:s10], $0x80  }
0x4ac: {  	[sflag:s10] =	ssyncset.done $0x0  }
0x4ad: {  	[sflag:s10] =	ssyncadd.s32 $0xFFFFFF80  }
0x4ae: {  	[bflag:$0x0] =	sbarrier.arrive $0xFFFF  }
0x4af: {  	s18 =	rddreg [dreg:$0x9]  }
0x4b0: {  	s8 =	rddreg [dreg:$0xb]  }
0x4b1: {  	s25 =	rddreg [dreg:$0xe]  }
0x4b2: {  	[hbm:s8], [sflag:s18] =	dma.local [spmem:s25], $0x2800  }
0x4b3: {  	_ =	swait.ge [sflag:s17], $0x2800  }
0x4b4: {  	[sflag:s17] =	ssyncset.done $0x0;
	s8 =	rddreg [dreg:$0xc]  }
0x4b5: {  	s26 =	rddreg [dreg:$0xf];
	[sflag:s17] =	ssyncadd.s32 $0xFFFFD800  }
0x4b6: {  	[hbm:s8], [sflag:s18] =	dma.local @!p0 [spmem:s26], $0x500  }
0x4b7: {  	s8 =	simm.s32 @!p0 $0x5  }
0x4b8: {  	_ =	swait.ge @!p0 [sflag:s8], $0x500  }
0x4b9: {  	s13 =	rddreg [dreg:$0x5]  }
0x4ba: {  	s12 =	rddreg [dreg:$0xd];
	s13 =	sadd.s32 $0x1, s13  }
0x4bb: {  	p1 =	sne.s32 s13, s12  }
.Ltmp10:
0x4bc: {  	_ = 	snop;
	(pc) =	sbr.rel @p1 .LBB2_1-.Ltmp10, $3  }
0x4bd: {  	_ =	sdelay $0x1  }
0x4be: {  	[sflag:s8] =	ssyncset.done @!p0 $0x0  }
0x4bf: {  	[sflag:s8] =	ssyncadd.s32 @!p0 $0xFFFFFB00  }
0x4c0: {  	_ =	sfence.sel $0x180000  }
0x4c1: {  	[bflag:$0x0] =	sbarrier.arrive $0xFFFF  }
0x4c2: {  	_ =	strace $0x90000047  }
0x4c3: {  	[bflag:$0x2] =	sbarrier.arrive $0xFFFF  }
0x4c4: {  	s0 =	rddreg [dreg:$0x4]  }
0x4c5: {  	s0 =	sadd.s32 @!p0 $0x100000, s0  }
0x4c6: {  	[sflag:s0] =	ssyncadd.tile.s32 @!p0 $0x1;
	_ =	shalt  }
.Lfunc_end2:
_tile_overlayer_lowered:
.L_overlay_start_2:
0x4c7: {  	(tag) =	ssettag $0x2  }
0x4c8: {  	s0 =	rddreg [dreg:$0x0];
	s2 =	stileid.u32  }
0x4c9: {  	s1 =	rddreg [dreg:$0x1];
	p0 =	sne.s32 s2, $0x0  }
0x4ca: {  	s3 =	rddreg [dreg:$0x2];
	[bflag:$0x3] =	sbarrier.arrive $0xFFFF;
	s2 =	simm.s32 @!p0 $0x1C05  }
0x4cb: {  	[timem:s3], [sflag:s2] =	dma.local @!p0 [hbm:s0], s1  }
0x4cc: {  	s0 =	simm.s32 @!p0 $0x5  }
0x4cd: {  	_ =	swait.ge @!p0 [sflag:s0], s1  }
0x4ce: {  	s1 =	ssub.s32 @!p0 $0x0, s1;
	[sflag:s0] =	ssyncset.done @!p0 $0x0  }
0x4cf: {  	[sflag:s0] =	ssyncadd.s32 @!p0 s1  }
0x4d0: {  	[bflag:$0x3] =	sbarrier.arrive $0xFFFF  }
0x4d1: {  	_ =	shalt  }

</sc_bundles>
